<compile_context>
chip_gen: v7x
topology: tpu7x:2x2x1
jax: 0.10.2.dev20260603
libtpu: 0.0.44.dev20260713+nightly
codegen_flags: <defaults>
</compile_context>

<pallas_src>
import functools

import jax
import jax.numpy as jnp
from jax import lax
from jax.experimental import pallas as pl
from jax.experimental.pallas import tpu as pltpu
from jax.experimental.pallas import tpu_sc as plsc

B = 4096
L = 200
DIM = 32
N = B * L
NC = 2
NS = 16
NW = NC * NS
NBUF = 4
NOUTER = L // NBUF
NTAIL = L - NOUTER * NBUF



CHR = 768
NCHUNK = 999936 // CHR


def _sc_reformat(table_t):
    mesh = plsc.VectorSubcoreMesh(core_axis_name="c", subcore_axis_name="s")

    @functools.partial(
        pl.kernel,
        out_type=jax.ShapeDtypeStruct((250000, 128), jnp.float32),
        mesh=mesh,
        scratch_types=[
            pltpu.VMEM((2, DIM, CHR), jnp.float32),
            pltpu.VMEM((2, CHR // 4, 128), jnp.float32),
            pltpu.VMEM((DIM, 64), jnp.float32),
            pltpu.VMEM((16, 128), jnp.float32),
            pltpu.SemaphoreType.DMA((2,)),
            pltpu.SemaphoreType.DMA((2,)),
        ],
        compiler_params=pltpu.CompilerParams(
            needs_layout_passes=False,
            disable_bounds_checks=True,
        ),
    )
    def ka(tab_hbm, out_hbm, inb, outb, in64, out64, sem_r, sem_w):
        wid = lax.axis_index("s") * NC + lax.axis_index("c")
        iota = lax.iota(jnp.int32, 16)

        def r0_of(c):
            return pl.multiple_of(c * CHR, 128)

        def read(c, b):
            return pltpu.async_copy(
                tab_hbm.at[:, pl.ds(r0_of(c), CHR)], inb.at[b], sem_r.at[b])

        def write(c, b):
            return pltpu.async_copy(
                outb.at[b],
                out_hbm.at[pl.ds(pl.multiple_of(r0_of(c) // 4, 8), CHR // 4), :],
                sem_w.at[b])

        def transpose(b):
            in2 = inb.at[b]
            out2 = outb.at[b]

            def tbody(t, _):
                rg = lax.shift_right_logical(t, 1)
                kk2 = t & 1
                rrvec = iota + lax.shift_left(rg, 4)
                srow = lax.shift_right_logical(rrvec, 2)
                scol = lax.shift_left(rrvec & 3, 5)
                dvec = (iota + lax.shift_left(kk2, 4)) & (DIM - 1)
                vals = []
                for _q in range(16):
                    vals.append((dvec, plsc.load_gather(in2, [dvec, rrvec])))
                    dvec = (dvec + 1) & (DIM - 1)
                for dv, v in vals:
                    plsc.store_scatter(out2, [srow, scol + dv], v)
                return ()

            lax.fori_loop(0, (CHR // 16) * 2, tbody, ())

        nmine = (NCHUNK - wid + NW - 1) // NW

        def body(j, _):
            b = j % 2
            c = wid + NW * j
            read(c, b).wait()

            @pl.when(j >= 2)
            def _():
                pltpu.make_async_copy(
                    outb.at[b],
                    out_hbm.at[pl.ds(0, CHR // 4), :],
                    sem_w.at[b],
                ).wait()

            transpose(b)
            write(c, b)
            return ()

        lax.fori_loop(0, nmine, body, ())

        for b in range(2):
            @pl.when(nmine >= b + 1)
            def _():
                pltpu.make_async_copy(
                    outb.at[b],
                    out_hbm.at[pl.ds(0, CHR // 4), :],
                    sem_w.at[b],
                ).wait()

        @pl.when(wid == 0)
        def _():
            pltpu.async_copy(
                tab_hbm.at[:, pl.ds(999936, 64)], in64, sem_r.at[0]).wait()

            def t64(t, _):
                rg = lax.shift_right_logical(t, 3)
                kk2 = t & 7
                rrvec = iota + lax.shift_left(rg, 4)
                srow = lax.shift_right_logical(rrvec, 2)
                scol = lax.shift_left(rrvec & 3, 5)
                dvec = (iota + lax.shift_left(kk2, 2)) & (DIM - 1)
                vals = []
                for _q in range(4):
                    vals.append((dvec, plsc.load_gather(in64, [dvec, rrvec])))
                    dvec = (dvec + 1) & (DIM - 1)
                for dv, v in vals:
                    plsc.store_scatter(out64, [srow, scol + dv], v)
                return ()

            lax.fori_loop(0, (64 // 16) * 8, t64, ())
            pltpu.async_copy(
                out64, out_hbm.at[pl.ds(249984, 16), :], sem_w.at[0]).wait()


    return ka(table_t)


def _sc_embed(idx4, table128):
    mesh = plsc.VectorSubcoreMesh(core_axis_name="c", subcore_axis_name="s")

    @functools.partial(
        pl.kernel,
        out_type=jax.ShapeDtypeStruct((L, DIM // 8, B // 128, 8, 128), jnp.float32),
        mesh=mesh,
        scratch_types=[
            pltpu.VMEM((L // 8, 8, 128), jnp.int32),
            pltpu.VMEM((NBUF, 128, DIM), jnp.float32),
            pltpu.VMEM((NBUF, DIM, 128), jnp.float32),
            pltpu.SemaphoreType.DMA,
            pltpu.SemaphoreType.DMA((NBUF,)),
            pltpu.SemaphoreType.DMA((NBUF,)),
        ],
        compiler_params=pltpu.CompilerParams(
            use_tc_tiling_on_sc=False,
            needs_layout_passes=False,
            disable_bounds_checks=True,
        ),
    )
    def k(idx_hbm, table_hbm, out_hbm, idx_v, rows_v, slab_v,
          sem_i, sem_g, sem_o):
        wid = lax.axis_index("s") * NC + lax.axis_index("c")

        pltpu.async_copy(idx_hbm.at[:, wid], idx_v, sem_i).wait()

        iota = lax.iota(jnp.int32, 16)

        def gather(i, b):
            return pltpu.async_copy(
                table_hbm.at[idx_v.at[i // 8, i % 8]],
                rows_v.at[b],
                sem_g.at[b],
            )

        def write(i, b):
            for db in range(DIM // 8):
                pltpu.async_copy(
                    slab_v.at[b].at[pl.ds(8 * db, 8)],
                    out_hbm.at[i, db, wid],
                    sem_o.at[b],
                )

        def wait_write(b):
            for db in range(DIM // 8):
                pltpu.make_async_copy(
                    slab_v.at[b].at[pl.ds(8 * db, 8)],
                    out_hbm.at[0, db, 0],
                    sem_o.at[b],
                ).wait()

        def extract(i, b):
            rows2 = rows_v.at[b]
            slab2 = slab_v.at[b]

            def kkbody(kk, dvec):
                work = []
                for g in range(8):
                    bvec = iota + (16 * g)
                    work.append((bvec, plsc.load_gather(rows2, [bvec, dvec])))
                for bvec, v in work:
                    plsc.store_scatter(slab2, [dvec, bvec], v)
                return (dvec + 1) & (DIM - 1)

            lax.fori_loop(0, DIM, kkbody, iota & (DIM - 1))

        for b in range(NBUF):
            gather(b, b)

        def outer(g, _):
            for b in range(NBUF):
                i = g * NBUF + b
                pltpu.make_async_copy(
                    table_hbm.at[idx_v.at[0, 0]],
                    rows_v.at[b],
                    sem_g.at[b],
                ).wait()

                @pl.when(g > 0)
                def _():
                    wait_write(b)

                extract(i, b)
                write(i, b)

                @pl.when(i + NBUF < L)
                def _():
                    gather(i + NBUF, b)

            return ()

        lax.fori_loop(0, NOUTER, outer, ())

        for t in range(NTAIL):
            i = NOUTER * NBUF + t
            b = i % NBUF
            pltpu.make_async_copy(
                table_hbm.at[idx_v.at[0, 0]],
                rows_v.at[b],
                sem_g.at[b],
            ).wait()
            wait_write(b)
            extract(i, b)
            write(i, b)

        for b in range(NBUF):
            wait_write(b)

    return k(idx4, table128)


def kernel(inputs, table):
    idx4 = inputs.T.reshape(L // 8, 8, B // 128, 128).transpose(0, 2, 1, 3)
    tfmt = _sc_reformat(table.T)
    out5 = _sc_embed(idx4, tfmt.reshape(1000000, DIM))
    return out5.transpose(2, 4, 0, 1, 3).reshape(B, L, DIM)

# --- scband reference (transcript-rebuilt; emitter-appended) ---
"""Pipeline reference for scband-word-embedding-11106785427500 (READ-ONLY COPY).

The authoritative reference and input builder live on the scoring server;
editing this copy changes nothing except your own understanding.
"""

import jax, jax.numpy as jnp
import numpy as np

VOCAB = 1000000
DIM = 32
B = 4096
L = 200


def setup_inputs(seed: int = 0) -> dict:
    key = jax.random.key(seed)
    k1, k2 = jax.random.split(key)
    inputs = jax.random.randint(k1, (B, L), 0, VOCAB, dtype=jnp.int32)
    table = jax.random.normal(k2, (VOCAB, DIM), dtype=jnp.float32)
    # nn.Embedding with padding_idx=0 zeroes that row at init
    table = table.at[0].set(0.0)
    return {"inputs": inputs, "table": table}


def reference(inputs, table):
    # WordEmbedding.forward: embedding lookup (gather rows)
    seq_embedding = jnp.take(table, inputs, axis=0)
    return seq_embedding

if __name__ == "__main__":
    import jax
    _d = setup_inputs()
    print(jax.jit(kernel)(*tuple(_d.values())))

</pallas_src>

<mosaic_0001>
#map = affine_map<(d0, d1) -> (0, 0, 0, 0)>
#map1 = affine_map<(d0, d1) -> (0, 0)>
#map2 = affine_map<(d0, d1) -> (0, 0, 0, 0, 0)>
module attributes {stable_mosaic.version = 14 : i64} {
  func.func @k(%arg0: i32, %arg1: i32, %arg2: memref<25x32x8x128xi32, #tpu.memory_space<hbm>>, %arg3: memref<1000000x32xf32, #tpu.memory_space<hbm>>, %arg4: memref<200x4x32x8x128xf32, #tpu.memory_space<hbm>>, %arg5: memref<25x8x128xi32, #tpu.memory_space<vmem>>, %arg6: memref<4x128x32xf32, #tpu.memory_space<vmem>>, %arg7: memref<4x32x128xf32, #tpu.memory_space<vmem>>, %arg8: memref<!tpu.dma_semaphore, #tpu.memory_space<semaphore_mem>>, %arg9: memref<4x!tpu.dma_semaphore, #tpu.memory_space<semaphore_mem>>, %arg10: memref<4x!tpu.dma_semaphore, #tpu.memory_space<semaphore_mem>>) attributes {dimension_semantics = [#tpu.dimension_semantics<core_parallel>, #tpu.dimension_semantics<subcore_parallel>], iteration_bounds = array<i64: 2, 16>, scalar_prefetch = 0 : i64, scratch_operands = 6 : i64, tpu.core_type = #tpu.core_type<sc_vector_subcore>, window_params = [{transform_indices = #map}, {transform_indices = #map1}, {transform_indices = #map2}]} {
    %mul3A = arith.constant 2 : i32
    %mul3A_0 = arith.muli %arg1, %mul3A : i32
    %add3A = arith.addi %mul3A_0, %arg0 : i32
    %dma_start3A = arith.constant 0 : i32
    %dma_start3A_1 = arith.constant 0 : i32
    %dma_start3A_2 = arith.constant 0 : i32
    %dma_start3A_3 = tpu.memref_slice %arg2[%dma_start3A, %add3A, %dma_start3A_1, %dma_start3A_2] : memref<25x32x8x128xi32, #tpu.memory_space<hbm>> -> memref<25x1x8x128xi32, #tpu.memory_space<hbm>>
    %dma_start3A_4 = tpu.memref_squeeze %dma_start3A_3 : memref<25x1x8x128xi32, #tpu.memory_space<hbm>> -> memref<25x8x128xi32, #tpu.memory_space<hbm>>
    %dma_start3A_5 = arith.constant 0 : i32
    %dma_start3A_6 = arith.constant 0 : i32
    %dma_start3A_7 = arith.constant 0 : i32
    %dma_start3A_8 = tpu.memref_slice %arg2[%dma_start3A_5, %add3A, %dma_start3A_6, %dma_start3A_7] : memref<25x32x8x128xi32, #tpu.memory_space<hbm>> -> memref<25x1x8x128xi32, #tpu.memory_space<hbm>>
    %dma_start3A_9 = tpu.memref_squeeze %dma_start3A_8 : memref<25x1x8x128xi32, #tpu.memory_space<hbm>> -> memref<25x8x128xi32, #tpu.memory_space<hbm>>
    tpu.enqueue_dma source(%dma_start3A_9 : memref<25x8x128xi32, #tpu.memory_space<hbm>>) target(%arg5 : memref<25x8x128xi32, #tpu.memory_space<vmem>>) target_semaphore(%arg8 : memref<!tpu.dma_semaphore, #tpu.memory_space<semaphore_mem>>)
    %dma_wait3A = arith.constant 0 : i32
    %dma_wait3A_10 = arith.constant 0 : i32
    %dma_wait3A_11 = arith.constant 0 : i32
    %dma_wait3A_12 = tpu.memref_slice %arg2[%dma_wait3A, %add3A, %dma_wait3A_10, %dma_wait3A_11] : memref<25x32x8x128xi32, #tpu.memory_space<hbm>> -> memref<25x1x8x128xi32, #tpu.memory_space<hbm>>
    %dma_wait3A_13 = tpu.memref_squeeze %dma_wait3A_12 : memref<25x1x8x128xi32, #tpu.memory_space<hbm>> -> memref<25x8x128xi32, #tpu.memory_space<hbm>>
    %dma_wait3A_14 = arith.constant 0 : i32
    %dma_wait3A_15 = arith.constant 0 : i32
    %dma_wait3A_16 = arith.constant 0 : i32
    %dma_wait3A_17 = tpu.memref_slice %arg2[%dma_wait3A_14, %add3A, %dma_wait3A_15, %dma_wait3A_16] : memref<25x32x8x128xi32, #tpu.memory_space<hbm>> -> memref<25x1x8x128xi32, #tpu.memory_space<hbm>>
    %dma_wait3A_18 = tpu.memref_squeeze %dma_wait3A_17 : memref<25x1x8x128xi32, #tpu.memory_space<hbm>> -> memref<25x8x128xi32, #tpu.memory_space<hbm>>
    tpu.wait_dma2 semaphore(%arg8 : memref<!tpu.dma_semaphore, #tpu.memory_space<semaphore_mem>>) src(%dma_wait3A_18 : memref<25x8x128xi32, #tpu.memory_space<hbm>>) dst(%arg5 : memref<25x8x128xi32, #tpu.memory_space<vmem>>)
    %iota3A = tpu.iota {dimensions = array<i32: 0>} : vector<16xi32>
    %dma_start3A_19 = arith.constant 0 : i32
    %dma_start3A_20 = arith.constant 0 : i32
    %dma_start3A_21 = arith.constant 0 : i32
    %dma_start3A_22 = arith.constant 0 : i32
    %dma_start3A_23 = arith.constant 0 : i32
    %dma_start3A_24 = arith.constant 0 : i32
    %dma_start3A_25 = tpu.memref_slice %arg6[%dma_start3A_21, %dma_start3A_23, %dma_start3A_24] : memref<4x128x32xf32, #tpu.memory_space<vmem>> -> memref<1x128x32xf32, #tpu.memory_space<vmem>>
    %dma_start3A_26 = tpu.memref_squeeze %dma_start3A_25 : memref<1x128x32xf32, #tpu.memory_space<vmem>> -> memref<128x32xf32, #tpu.memory_space<vmem>>
    %dma_start3A_27 = arith.constant 0 : i32
    %dma_start3A_28 = tpu.memref_slice %arg5[%dma_start3A_19, %dma_start3A_20, %dma_start3A_27] : memref<25x8x128xi32, #tpu.memory_space<vmem>> -> memref<1x1x128xi32, #tpu.memory_space<vmem>>
    %dma_start3A_29 = tpu.memref_squeeze %dma_start3A_28 : memref<1x1x128xi32, #tpu.memory_space<vmem>> -> memref<128xi32, #tpu.memory_space<vmem>>
    %dma_start3A_30 = arith.constant 0 : i32
    %dma_start3A_31 = arith.constant 0 : i32
    %dma_start3A_32 = tpu.memref_slice %arg3[%dma_start3A_30, %dma_start3A_31] : memref<1000000x32xf32, #tpu.memory_space<hbm>> -> memref<1000000x32xf32, #tpu.memory_space<hbm>>
    %dma_start3A_33 = tpu.memref_slice %arg9[%dma_start3A_22] : memref<4x!tpu.dma_semaphore, #tpu.memory_space<semaphore_mem>> -> memref<1x!tpu.dma_semaphore, #tpu.memory_space<semaphore_mem>>
    %dma_start3A_34 = tpu.memref_squeeze %dma_start3A_33 : memref<1x!tpu.dma_semaphore, #tpu.memory_space<semaphore_mem>> -> memref<!tpu.dma_semaphore, #tpu.memory_space<semaphore_mem>>
    tpu.enqueue_indirect_dma source(%dma_start3A_32 : memref<1000000x32xf32, #tpu.memory_space<hbm>>) target(%dma_start3A_26 : memref<128x32xf32, #tpu.memory_space<vmem>>) offsets(%dma_start3A_29 : memref<128xi32, #tpu.memory_space<vmem>>) semaphore(%dma_start3A_34 : memref<!tpu.dma_semaphore, #tpu.memory_space<semaphore_mem>>)
    %dma_start3A_35 = arith.constant 0 : i32
    %dma_start3A_36 = arith.constant 1 : i32
    %dma_start3A_37 = arith.constant 1 : i32
    %dma_start3A_38 = arith.constant 1 : i32
    %dma_start3A_39 = arith.constant 0 : i32
    %dma_start3A_40 = arith.constant 0 : i32
    %dma_start3A_41 = tpu.memref_slice %arg6[%dma_start3A_37, %dma_start3A_39, %dma_start3A_40] : memref<4x128x32xf32, #tpu.memory_space<vmem>> -> memref<1x128x32xf32, #tpu.memory_space<vmem>>
    %dma_start3A_42 = tpu.memref_squeeze %dma_start3A_41 : memref<1x128x32xf32, #tpu.memory_space<vmem>> -> memref<128x32xf32, #tpu.memory_space<vmem>>
    %dma_start3A_43 = arith.constant 0 : i32
    %dma_start3A_44 = tpu.memref_slice %arg5[%dma_start3A_35, %dma_start3A_36, %dma_start3A_43] : memref<25x8x128xi32, #tpu.memory_space<vmem>> -> memref<1x1x128xi32, #tpu.memory_space<vmem>>
    %dma_start3A_45 = tpu.memref_squeeze %dma_start3A_44 : memref<1x1x128xi32, #tpu.memory_space<vmem>> -> memref<128xi32, #tpu.memory_space<vmem>>
    %dma_start3A_46 = arith.constant 0 : i32
    %dma_start3A_47 = arith.constant 0 : i32
    %dma_start3A_48 = tpu.memref_slice %arg3[%dma_start3A_46, %dma_start3A_47] : memref<1000000x32xf32, #tpu.memory_space<hbm>> -> memref<1000000x32xf32, #tpu.memory_space<hbm>>
    %dma_start3A_49 = tpu.memref_slice %arg9[%dma_start3A_38] : memref<4x!tpu.dma_semaphore, #tpu.memory_space<semaphore_mem>> -> memref<1x!tpu.dma_semaphore, #tpu.memory_space<semaphore_mem>>
    %dma_start3A_50 = tpu.memref_squeeze %dma_start3A_49 : memref<1x!tpu.dma_semaphore, #tpu.memory_space<semaphore_mem>> -> memref<!tpu.dma_semaphore, #tpu.memory_space<semaphore_mem>>
    tpu.enqueue_indirect_dma source(%dma_start3A_48 : memref<1000000x32xf32, #tpu.memory_space<hbm>>) target(%dma_start3A_42 : memref<128x32xf32, #tpu.memory_space<vmem>>) offsets(%dma_start3A_45 : memref<128xi32, #tpu.memory_space<vmem>>) semaphore(%dma_start3A_50 : memref<!tpu.dma_semaphore, #tpu.memory_space<semaphore_mem>>)
    %dma_start3A_51 = arith.constant 0 : i32
    %dma_start3A_52 = arith.constant 2 : i32
    %dma_start3A_53 = arith.constant 2 : i32
    %dma_start3A_54 = arith.constant 2 : i32
    %dma_start3A_55 = arith.constant 0 : i32
    %dma_start3A_56 = arith.constant 0 : i32
    %dma_start3A_57 = tpu.memref_slice %arg6[%dma_start3A_53, %dma_start3A_55, %dma_start3A_56] : memref<4x128x32xf32, #tpu.memory_space<vmem>> -> memref<1x128x32xf32, #tpu.memory_space<vmem>>
    %dma_start3A_58 = tpu.memref_squeeze %dma_start3A_57 : memref<1x128x32xf32, #tpu.memory_space<vmem>> -> memref<128x32xf32, #tpu.memory_space<vmem>>
    %dma_start3A_59 = arith.constant 0 : i32
    %dma_start3A_60 = tpu.memref_slice %arg5[%dma_start3A_51, %dma_start3A_52, %dma_start3A_59] : memref<25x8x128xi32, #tpu.memory_space<vmem>> -> memref<1x1x128xi32, #tpu.memory_space<vmem>>
    %dma_start3A_61 = tpu.memref_squeeze %dma_start3A_60 : memref<1x1x128xi32, #tpu.memory_space<vmem>> -> memref<128xi32, #tpu.memory_space<vmem>>
    %dma_start3A_62 = arith.constant 0 : i32
    %dma_start3A_63 = arith.constant 0 : i32
    %dma_start3A_64 = tpu.memref_slice %arg3[%dma_start3A_62, %dma_start3A_63] : memref<1000000x32xf32, #tpu.memory_space<hbm>> -> memref<1000000x32xf32, #tpu.memory_space<hbm>>
    %dma_start3A_65 = tpu.memref_slice %arg9[%dma_start3A_54] : memref<4x!tpu.dma_semaphore, #tpu.memory_space<semaphore_mem>> -> memref<1x!tpu.dma_semaphore, #tpu.memory_space<semaphore_mem>>
    %dma_start3A_66 = tpu.memref_squeeze %dma_start3A_65 : memref<1x!tpu.dma_semaphore, #tpu.memory_space<semaphore_mem>> -> memref<!tpu.dma_semaphore, #tpu.memory_space<semaphore_mem>>
    tpu.enqueue_indirect_dma source(%dma_start3A_64 : memref<1000000x32xf32, #tpu.memory_space<hbm>>) target(%dma_start3A_58 : memref<128x32xf32, #tpu.memory_space<vmem>>) offsets(%dma_start3A_61 : memref<128xi32, #tpu.memory_space<vmem>>) semaphore(%dma_start3A_66 : memref<!tpu.dma_semaphore, #tpu.memory_space<semaphore_mem>>)
    %dma_start3A_67 = arith.constant 0 : i32
    %dma_start3A_68 = arith.constant 3 : i32
    %dma_start3A_69 = arith.constant 3 : i32
    %dma_start3A_70 = arith.constant 3 : i32
    %dma_start3A_71 = arith.constant 0 : i32
    %dma_start3A_72 = arith.constant 0 : i32
    %dma_start3A_73 = tpu.memref_slice %arg6[%dma_start3A_69, %dma_start3A_71, %dma_start3A_72] : memref<4x128x32xf32, #tpu.memory_space<vmem>> -> memref<1x128x32xf32, #tpu.memory_space<vmem>>
    %dma_start3A_74 = tpu.memref_squeeze %dma_start3A_73 : memref<1x128x32xf32, #tpu.memory_space<vmem>> -> memref<128x32xf32, #tpu.memory_space<vmem>>
    %dma_start3A_75 = arith.constant 0 : i32
    %dma_start3A_76 = tpu.memref_slice %arg5[%dma_start3A_67, %dma_start3A_68, %dma_start3A_75] : memref<25x8x128xi32, #tpu.memory_space<vmem>> -> memref<1x1x128xi32, #tpu.memory_space<vmem>>
    %dma_start3A_77 = tpu.memref_squeeze %dma_start3A_76 : memref<1x1x128xi32, #tpu.memory_space<vmem>> -> memref<128xi32, #tpu.memory_space<vmem>>
    %dma_start3A_78 = arith.constant 0 : i32
    %dma_start3A_79 = arith.constant 0 : i32
    %dma_start3A_80 = tpu.memref_slice %arg3[%dma_start3A_78, %dma_start3A_79] : memref<1000000x32xf32, #tpu.memory_space<hbm>> -> memref<1000000x32xf32, #tpu.memory_space<hbm>>
    %dma_start3A_81 = tpu.memref_slice %arg9[%dma_start3A_70] : memref<4x!tpu.dma_semaphore, #tpu.memory_space<semaphore_mem>> -> memref<1x!tpu.dma_semaphore, #tpu.memory_space<semaphore_mem>>
    %dma_start3A_82 = tpu.memref_squeeze %dma_start3A_81 : memref<1x!tpu.dma_semaphore, #tpu.memory_space<semaphore_mem>> -> memref<!tpu.dma_semaphore, #tpu.memory_space<semaphore_mem>>
    tpu.enqueue_indirect_dma source(%dma_start3A_80 : memref<1000000x32xf32, #tpu.memory_space<hbm>>) target(%dma_start3A_74 : memref<128x32xf32, #tpu.memory_space<vmem>>) offsets(%dma_start3A_77 : memref<128xi32, #tpu.memory_space<vmem>>) semaphore(%dma_start3A_82 : memref<!tpu.dma_semaphore, #tpu.memory_space<semaphore_mem>>)
    %scan3A = arith.constant 0 : i32
    %scan3A_83 = arith.constant 50 : i32
    %scan3A_84 = arith.addi %scan3A, %scan3A_83 : i32
    %scan3A_85 = arith.constant 1 : i32
    scf.for %scan3A_551 = %scan3A to %scan3A_84 step %scan3A_85  : i32 {
      %mul3A_552 = arith.constant 4 : i32
      %mul3A_553 = arith.muli %scan3A_551, %mul3A_552 : i32
      %add3A_554 = arith.constant 0 : i32
      %add3A_555 = arith.addi %mul3A_553, %add3A_554 : i32
      %dma_wait3A_556 = arith.constant 0 : i32
      %dma_wait3A_557 = arith.constant 0 : i32
      %dma_wait3A_558 = arith.constant 0 : i32
      %dma_wait3A_559 = arith.constant 0 : i32
      %dma_wait3A_560 = arith.constant 0 : i32
      %dma_wait3A_561 = arith.constant 0 : i32
      %dma_wait3A_562 = tpu.memref_slice %arg6[%dma_wait3A_558, %dma_wait3A_560, %dma_wait3A_561] : memref<4x128x32xf32, #tpu.memory_space<vmem>> -> memref<1x128x32xf32, #tpu.memory_space<vmem>>
      %dma_wait3A_563 = tpu.memref_squeeze %dma_wait3A_562 : memref<1x128x32xf32, #tpu.memory_space<vmem>> -> memref<128x32xf32, #tpu.memory_space<vmem>>
      %dma_wait3A_564 = arith.constant 0 : i32
      %dma_wait3A_565 = tpu.memref_slice %arg5[%dma_wait3A_556, %dma_wait3A_557, %dma_wait3A_564] : memref<25x8x128xi32, #tpu.memory_space<vmem>> -> memref<1x1x128xi32, #tpu.memory_space<vmem>>
      %dma_wait3A_566 = tpu.memref_squeeze %dma_wait3A_565 : memref<1x1x128xi32, #tpu.memory_space<vmem>> -> memref<128xi32, #tpu.memory_space<vmem>>
      %dma_wait3A_567 = arith.constant 0 : i32
      %dma_wait3A_568 = arith.constant 0 : i32
      %dma_wait3A_569 = tpu.memref_slice %arg3[%dma_wait3A_567, %dma_wait3A_568] : memref<1000000x32xf32, #tpu.memory_space<hbm>> -> memref<1000000x32xf32, #tpu.memory_space<hbm>>
      %dma_wait3A_570 = tpu.memref_slice %arg9[%dma_wait3A_559] : memref<4x!tpu.dma_semaphore, #tpu.memory_space<semaphore_mem>> -> memref<1x!tpu.dma_semaphore, #tpu.memory_space<semaphore_mem>>
      %dma_wait3A_571 = tpu.memref_squeeze %dma_wait3A_570 : memref<1x!tpu.dma_semaphore, #tpu.memory_space<semaphore_mem>> -> memref<!tpu.dma_semaphore, #tpu.memory_space<semaphore_mem>>
      tpu.wait_indirect_dma semaphore(%dma_wait3A_571 : memref<!tpu.dma_semaphore, #tpu.memory_space<semaphore_mem>>) src(%dma_wait3A_569 : memref<1000000x32xf32, #tpu.memory_space<hbm>>) dst(%dma_wait3A_563 : memref<128x32xf32, #tpu.memory_space<vmem>>)
      %gt3A = arith.constant 0 : i32
      %gt3A_572 = arith.cmpi sgt, %scan3A_551, %gt3A : i32
      %convert_element_type3A = arith.extui %gt3A_572 : i1 to i32
      %cond3A = arith.constant 0 : i32
      %cond3A_573 = arith.cmpi ne, %convert_element_type3A, %cond3A : i32
      scf.if %cond3A_573 {
        %dma_wait3A_1151 = arith.constant 0 : i32
        %dma_wait3A_1152 = arith.constant 0 : i32
        %dma_wait3A_1153 = arith.constant 0 : i32
        %dma_wait3A_1154 = arith.constant 0 : i32
        %dma_wait3A_1155 = arith.constant 0 : i32
        %dma_wait3A_1156 = arith.constant 0 : i32
        %dma_wait3A_1157 = arith.constant 0 : i32
        %dma_wait3A_1158 = tpu.memref_slice %arg7[%dma_wait3A_1151, %dma_wait3A_1156, %dma_wait3A_1157] : memref<4x32x128xf32, #tpu.memory_space<vmem>> -> memref<1x32x128xf32, #tpu.memory_space<vmem>>
        %dma_wait3A_1159 = tpu.memref_squeeze %dma_wait3A_1158 : memref<1x32x128xf32, #tpu.memory_space<vmem>> -> memref<32x128xf32, #tpu.memory_space<vmem>>
        %dma_wait3A_1160 = arith.constant 0 : i32
        %dma_wait3A_1161 = arith.constant 0 : i32
        %dma_wait3A_1162 = tpu.memref_slice %dma_wait3A_1159[%dma_wait3A_1160, %dma_wait3A_1161] : memref<32x128xf32, #tpu.memory_space<vmem>> -> memref<8x128xf32, #tpu.memory_space<vmem>>
        %dma_wait3A_1163 = arith.constant 0 : i32
        %dma_wait3A_1164 = arith.constant 0 : i32
        %dma_wait3A_1165 = tpu.memref_slice %arg4[%dma_wait3A_1152, %dma_wait3A_1153, %dma_wait3A_1154, %dma_wait3A_1163, %dma_wait3A_1164] : memref<200x4x32x8x128xf32, #tpu.memory_space<hbm>> -> memref<1x1x1x8x128xf32, #tpu.memory_space<hbm>>
        %dma_wait3A_1166 = tpu.memref_squeeze %dma_wait3A_1165 : memref<1x1x1x8x128xf32, #tpu.memory_space<hbm>> -> memref<8x128xf32, #tpu.memory_space<hbm>>
        %dma_wait3A_1167 = tpu.memref_slice %arg10[%dma_wait3A_1155] : memref<4x!tpu.dma_semaphore, #tpu.memory_space<semaphore_mem>> -> memref<1x!tpu.dma_semaphore, #tpu.memory_space<semaphore_mem>>
        %dma_wait3A_1168 = tpu.memref_squeeze %dma_wait3A_1167 : memref<1x!tpu.dma_semaphore, #tpu.memory_space<semaphore_mem>> -> memref<!tpu.dma_semaphore, #tpu.memory_space<semaphore_mem>>
        %dma_wait3A_1169 = arith.constant 0 : i32
        %dma_wait3A_1170 = arith.constant 0 : i32
        %dma_wait3A_1171 = tpu.memref_slice %arg4[%dma_wait3A_1152, %dma_wait3A_1153, %dma_wait3A_1154, %dma_wait3A_1169, %dma_wait3A_1170] : memref<200x4x32x8x128xf32, #tpu.memory_space<hbm>> -> memref<1x1x1x8x128xf32, #tpu.memory_space<hbm>>
        %dma_wait3A_1172 = tpu.memref_squeeze %dma_wait3A_1171 : memref<1x1x1x8x128xf32, #tpu.memory_space<hbm>> -> memref<8x128xf32, #tpu.memory_space<hbm>>
        %dma_wait3A_1173 = arith.constant 0 : i32
        %dma_wait3A_1174 = arith.constant 0 : i32
        %dma_wait3A_1175 = tpu.memref_slice %arg7[%dma_wait3A_1151, %dma_wait3A_1173, %dma_wait3A_1174] : memref<4x32x128xf32, #tpu.memory_space<vmem>> -> memref<1x32x128xf32, #tpu.memory_space<vmem>>
        %dma_wait3A_1176 = tpu.memref_squeeze %dma_wait3A_1175 : memref<1x32x128xf32, #tpu.memory_space<vmem>> -> memref<32x128xf32, #tpu.memory_space<vmem>>
        %dma_wait3A_1177 = arith.constant 0 : i32
        %dma_wait3A_1178 = arith.constant 0 : i32
        %dma_wait3A_1179 = tpu.memref_slice %dma_wait3A_1176[%dma_wait3A_1177, %dma_wait3A_1178] : memref<32x128xf32, #tpu.memory_space<vmem>> -> memref<8x128xf32, #tpu.memory_space<vmem>>
        tpu.wait_dma2 semaphore(%dma_wait3A_1168 : memref<!tpu.dma_semaphore, #tpu.memory_space<semaphore_mem>>) src(%dma_wait3A_1179 : memref<8x128xf32, #tpu.memory_space<vmem>>) dst(%dma_wait3A_1172 : memref<8x128xf32, #tpu.memory_space<hbm>>)
        %dma_wait3A_1180 = arith.constant 0 : i32
        %dma_wait3A_1181 = arith.constant 0 : i32
        %dma_wait3A_1182 = arith.constant 1 : i32
        %dma_wait3A_1183 = arith.constant 0 : i32
        %dma_wait3A_1184 = arith.constant 0 : i32
        %dma_wait3A_1185 = arith.constant 0 : i32
        %dma_wait3A_1186 = arith.constant 0 : i32
        %dma_wait3A_1187 = tpu.memref_slice %arg7[%dma_wait3A_1180, %dma_wait3A_1185, %dma_wait3A_1186] : memref<4x32x128xf32, #tpu.memory_space<vmem>> -> memref<1x32x128xf32, #tpu.memory_space<vmem>>
        %dma_wait3A_1188 = tpu.memref_squeeze %dma_wait3A_1187 : memref<1x32x128xf32, #tpu.memory_space<vmem>> -> memref<32x128xf32, #tpu.memory_space<vmem>>
        %dma_wait3A_1189 = arith.constant 8 : i32
        %dma_wait3A_1190 = arith.constant 0 : i32
        %dma_wait3A_1191 = tpu.memref_slice %dma_wait3A_1188[%dma_wait3A_1189, %dma_wait3A_1190] : memref<32x128xf32, #tpu.memory_space<vmem>> -> memref<8x128xf32, #tpu.memory_space<vmem>>
        %dma_wait3A_1192 = arith.constant 0 : i32
        %dma_wait3A_1193 = arith.constant 0 : i32
        %dma_wait3A_1194 = tpu.memref_slice %arg4[%dma_wait3A_1181, %dma_wait3A_1182, %dma_wait3A_1183, %dma_wait3A_1192, %dma_wait3A_1193] : memref<200x4x32x8x128xf32, #tpu.memory_space<hbm>> -> memref<1x1x1x8x128xf32, #tpu.memory_space<hbm>>
        %dma_wait3A_1195 = tpu.memref_squeeze %dma_wait3A_1194 : memref<1x1x1x8x128xf32, #tpu.memory_space<hbm>> -> memref<8x128xf32, #tpu.memory_space<hbm>>
        %dma_wait3A_1196 = tpu.memref_slice %arg10[%dma_wait3A_1184] : memref<4x!tpu.dma_semaphore, #tpu.memory_space<semaphore_mem>> -> memref<1x!tpu.dma_semaphore, #tpu.memory_space<semaphore_mem>>
        %dma_wait3A_1197 = tpu.memref_squeeze %dma_wait3A_1196 : memref<1x!tpu.dma_semaphore, #tpu.memory_space<semaphore_mem>> -> memref<!tpu.dma_semaphore, #tpu.memory_space<semaphore_mem>>
        %dma_wait3A_1198 = arith.constant 0 : i32
        %dma_wait3A_1199 = arith.constant 0 : i32
        %dma_wait3A_1200 = tpu.memref_slice %arg4[%dma_wait3A_1181, %dma_wait3A_1182, %dma_wait3A_1183, %dma_wait3A_1198, %dma_wait3A_1199] : memref<200x4x32x8x128xf32, #tpu.memory_space<hbm>> -> memref<1x1x1x8x128xf32, #tpu.memory_space<hbm>>
        %dma_wait3A_1201 = tpu.memref_squeeze %dma_wait3A_1200 : memref<1x1x1x8x128xf32, #tpu.memory_space<hbm>> -> memref<8x128xf32, #tpu.memory_space<hbm>>
        %dma_wait3A_1202 = arith.constant 0 : i32
        %dma_wait3A_1203 = arith.constant 0 : i32
        %dma_wait3A_1204 = tpu.memref_slice %arg7[%dma_wait3A_1180, %dma_wait3A_1202, %dma_wait3A_1203] : memref<4x32x128xf32, #tpu.memory_space<vmem>> -> memref<1x32x128xf32, #tpu.memory_space<vmem>>
        %dma_wait3A_1205 = tpu.memref_squeeze %dma_wait3A_1204 : memref<1x32x128xf32, #tpu.memory_space<vmem>> -> memref<32x128xf32, #tpu.memory_space<vmem>>
        %dma_wait3A_1206 = arith.constant 8 : i32
        %dma_wait3A_1207 = arith.constant 0 : i32
        %dma_wait3A_1208 = tpu.memref_slice %dma_wait3A_1205[%dma_wait3A_1206, %dma_wait3A_1207] : memref<32x128xf32, #tpu.memory_space<vmem>> -> memref<8x128xf32, #tpu.memory_space<vmem>>
        tpu.wait_dma2 semaphore(%dma_wait3A_1197 : memref<!tpu.dma_semaphore, #tpu.memory_space<semaphore_mem>>) src(%dma_wait3A_1208 : memref<8x128xf32, #tpu.memory_space<vmem>>) dst(%dma_wait3A_1201 : memref<8x128xf32, #tpu.memory_space<hbm>>)
        %dma_wait3A_1209 = arith.constant 0 : i32
        %dma_wait3A_1210 = arith.constant 0 : i32
        %dma_wait3A_1211 = arith.constant 2 : i32
        %dma_wait3A_1212 = arith.constant 0 : i32
        %dma_wait3A_1213 = arith.constant 0 : i32
        %dma_wait3A_1214 = arith.constant 0 : i32
        %dma_wait3A_1215 = arith.constant 0 : i32
        %dma_wait3A_1216 = tpu.memref_slice %arg7[%dma_wait3A_1209, %dma_wait3A_1214, %dma_wait3A_1215] : memref<4x32x128xf32, #tpu.memory_space<vmem>> -> memref<1x32x128xf32, #tpu.memory_space<vmem>>
        %dma_wait3A_1217 = tpu.memref_squeeze %dma_wait3A_1216 : memref<1x32x128xf32, #tpu.memory_space<vmem>> -> memref<32x128xf32, #tpu.memory_space<vmem>>
        %dma_wait3A_1218 = arith.constant 16 : i32
        %dma_wait3A_1219 = arith.constant 0 : i32
        %dma_wait3A_1220 = tpu.memref_slice %dma_wait3A_1217[%dma_wait3A_1218, %dma_wait3A_1219] : memref<32x128xf32, #tpu.memory_space<vmem>> -> memref<8x128xf32, #tpu.memory_space<vmem>>
        %dma_wait3A_1221 = arith.constant 0 : i32
        %dma_wait3A_1222 = arith.constant 0 : i32
        %dma_wait3A_1223 = tpu.memref_slice %arg4[%dma_wait3A_1210, %dma_wait3A_1211, %dma_wait3A_1212, %dma_wait3A_1221, %dma_wait3A_1222] : memref<200x4x32x8x128xf32, #tpu.memory_space<hbm>> -> memref<1x1x1x8x128xf32, #tpu.memory_space<hbm>>
        %dma_wait3A_1224 = tpu.memref_squeeze %dma_wait3A_1223 : memref<1x1x1x8x128xf32, #tpu.memory_space<hbm>> -> memref<8x128xf32, #tpu.memory_space<hbm>>
        %dma_wait3A_1225 = tpu.memref_slice %arg10[%dma_wait3A_1213] : memref<4x!tpu.dma_semaphore, #tpu.memory_space<semaphore_mem>> -> memref<1x!tpu.dma_semaphore, #tpu.memory_space<semaphore_mem>>
        %dma_wait3A_1226 = tpu.memref_squeeze %dma_wait3A_1225 : memref<1x!tpu.dma_semaphore, #tpu.memory_space<semaphore_mem>> -> memref<!tpu.dma_semaphore, #tpu.memory_space<semaphore_mem>>
        %dma_wait3A_1227 = arith.constant 0 : i32
        %dma_wait3A_1228 = arith.constant 0 : i32
        %dma_wait3A_1229 = tpu.memref_slice %arg4[%dma_wait3A_1210, %dma_wait3A_1211, %dma_wait3A_1212, %dma_wait3A_1227, %dma_wait3A_1228] : memref<200x4x32x8x128xf32, #tpu.memory_space<hbm>> -> memref<1x1x1x8x128xf32, #tpu.memory_space<hbm>>
        %dma_wait3A_1230 = tpu.memref_squeeze %dma_wait3A_1229 : memref<1x1x1x8x128xf32, #tpu.memory_space<hbm>> -> memref<8x128xf32, #tpu.memory_space<hbm>>
        %dma_wait3A_1231 = arith.constant 0 : i32
        %dma_wait3A_1232 = arith.constant 0 : i32
        %dma_wait3A_1233 = tpu.memref_slice %arg7[%dma_wait3A_1209, %dma_wait3A_1231, %dma_wait3A_1232] : memref<4x32x128xf32, #tpu.memory_space<vmem>> -> memref<1x32x128xf32, #tpu.memory_space<vmem>>
        %dma_wait3A_1234 = tpu.memref_squeeze %dma_wait3A_1233 : memref<1x32x128xf32, #tpu.memory_space<vmem>> -> memref<32x128xf32, #tpu.memory_space<vmem>>
        %dma_wait3A_1235 = arith.constant 16 : i32
        %dma_wait3A_1236 = arith.constant 0 : i32
        %dma_wait3A_1237 = tpu.memref_slice %dma_wait3A_1234[%dma_wait3A_1235, %dma_wait3A_1236] : memref<32x128xf32, #tpu.memory_space<vmem>> -> memref<8x128xf32, #tpu.memory_space<vmem>>
        tpu.wait_dma2 semaphore(%dma_wait3A_1226 : memref<!tpu.dma_semaphore, #tpu.memory_space<semaphore_mem>>) src(%dma_wait3A_1237 : memref<8x128xf32, #tpu.memory_space<vmem>>) dst(%dma_wait3A_1230 : memref<8x128xf32, #tpu.memory_space<hbm>>)
        %dma_wait3A_1238 = arith.constant 0 : i32
        %dma_wait3A_1239 = arith.constant 0 : i32
        %dma_wait3A_1240 = arith.constant 3 : i32
        %dma_wait3A_1241 = arith.constant 0 : i32
        %dma_wait3A_1242 = arith.constant 0 : i32
        %dma_wait3A_1243 = arith.constant 0 : i32
        %dma_wait3A_1244 = arith.constant 0 : i32
        %dma_wait3A_1245 = tpu.memref_slice %arg7[%dma_wait3A_1238, %dma_wait3A_1243, %dma_wait3A_1244] : memref<4x32x128xf32, #tpu.memory_space<vmem>> -> memref<1x32x128xf32, #tpu.memory_space<vmem>>
        %dma_wait3A_1246 = tpu.memref_squeeze %dma_wait3A_1245 : memref<1x32x128xf32, #tpu.memory_space<vmem>> -> memref<32x128xf32, #tpu.memory_space<vmem>>
        %dma_wait3A_1247 = arith.constant 24 : i32
        %dma_wait3A_1248 = arith.constant 0 : i32
        %dma_wait3A_1249 = tpu.memref_slice %dma_wait3A_1246[%dma_wait3A_1247, %dma_wait3A_1248] : memref<32x128xf32, #tpu.memory_space<vmem>> -> memref<8x128xf32, #tpu.memory_space<vmem>>
        %dma_wait3A_1250 = arith.constant 0 : i32
        %dma_wait3A_1251 = arith.constant 0 : i32
        %dma_wait3A_1252 = tpu.memref_slice %arg4[%dma_wait3A_1239, %dma_wait3A_1240, %dma_wait3A_1241, %dma_wait3A_1250, %dma_wait3A_1251] : memref<200x4x32x8x128xf32, #tpu.memory_space<hbm>> -> memref<1x1x1x8x128xf32, #tpu.memory_space<hbm>>
        %dma_wait3A_1253 = tpu.memref_squeeze %dma_wait3A_1252 : memref<1x1x1x8x128xf32, #tpu.memory_space<hbm>> -> memref<8x128xf32, #tpu.memory_space<hbm>>
        %dma_wait3A_1254 = tpu.memref_slice %arg10[%dma_wait3A_1242] : memref<4x!tpu.dma_semaphore, #tpu.memory_space<semaphore_mem>> -> memref<1x!tpu.dma_semaphore, #tpu.memory_space<semaphore_mem>>
        %dma_wait3A_1255 = tpu.memref_squeeze %dma_wait3A_1254 : memref<1x!tpu.dma_semaphore, #tpu.memory_space<semaphore_mem>> -> memref<!tpu.dma_semaphore, #tpu.memory_space<semaphore_mem>>
        %dma_wait3A_1256 = arith.constant 0 : i32
        %dma_wait3A_1257 = arith.constant 0 : i32
        %dma_wait3A_1258 = tpu.memref_slice %arg4[%dma_wait3A_1239, %dma_wait3A_1240, %dma_wait3A_1241, %dma_wait3A_1256, %dma_wait3A_1257] : memref<200x4x32x8x128xf32, #tpu.memory_space<hbm>> -> memref<1x1x1x8x128xf32, #tpu.memory_space<hbm>>
        %dma_wait3A_1259 = tpu.memref_squeeze %dma_wait3A_1258 : memref<1x1x1x8x128xf32, #tpu.memory_space<hbm>> -> memref<8x128xf32, #tpu.memory_space<hbm>>
        %dma_wait3A_1260 = arith.constant 0 : i32
        %dma_wait3A_1261 = arith.constant 0 : i32
        %dma_wait3A_1262 = tpu.memref_slice %arg7[%dma_wait3A_1238, %dma_wait3A_1260, %dma_wait3A_1261] : memref<4x32x128xf32, #tpu.memory_space<vmem>> -> memref<1x32x128xf32, #tpu.memory_space<vmem>>
        %dma_wait3A_1263 = tpu.memref_squeeze %dma_wait3A_1262 : memref<1x32x128xf32, #tpu.memory_space<vmem>> -> memref<32x128xf32, #tpu.memory_space<vmem>>
        %dma_wait3A_1264 = arith.constant 24 : i32
        %dma_wait3A_1265 = arith.constant 0 : i32
        %dma_wait3A_1266 = tpu.memref_slice %dma_wait3A_1263[%dma_wait3A_1264, %dma_wait3A_1265] : memref<32x128xf32, #tpu.memory_space<vmem>> -> memref<8x128xf32, #tpu.memory_space<vmem>>
        tpu.wait_dma2 semaphore(%dma_wait3A_1255 : memref<!tpu.dma_semaphore, #tpu.memory_space<semaphore_mem>>) src(%dma_wait3A_1266 : memref<8x128xf32, #tpu.memory_space<vmem>>) dst(%dma_wait3A_1259 : memref<8x128xf32, #tpu.memory_space<hbm>>)
      } else {
      }
      %and3A = arith.constant 31 : i32
      %and3A_574 = vector.broadcast %and3A : i32 to vector<16xi32>
      %and3A_575 = arith.andi %iota3A, %and3A_574 : vector<16xi32>
      %scan3A_576 = arith.constant 0 : i32
      %scan3A_577 = arith.constant 0 : i32
      %scan3A_578 = arith.constant 0 : i32
      %scan3A_579 = arith.constant 32 : i32
      %scan3A_580 = arith.addi %scan3A_578, %scan3A_579 : i32
      %scan3A_581 = arith.constant 1 : i32
      %scan3A_582 = scf.for %scan3A_1151 = %scan3A_578 to %scan3A_580 step %scan3A_581 iter_args(%scan3A_1152 = %and3A_575) -> (vector<16xi32>)  : i32 {
        %add3A_1153 = arith.constant 0 : i32
        %add3A_1154 = vector.broadcast %add3A_1153 : i32 to vector<16xi32>
        %add3A_1155 = arith.addi %iota3A, %add3A_1154 : vector<16xi32>
        %gather3A = arith.constant 0 : i32
        %gather3A_1156 = arith.constant 0 : i32
        %gather3A_1157 = tpu.memref_slice %arg6[%scan3A_576, %gather3A, %gather3A_1156] : memref<4x128x32xf32, #tpu.memory_space<vmem>> -> memref<1x128x32xf32, #tpu.memory_space<vmem>>
        %gather3A_1158 = tpu.memref_squeeze %gather3A_1157 : memref<1x128x32xf32, #tpu.memory_space<vmem>> -> memref<128x32xf32, #tpu.memory_space<vmem>>
        %gather3A_1159 = tpu.vector_load_idx %gather3A_1158[%add3A_1155, %scan3A_1152] : memref<128x32xf32, #tpu.memory_space<vmem>>[vector<16xi32>, vector<16xi32>], vector<16xf32>,
        %add3A_1160 = arith.constant 16 : i32
        %add3A_1161 = vector.broadcast %add3A_1160 : i32 to vector<16xi32>
        %add3A_1162 = arith.addi %iota3A, %add3A_1161 : vector<16xi32>
        %gather3A_1163 = arith.constant 0 : i32
        %gather3A_1164 = arith.constant 0 : i32
        %gather3A_1165 = tpu.memref_slice %arg6[%scan3A_576, %gather3A_1163, %gather3A_1164] : memref<4x128x32xf32, #tpu.memory_space<vmem>> -> memref<1x128x32xf32, #tpu.memory_space<vmem>>
        %gather3A_1166 = tpu.memref_squeeze %gather3A_1165 : memref<1x128x32xf32, #tpu.memory_space<vmem>> -> memref<128x32xf32, #tpu.memory_space<vmem>>
        %gather3A_1167 = tpu.vector_load_idx %gather3A_1166[%add3A_1162, %scan3A_1152] : memref<128x32xf32, #tpu.memory_space<vmem>>[vector<16xi32>, vector<16xi32>], vector<16xf32>,
        %add3A_1168 = arith.constant 32 : i32
        %add3A_1169 = vector.broadcast %add3A_1168 : i32 to vector<16xi32>
        %add3A_1170 = arith.addi %iota3A, %add3A_1169 : vector<16xi32>
        %gather3A_1171 = arith.constant 0 : i32
        %gather3A_1172 = arith.constant 0 : i32
        %gather3A_1173 = tpu.memref_slice %arg6[%scan3A_576, %gather3A_1171, %gather3A_1172] : memref<4x128x32xf32, #tpu.memory_space<vmem>> -> memref<1x128x32xf32, #tpu.memory_space<vmem>>
        %gather3A_1174 = tpu.memref_squeeze %gather3A_1173 : memref<1x128x32xf32, #tpu.memory_space<vmem>> -> memref<128x32xf32, #tpu.memory_space<vmem>>
        %gather3A_1175 = tpu.vector_load_idx %gather3A_1174[%add3A_1170, %scan3A_1152] : memref<128x32xf32, #tpu.memory_space<vmem>>[vector<16xi32>, vector<16xi32>], vector<16xf32>,
        %add3A_1176 = arith.constant 48 : i32
        %add3A_1177 = vector.broadcast %add3A_1176 : i32 to vector<16xi32>
        %add3A_1178 = arith.addi %iota3A, %add3A_1177 : vector<16xi32>
        %gather3A_1179 = arith.constant 0 : i32
        %gather3A_1180 = arith.constant 0 : i32
        %gather3A_1181 = tpu.memref_slice %arg6[%scan3A_576, %gather3A_1179, %gather3A_1180] : memref<4x128x32xf32, #tpu.memory_space<vmem>> -> memref<1x128x32xf32, #tpu.memory_space<vmem>>
        %gather3A_1182 = tpu.memref_squeeze %gather3A_1181 : memref<1x128x32xf32, #tpu.memory_space<vmem>> -> memref<128x32xf32, #tpu.memory_space<vmem>>
        %gather3A_1183 = tpu.vector_load_idx %gather3A_1182[%add3A_1178, %scan3A_1152] : memref<128x32xf32, #tpu.memory_space<vmem>>[vector<16xi32>, vector<16xi32>], vector<16xf32>,
        %add3A_1184 = arith.constant 64 : i32
        %add3A_1185 = vector.broadcast %add3A_1184 : i32 to vector<16xi32>
        %add3A_1186 = arith.addi %iota3A, %add3A_1185 : vector<16xi32>
        %gather3A_1187 = arith.constant 0 : i32
        %gather3A_1188 = arith.constant 0 : i32
        %gather3A_1189 = tpu.memref_slice %arg6[%scan3A_576, %gather3A_1187, %gather3A_1188] : memref<4x128x32xf32, #tpu.memory_space<vmem>> -> memref<1x128x32xf32, #tpu.memory_space<vmem>>
        %gather3A_1190 = tpu.memref_squeeze %gather3A_1189 : memref<1x128x32xf32, #tpu.memory_space<vmem>> -> memref<128x32xf32, #tpu.memory_space<vmem>>
        %gather3A_1191 = tpu.vector_load_idx %gather3A_1190[%add3A_1186, %scan3A_1152] : memref<128x32xf32, #tpu.memory_space<vmem>>[vector<16xi32>, vector<16xi32>], vector<16xf32>,
        %add3A_1192 = arith.constant 80 : i32
        %add3A_1193 = vector.broadcast %add3A_1192 : i32 to vector<16xi32>
        %add3A_1194 = arith.addi %iota3A, %add3A_1193 : vector<16xi32>
        %gather3A_1195 = arith.constant 0 : i32
        %gather3A_1196 = arith.constant 0 : i32
        %gather3A_1197 = tpu.memref_slice %arg6[%scan3A_576, %gather3A_1195, %gather3A_1196] : memref<4x128x32xf32, #tpu.memory_space<vmem>> -> memref<1x128x32xf32, #tpu.memory_space<vmem>>
        %gather3A_1198 = tpu.memref_squeeze %gather3A_1197 : memref<1x128x32xf32, #tpu.memory_space<vmem>> -> memref<128x32xf32, #tpu.memory_space<vmem>>
        %gather3A_1199 = tpu.vector_load_idx %gather3A_1198[%add3A_1194, %scan3A_1152] : memref<128x32xf32, #tpu.memory_space<vmem>>[vector<16xi32>, vector<16xi32>], vector<16xf32>,
        %add3A_1200 = arith.constant 96 : i32
        %add3A_1201 = vector.broadcast %add3A_1200 : i32 to vector<16xi32>
        %add3A_1202 = arith.addi %iota3A, %add3A_1201 : vector<16xi32>
        %gather3A_1203 = arith.constant 0 : i32
        %gather3A_1204 = arith.constant 0 : i32
        %gather3A_1205 = tpu.memref_slice %arg6[%scan3A_576, %gather3A_1203, %gather3A_1204] : memref<4x128x32xf32, #tpu.memory_space<vmem>> -> memref<1x128x32xf32, #tpu.memory_space<vmem>>
        %gather3A_1206 = tpu.memref_squeeze %gather3A_1205 : memref<1x128x32xf32, #tpu.memory_space<vmem>> -> memref<128x32xf32, #tpu.memory_space<vmem>>
        %gather3A_1207 = tpu.vector_load_idx %gather3A_1206[%add3A_1202, %scan3A_1152] : memref<128x32xf32, #tpu.memory_space<vmem>>[vector<16xi32>, vector<16xi32>], vector<16xf32>,
        %add3A_1208 = arith.constant 112 : i32
        %add3A_1209 = vector.broadcast %add3A_1208 : i32 to vector<16xi32>
        %add3A_1210 = arith.addi %iota3A, %add3A_1209 : vector<16xi32>
        %gather3A_1211 = arith.constant 0 : i32
        %gather3A_1212 = arith.constant 0 : i32
        %gather3A_1213 = tpu.memref_slice %arg6[%scan3A_576, %gather3A_1211, %gather3A_1212] : memref<4x128x32xf32, #tpu.memory_space<vmem>> -> memref<1x128x32xf32, #tpu.memory_space<vmem>>
        %gather3A_1214 = tpu.memref_squeeze %gather3A_1213 : memref<1x128x32xf32, #tpu.memory_space<vmem>> -> memref<128x32xf32, #tpu.memory_space<vmem>>
        %gather3A_1215 = tpu.vector_load_idx %gather3A_1214[%add3A_1210, %scan3A_1152] : memref<128x32xf32, #tpu.memory_space<vmem>>[vector<16xi32>, vector<16xi32>], vector<16xf32>,
        %scatter3A = arith.constant 0 : i32
        %scatter3A_1216 = arith.constant 0 : i32
        %scatter3A_1217 = tpu.memref_slice %arg7[%scan3A_577, %scatter3A, %scatter3A_1216] : memref<4x32x128xf32, #tpu.memory_space<vmem>> -> memref<1x32x128xf32, #tpu.memory_space<vmem>>
        %scatter3A_1218 = tpu.memref_squeeze %scatter3A_1217 : memref<1x32x128xf32, #tpu.memory_space<vmem>> -> memref<32x128xf32, #tpu.memory_space<vmem>>
        tpu.vector_store_idx %scatter3A_1218[%scan3A_1152, %add3A_1155], %gather3A_1159 : memref<32x128xf32, #tpu.memory_space<vmem>>[vector<16xi32>, vector<16xi32>], vector<16xf32>,
        %scatter3A_1219 = arith.constant 0 : i32
        %scatter3A_1220 = arith.constant 0 : i32
        %scatter3A_1221 = tpu.memref_slice %arg7[%scan3A_577, %scatter3A_1219, %scatter3A_1220] : memref<4x32x128xf32, #tpu.memory_space<vmem>> -> memref<1x32x128xf32, #tpu.memory_space<vmem>>
        %scatter3A_1222 = tpu.memref_squeeze %scatter3A_1221 : memref<1x32x128xf32, #tpu.memory_space<vmem>> -> memref<32x128xf32, #tpu.memory_space<vmem>>
        tpu.vector_store_idx %scatter3A_1222[%scan3A_1152, %add3A_1162], %gather3A_1167 : memref<32x128xf32, #tpu.memory_space<vmem>>[vector<16xi32>, vector<16xi32>], vector<16xf32>,
        %scatter3A_1223 = arith.constant 0 : i32
        %scatter3A_1224 = arith.constant 0 : i32
        %scatter3A_1225 = tpu.memref_slice %arg7[%scan3A_577, %scatter3A_1223, %scatter3A_1224] : memref<4x32x128xf32, #tpu.memory_space<vmem>> -> memref<1x32x128xf32, #tpu.memory_space<vmem>>
        %scatter3A_1226 = tpu.memref_squeeze %scatter3A_1225 : memref<1x32x128xf32, #tpu.memory_space<vmem>> -> memref<32x128xf32, #tpu.memory_space<vmem>>
        tpu.vector_store_idx %scatter3A_1226[%scan3A_1152, %add3A_1170], %gather3A_1175 : memref<32x128xf32, #tpu.memory_space<vmem>>[vector<16xi32>, vector<16xi32>], vector<16xf32>,
        %scatter3A_1227 = arith.constant 0 : i32
        %scatter3A_1228 = arith.constant 0 : i32
        %scatter3A_1229 = tpu.memref_slice %arg7[%scan3A_577, %scatter3A_1227, %scatter3A_1228] : memref<4x32x128xf32, #tpu.memory_space<vmem>> -> memref<1x32x128xf32, #tpu.memory_space<vmem>>
        %scatter3A_1230 = tpu.memref_squeeze %scatter3A_1229 : memref<1x32x128xf32, #tpu.memory_space<vmem>> -> memref<32x128xf32, #tpu.memory_space<vmem>>
        tpu.vector_store_idx %scatter3A_1230[%scan3A_1152, %add3A_1178], %gather3A_1183 : memref<32x128xf32, #tpu.memory_space<vmem>>[vector<16xi32>, vector<16xi32>], vector<16xf32>,
        %scatter3A_1231 = arith.constant 0 : i32
        %scatter3A_1232 = arith.constant 0 : i32
        %scatter3A_1233 = tpu.memref_slice %arg7[%scan3A_577, %scatter3A_1231, %scatter3A_1232] : memref<4x32x128xf32, #tpu.memory_space<vmem>> -> memref<1x32x128xf32, #tpu.memory_space<vmem>>
        %scatter3A_1234 = tpu.memref_squeeze %scatter3A_1233 : memref<1x32x128xf32, #tpu.memory_space<vmem>> -> memref<32x128xf32, #tpu.memory_space<vmem>>
        tpu.vector_store_idx %scatter3A_1234[%scan3A_1152, %add3A_1186], %gather3A_1191 : memref<32x128xf32, #tpu.memory_space<vmem>>[vector<16xi32>, vector<16xi32>], vector<16xf32>,
        %scatter3A_1235 = arith.constant 0 : i32
        %scatter3A_1236 = arith.constant 0 : i32
        %scatter3A_1237 = tpu.memref_slice %arg7[%scan3A_577, %scatter3A_1235, %scatter3A_1236] : memref<4x32x128xf32, #tpu.memory_space<vmem>> -> memref<1x32x128xf32, #tpu.memory_space<vmem>>
        %scatter3A_1238 = tpu.memref_squeeze %scatter3A_1237 : memref<1x32x128xf32, #tpu.memory_space<vmem>> -> memref<32x128xf32, #tpu.memory_space<vmem>>
        tpu.vector_store_idx %scatter3A_1238[%scan3A_1152, %add3A_1194], %gather3A_1199 : memref<32x128xf32, #tpu.memory_space<vmem>>[vector<16xi32>, vector<16xi32>], vector<16xf32>,
        %scatter3A_1239 = arith.constant 0 : i32
        %scatter3A_1240 = arith.constant 0 : i32
        %scatter3A_1241 = tpu.memref_slice %arg7[%scan3A_577, %scatter3A_1239, %scatter3A_1240] : memref<4x32x128xf32, #tpu.memory_space<vmem>> -> memref<1x32x128xf32, #tpu.memory_space<vmem>>
        %scatter3A_1242 = tpu.memref_squeeze %scatter3A_1241 : memref<1x32x128xf32, #tpu.memory_space<vmem>> -> memref<32x128xf32, #tpu.memory_space<vmem>>
        tpu.vector_store_idx %scatter3A_1242[%scan3A_1152, %add3A_1202], %gather3A_1207 : memref<32x128xf32, #tpu.memory_space<vmem>>[vector<16xi32>, vector<16xi32>], vector<16xf32>,
        %scatter3A_1243 = arith.constant 0 : i32
        %scatter3A_1244 = arith.constant 0 : i32
        %scatter3A_1245 = tpu.memref_slice %arg7[%scan3A_577, %scatter3A_1243, %scatter3A_1244] : memref<4x32x128xf32, #tpu.memory_space<vmem>> -> memref<1x32x128xf32, #tpu.memory_space<vmem>>
        %scatter3A_1246 = tpu.memref_squeeze %scatter3A_1245 : memref<1x32x128xf32, #tpu.memory_space<vmem>> -> memref<32x128xf32, #tpu.memory_space<vmem>>
        tpu.vector_store_idx %scatter3A_1246[%scan3A_1152, %add3A_1210], %gather3A_1215 : memref<32x128xf32, #tpu.memory_space<vmem>>[vector<16xi32>, vector<16xi32>], vector<16xf32>,
        %add3A_1247 = arith.constant 1 : i32
        %add3A_1248 = vector.broadcast %add3A_1247 : i32 to vector<16xi32>
        %add3A_1249 = arith.addi %scan3A_1152, %add3A_1248 : vector<16xi32>
        %and3A_1250 = arith.constant 31 : i32
        %and3A_1251 = vector.broadcast %and3A_1250 : i32 to vector<16xi32>
        %and3A_1252 = arith.andi %add3A_1249, %and3A_1251 : vector<16xi32>
        scf.yield %and3A_1252 : vector<16xi32>
      }
      %scan3A_583 = arith.constant 32 : i32
      %dma_start3A_584 = arith.constant 0 : i32
      %dma_start3A_585 = arith.constant 0 : i32
      %dma_start3A_586 = arith.constant 0 : i32
      %dma_start3A_587 = arith.constant 0 : i32
      %dma_start3A_588 = arith.constant 0 : i32
      %dma_start3A_589 = tpu.memref_slice %arg7[%dma_start3A_584, %dma_start3A_587, %dma_start3A_588] : memref<4x32x128xf32, #tpu.memory_space<vmem>> -> memref<1x32x128xf32, #tpu.memory_space<vmem>>
      %dma_start3A_590 = tpu.memref_squeeze %dma_start3A_589 : memref<1x32x128xf32, #tpu.memory_space<vmem>> -> memref<32x128xf32, #tpu.memory_space<vmem>>
      %dma_start3A_591 = arith.constant 0 : i32
      %dma_start3A_592 = arith.constant 0 : i32
      %dma_start3A_593 = tpu.memref_slice %dma_start3A_590[%dma_start3A_591, %dma_start3A_592] : memref<32x128xf32, #tpu.memory_space<vmem>> -> memref<8x128xf32, #tpu.memory_space<vmem>>
      %dma_start3A_594 = arith.constant 0 : i32
      %dma_start3A_595 = arith.constant 0 : i32
      %dma_start3A_596 = tpu.memref_slice %arg4[%add3A_555, %dma_start3A_585, %add3A, %dma_start3A_594, %dma_start3A_595] : memref<200x4x32x8x128xf32, #tpu.memory_space<hbm>> -> memref<1x1x1x8x128xf32, #tpu.memory_space<hbm>>
      %dma_start3A_597 = tpu.memref_squeeze %dma_start3A_596 : memref<1x1x1x8x128xf32, #tpu.memory_space<hbm>> -> memref<8x128xf32, #tpu.memory_space<hbm>>
      %dma_start3A_598 = tpu.memref_slice %arg10[%dma_start3A_586] : memref<4x!tpu.dma_semaphore, #tpu.memory_space<semaphore_mem>> -> memref<1x!tpu.dma_semaphore, #tpu.memory_space<semaphore_mem>>
      %dma_start3A_599 = tpu.memref_squeeze %dma_start3A_598 : memref<1x!tpu.dma_semaphore, #tpu.memory_space<semaphore_mem>> -> memref<!tpu.dma_semaphore, #tpu.memory_space<semaphore_mem>>
      %dma_start3A_600 = arith.constant 0 : i32
      %dma_start3A_601 = arith.constant 0 : i32
      %dma_start3A_602 = tpu.memref_slice %arg4[%add3A_555, %dma_start3A_585, %add3A, %dma_start3A_600, %dma_start3A_601] : memref<200x4x32x8x128xf32, #tpu.memory_space<hbm>> -> memref<1x1x1x8x128xf32, #tpu.memory_space<hbm>>
      %dma_start3A_603 = tpu.memref_squeeze %dma_start3A_602 : memref<1x1x1x8x128xf32, #tpu.memory_space<hbm>> -> memref<8x128xf32, #tpu.memory_space<hbm>>
      %dma_start3A_604 = arith.constant 0 : i32
      %dma_start3A_605 = arith.constant 0 : i32
      %dma_start3A_606 = tpu.memref_slice %arg7[%dma_start3A_584, %dma_start3A_604, %dma_start3A_605] : memref<4x32x128xf32, #tpu.memory_space<vmem>> -> memref<1x32x128xf32, #tpu.memory_space<vmem>>
      %dma_start3A_607 = tpu.memref_squeeze %dma_start3A_606 : memref<1x32x128xf32, #tpu.memory_space<vmem>> -> memref<32x128xf32, #tpu.memory_space<vmem>>
      %dma_start3A_608 = arith.constant 0 : i32
      %dma_start3A_609 = arith.constant 0 : i32
      %dma_start3A_610 = tpu.memref_slice %dma_start3A_607[%dma_start3A_608, %dma_start3A_609] : memref<32x128xf32, #tpu.memory_space<vmem>> -> memref<8x128xf32, #tpu.memory_space<vmem>>
      tpu.enqueue_dma source(%dma_start3A_610 : memref<8x128xf32, #tpu.memory_space<vmem>>) target(%dma_start3A_603 : memref<8x128xf32, #tpu.memory_space<hbm>>) target_semaphore(%dma_start3A_599 : memref<!tpu.dma_semaphore, #tpu.memory_space<semaphore_mem>>)
      %dma_start3A_611 = arith.constant 0 : i32
      %dma_start3A_612 = arith.constant 1 : i32
      %dma_start3A_613 = arith.constant 0 : i32
      %dma_start3A_614 = arith.constant 0 : i32
      %dma_start3A_615 = arith.constant 0 : i32
      %dma_start3A_616 = tpu.memref_slice %arg7[%dma_start3A_611, %dma_start3A_614, %dma_start3A_615] : memref<4x32x128xf32, #tpu.memory_space<vmem>> -> memref<1x32x128xf32, #tpu.memory_space<vmem>>
      %dma_start3A_617 = tpu.memref_squeeze %dma_start3A_616 : memref<1x32x128xf32, #tpu.memory_space<vmem>> -> memref<32x128xf32, #tpu.memory_space<vmem>>
      %dma_start3A_618 = arith.constant 8 : i32
      %dma_start3A_619 = arith.constant 0 : i32
      %dma_start3A_620 = tpu.memref_slice %dma_start3A_617[%dma_start3A_618, %dma_start3A_619] : memref<32x128xf32, #tpu.memory_space<vmem>> -> memref<8x128xf32, #tpu.memory_space<vmem>>
      %dma_start3A_621 = arith.constant 0 : i32
      %dma_start3A_622 = arith.constant 0 : i32
      %dma_start3A_623 = tpu.memref_slice %arg4[%add3A_555, %dma_start3A_612, %add3A, %dma_start3A_621, %dma_start3A_622] : memref<200x4x32x8x128xf32, #tpu.memory_space<hbm>> -> memref<1x1x1x8x128xf32, #tpu.memory_space<hbm>>
      %dma_start3A_624 = tpu.memref_squeeze %dma_start3A_623 : memref<1x1x1x8x128xf32, #tpu.memory_space<hbm>> -> memref<8x128xf32, #tpu.memory_space<hbm>>
      %dma_start3A_625 = tpu.memref_slice %arg10[%dma_start3A_613] : memref<4x!tpu.dma_semaphore, #tpu.memory_space<semaphore_mem>> -> memref<1x!tpu.dma_semaphore, #tpu.memory_space<semaphore_mem>>
      %dma_start3A_626 = tpu.memref_squeeze %dma_start3A_625 : memref<1x!tpu.dma_semaphore, #tpu.memory_space<semaphore_mem>> -> memref<!tpu.dma_semaphore, #tpu.memory_space<semaphore_mem>>
      %dma_start3A_627 = arith.constant 0 : i32
      %dma_start3A_628 = arith.constant 0 : i32
      %dma_start3A_629 = tpu.memref_slice %arg4[%add3A_555, %dma_start3A_612, %add3A, %dma_start3A_627, %dma_start3A_628] : memref<200x4x32x8x128xf32, #tpu.memory_space<hbm>> -> memref<1x1x1x8x128xf32, #tpu.memory_space<hbm>>
      %dma_start3A_630 = tpu.memref_squeeze %dma_start3A_629 : memref<1x1x1x8x128xf32, #tpu.memory_space<hbm>> -> memref<8x128xf32, #tpu.memory_space<hbm>>
      %dma_start3A_631 = arith.constant 0 : i32
      %dma_start3A_632 = arith.constant 0 : i32
      %dma_start3A_633 = tpu.memref_slice %arg7[%dma_start3A_611, %dma_start3A_631, %dma_start3A_632] : memref<4x32x128xf32, #tpu.memory_space<vmem>> -> memref<1x32x128xf32, #tpu.memory_space<vmem>>
      %dma_start3A_634 = tpu.memref_squeeze %dma_start3A_633 : memref<1x32x128xf32, #tpu.memory_space<vmem>> -> memref<32x128xf32, #tpu.memory_space<vmem>>
      %dma_start3A_635 = arith.constant 8 : i32
      %dma_start3A_636 = arith.constant 0 : i32
      %dma_start3A_637 = tpu.memref_slice %dma_start3A_634[%dma_start3A_635, %dma_start3A_636] : memref<32x128xf32, #tpu.memory_space<vmem>> -> memref<8x128xf32, #tpu.memory_space<vmem>>
      tpu.enqueue_dma source(%dma_start3A_637 : memref<8x128xf32, #tpu.memory_space<vmem>>) target(%dma_start3A_630 : memref<8x128xf32, #tpu.memory_space<hbm>>) target_semaphore(%dma_start3A_626 : memref<!tpu.dma_semaphore, #tpu.memory_space<semaphore_mem>>)
      %dma_start3A_638 = arith.constant 0 : i32
      %dma_start3A_639 = arith.constant 2 : i32
      %dma_start3A_640 = arith.constant 0 : i32
      %dma_start3A_641 = arith.constant 0 : i32
      %dma_start3A_642 = arith.constant 0 : i32
      %dma_start3A_643 = tpu.memref_slice %arg7[%dma_start3A_638, %dma_start3A_641, %dma_start3A_642] : memref<4x32x128xf32, #tpu.memory_space<vmem>> -> memref<1x32x128xf32, #tpu.memory_space<vmem>>
      %dma_start3A_644 = tpu.memref_squeeze %dma_start3A_643 : memref<1x32x128xf32, #tpu.memory_space<vmem>> -> memref<32x128xf32, #tpu.memory_space<vmem>>
      %dma_start3A_645 = arith.constant 16 : i32
      %dma_start3A_646 = arith.constant 0 : i32
      %dma_start3A_647 = tpu.memref_slice %dma_start3A_644[%dma_start3A_645, %dma_start3A_646] : memref<32x128xf32, #tpu.memory_space<vmem>> -> memref<8x128xf32, #tpu.memory_space<vmem>>
      %dma_start3A_648 = arith.constant 0 : i32
      %dma_start3A_649 = arith.constant 0 : i32
      %dma_start3A_650 = tpu.memref_slice %arg4[%add3A_555, %dma_start3A_639, %add3A, %dma_start3A_648, %dma_start3A_649] : memref<200x4x32x8x128xf32, #tpu.memory_space<hbm>> -> memref<1x1x1x8x128xf32, #tpu.memory_space<hbm>>
      %dma_start3A_651 = tpu.memref_squeeze %dma_start3A_650 : memref<1x1x1x8x128xf32, #tpu.memory_space<hbm>> -> memref<8x128xf32, #tpu.memory_space<hbm>>
      %dma_start3A_652 = tpu.memref_slice %arg10[%dma_start3A_640] : memref<4x!tpu.dma_semaphore, #tpu.memory_space<semaphore_mem>> -> memref<1x!tpu.dma_semaphore, #tpu.memory_space<semaphore_mem>>
      %dma_start3A_653 = tpu.memref_squeeze %dma_start3A_652 : memref<1x!tpu.dma_semaphore, #tpu.memory_space<semaphore_mem>> -> memref<!tpu.dma_semaphore, #tpu.memory_space<semaphore_mem>>
      %dma_start3A_654 = arith.constant 0 : i32
      %dma_start3A_655 = arith.constant 0 : i32
      %dma_start3A_656 = tpu.memref_slice %arg4[%add3A_555, %dma_start3A_639, %add3A, %dma_start3A_654, %dma_start3A_655] : memref<200x4x32x8x128xf32, #tpu.memory_space<hbm>> -> memref<1x1x1x8x128xf32, #tpu.memory_space<hbm>>
      %dma_start3A_657 = tpu.memref_squeeze %dma_start3A_656 : memref<1x1x1x8x128xf32, #tpu.memory_space<hbm>> -> memref<8x128xf32, #tpu.memory_space<hbm>>
      %dma_start3A_658 = arith.constant 0 : i32
      %dma_start3A_659 = arith.constant 0 : i32
      %dma_start3A_660 = tpu.memref_slice %arg7[%dma_start3A_638, %dma_start3A_658, %dma_start3A_659] : memref<4x32x128xf32, #tpu.memory_space<vmem>> -> memref<1x32x128xf32, #tpu.memory_space<vmem>>
      %dma_start3A_661 = tpu.memref_squeeze %dma_start3A_660 : memref<1x32x128xf32, #tpu.memory_space<vmem>> -> memref<32x128xf32, #tpu.memory_space<vmem>>
      %dma_start3A_662 = arith.constant 16 : i32
      %dma_start3A_663 = arith.constant 0 : i32
      %dma_start3A_664 = tpu.memref_slice %dma_start3A_661[%dma_start3A_662, %dma_start3A_663] : memref<32x128xf32, #tpu.memory_space<vmem>> -> memref<8x128xf32, #tpu.memory_space<vmem>>
      tpu.enqueue_dma source(%dma_start3A_664 : memref<8x128xf32, #tpu.memory_space<vmem>>) target(%dma_start3A_657 : memref<8x128xf32, #tpu.memory_space<hbm>>) target_semaphore(%dma_start3A_653 : memref<!tpu.dma_semaphore, #tpu.memory_space<semaphore_mem>>)
      %dma_start3A_665 = arith.constant 0 : i32
      %dma_start3A_666 = arith.constant 3 : i32
      %dma_start3A_667 = arith.constant 0 : i32
      %dma_start3A_668 = arith.constant 0 : i32
      %dma_start3A_669 = arith.constant 0 : i32
      %dma_start3A_670 = tpu.memref_slice %arg7[%dma_start3A_665, %dma_start3A_668, %dma_start3A_669] : memref<4x32x128xf32, #tpu.memory_space<vmem>> -> memref<1x32x128xf32, #tpu.memory_space<vmem>>
      %dma_start3A_671 = tpu.memref_squeeze %dma_start3A_670 : memref<1x32x128xf32, #tpu.memory_space<vmem>> -> memref<32x128xf32, #tpu.memory_space<vmem>>
      %dma_start3A_672 = arith.constant 24 : i32
      %dma_start3A_673 = arith.constant 0 : i32
      %dma_start3A_674 = tpu.memref_slice %dma_start3A_671[%dma_start3A_672, %dma_start3A_673] : memref<32x128xf32, #tpu.memory_space<vmem>> -> memref<8x128xf32, #tpu.memory_space<vmem>>
      %dma_start3A_675 = arith.constant 0 : i32
      %dma_start3A_676 = arith.constant 0 : i32
      %dma_start3A_677 = tpu.memref_slice %arg4[%add3A_555, %dma_start3A_666, %add3A, %dma_start3A_675, %dma_start3A_676] : memref<200x4x32x8x128xf32, #tpu.memory_space<hbm>> -> memref<1x1x1x8x128xf32, #tpu.memory_space<hbm>>
      %dma_start3A_678 = tpu.memref_squeeze %dma_start3A_677 : memref<1x1x1x8x128xf32, #tpu.memory_space<hbm>> -> memref<8x128xf32, #tpu.memory_space<hbm>>
      %dma_start3A_679 = tpu.memref_slice %arg10[%dma_start3A_667] : memref<4x!tpu.dma_semaphore, #tpu.memory_space<semaphore_mem>> -> memref<1x!tpu.dma_semaphore, #tpu.memory_space<semaphore_mem>>
      %dma_start3A_680 = tpu.memref_squeeze %dma_start3A_679 : memref<1x!tpu.dma_semaphore, #tpu.memory_space<semaphore_mem>> -> memref<!tpu.dma_semaphore, #tpu.memory_space<semaphore_mem>>
      %dma_start3A_681 = arith.constant 0 : i32
      %dma_start3A_682 = arith.constant 0 : i32
      %dma_start3A_683 = tpu.memref_slice %arg4[%add3A_555, %dma_start3A_666, %add3A, %dma_start3A_681, %dma_start3A_682] : memref<200x4x32x8x128xf32, #tpu.memory_space<hbm>> -> memref<1x1x1x8x128xf32, #tpu.memory_space<hbm>>
      %dma_start3A_684 = tpu.memref_squeeze %dma_start3A_683 : memref<1x1x1x8x128xf32, #tpu.memory_space<hbm>> -> memref<8x128xf32, #tpu.memory_space<hbm>>
      %dma_start3A_685 = arith.constant 0 : i32
      %dma_start3A_686 = arith.constant 0 : i32
      %dma_start3A_687 = tpu.memref_slice %arg7[%dma_start3A_665, %dma_start3A_685, %dma_start3A_686] : memref<4x32x128xf32, #tpu.memory_space<vmem>> -> memref<1x32x128xf32, #tpu.memory_space<vmem>>
      %dma_start3A_688 = tpu.memref_squeeze %dma_start3A_687 : memref<1x32x128xf32, #tpu.memory_space<vmem>> -> memref<32x128xf32, #tpu.memory_space<vmem>>
      %dma_start3A_689 = arith.constant 24 : i32
      %dma_start3A_690 = arith.constant 0 : i32
      %dma_start3A_691 = tpu.memref_slice %dma_start3A_688[%dma_start3A_689, %dma_start3A_690] : memref<32x128xf32, #tpu.memory_space<vmem>> -> memref<8x128xf32, #tpu.memory_space<vmem>>
      tpu.enqueue_dma source(%dma_start3A_691 : memref<8x128xf32, #tpu.memory_space<vmem>>) target(%dma_start3A_684 : memref<8x128xf32, #tpu.memory_space<hbm>>) target_semaphore(%dma_start3A_680 : memref<!tpu.dma_semaphore, #tpu.memory_space<semaphore_mem>>)
      %add3A_692 = arith.constant 4 : i32
      %add3A_693 = arith.addi %add3A_555, %add3A_692 : i32
      %lt3A = arith.constant 200 : i32
      %lt3A_694 = arith.cmpi slt, %add3A_693, %lt3A : i32
      %convert_element_type3A_695 = arith.extui %lt3A_694 : i1 to i32
      %cond3A_696 = arith.constant 0 : i32
      %cond3A_697 = arith.cmpi ne, %convert_element_type3A_695, %cond3A_696 : i32
      scf.if %cond3A_697 {
        %add3A_1151 = arith.constant 4 : i32
        %add3A_1152 = arith.addi %add3A_555, %add3A_1151 : i32
        %jit3A = arith.constant 8 : i32
        %div3A = arith.divsi %add3A_1152, %jit3A : i32
        %sign3A = arith.constant 0 : i32
        %sign3A_1153 = arith.cmpi sgt, %add3A_1152, %sign3A : i32
        %sign3A_1154 = arith.extui %sign3A_1153 : i1 to i32
        %sign3A_1155 = arith.constant 0 : i32
        %sign3A_1156 = arith.cmpi slt, %add3A_1152, %sign3A_1155 : i32
        %sign3A_1157 = arith.extui %sign3A_1156 : i1 to i32
        %sign3A_1158 = arith.subi %sign3A_1154, %sign3A_1157 : i32
        %sign3A_1159 = arith.constant 0 : i32
        %sign3A_1160 = arith.cmpi sgt, %jit3A, %sign3A_1159 : i32
        %sign3A_1161 = arith.extui %sign3A_1160 : i1 to i32
        %sign3A_1162 = arith.constant 0 : i32
        %sign3A_1163 = arith.cmpi slt, %jit3A, %sign3A_1162 : i32
        %sign3A_1164 = arith.extui %sign3A_1163 : i1 to i32
        %sign3A_1165 = arith.subi %sign3A_1161, %sign3A_1164 : i32
        %ne3A = arith.cmpi ne, %sign3A_1158, %sign3A_1165 : i32
        %rem3A = arith.remsi %add3A_1152, %jit3A : i32
        %ne3A_1166 = arith.constant 0 : i32
        %ne3A_1167 = arith.cmpi ne, %rem3A, %ne3A_1166 : i32
        %and3A_1168 = arith.andi %ne3A, %ne3A_1167 : i1
        %sub3A = arith.constant 1 : i32
        %sub3A_1169 = arith.subi %div3A, %sub3A : i32
        %select_n3A = arith.select %and3A_1168, %sub3A_1169, %div3A : i32
        %jit3A_1170 = arith.constant 8 : i32
        %eq3A = arith.constant 0 : i32
        %eq3A_1171 = arith.cmpi eq, %jit3A_1170, %eq3A : i32
        %jit3A_1172 = arith.constant 1 : i32
        %select_n3A_1173 = arith.select %eq3A_1171, %jit3A_1172, %jit3A_1170 : i32
        %rem3A_1174 = arith.remsi %add3A_1152, %select_n3A_1173 : i32
        %ne3A_1175 = arith.constant 0 : i32
        %ne3A_1176 = arith.cmpi ne, %rem3A_1174, %ne3A_1175 : i32
        %lt3A_1177 = arith.constant 0 : i32
        %lt3A_1178 = arith.cmpi slt, %rem3A_1174, %lt3A_1177 : i32
        %lt3A_1179 = arith.constant 0 : i32
        %lt3A_1180 = arith.cmpi slt, %select_n3A_1173, %lt3A_1179 : i32
        %ne3A_1181 = arith.xori %lt3A_1178, %lt3A_1180 : i1
        %and3A_1182 = arith.andi %ne3A_1181, %ne3A_1176 : i1
        %add3A_1183 = arith.addi %rem3A_1174, %select_n3A_1173 : i32
        %select_n3A_1184 = arith.select %and3A_1182, %add3A_1183, %rem3A_1174 : i32
        %dma_start3A_1185 = arith.constant 0 : i32
        %dma_start3A_1186 = arith.constant 0 : i32
        %dma_start3A_1187 = arith.constant 0 : i32
        %dma_start3A_1188 = arith.constant 0 : i32
        %dma_start3A_1189 = tpu.memref_slice %arg6[%dma_start3A_1185, %dma_start3A_1187, %dma_start3A_1188] : memref<4x128x32xf32, #tpu.memory_space<vmem>> -> memref<1x128x32xf32, #tpu.memory_space<vmem>>
        %dma_start3A_1190 = tpu.memref_squeeze %dma_start3A_1189 : memref<1x128x32xf32, #tpu.memory_space<vmem>> -> memref<128x32xf32, #tpu.memory_space<vmem>>
        %dma_start3A_1191 = arith.constant 0 : i32
        %dma_start3A_1192 = tpu.memref_slice %arg5[%select_n3A, %select_n3A_1184, %dma_start3A_1191] : memref<25x8x128xi32, #tpu.memory_space<vmem>> -> memref<1x1x128xi32, #tpu.memory_space<vmem>>
        %dma_start3A_1193 = tpu.memref_squeeze %dma_start3A_1192 : memref<1x1x128xi32, #tpu.memory_space<vmem>> -> memref<128xi32, #tpu.memory_space<vmem>>
        %dma_start3A_1194 = arith.constant 0 : i32
        %dma_start3A_1195 = arith.constant 0 : i32
        %dma_start3A_1196 = tpu.memref_slice %arg3[%dma_start3A_1194, %dma_start3A_1195] : memref<1000000x32xf32, #tpu.memory_space<hbm>> -> memref<1000000x32xf32, #tpu.memory_space<hbm>>
        %dma_start3A_1197 = tpu.memref_slice %arg9[%dma_start3A_1186] : memref<4x!tpu.dma_semaphore, #tpu.memory_space<semaphore_mem>> -> memref<1x!tpu.dma_semaphore, #tpu.memory_space<semaphore_mem>>
        %dma_start3A_1198 = tpu.memref_squeeze %dma_start3A_1197 : memref<1x!tpu.dma_semaphore, #tpu.memory_space<semaphore_mem>> -> memref<!tpu.dma_semaphore, #tpu.memory_space<semaphore_mem>>
        tpu.enqueue_indirect_dma source(%dma_start3A_1196 : memref<1000000x32xf32, #tpu.memory_space<hbm>>) target(%dma_start3A_1190 : memref<128x32xf32, #tpu.memory_space<vmem>>) offsets(%dma_start3A_1193 : memref<128xi32, #tpu.memory_space<vmem>>) semaphore(%dma_start3A_1198 : memref<!tpu.dma_semaphore, #tpu.memory_space<semaphore_mem>>)
      } else {
      }
      %mul3A_698 = arith.constant 4 : i32
      %mul3A_699 = arith.muli %scan3A_551, %mul3A_698 : i32
      %add3A_700 = arith.constant 1 : i32
      %add3A_701 = arith.addi %mul3A_699, %add3A_700 : i32
      %dma_wait3A_702 = arith.constant 0 : i32
      %dma_wait3A_703 = arith.constant 0 : i32
      %dma_wait3A_704 = arith.constant 1 : i32
      %dma_wait3A_705 = arith.constant 1 : i32
      %dma_wait3A_706 = arith.constant 0 : i32
      %dma_wait3A_707 = arith.constant 0 : i32
      %dma_wait3A_708 = tpu.memref_slice %arg6[%dma_wait3A_704, %dma_wait3A_706, %dma_wait3A_707] : memref<4x128x32xf32, #tpu.memory_space<vmem>> -> memref<1x128x32xf32, #tpu.memory_space<vmem>>
      %dma_wait3A_709 = tpu.memref_squeeze %dma_wait3A_708 : memref<1x128x32xf32, #tpu.memory_space<vmem>> -> memref<128x32xf32, #tpu.memory_space<vmem>>
      %dma_wait3A_710 = arith.constant 0 : i32
      %dma_wait3A_711 = tpu.memref_slice %arg5[%dma_wait3A_702, %dma_wait3A_703, %dma_wait3A_710] : memref<25x8x128xi32, #tpu.memory_space<vmem>> -> memref<1x1x128xi32, #tpu.memory_space<vmem>>
      %dma_wait3A_712 = tpu.memref_squeeze %dma_wait3A_711 : memref<1x1x128xi32, #tpu.memory_space<vmem>> -> memref<128xi32, #tpu.memory_space<vmem>>
      %dma_wait3A_713 = arith.constant 0 : i32
      %dma_wait3A_714 = arith.constant 0 : i32
      %dma_wait3A_715 = tpu.memref_slice %arg3[%dma_wait3A_713, %dma_wait3A_714] : memref<1000000x32xf32, #tpu.memory_space<hbm>> -> memref<1000000x32xf32, #tpu.memory_space<hbm>>
      %dma_wait3A_716 = tpu.memref_slice %arg9[%dma_wait3A_705] : memref<4x!tpu.dma_semaphore, #tpu.memory_space<semaphore_mem>> -> memref<1x!tpu.dma_semaphore, #tpu.memory_space<semaphore_mem>>
      %dma_wait3A_717 = tpu.memref_squeeze %dma_wait3A_716 : memref<1x!tpu.dma_semaphore, #tpu.memory_space<semaphore_mem>> -> memref<!tpu.dma_semaphore, #tpu.memory_space<semaphore_mem>>
      tpu.wait_indirect_dma semaphore(%dma_wait3A_717 : memref<!tpu.dma_semaphore, #tpu.memory_space<semaphore_mem>>) src(%dma_wait3A_715 : memref<1000000x32xf32, #tpu.memory_space<hbm>>) dst(%dma_wait3A_709 : memref<128x32xf32, #tpu.memory_space<vmem>>)
      %gt3A_718 = arith.constant 0 : i32
      %gt3A_719 = arith.cmpi sgt, %scan3A_551, %gt3A_718 : i32
      %convert_element_type3A_720 = arith.extui %gt3A_719 : i1 to i32
      %cond3A_721 = arith.constant 0 : i32
      %cond3A_722 = arith.cmpi ne, %convert_element_type3A_720, %cond3A_721 : i32
      scf.if %cond3A_722 {
        %dma_wait3A_1151 = arith.constant 1 : i32
        %dma_wait3A_1152 = arith.constant 0 : i32
        %dma_wait3A_1153 = arith.constant 0 : i32
        %dma_wait3A_1154 = arith.constant 0 : i32
        %dma_wait3A_1155 = arith.constant 1 : i32
        %dma_wait3A_1156 = arith.constant 0 : i32
        %dma_wait3A_1157 = arith.constant 0 : i32
        %dma_wait3A_1158 = tpu.memref_slice %arg7[%dma_wait3A_1151, %dma_wait3A_1156, %dma_wait3A_1157] : memref<4x32x128xf32, #tpu.memory_space<vmem>> -> memref<1x32x128xf32, #tpu.memory_space<vmem>>
        %dma_wait3A_1159 = tpu.memref_squeeze %dma_wait3A_1158 : memref<1x32x128xf32, #tpu.memory_space<vmem>> -> memref<32x128xf32, #tpu.memory_space<vmem>>
        %dma_wait3A_1160 = arith.constant 0 : i32
        %dma_wait3A_1161 = arith.constant 0 : i32
        %dma_wait3A_1162 = tpu.memref_slice %dma_wait3A_1159[%dma_wait3A_1160, %dma_wait3A_1161] : memref<32x128xf32, #tpu.memory_space<vmem>> -> memref<8x128xf32, #tpu.memory_space<vmem>>
        %dma_wait3A_1163 = arith.constant 0 : i32
        %dma_wait3A_1164 = arith.constant 0 : i32
        %dma_wait3A_1165 = tpu.memref_slice %arg4[%dma_wait3A_1152, %dma_wait3A_1153, %dma_wait3A_1154, %dma_wait3A_1163, %dma_wait3A_1164] : memref<200x4x32x8x128xf32, #tpu.memory_space<hbm>> -> memref<1x1x1x8x128xf32, #tpu.memory_space<hbm>>
        %dma_wait3A_1166 = tpu.memref_squeeze %dma_wait3A_1165 : memref<1x1x1x8x128xf32, #tpu.memory_space<hbm>> -> memref<8x128xf32, #tpu.memory_space<hbm>>
        %dma_wait3A_1167 = tpu.memref_slice %arg10[%dma_wait3A_1155] : memref<4x!tpu.dma_semaphore, #tpu.memory_space<semaphore_mem>> -> memref<1x!tpu.dma_semaphore, #tpu.memory_space<semaphore_mem>>
        %dma_wait3A_1168 = tpu.memref_squeeze %dma_wait3A_1167 : memref<1x!tpu.dma_semaphore, #tpu.memory_space<semaphore_mem>> -> memref<!tpu.dma_semaphore, #tpu.memory_space<semaphore_mem>>
        %dma_wait3A_1169 = arith.constant 0 : i32
        %dma_wait3A_1170 = arith.constant 0 : i32
        %dma_wait3A_1171 = tpu.memref_slice %arg4[%dma_wait3A_1152, %dma_wait3A_1153, %dma_wait3A_1154, %dma_wait3A_1169, %dma_wait3A_1170] : memref<200x4x32x8x128xf32, #tpu.memory_space<hbm>> -> memref<1x1x1x8x128xf32, #tpu.memory_space<hbm>>
        %dma_wait3A_1172 = tpu.memref_squeeze %dma_wait3A_1171 : memref<1x1x1x8x128xf32, #tpu.memory_space<hbm>> -> memref<8x128xf32, #tpu.memory_space<hbm>>
        %dma_wait3A_1173 = arith.constant 0 : i32
        %dma_wait3A_1174 = arith.constant 0 : i32
        %dma_wait3A_1175 = tpu.memref_slice %arg7[%dma_wait3A_1151, %dma_wait3A_1173, %dma_wait3A_1174] : memref<4x32x128xf32, #tpu.memory_space<vmem>> -> memref<1x32x128xf32, #tpu.memory_space<vmem>>
        %dma_wait3A_1176 = tpu.memref_squeeze %dma_wait3A_1175 : memref<1x32x128xf32, #tpu.memory_space<vmem>> -> memref<32x128xf32, #tpu.memory_space<vmem>>
        %dma_wait3A_1177 = arith.constant 0 : i32
        %dma_wait3A_1178 = arith.constant 0 : i32
        %dma_wait3A_1179 = tpu.memref_slice %dma_wait3A_1176[%dma_wait3A_1177, %dma_wait3A_1178] : memref<32x128xf32, #tpu.memory_space<vmem>> -> memref<8x128xf32, #tpu.memory_space<vmem>>
        tpu.wait_dma2 semaphore(%dma_wait3A_1168 : memref<!tpu.dma_semaphore, #tpu.memory_space<semaphore_mem>>) src(%dma_wait3A_1179 : memref<8x128xf32, #tpu.memory_space<vmem>>) dst(%dma_wait3A_1172 : memref<8x128xf32, #tpu.memory_space<hbm>>)
        %dma_wait3A_1180 = arith.constant 1 : i32
        %dma_wait3A_1181 = arith.constant 0 : i32
        %dma_wait3A_1182 = arith.constant 1 : i32
        %dma_wait3A_1183 = arith.constant 0 : i32
        %dma_wait3A_1184 = arith.constant 1 : i32
        %dma_wait3A_1185 = arith.constant 0 : i32
        %dma_wait3A_1186 = arith.constant 0 : i32
        %dma_wait3A_1187 = tpu.memref_slice %arg7[%dma_wait3A_1180, %dma_wait3A_1185, %dma_wait3A_1186] : memref<4x32x128xf32, #tpu.memory_space<vmem>> -> memref<1x32x128xf32, #tpu.memory_space<vmem>>
        %dma_wait3A_1188 = tpu.memref_squeeze %dma_wait3A_1187 : memref<1x32x128xf32, #tpu.memory_space<vmem>> -> memref<32x128xf32, #tpu.memory_space<vmem>>
        %dma_wait3A_1189 = arith.constant 8 : i32
        %dma_wait3A_1190 = arith.constant 0 : i32
        %dma_wait3A_1191 = tpu.memref_slice %dma_wait3A_1188[%dma_wait3A_1189, %dma_wait3A_1190] : memref<32x128xf32, #tpu.memory_space<vmem>> -> memref<8x128xf32, #tpu.memory_space<vmem>>
        %dma_wait3A_1192 = arith.constant 0 : i32
        %dma_wait3A_1193 = arith.constant 0 : i32
        %dma_wait3A_1194 = tpu.memref_slice %arg4[%dma_wait3A_1181, %dma_wait3A_1182, %dma_wait3A_1183, %dma_wait3A_1192, %dma_wait3A_1193] : memref<200x4x32x8x128xf32, #tpu.memory_space<hbm>> -> memref<1x1x1x8x128xf32, #tpu.memory_space<hbm>>
        %dma_wait3A_1195 = tpu.memref_squeeze %dma_wait3A_1194 : memref<1x1x1x8x128xf32, #tpu.memory_space<hbm>> -> memref<8x128xf32, #tpu.memory_space<hbm>>
        %dma_wait3A_1196 = tpu.memref_slice %arg10[%dma_wait3A_1184] : memref<4x!tpu.dma_semaphore, #tpu.memory_space<semaphore_mem>> -> memref<1x!tpu.dma_semaphore, #tpu.memory_space<semaphore_mem>>
        %dma_wait3A_1197 = tpu.memref_squeeze %dma_wait3A_1196 : memref<1x!tpu.dma_semaphore, #tpu.memory_space<semaphore_mem>> -> memref<!tpu.dma_semaphore, #tpu.memory_space<semaphore_mem>>
        %dma_wait3A_1198 = arith.constant 0 : i32
        %dma_wait3A_1199 = arith.constant 0 : i32
        %dma_wait3A_1200 = tpu.memref_slice %arg4[%dma_wait3A_1181, %dma_wait3A_1182, %dma_wait3A_1183, %dma_wait3A_1198, %dma_wait3A_1199] : memref<200x4x32x8x128xf32, #tpu.memory_space<hbm>> -> memref<1x1x1x8x128xf32, #tpu.memory_space<hbm>>
        %dma_wait3A_1201 = tpu.memref_squeeze %dma_wait3A_1200 : memref<1x1x1x8x128xf32, #tpu.memory_space<hbm>> -> memref<8x128xf32, #tpu.memory_space<hbm>>
        %dma_wait3A_1202 = arith.constant 0 : i32
        %dma_wait3A_1203 = arith.constant 0 : i32
        %dma_wait3A_1204 = tpu.memref_slice %arg7[%dma_wait3A_1180, %dma_wait3A_1202, %dma_wait3A_1203] : memref<4x32x128xf32, #tpu.memory_space<vmem>> -> memref<1x32x128xf32, #tpu.memory_space<vmem>>
        %dma_wait3A_1205 = tpu.memref_squeeze %dma_wait3A_1204 : memref<1x32x128xf32, #tpu.memory_space<vmem>> -> memref<32x128xf32, #tpu.memory_space<vmem>>
        %dma_wait3A_1206 = arith.constant 8 : i32
        %dma_wait3A_1207 = arith.constant 0 : i32
        %dma_wait3A_1208 = tpu.memref_slice %dma_wait3A_1205[%dma_wait3A_1206, %dma_wait3A_1207] : memref<32x128xf32, #tpu.memory_space<vmem>> -> memref<8x128xf32, #tpu.memory_space<vmem>>
        tpu.wait_dma2 semaphore(%dma_wait3A_1197 : memref<!tpu.dma_semaphore, #tpu.memory_space<semaphore_mem>>) src(%dma_wait3A_1208 : memref<8x128xf32, #tpu.memory_space<vmem>>) dst(%dma_wait3A_1201 : memref<8x128xf32, #tpu.memory_space<hbm>>)
        %dma_wait3A_1209 = arith.constant 1 : i32
        %dma_wait3A_1210 = arith.constant 0 : i32
        %dma_wait3A_1211 = arith.constant 2 : i32
        %dma_wait3A_1212 = arith.constant 0 : i32
        %dma_wait3A_1213 = arith.constant 1 : i32
        %dma_wait3A_1214 = arith.constant 0 : i32
        %dma_wait3A_1215 = arith.constant 0 : i32
        %dma_wait3A_1216 = tpu.memref_slice %arg7[%dma_wait3A_1209, %dma_wait3A_1214, %dma_wait3A_1215] : memref<4x32x128xf32, #tpu.memory_space<vmem>> -> memref<1x32x128xf32, #tpu.memory_space<vmem>>
        %dma_wait3A_1217 = tpu.memref_squeeze %dma_wait3A_1216 : memref<1x32x128xf32, #tpu.memory_space<vmem>> -> memref<32x128xf32, #tpu.memory_space<vmem>>
        %dma_wait3A_1218 = arith.constant 16 : i32
        %dma_wait3A_1219 = arith.constant 0 : i32
        %dma_wait3A_1220 = tpu.memref_slice %dma_wait3A_1217[%dma_wait3A_1218, %dma_wait3A_1219] : memref<32x128xf32, #tpu.memory_space<vmem>> -> memref<8x128xf32, #tpu.memory_space<vmem>>
        %dma_wait3A_1221 = arith.constant 0 : i32
        %dma_wait3A_1222 = arith.constant 0 : i32
        %dma_wait3A_1223 = tpu.memref_slice %arg4[%dma_wait3A_1210, %dma_wait3A_1211, %dma_wait3A_1212, %dma_wait3A_1221, %dma_wait3A_1222] : memref<200x4x32x8x128xf32, #tpu.memory_space<hbm>> -> memref<1x1x1x8x128xf32, #tpu.memory_space<hbm>>
        %dma_wait3A_1224 = tpu.memref_squeeze %dma_wait3A_1223 : memref<1x1x1x8x128xf32, #tpu.memory_space<hbm>> -> memref<8x128xf32, #tpu.memory_space<hbm>>
        %dma_wait3A_1225 = tpu.memref_slice %arg10[%dma_wait3A_1213] : memref<4x!tpu.dma_semaphore, #tpu.memory_space<semaphore_mem>> -> memref<1x!tpu.dma_semaphore, #tpu.memory_space<semaphore_mem>>
        %dma_wait3A_1226 = tpu.memref_squeeze %dma_wait3A_1225 : memref<1x!tpu.dma_semaphore, #tpu.memory_space<semaphore_mem>> -> memref<!tpu.dma_semaphore, #tpu.memory_space<semaphore_mem>>
        %dma_wait3A_1227 = arith.constant 0 : i32
        %dma_wait3A_1228 = arith.constant 0 : i32
        %dma_wait3A_1229 = tpu.memref_slice %arg4[%dma_wait3A_1210, %dma_wait3A_1211, %dma_wait3A_1212, %dma_wait3A_1227, %dma_wait3A_1228] : memref<200x4x32x8x128xf32, #tpu.memory_space<hbm>> -> memref<1x1x1x8x128xf32, #tpu.memory_space<hbm>>
        %dma_wait3A_1230 = tpu.memref_squeeze %dma_wait3A_1229 : memref<1x1x1x8x128xf32, #tpu.memory_space<hbm>> -> memref<8x128xf32, #tpu.memory_space<hbm>>
        %dma_wait3A_1231 = arith.constant 0 : i32
        %dma_wait3A_1232 = arith.constant 0 : i32
        %dma_wait3A_1233 = tpu.memref_slice %arg7[%dma_wait3A_1209, %dma_wait3A_1231, %dma_wait3A_1232] : memref<4x32x128xf32, #tpu.memory_space<vmem>> -> memref<1x32x128xf32, #tpu.memory_space<vmem>>
        %dma_wait3A_1234 = tpu.memref_squeeze %dma_wait3A_1233 : memref<1x32x128xf32, #tpu.memory_space<vmem>> -> memref<32x128xf32, #tpu.memory_space<vmem>>
        %dma_wait3A_1235 = arith.constant 16 : i32
        %dma_wait3A_1236 = arith.constant 0 : i32
        %dma_wait3A_1237 = tpu.memref_slice %dma_wait3A_1234[%dma_wait3A_1235, %dma_wait3A_1236] : memref<32x128xf32, #tpu.memory_space<vmem>> -> memref<8x128xf32, #tpu.memory_space<vmem>>
        tpu.wait_dma2 semaphore(%dma_wait3A_1226 : memref<!tpu.dma_semaphore, #tpu.memory_space<semaphore_mem>>) src(%dma_wait3A_1237 : memref<8x128xf32, #tpu.memory_space<vmem>>) dst(%dma_wait3A_1230 : memref<8x128xf32, #tpu.memory_space<hbm>>)
        %dma_wait3A_1238 = arith.constant 1 : i32
        %dma_wait3A_1239 = arith.constant 0 : i32
        %dma_wait3A_1240 = arith.constant 3 : i32
        %dma_wait3A_1241 = arith.constant 0 : i32
        %dma_wait3A_1242 = arith.constant 1 : i32
        %dma_wait3A_1243 = arith.constant 0 : i32
        %dma_wait3A_1244 = arith.constant 0 : i32
        %dma_wait3A_1245 = tpu.memref_slice %arg7[%dma_wait3A_1238, %dma_wait3A_1243, %dma_wait3A_1244] : memref<4x32x128xf32, #tpu.memory_space<vmem>> -> memref<1x32x128xf32, #tpu.memory_space<vmem>>
        %dma_wait3A_1246 = tpu.memref_squeeze %dma_wait3A_1245 : memref<1x32x128xf32, #tpu.memory_space<vmem>> -> memref<32x128xf32, #tpu.memory_space<vmem>>
        %dma_wait3A_1247 = arith.constant 24 : i32
        %dma_wait3A_1248 = arith.constant 0 : i32
        %dma_wait3A_1249 = tpu.memref_slice %dma_wait3A_1246[%dma_wait3A_1247, %dma_wait3A_1248] : memref<32x128xf32, #tpu.memory_space<vmem>> -> memref<8x128xf32, #tpu.memory_space<vmem>>
        %dma_wait3A_1250 = arith.constant 0 : i32
        %dma_wait3A_1251 = arith.constant 0 : i32
        %dma_wait3A_1252 = tpu.memref_slice %arg4[%dma_wait3A_1239, %dma_wait3A_1240, %dma_wait3A_1241, %dma_wait3A_1250, %dma_wait3A_1251] : memref<200x4x32x8x128xf32, #tpu.memory_space<hbm>> -> memref<1x1x1x8x128xf32, #tpu.memory_space<hbm>>
        %dma_wait3A_1253 = tpu.memref_squeeze %dma_wait3A_1252 : memref<1x1x1x8x128xf32, #tpu.memory_space<hbm>> -> memref<8x128xf32, #tpu.memory_space<hbm>>
        %dma_wait3A_1254 = tpu.memref_slice %arg10[%dma_wait3A_1242] : memref<4x!tpu.dma_semaphore, #tpu.memory_space<semaphore_mem>> -> memref<1x!tpu.dma_semaphore, #tpu.memory_space<semaphore_mem>>
        %dma_wait3A_1255 = tpu.memref_squeeze %dma_wait3A_1254 : memref<1x!tpu.dma_semaphore, #tpu.memory_space<semaphore_mem>> -> memref<!tpu.dma_semaphore, #tpu.memory_space<semaphore_mem>>
        %dma_wait3A_1256 = arith.constant 0 : i32
        %dma_wait3A_1257 = arith.constant 0 : i32
        %dma_wait3A_1258 = tpu.memref_slice %arg4[%dma_wait3A_1239, %dma_wait3A_1240, %dma_wait3A_1241, %dma_wait3A_1256, %dma_wait3A_1257] : memref<200x4x32x8x128xf32, #tpu.memory_space<hbm>> -> memref<1x1x1x8x128xf32, #tpu.memory_space<hbm>>
        %dma_wait3A_1259 = tpu.memref_squeeze %dma_wait3A_1258 : memref<1x1x1x8x128xf32, #tpu.memory_space<hbm>> -> memref<8x128xf32, #tpu.memory_space<hbm>>
        %dma_wait3A_1260 = arith.constant 0 : i32
        %dma_wait3A_1261 = arith.constant 0 : i32
        %dma_wait3A_1262 = tpu.memref_slice %arg7[%dma_wait3A_1238, %dma_wait3A_1260, %dma_wait3A_1261] : memref<4x32x128xf32, #tpu.memory_space<vmem>> -> memref<1x32x128xf32, #tpu.memory_space<vmem>>
        %dma_wait3A_1263 = tpu.memref_squeeze %dma_wait3A_1262 : memref<1x32x128xf32, #tpu.memory_space<vmem>> -> memref<32x128xf32, #tpu.memory_space<vmem>>
        %dma_wait3A_1264 = arith.constant 24 : i32
        %dma_wait3A_1265 = arith.constant 0 : i32
        %dma_wait3A_1266 = tpu.memref_slice %dma_wait3A_1263[%dma_wait3A_1264, %dma_wait3A_1265] : memref<32x128xf32, #tpu.memory_space<vmem>> -> memref<8x128xf32, #tpu.memory_space<vmem>>
        tpu.wait_dma2 semaphore(%dma_wait3A_1255 : memref<!tpu.dma_semaphore, #tpu.memory_space<semaphore_mem>>) src(%dma_wait3A_1266 : memref<8x128xf32, #tpu.memory_space<vmem>>) dst(%dma_wait3A_1259 : memref<8x128xf32, #tpu.memory_space<hbm>>)
      } else {
      }
      %and3A_723 = arith.constant 31 : i32
      %and3A_724 = vector.broadcast %and3A_723 : i32 to vector<16xi32>
      %and3A_725 = arith.andi %iota3A, %and3A_724 : vector<16xi32>
      %scan3A_726 = arith.constant 1 : i32
      %scan3A_727 = arith.constant 1 : i32
      %scan3A_728 = arith.constant 0 : i32
      %scan3A_729 = arith.constant 32 : i32
      %scan3A_730 = arith.addi %scan3A_728, %scan3A_729 : i32
      %scan3A_731 = arith.constant 1 : i32
      %scan3A_732 = scf.for %scan3A_1151 = %scan3A_728 to %scan3A_730 step %scan3A_731 iter_args(%scan3A_1152 = %and3A_725) -> (vector<16xi32>)  : i32 {
        %add3A_1153 = arith.constant 0 : i32
        %add3A_1154 = vector.broadcast %add3A_1153 : i32 to vector<16xi32>
        %add3A_1155 = arith.addi %iota3A, %add3A_1154 : vector<16xi32>
        %gather3A = arith.constant 0 : i32
        %gather3A_1156 = arith.constant 0 : i32
        %gather3A_1157 = tpu.memref_slice %arg6[%scan3A_726, %gather3A, %gather3A_1156] : memref<4x128x32xf32, #tpu.memory_space<vmem>> -> memref<1x128x32xf32, #tpu.memory_space<vmem>>
        %gather3A_1158 = tpu.memref_squeeze %gather3A_1157 : memref<1x128x32xf32, #tpu.memory_space<vmem>> -> memref<128x32xf32, #tpu.memory_space<vmem>>
        %gather3A_1159 = tpu.vector_load_idx %gather3A_1158[%add3A_1155, %scan3A_1152] : memref<128x32xf32, #tpu.memory_space<vmem>>[vector<16xi32>, vector<16xi32>], vector<16xf32>,
        %add3A_1160 = arith.constant 16 : i32
        %add3A_1161 = vector.broadcast %add3A_1160 : i32 to vector<16xi32>
        %add3A_1162 = arith.addi %iota3A, %add3A_1161 : vector<16xi32>
        %gather3A_1163 = arith.constant 0 : i32
        %gather3A_1164 = arith.constant 0 : i32
        %gather3A_1165 = tpu.memref_slice %arg6[%scan3A_726, %gather3A_1163, %gather3A_1164] : memref<4x128x32xf32, #tpu.memory_space<vmem>> -> memref<1x128x32xf32, #tpu.memory_space<vmem>>
        %gather3A_1166 = tpu.memref_squeeze %gather3A_1165 : memref<1x128x32xf32, #tpu.memory_space<vmem>> -> memref<128x32xf32, #tpu.memory_space<vmem>>
        %gather3A_1167 = tpu.vector_load_idx %gather3A_1166[%add3A_1162, %scan3A_1152] : memref<128x32xf32, #tpu.memory_space<vmem>>[vector<16xi32>, vector<16xi32>], vector<16xf32>,
        %add3A_1168 = arith.constant 32 : i32
        %add3A_1169 = vector.broadcast %add3A_1168 : i32 to vector<16xi32>
        %add3A_1170 = arith.addi %iota3A, %add3A_1169 : vector<16xi32>
        %gather3A_1171 = arith.constant 0 : i32
        %gather3A_1172 = arith.constant 0 : i32
        %gather3A_1173 = tpu.memref_slice %arg6[%scan3A_726, %gather3A_1171, %gather3A_1172] : memref<4x128x32xf32, #tpu.memory_space<vmem>> -> memref<1x128x32xf32, #tpu.memory_space<vmem>>
        %gather3A_1174 = tpu.memref_squeeze %gather3A_1173 : memref<1x128x32xf32, #tpu.memory_space<vmem>> -> memref<128x32xf32, #tpu.memory_space<vmem>>
        %gather3A_1175 = tpu.vector_load_idx %gather3A_1174[%add3A_1170, %scan3A_1152] : memref<128x32xf32, #tpu.memory_space<vmem>>[vector<16xi32>, vector<16xi32>], vector<16xf32>,
        %add3A_1176 = arith.constant 48 : i32
        %add3A_1177 = vector.broadcast %add3A_1176 : i32 to vector<16xi32>
        %add3A_1178 = arith.addi %iota3A, %add3A_1177 : vector<16xi32>
        %gather3A_1179 = arith.constant 0 : i32
        %gather3A_1180 = arith.constant 0 : i32
        %gather3A_1181 = tpu.memref_slice %arg6[%scan3A_726, %gather3A_1179, %gather3A_1180] : memref<4x128x32xf32, #tpu.memory_space<vmem>> -> memref<1x128x32xf32, #tpu.memory_space<vmem>>
        %gather3A_1182 = tpu.memref_squeeze %gather3A_1181 : memref<1x128x32xf32, #tpu.memory_space<vmem>> -> memref<128x32xf32, #tpu.memory_space<vmem>>
        %gather3A_1183 = tpu.vector_load_idx %gather3A_1182[%add3A_1178, %scan3A_1152] : memref<128x32xf32, #tpu.memory_space<vmem>>[vector<16xi32>, vector<16xi32>], vector<16xf32>,
        %add3A_1184 = arith.constant 64 : i32
        %add3A_1185 = vector.broadcast %add3A_1184 : i32 to vector<16xi32>
        %add3A_1186 = arith.addi %iota3A, %add3A_1185 : vector<16xi32>
        %gather3A_1187 = arith.constant 0 : i32
        %gather3A_1188 = arith.constant 0 : i32
        %gather3A_1189 = tpu.memref_slice %arg6[%scan3A_726, %gather3A_1187, %gather3A_1188] : memref<4x128x32xf32, #tpu.memory_space<vmem>> -> memref<1x128x32xf32, #tpu.memory_space<vmem>>
        %gather3A_1190 = tpu.memref_squeeze %gather3A_1189 : memref<1x128x32xf32, #tpu.memory_space<vmem>> -> memref<128x32xf32, #tpu.memory_space<vmem>>
        %gather3A_1191 = tpu.vector_load_idx %gather3A_1190[%add3A_1186, %scan3A_1152] : memref<128x32xf32, #tpu.memory_space<vmem>>[vector<16xi32>, vector<16xi32>], vector<16xf32>,
        %add3A_1192 = arith.constant 80 : i32
        %add3A_1193 = vector.broadcast %add3A_1192 : i32 to vector<16xi32>
        %add3A_1194 = arith.addi %iota3A, %add3A_1193 : vector<16xi32>
        %gather3A_1195 = arith.constant 0 : i32
        %gather3A_1196 = arith.constant 0 : i32
        %gather3A_1197 = tpu.memref_slice %arg6[%scan3A_726, %gather3A_1195, %gather3A_1196] : memref<4x128x32xf32, #tpu.memory_space<vmem>> -> memref<1x128x32xf32, #tpu.memory_space<vmem>>
        %gather3A_1198 = tpu.memref_squeeze %gather3A_1197 : memref<1x128x32xf32, #tpu.memory_space<vmem>> -> memref<128x32xf32, #tpu.memory_space<vmem>>
        %gather3A_1199 = tpu.vector_load_idx %gather3A_1198[%add3A_1194, %scan3A_1152] : memref<128x32xf32, #tpu.memory_space<vmem>>[vector<16xi32>, vector<16xi32>], vector<16xf32>,
        %add3A_1200 = arith.constant 96 : i32
        %add3A_1201 = vector.broadcast %add3A_1200 : i32 to vector<16xi32>
        %add3A_1202 = arith.addi %iota3A, %add3A_1201 : vector<16xi32>
        %gather3A_1203 = arith.constant 0 : i32
        %gather3A_1204 = arith.constant 0 : i32
        %gather3A_1205 = tpu.memref_slice %arg6[%scan3A_726, %gather3A_1203, %gather3A_1204] : memref<4x128x32xf32, #tpu.memory_space<vmem>> -> memref<1x128x32xf32, #tpu.memory_space<vmem>>
        %gather3A_1206 = tpu.memref_squeeze %gather3A_1205 : memref<1x128x32xf32, #tpu.memory_space<vmem>> -> memref<128x32xf32, #tpu.memory_space<vmem>>
        %gather3A_1207 = tpu.vector_load_idx %gather3A_1206[%add3A_1202, %scan3A_1152] : memref<128x32xf32, #tpu.memory_space<vmem>>[vector<16xi32>, vector<16xi32>], vector<16xf32>,
        %add3A_1208 = arith.constant 112 : i32
        %add3A_1209 = vector.broadcast %add3A_1208 : i32 to vector<16xi32>
        %add3A_1210 = arith.addi %iota3A, %add3A_1209 : vector<16xi32>
        %gather3A_1211 = arith.constant 0 : i32
        %gather3A_1212 = arith.constant 0 : i32
        %gather3A_1213 = tpu.memref_slice %arg6[%scan3A_726, %gather3A_1211, %gather3A_1212] : memref<4x128x32xf32, #tpu.memory_space<vmem>> -> memref<1x128x32xf32, #tpu.memory_space<vmem>>
        %gather3A_1214 = tpu.memref_squeeze %gather3A_1213 : memref<1x128x32xf32, #tpu.memory_space<vmem>> -> memref<128x32xf32, #tpu.memory_space<vmem>>
        %gather3A_1215 = tpu.vector_load_idx %gather3A_1214[%add3A_1210, %scan3A_1152] : memref<128x32xf32, #tpu.memory_space<vmem>>[vector<16xi32>, vector<16xi32>], vector<16xf32>,
        %scatter3A = arith.constant 0 : i32
        %scatter3A_1216 = arith.constant 0 : i32
        %scatter3A_1217 = tpu.memref_slice %arg7[%scan3A_727, %scatter3A, %scatter3A_1216] : memref<4x32x128xf32, #tpu.memory_space<vmem>> -> memref<1x32x128xf32, #tpu.memory_space<vmem>>
        %scatter3A_1218 = tpu.memref_squeeze %scatter3A_1217 : memref<1x32x128xf32, #tpu.memory_space<vmem>> -> memref<32x128xf32, #tpu.memory_space<vmem>>
        tpu.vector_store_idx %scatter3A_1218[%scan3A_1152, %add3A_1155], %gather3A_1159 : memref<32x128xf32, #tpu.memory_space<vmem>>[vector<16xi32>, vector<16xi32>], vector<16xf32>,
        %scatter3A_1219 = arith.constant 0 : i32
        %scatter3A_1220 = arith.constant 0 : i32
        %scatter3A_1221 = tpu.memref_slice %arg7[%scan3A_727, %scatter3A_1219, %scatter3A_1220] : memref<4x32x128xf32, #tpu.memory_space<vmem>> -> memref<1x32x128xf32, #tpu.memory_space<vmem>>
        %scatter3A_1222 = tpu.memref_squeeze %scatter3A_1221 : memref<1x32x128xf32, #tpu.memory_space<vmem>> -> memref<32x128xf32, #tpu.memory_space<vmem>>
        tpu.vector_store_idx %scatter3A_1222[%scan3A_1152, %add3A_1162], %gather3A_1167 : memref<32x128xf32, #tpu.memory_space<vmem>>[vector<16xi32>, vector<16xi32>], vector<16xf32>,
        %scatter3A_1223 = arith.constant 0 : i32
        %scatter3A_1224 = arith.constant 0 : i32
        %scatter3A_1225 = tpu.memref_slice %arg7[%scan3A_727, %scatter3A_1223, %scatter3A_1224] : memref<4x32x128xf32, #tpu.memory_space<vmem>> -> memref<1x32x128xf32, #tpu.memory_space<vmem>>
        %scatter3A_1226 = tpu.memref_squeeze %scatter3A_1225 : memref<1x32x128xf32, #tpu.memory_space<vmem>> -> memref<32x128xf32, #tpu.memory_space<vmem>>
        tpu.vector_store_idx %scatter3A_1226[%scan3A_1152, %add3A_1170], %gather3A_1175 : memref<32x128xf32, #tpu.memory_space<vmem>>[vector<16xi32>, vector<16xi32>], vector<16xf32>,
        %scatter3A_1227 = arith.constant 0 : i32
        %scatter3A_1228 = arith.constant 0 : i32
        %scatter3A_1229 = tpu.memref_slice %arg7[%scan3A_727, %scatter3A_1227, %scatter3A_1228] : memref<4x32x128xf32, #tpu.memory_space<vmem>> -> memref<1x32x128xf32, #tpu.memory_space<vmem>>
        %scatter3A_1230 = tpu.memref_squeeze %scatter3A_1229 : memref<1x32x128xf32, #tpu.memory_space<vmem>> -> memref<32x128xf32, #tpu.memory_space<vmem>>
        tpu.vector_store_idx %scatter3A_1230[%scan3A_1152, %add3A_1178], %gather3A_1183 : memref<32x128xf32, #tpu.memory_space<vmem>>[vector<16xi32>, vector<16xi32>], vector<16xf32>,
        %scatter3A_1231 = arith.constant 0 : i32
        %scatter3A_1232 = arith.constant 0 : i32
        %scatter3A_1233 = tpu.memref_slice %arg7[%scan3A_727, %scatter3A_1231, %scatter3A_1232] : memref<4x32x128xf32, #tpu.memory_space<vmem>> -> memref<1x32x128xf32, #tpu.memory_space<vmem>>
        %scatter3A_1234 = tpu.memref_squeeze %scatter3A_1233 : memref<1x32x128xf32, #tpu.memory_space<vmem>> -> memref<32x128xf32, #tpu.memory_space<vmem>>
        tpu.vector_store_idx %scatter3A_1234[%scan3A_1152, %add3A_1186], %gather3A_1191 : memref<32x128xf32, #tpu.memory_space<vmem>>[vector<16xi32>, vector<16xi32>], vector<16xf32>,
        %scatter3A_1235 = arith.constant 0 : i32
        %scatter3A_1236 = arith.constant 0 : i32
        %scatter3A_1237 = tpu.memref_slice %arg7[%scan3A_727, %scatter3A_1235, %scatter3A_1236] : memref<4x32x128xf32, #tpu.memory_space<vmem>> -> memref<1x32x128xf32, #tpu.memory_space<vmem>>
        %scatter3A_1238 = tpu.memref_squeeze %scatter3A_1237 : memref<1x32x128xf32, #tpu.memory_space<vmem>> -> memref<32x128xf32, #tpu.memory_space<vmem>>
        tpu.vector_store_idx %scatter3A_1238[%scan3A_1152, %add3A_1194], %gather3A_1199 : memref<32x128xf32, #tpu.memory_space<vmem>>[vector<16xi32>, vector<16xi32>], vector<16xf32>,
        %scatter3A_1239 = arith.constant 0 : i32
        %scatter3A_1240 = arith.constant 0 : i32
        %scatter3A_1241 = tpu.memref_slice %arg7[%scan3A_727, %scatter3A_1239, %scatter3A_1240] : memref<4x32x128xf32, #tpu.memory_space<vmem>> -> memref<1x32x128xf32, #tpu.memory_space<vmem>>
        %scatter3A_1242 = tpu.memref_squeeze %scatter3A_1241 : memref<1x32x128xf32, #tpu.memory_space<vmem>> -> memref<32x128xf32, #tpu.memory_space<vmem>>
        tpu.vector_store_idx %scatter3A_1242[%scan3A_1152, %add3A_1202], %gather3A_1207 : memref<32x128xf32, #tpu.memory_space<vmem>>[vector<16xi32>, vector<16xi32>], vector<16xf32>,
        %scatter3A_1243 = arith.constant 0 : i32
        %scatter3A_1244 = arith.constant 0 : i32
        %scatter3A_1245 = tpu.memref_slice %arg7[%scan3A_727, %scatter3A_1243, %scatter3A_1244] : memref<4x32x128xf32, #tpu.memory_space<vmem>> -> memref<1x32x128xf32, #tpu.memory_space<vmem>>
        %scatter3A_1246 = tpu.memref_squeeze %scatter3A_1245 : memref<1x32x128xf32, #tpu.memory_space<vmem>> -> memref<32x128xf32, #tpu.memory_space<vmem>>
        tpu.vector_store_idx %scatter3A_1246[%scan3A_1152, %add3A_1210], %gather3A_1215 : memref<32x128xf32, #tpu.memory_space<vmem>>[vector<16xi32>, vector<16xi32>], vector<16xf32>,
        %add3A_1247 = arith.constant 1 : i32
        %add3A_1248 = vector.broadcast %add3A_1247 : i32 to vector<16xi32>
        %add3A_1249 = arith.addi %scan3A_1152, %add3A_1248 : vector<16xi32>
        %and3A_1250 = arith.constant 31 : i32
        %and3A_1251 = vector.broadcast %and3A_1250 : i32 to vector<16xi32>
        %and3A_1252 = arith.andi %add3A_1249, %and3A_1251 : vector<16xi32>
        scf.yield %and3A_1252 : vector<16xi32>
      }
      %scan3A_733 = arith.constant 32 : i32
      %dma_start3A_734 = arith.constant 1 : i32
      %dma_start3A_735 = arith.constant 0 : i32
      %dma_start3A_736 = arith.constant 1 : i32
      %dma_start3A_737 = arith.constant 0 : i32
      %dma_start3A_738 = arith.constant 0 : i32
      %dma_start3A_739 = tpu.memref_slice %arg7[%dma_start3A_734, %dma_start3A_737, %dma_start3A_738] : memref<4x32x128xf32, #tpu.memory_space<vmem>> -> memref<1x32x128xf32, #tpu.memory_space<vmem>>
      %dma_start3A_740 = tpu.memref_squeeze %dma_start3A_739 : memref<1x32x128xf32, #tpu.memory_space<vmem>> -> memref<32x128xf32, #tpu.memory_space<vmem>>
      %dma_start3A_741 = arith.constant 0 : i32
      %dma_start3A_742 = arith.constant 0 : i32
      %dma_start3A_743 = tpu.memref_slice %dma_start3A_740[%dma_start3A_741, %dma_start3A_742] : memref<32x128xf32, #tpu.memory_space<vmem>> -> memref<8x128xf32, #tpu.memory_space<vmem>>
      %dma_start3A_744 = arith.constant 0 : i32
      %dma_start3A_745 = arith.constant 0 : i32
      %dma_start3A_746 = tpu.memref_slice %arg4[%add3A_701, %dma_start3A_735, %add3A, %dma_start3A_744, %dma_start3A_745] : memref<200x4x32x8x128xf32, #tpu.memory_space<hbm>> -> memref<1x1x1x8x128xf32, #tpu.memory_space<hbm>>
      %dma_start3A_747 = tpu.memref_squeeze %dma_start3A_746 : memref<1x1x1x8x128xf32, #tpu.memory_space<hbm>> -> memref<8x128xf32, #tpu.memory_space<hbm>>
      %dma_start3A_748 = tpu.memref_slice %arg10[%dma_start3A_736] : memref<4x!tpu.dma_semaphore, #tpu.memory_space<semaphore_mem>> -> memref<1x!tpu.dma_semaphore, #tpu.memory_space<semaphore_mem>>
      %dma_start3A_749 = tpu.memref_squeeze %dma_start3A_748 : memref<1x!tpu.dma_semaphore, #tpu.memory_space<semaphore_mem>> -> memref<!tpu.dma_semaphore, #tpu.memory_space<semaphore_mem>>
      %dma_start3A_750 = arith.constant 0 : i32
      %dma_start3A_751 = arith.constant 0 : i32
      %dma_start3A_752 = tpu.memref_slice %arg4[%add3A_701, %dma_start3A_735, %add3A, %dma_start3A_750, %dma_start3A_751] : memref<200x4x32x8x128xf32, #tpu.memory_space<hbm>> -> memref<1x1x1x8x128xf32, #tpu.memory_space<hbm>>
      %dma_start3A_753 = tpu.memref_squeeze %dma_start3A_752 : memref<1x1x1x8x128xf32, #tpu.memory_space<hbm>> -> memref<8x128xf32, #tpu.memory_space<hbm>>
      %dma_start3A_754 = arith.constant 0 : i32
      %dma_start3A_755 = arith.constant 0 : i32
      %dma_start3A_756 = tpu.memref_slice %arg7[%dma_start3A_734, %dma_start3A_754, %dma_start3A_755] : memref<4x32x128xf32, #tpu.memory_space<vmem>> -> memref<1x32x128xf32, #tpu.memory_space<vmem>>
      %dma_start3A_757 = tpu.memref_squeeze %dma_start3A_756 : memref<1x32x128xf32, #tpu.memory_space<vmem>> -> memref<32x128xf32, #tpu.memory_space<vmem>>
      %dma_start3A_758 = arith.constant 0 : i32
      %dma_start3A_759 = arith.constant 0 : i32
      %dma_start3A_760 = tpu.memref_slice %dma_start3A_757[%dma_start3A_758, %dma_start3A_759] : memref<32x128xf32, #tpu.memory_space<vmem>> -> memref<8x128xf32, #tpu.memory_space<vmem>>
      tpu.enqueue_dma source(%dma_start3A_760 : memref<8x128xf32, #tpu.memory_space<vmem>>) target(%dma_start3A_753 : memref<8x128xf32, #tpu.memory_space<hbm>>) target_semaphore(%dma_start3A_749 : memref<!tpu.dma_semaphore, #tpu.memory_space<semaphore_mem>>)
      %dma_start3A_761 = arith.constant 1 : i32
      %dma_start3A_762 = arith.constant 1 : i32
      %dma_start3A_763 = arith.constant 1 : i32
      %dma_start3A_764 = arith.constant 0 : i32
      %dma_start3A_765 = arith.constant 0 : i32
      %dma_start3A_766 = tpu.memref_slice %arg7[%dma_start3A_761, %dma_start3A_764, %dma_start3A_765] : memref<4x32x128xf32, #tpu.memory_space<vmem>> -> memref<1x32x128xf32, #tpu.memory_space<vmem>>
      %dma_start3A_767 = tpu.memref_squeeze %dma_start3A_766 : memref<1x32x128xf32, #tpu.memory_space<vmem>> -> memref<32x128xf32, #tpu.memory_space<vmem>>
      %dma_start3A_768 = arith.constant 8 : i32
      %dma_start3A_769 = arith.constant 0 : i32
      %dma_start3A_770 = tpu.memref_slice %dma_start3A_767[%dma_start3A_768, %dma_start3A_769] : memref<32x128xf32, #tpu.memory_space<vmem>> -> memref<8x128xf32, #tpu.memory_space<vmem>>
      %dma_start3A_771 = arith.constant 0 : i32
      %dma_start3A_772 = arith.constant 0 : i32
      %dma_start3A_773 = tpu.memref_slice %arg4[%add3A_701, %dma_start3A_762, %add3A, %dma_start3A_771, %dma_start3A_772] : memref<200x4x32x8x128xf32, #tpu.memory_space<hbm>> -> memref<1x1x1x8x128xf32, #tpu.memory_space<hbm>>
      %dma_start3A_774 = tpu.memref_squeeze %dma_start3A_773 : memref<1x1x1x8x128xf32, #tpu.memory_space<hbm>> -> memref<8x128xf32, #tpu.memory_space<hbm>>
      %dma_start3A_775 = tpu.memref_slice %arg10[%dma_start3A_763] : memref<4x!tpu.dma_semaphore, #tpu.memory_space<semaphore_mem>> -> memref<1x!tpu.dma_semaphore, #tpu.memory_space<semaphore_mem>>
      %dma_start3A_776 = tpu.memref_squeeze %dma_start3A_775 : memref<1x!tpu.dma_semaphore, #tpu.memory_space<semaphore_mem>> -> memref<!tpu.dma_semaphore, #tpu.memory_space<semaphore_mem>>
      %dma_start3A_777 = arith.constant 0 : i32
      %dma_start3A_778 = arith.constant 0 : i32
      %dma_start3A_779 = tpu.memref_slice %arg4[%add3A_701, %dma_start3A_762, %add3A, %dma_start3A_777, %dma_start3A_778] : memref<200x4x32x8x128xf32, #tpu.memory_space<hbm>> -> memref<1x1x1x8x128xf32, #tpu.memory_space<hbm>>
      %dma_start3A_780 = tpu.memref_squeeze %dma_start3A_779 : memref<1x1x1x8x128xf32, #tpu.memory_space<hbm>> -> memref<8x128xf32, #tpu.memory_space<hbm>>
      %dma_start3A_781 = arith.constant 0 : i32
      %dma_start3A_782 = arith.constant 0 : i32
      %dma_start3A_783 = tpu.memref_slice %arg7[%dma_start3A_761, %dma_start3A_781, %dma_start3A_782] : memref<4x32x128xf32, #tpu.memory_space<vmem>> -> memref<1x32x128xf32, #tpu.memory_space<vmem>>
      %dma_start3A_784 = tpu.memref_squeeze %dma_start3A_783 : memref<1x32x128xf32, #tpu.memory_space<vmem>> -> memref<32x128xf32, #tpu.memory_space<vmem>>
      %dma_start3A_785 = arith.constant 8 : i32
      %dma_start3A_786 = arith.constant 0 : i32
      %dma_start3A_787 = tpu.memref_slice %dma_start3A_784[%dma_start3A_785, %dma_start3A_786] : memref<32x128xf32, #tpu.memory_space<vmem>> -> memref<8x128xf32, #tpu.memory_space<vmem>>
      tpu.enqueue_dma source(%dma_start3A_787 : memref<8x128xf32, #tpu.memory_space<vmem>>) target(%dma_start3A_780 : memref<8x128xf32, #tpu.memory_space<hbm>>) target_semaphore(%dma_start3A_776 : memref<!tpu.dma_semaphore, #tpu.memory_space<semaphore_mem>>)
      %dma_start3A_788 = arith.constant 1 : i32
      %dma_start3A_789 = arith.constant 2 : i32
      %dma_start3A_790 = arith.constant 1 : i32
      %dma_start3A_791 = arith.constant 0 : i32
      %dma_start3A_792 = arith.constant 0 : i32
      %dma_start3A_793 = tpu.memref_slice %arg7[%dma_start3A_788, %dma_start3A_791, %dma_start3A_792] : memref<4x32x128xf32, #tpu.memory_space<vmem>> -> memref<1x32x128xf32, #tpu.memory_space<vmem>>
      %dma_start3A_794 = tpu.memref_squeeze %dma_start3A_793 : memref<1x32x128xf32, #tpu.memory_space<vmem>> -> memref<32x128xf32, #tpu.memory_space<vmem>>
      %dma_start3A_795 = arith.constant 16 : i32
      %dma_start3A_796 = arith.constant 0 : i32
      %dma_start3A_797 = tpu.memref_slice %dma_start3A_794[%dma_start3A_795, %dma_start3A_796] : memref<32x128xf32, #tpu.memory_space<vmem>> -> memref<8x128xf32, #tpu.memory_space<vmem>>
      %dma_start3A_798 = arith.constant 0 : i32
      %dma_start3A_799 = arith.constant 0 : i32
      %dma_start3A_800 = tpu.memref_slice %arg4[%add3A_701, %dma_start3A_789, %add3A, %dma_start3A_798, %dma_start3A_799] : memref<200x4x32x8x128xf32, #tpu.memory_space<hbm>> -> memref<1x1x1x8x128xf32, #tpu.memory_space<hbm>>
      %dma_start3A_801 = tpu.memref_squeeze %dma_start3A_800 : memref<1x1x1x8x128xf32, #tpu.memory_space<hbm>> -> memref<8x128xf32, #tpu.memory_space<hbm>>
      %dma_start3A_802 = tpu.memref_slice %arg10[%dma_start3A_790] : memref<4x!tpu.dma_semaphore, #tpu.memory_space<semaphore_mem>> -> memref<1x!tpu.dma_semaphore, #tpu.memory_space<semaphore_mem>>
      %dma_start3A_803 = tpu.memref_squeeze %dma_start3A_802 : memref<1x!tpu.dma_semaphore, #tpu.memory_space<semaphore_mem>> -> memref<!tpu.dma_semaphore, #tpu.memory_space<semaphore_mem>>
      %dma_start3A_804 = arith.constant 0 : i32
      %dma_start3A_805 = arith.constant 0 : i32
      %dma_start3A_806 = tpu.memref_slice %arg4[%add3A_701, %dma_start3A_789, %add3A, %dma_start3A_804, %dma_start3A_805] : memref<200x4x32x8x128xf32, #tpu.memory_space<hbm>> -> memref<1x1x1x8x128xf32, #tpu.memory_space<hbm>>
      %dma_start3A_807 = tpu.memref_squeeze %dma_start3A_806 : memref<1x1x1x8x128xf32, #tpu.memory_space<hbm>> -> memref<8x128xf32, #tpu.memory_space<hbm>>
      %dma_start3A_808 = arith.constant 0 : i32
      %dma_start3A_809 = arith.constant 0 : i32
      %dma_start3A_810 = tpu.memref_slice %arg7[%dma_start3A_788, %dma_start3A_808, %dma_start3A_809] : memref<4x32x128xf32, #tpu.memory_space<vmem>> -> memref<1x32x128xf32, #tpu.memory_space<vmem>>
      %dma_start3A_811 = tpu.memref_squeeze %dma_start3A_810 : memref<1x32x128xf32, #tpu.memory_space<vmem>> -> memref<32x128xf32, #tpu.memory_space<vmem>>
      %dma_start3A_812 = arith.constant 16 : i32
      %dma_start3A_813 = arith.constant 0 : i32
      %dma_start3A_814 = tpu.memref_slice %dma_start3A_811[%dma_start3A_812, %dma_start3A_813] : memref<32x128xf32, #tpu.memory_space<vmem>> -> memref<8x128xf32, #tpu.memory_space<vmem>>
      tpu.enqueue_dma source(%dma_start3A_814 : memref<8x128xf32, #tpu.memory_space<vmem>>) target(%dma_start3A_807 : memref<8x128xf32, #tpu.memory_space<hbm>>) target_semaphore(%dma_start3A_803 : memref<!tpu.dma_semaphore, #tpu.memory_space<semaphore_mem>>)
      %dma_start3A_815 = arith.constant 1 : i32
      %dma_start3A_816 = arith.constant 3 : i32
      %dma_start3A_817 = arith.constant 1 : i32
      %dma_start3A_818 = arith.constant 0 : i32
      %dma_start3A_819 = arith.constant 0 : i32
      %dma_start3A_820 = tpu.memref_slice %arg7[%dma_start3A_815, %dma_start3A_818, %dma_start3A_819] : memref<4x32x128xf32, #tpu.memory_space<vmem>> -> memref<1x32x128xf32, #tpu.memory_space<vmem>>
      %dma_start3A_821 = tpu.memref_squeeze %dma_start3A_820 : memref<1x32x128xf32, #tpu.memory_space<vmem>> -> memref<32x128xf32, #tpu.memory_space<vmem>>
      %dma_start3A_822 = arith.constant 24 : i32
      %dma_start3A_823 = arith.constant 0 : i32
      %dma_start3A_824 = tpu.memref_slice %dma_start3A_821[%dma_start3A_822, %dma_start3A_823] : memref<32x128xf32, #tpu.memory_space<vmem>> -> memref<8x128xf32, #tpu.memory_space<vmem>>
      %dma_start3A_825 = arith.constant 0 : i32
      %dma_start3A_826 = arith.constant 0 : i32
      %dma_start3A_827 = tpu.memref_slice %arg4[%add3A_701, %dma_start3A_816, %add3A, %dma_start3A_825, %dma_start3A_826] : memref<200x4x32x8x128xf32, #tpu.memory_space<hbm>> -> memref<1x1x1x8x128xf32, #tpu.memory_space<hbm>>
      %dma_start3A_828 = tpu.memref_squeeze %dma_start3A_827 : memref<1x1x1x8x128xf32, #tpu.memory_space<hbm>> -> memref<8x128xf32, #tpu.memory_space<hbm>>
      %dma_start3A_829 = tpu.memref_slice %arg10[%dma_start3A_817] : memref<4x!tpu.dma_semaphore, #tpu.memory_space<semaphore_mem>> -> memref<1x!tpu.dma_semaphore, #tpu.memory_space<semaphore_mem>>
      %dma_start3A_830 = tpu.memref_squeeze %dma_start3A_829 : memref<1x!tpu.dma_semaphore, #tpu.memory_space<semaphore_mem>> -> memref<!tpu.dma_semaphore, #tpu.memory_space<semaphore_mem>>
      %dma_start3A_831 = arith.constant 0 : i32
      %dma_start3A_832 = arith.constant 0 : i32
      %dma_start3A_833 = tpu.memref_slice %arg4[%add3A_701, %dma_start3A_816, %add3A, %dma_start3A_831, %dma_start3A_832] : memref<200x4x32x8x128xf32, #tpu.memory_space<hbm>> -> memref<1x1x1x8x128xf32, #tpu.memory_space<hbm>>
      %dma_start3A_834 = tpu.memref_squeeze %dma_start3A_833 : memref<1x1x1x8x128xf32, #tpu.memory_space<hbm>> -> memref<8x128xf32, #tpu.memory_space<hbm>>
      %dma_start3A_835 = arith.constant 0 : i32
      %dma_start3A_836 = arith.constant 0 : i32
      %dma_start3A_837 = tpu.memref_slice %arg7[%dma_start3A_815, %dma_start3A_835, %dma_start3A_836] : memref<4x32x128xf32, #tpu.memory_space<vmem>> -> memref<1x32x128xf32, #tpu.memory_space<vmem>>
      %dma_start3A_838 = tpu.memref_squeeze %dma_start3A_837 : memref<1x32x128xf32, #tpu.memory_space<vmem>> -> memref<32x128xf32, #tpu.memory_space<vmem>>
      %dma_start3A_839 = arith.constant 24 : i32
      %dma_start3A_840 = arith.constant 0 : i32
      %dma_start3A_841 = tpu.memref_slice %dma_start3A_838[%dma_start3A_839, %dma_start3A_840] : memref<32x128xf32, #tpu.memory_space<vmem>> -> memref<8x128xf32, #tpu.memory_space<vmem>>
      tpu.enqueue_dma source(%dma_start3A_841 : memref<8x128xf32, #tpu.memory_space<vmem>>) target(%dma_start3A_834 : memref<8x128xf32, #tpu.memory_space<hbm>>) target_semaphore(%dma_start3A_830 : memref<!tpu.dma_semaphore, #tpu.memory_space<semaphore_mem>>)
      %add3A_842 = arith.constant 4 : i32
      %add3A_843 = arith.addi %add3A_701, %add3A_842 : i32
      %lt3A_844 = arith.constant 200 : i32
      %lt3A_845 = arith.cmpi slt, %add3A_843, %lt3A_844 : i32
      %convert_element_type3A_846 = arith.extui %lt3A_845 : i1 to i32
      %cond3A_847 = arith.constant 0 : i32
      %cond3A_848 = arith.cmpi ne, %convert_element_type3A_846, %cond3A_847 : i32
      scf.if %cond3A_848 {
        %add3A_1151 = arith.constant 4 : i32
        %add3A_1152 = arith.addi %add3A_701, %add3A_1151 : i32
        %jit3A = arith.constant 8 : i32
        %div3A = arith.divsi %add3A_1152, %jit3A : i32
        %sign3A = arith.constant 0 : i32
        %sign3A_1153 = arith.cmpi sgt, %add3A_1152, %sign3A : i32
        %sign3A_1154 = arith.extui %sign3A_1153 : i1 to i32
        %sign3A_1155 = arith.constant 0 : i32
        %sign3A_1156 = arith.cmpi slt, %add3A_1152, %sign3A_1155 : i32
        %sign3A_1157 = arith.extui %sign3A_1156 : i1 to i32
        %sign3A_1158 = arith.subi %sign3A_1154, %sign3A_1157 : i32
        %sign3A_1159 = arith.constant 0 : i32
        %sign3A_1160 = arith.cmpi sgt, %jit3A, %sign3A_1159 : i32
        %sign3A_1161 = arith.extui %sign3A_1160 : i1 to i32
        %sign3A_1162 = arith.constant 0 : i32
        %sign3A_1163 = arith.cmpi slt, %jit3A, %sign3A_1162 : i32
        %sign3A_1164 = arith.extui %sign3A_1163 : i1 to i32
        %sign3A_1165 = arith.subi %sign3A_1161, %sign3A_1164 : i32
        %ne3A = arith.cmpi ne, %sign3A_1158, %sign3A_1165 : i32
        %rem3A = arith.remsi %add3A_1152, %jit3A : i32
        %ne3A_1166 = arith.constant 0 : i32
        %ne3A_1167 = arith.cmpi ne, %rem3A, %ne3A_1166 : i32
        %and3A_1168 = arith.andi %ne3A, %ne3A_1167 : i1
        %sub3A = arith.constant 1 : i32
        %sub3A_1169 = arith.subi %div3A, %sub3A : i32
        %select_n3A = arith.select %and3A_1168, %sub3A_1169, %div3A : i32
        %jit3A_1170 = arith.constant 8 : i32
        %eq3A = arith.constant 0 : i32
        %eq3A_1171 = arith.cmpi eq, %jit3A_1170, %eq3A : i32
        %jit3A_1172 = arith.constant 1 : i32
        %select_n3A_1173 = arith.select %eq3A_1171, %jit3A_1172, %jit3A_1170 : i32
        %rem3A_1174 = arith.remsi %add3A_1152, %select_n3A_1173 : i32
        %ne3A_1175 = arith.constant 0 : i32
        %ne3A_1176 = arith.cmpi ne, %rem3A_1174, %ne3A_1175 : i32
        %lt3A_1177 = arith.constant 0 : i32
        %lt3A_1178 = arith.cmpi slt, %rem3A_1174, %lt3A_1177 : i32
        %lt3A_1179 = arith.constant 0 : i32
        %lt3A_1180 = arith.cmpi slt, %select_n3A_1173, %lt3A_1179 : i32
        %ne3A_1181 = arith.xori %lt3A_1178, %lt3A_1180 : i1
        %and3A_1182 = arith.andi %ne3A_1181, %ne3A_1176 : i1
        %add3A_1183 = arith.addi %rem3A_1174, %select_n3A_1173 : i32
        %select_n3A_1184 = arith.select %and3A_1182, %add3A_1183, %rem3A_1174 : i32
        %dma_start3A_1185 = arith.constant 1 : i32
        %dma_start3A_1186 = arith.constant 1 : i32
        %dma_start3A_1187 = arith.constant 0 : i32
        %dma_start3A_1188 = arith.constant 0 : i32
        %dma_start3A_1189 = tpu.memref_slice %arg6[%dma_start3A_1185, %dma_start3A_1187, %dma_start3A_1188] : memref<4x128x32xf32, #tpu.memory_space<vmem>> -> memref<1x128x32xf32, #tpu.memory_space<vmem>>
        %dma_start3A_1190 = tpu.memref_squeeze %dma_start3A_1189 : memref<1x128x32xf32, #tpu.memory_space<vmem>> -> memref<128x32xf32, #tpu.memory_space<vmem>>
        %dma_start3A_1191 = arith.constant 0 : i32
        %dma_start3A_1192 = tpu.memref_slice %arg5[%select_n3A, %select_n3A_1184, %dma_start3A_1191] : memref<25x8x128xi32, #tpu.memory_space<vmem>> -> memref<1x1x128xi32, #tpu.memory_space<vmem>>
        %dma_start3A_1193 = tpu.memref_squeeze %dma_start3A_1192 : memref<1x1x128xi32, #tpu.memory_space<vmem>> -> memref<128xi32, #tpu.memory_space<vmem>>
        %dma_start3A_1194 = arith.constant 0 : i32
        %dma_start3A_1195 = arith.constant 0 : i32
        %dma_start3A_1196 = tpu.memref_slice %arg3[%dma_start3A_1194, %dma_start3A_1195] : memref<1000000x32xf32, #tpu.memory_space<hbm>> -> memref<1000000x32xf32, #tpu.memory_space<hbm>>
        %dma_start3A_1197 = tpu.memref_slice %arg9[%dma_start3A_1186] : memref<4x!tpu.dma_semaphore, #tpu.memory_space<semaphore_mem>> -> memref<1x!tpu.dma_semaphore, #tpu.memory_space<semaphore_mem>>
        %dma_start3A_1198 = tpu.memref_squeeze %dma_start3A_1197 : memref<1x!tpu.dma_semaphore, #tpu.memory_space<semaphore_mem>> -> memref<!tpu.dma_semaphore, #tpu.memory_space<semaphore_mem>>
        tpu.enqueue_indirect_dma source(%dma_start3A_1196 : memref<1000000x32xf32, #tpu.memory_space<hbm>>) target(%dma_start3A_1190 : memref<128x32xf32, #tpu.memory_space<vmem>>) offsets(%dma_start3A_1193 : memref<128xi32, #tpu.memory_space<vmem>>) semaphore(%dma_start3A_1198 : memref<!tpu.dma_semaphore, #tpu.memory_space<semaphore_mem>>)
      } else {
      }
      %mul3A_849 = arith.constant 4 : i32
      %mul3A_850 = arith.muli %scan3A_551, %mul3A_849 : i32
      %add3A_851 = arith.constant 2 : i32
      %add3A_852 = arith.addi %mul3A_850, %add3A_851 : i32
      %dma_wait3A_853 = arith.constant 0 : i32
      %dma_wait3A_854 = arith.constant 0 : i32
      %dma_wait3A_855 = arith.constant 2 : i32
      %dma_wait3A_856 = arith.constant 2 : i32
      %dma_wait3A_857 = arith.constant 0 : i32
      %dma_wait3A_858 = arith.constant 0 : i32
      %dma_wait3A_859 = tpu.memref_slice %arg6[%dma_wait3A_855, %dma_wait3A_857, %dma_wait3A_858] : memref<4x128x32xf32, #tpu.memory_space<vmem>> -> memref<1x128x32xf32, #tpu.memory_space<vmem>>
      %dma_wait3A_860 = tpu.memref_squeeze %dma_wait3A_859 : memref<1x128x32xf32, #tpu.memory_space<vmem>> -> memref<128x32xf32, #tpu.memory_space<vmem>>
      %dma_wait3A_861 = arith.constant 0 : i32
      %dma_wait3A_862 = tpu.memref_slice %arg5[%dma_wait3A_853, %dma_wait3A_854, %dma_wait3A_861] : memref<25x8x128xi32, #tpu.memory_space<vmem>> -> memref<1x1x128xi32, #tpu.memory_space<vmem>>
      %dma_wait3A_863 = tpu.memref_squeeze %dma_wait3A_862 : memref<1x1x128xi32, #tpu.memory_space<vmem>> -> memref<128xi32, #tpu.memory_space<vmem>>
      %dma_wait3A_864 = arith.constant 0 : i32
      %dma_wait3A_865 = arith.constant 0 : i32
      %dma_wait3A_866 = tpu.memref_slice %arg3[%dma_wait3A_864, %dma_wait3A_865] : memref<1000000x32xf32, #tpu.memory_space<hbm>> -> memref<1000000x32xf32, #tpu.memory_space<hbm>>
      %dma_wait3A_867 = tpu.memref_slice %arg9[%dma_wait3A_856] : memref<4x!tpu.dma_semaphore, #tpu.memory_space<semaphore_mem>> -> memref<1x!tpu.dma_semaphore, #tpu.memory_space<semaphore_mem>>
      %dma_wait3A_868 = tpu.memref_squeeze %dma_wait3A_867 : memref<1x!tpu.dma_semaphore, #tpu.memory_space<semaphore_mem>> -> memref<!tpu.dma_semaphore, #tpu.memory_space<semaphore_mem>>
      tpu.wait_indirect_dma semaphore(%dma_wait3A_868 : memref<!tpu.dma_semaphore, #tpu.memory_space<semaphore_mem>>) src(%dma_wait3A_866 : memref<1000000x32xf32, #tpu.memory_space<hbm>>) dst(%dma_wait3A_860 : memref<128x32xf32, #tpu.memory_space<vmem>>)
      %gt3A_869 = arith.constant 0 : i32
      %gt3A_870 = arith.cmpi sgt, %scan3A_551, %gt3A_869 : i32
      %convert_element_type3A_871 = arith.extui %gt3A_870 : i1 to i32
      %cond3A_872 = arith.constant 0 : i32
      %cond3A_873 = arith.cmpi ne, %convert_element_type3A_871, %cond3A_872 : i32
      scf.if %cond3A_873 {
        %dma_wait3A_1151 = arith.constant 2 : i32
        %dma_wait3A_1152 = arith.constant 0 : i32
        %dma_wait3A_1153 = arith.constant 0 : i32
        %dma_wait3A_1154 = arith.constant 0 : i32
        %dma_wait3A_1155 = arith.constant 2 : i32
        %dma_wait3A_1156 = arith.constant 0 : i32
        %dma_wait3A_1157 = arith.constant 0 : i32
        %dma_wait3A_1158 = tpu.memref_slice %arg7[%dma_wait3A_1151, %dma_wait3A_1156, %dma_wait3A_1157] : memref<4x32x128xf32, #tpu.memory_space<vmem>> -> memref<1x32x128xf32, #tpu.memory_space<vmem>>
        %dma_wait3A_1159 = tpu.memref_squeeze %dma_wait3A_1158 : memref<1x32x128xf32, #tpu.memory_space<vmem>> -> memref<32x128xf32, #tpu.memory_space<vmem>>
        %dma_wait3A_1160 = arith.constant 0 : i32
        %dma_wait3A_1161 = arith.constant 0 : i32
        %dma_wait3A_1162 = tpu.memref_slice %dma_wait3A_1159[%dma_wait3A_1160, %dma_wait3A_1161] : memref<32x128xf32, #tpu.memory_space<vmem>> -> memref<8x128xf32, #tpu.memory_space<vmem>>
        %dma_wait3A_1163 = arith.constant 0 : i32
        %dma_wait3A_1164 = arith.constant 0 : i32
        %dma_wait3A_1165 = tpu.memref_slice %arg4[%dma_wait3A_1152, %dma_wait3A_1153, %dma_wait3A_1154, %dma_wait3A_1163, %dma_wait3A_1164] : memref<200x4x32x8x128xf32, #tpu.memory_space<hbm>> -> memref<1x1x1x8x128xf32, #tpu.memory_space<hbm>>
        %dma_wait3A_1166 = tpu.memref_squeeze %dma_wait3A_1165 : memref<1x1x1x8x128xf32, #tpu.memory_space<hbm>> -> memref<8x128xf32, #tpu.memory_space<hbm>>
        %dma_wait3A_1167 = tpu.memref_slice %arg10[%dma_wait3A_1155] : memref<4x!tpu.dma_semaphore, #tpu.memory_space<semaphore_mem>> -> memref<1x!tpu.dma_semaphore, #tpu.memory_space<semaphore_mem>>
        %dma_wait3A_1168 = tpu.memref_squeeze %dma_wait3A_1167 : memref<1x!tpu.dma_semaphore, #tpu.memory_space<semaphore_mem>> -> memref<!tpu.dma_semaphore, #tpu.memory_space<semaphore_mem>>
        %dma_wait3A_1169 = arith.constant 0 : i32
        %dma_wait3A_1170 = arith.constant 0 : i32
        %dma_wait3A_1171 = tpu.memref_slice %arg4[%dma_wait3A_1152, %dma_wait3A_1153, %dma_wait3A_1154, %dma_wait3A_1169, %dma_wait3A_1170] : memref<200x4x32x8x128xf32, #tpu.memory_space<hbm>> -> memref<1x1x1x8x128xf32, #tpu.memory_space<hbm>>
        %dma_wait3A_1172 = tpu.memref_squeeze %dma_wait3A_1171 : memref<1x1x1x8x128xf32, #tpu.memory_space<hbm>> -> memref<8x128xf32, #tpu.memory_space<hbm>>
        %dma_wait3A_1173 = arith.constant 0 : i32
        %dma_wait3A_1174 = arith.constant 0 : i32
        %dma_wait3A_1175 = tpu.memref_slice %arg7[%dma_wait3A_1151, %dma_wait3A_1173, %dma_wait3A_1174] : memref<4x32x128xf32, #tpu.memory_space<vmem>> -> memref<1x32x128xf32, #tpu.memory_space<vmem>>
        %dma_wait3A_1176 = tpu.memref_squeeze %dma_wait3A_1175 : memref<1x32x128xf32, #tpu.memory_space<vmem>> -> memref<32x128xf32, #tpu.memory_space<vmem>>
        %dma_wait3A_1177 = arith.constant 0 : i32
        %dma_wait3A_1178 = arith.constant 0 : i32
        %dma_wait3A_1179 = tpu.memref_slice %dma_wait3A_1176[%dma_wait3A_1177, %dma_wait3A_1178] : memref<32x128xf32, #tpu.memory_space<vmem>> -> memref<8x128xf32, #tpu.memory_space<vmem>>
        tpu.wait_dma2 semaphore(%dma_wait3A_1168 : memref<!tpu.dma_semaphore, #tpu.memory_space<semaphore_mem>>) src(%dma_wait3A_1179 : memref<8x128xf32, #tpu.memory_space<vmem>>) dst(%dma_wait3A_1172 : memref<8x128xf32, #tpu.memory_space<hbm>>)
        %dma_wait3A_1180 = arith.constant 2 : i32
        %dma_wait3A_1181 = arith.constant 0 : i32
        %dma_wait3A_1182 = arith.constant 1 : i32
        %dma_wait3A_1183 = arith.constant 0 : i32
        %dma_wait3A_1184 = arith.constant 2 : i32
        %dma_wait3A_1185 = arith.constant 0 : i32
        %dma_wait3A_1186 = arith.constant 0 : i32
        %dma_wait3A_1187 = tpu.memref_slice %arg7[%dma_wait3A_1180, %dma_wait3A_1185, %dma_wait3A_1186] : memref<4x32x128xf32, #tpu.memory_space<vmem>> -> memref<1x32x128xf32, #tpu.memory_space<vmem>>
        %dma_wait3A_1188 = tpu.memref_squeeze %dma_wait3A_1187 : memref<1x32x128xf32, #tpu.memory_space<vmem>> -> memref<32x128xf32, #tpu.memory_space<vmem>>
        %dma_wait3A_1189 = arith.constant 8 : i32
        %dma_wait3A_1190 = arith.constant 0 : i32
        %dma_wait3A_1191 = tpu.memref_slice %dma_wait3A_1188[%dma_wait3A_1189, %dma_wait3A_1190] : memref<32x128xf32, #tpu.memory_space<vmem>> -> memref<8x128xf32, #tpu.memory_space<vmem>>
        %dma_wait3A_1192 = arith.constant 0 : i32
        %dma_wait3A_1193 = arith.constant 0 : i32
        %dma_wait3A_1194 = tpu.memref_slice %arg4[%dma_wait3A_1181, %dma_wait3A_1182, %dma_wait3A_1183, %dma_wait3A_1192, %dma_wait3A_1193] : memref<200x4x32x8x128xf32, #tpu.memory_space<hbm>> -> memref<1x1x1x8x128xf32, #tpu.memory_space<hbm>>
        %dma_wait3A_1195 = tpu.memref_squeeze %dma_wait3A_1194 : memref<1x1x1x8x128xf32, #tpu.memory_space<hbm>> -> memref<8x128xf32, #tpu.memory_space<hbm>>
        %dma_wait3A_1196 = tpu.memref_slice %arg10[%dma_wait3A_1184] : memref<4x!tpu.dma_semaphore, #tpu.memory_space<semaphore_mem>> -> memref<1x!tpu.dma_semaphore, #tpu.memory_space<semaphore_mem>>
        %dma_wait3A_1197 = tpu.memref_squeeze %dma_wait3A_1196 : memref<1x!tpu.dma_semaphore, #tpu.memory_space<semaphore_mem>> -> memref<!tpu.dma_semaphore, #tpu.memory_space<semaphore_mem>>
        %dma_wait3A_1198 = arith.constant 0 : i32
        %dma_wait3A_1199 = arith.constant 0 : i32
        %dma_wait3A_1200 = tpu.memref_slice %arg4[%dma_wait3A_1181, %dma_wait3A_1182, %dma_wait3A_1183, %dma_wait3A_1198, %dma_wait3A_1199] : memref<200x4x32x8x128xf32, #tpu.memory_space<hbm>> -> memref<1x1x1x8x128xf32, #tpu.memory_space<hbm>>
        %dma_wait3A_1201 = tpu.memref_squeeze %dma_wait3A_1200 : memref<1x1x1x8x128xf32, #tpu.memory_space<hbm>> -> memref<8x128xf32, #tpu.memory_space<hbm>>
        %dma_wait3A_1202 = arith.constant 0 : i32
        %dma_wait3A_1203 = arith.constant 0 : i32
        %dma_wait3A_1204 = tpu.memref_slice %arg7[%dma_wait3A_1180, %dma_wait3A_1202, %dma_wait3A_1203] : memref<4x32x128xf32, #tpu.memory_space<vmem>> -> memref<1x32x128xf32, #tpu.memory_space<vmem>>
        %dma_wait3A_1205 = tpu.memref_squeeze %dma_wait3A_1204 : memref<1x32x128xf32, #tpu.memory_space<vmem>> -> memref<32x128xf32, #tpu.memory_space<vmem>>
        %dma_wait3A_1206 = arith.constant 8 : i32
        %dma_wait3A_1207 = arith.constant 0 : i32
        %dma_wait3A_1208 = tpu.memref_slice %dma_wait3A_1205[%dma_wait3A_1206, %dma_wait3A_1207] : memref<32x128xf32, #tpu.memory_space<vmem>> -> memref<8x128xf32, #tpu.memory_space<vmem>>
        tpu.wait_dma2 semaphore(%dma_wait3A_1197 : memref<!tpu.dma_semaphore, #tpu.memory_space<semaphore_mem>>) src(%dma_wait3A_1208 : memref<8x128xf32, #tpu.memory_space<vmem>>) dst(%dma_wait3A_1201 : memref<8x128xf32, #tpu.memory_space<hbm>>)
        %dma_wait3A_1209 = arith.constant 2 : i32
        %dma_wait3A_1210 = arith.constant 0 : i32
        %dma_wait3A_1211 = arith.constant 2 : i32
        %dma_wait3A_1212 = arith.constant 0 : i32
        %dma_wait3A_1213 = arith.constant 2 : i32
        %dma_wait3A_1214 = arith.constant 0 : i32
        %dma_wait3A_1215 = arith.constant 0 : i32
        %dma_wait3A_1216 = tpu.memref_slice %arg7[%dma_wait3A_1209, %dma_wait3A_1214, %dma_wait3A_1215] : memref<4x32x128xf32, #tpu.memory_space<vmem>> -> memref<1x32x128xf32, #tpu.memory_space<vmem>>
        %dma_wait3A_1217 = tpu.memref_squeeze %dma_wait3A_1216 : memref<1x32x128xf32, #tpu.memory_space<vmem>> -> memref<32x128xf32, #tpu.memory_space<vmem>>
        %dma_wait3A_1218 = arith.constant 16 : i32
        %dma_wait3A_1219 = arith.constant 0 : i32
        %dma_wait3A_1220 = tpu.memref_slice %dma_wait3A_1217[%dma_wait3A_1218, %dma_wait3A_1219] : memref<32x128xf32, #tpu.memory_space<vmem>> -> memref<8x128xf32, #tpu.memory_space<vmem>>
        %dma_wait3A_1221 = arith.constant 0 : i32
        %dma_wait3A_1222 = arith.constant 0 : i32
        %dma_wait3A_1223 = tpu.memref_slice %arg4[%dma_wait3A_1210, %dma_wait3A_1211, %dma_wait3A_1212, %dma_wait3A_1221, %dma_wait3A_1222] : memref<200x4x32x8x128xf32, #tpu.memory_space<hbm>> -> memref<1x1x1x8x128xf32, #tpu.memory_space<hbm>>
        %dma_wait3A_1224 = tpu.memref_squeeze %dma_wait3A_1223 : memref<1x1x1x8x128xf32, #tpu.memory_space<hbm>> -> memref<8x128xf32, #tpu.memory_space<hbm>>
        %dma_wait3A_1225 = tpu.memref_slice %arg10[%dma_wait3A_1213] : memref<4x!tpu.dma_semaphore, #tpu.memory_space<semaphore_mem>> -> memref<1x!tpu.dma_semaphore, #tpu.memory_space<semaphore_mem>>
        %dma_wait3A_1226 = tpu.memref_squeeze %dma_wait3A_1225 : memref<1x!tpu.dma_semaphore, #tpu.memory_space<semaphore_mem>> -> memref<!tpu.dma_semaphore, #tpu.memory_space<semaphore_mem>>
        %dma_wait3A_1227 = arith.constant 0 : i32
        %dma_wait3A_1228 = arith.constant 0 : i32
        %dma_wait3A_1229 = tpu.memref_slice %arg4[%dma_wait3A_1210, %dma_wait3A_1211, %dma_wait3A_1212, %dma_wait3A_1227, %dma_wait3A_1228] : memref<200x4x32x8x128xf32, #tpu.memory_space<hbm>> -> memref<1x1x1x8x128xf32, #tpu.memory_space<hbm>>
        %dma_wait3A_1230 = tpu.memref_squeeze %dma_wait3A_1229 : memref<1x1x1x8x128xf32, #tpu.memory_space<hbm>> -> memref<8x128xf32, #tpu.memory_space<hbm>>
        %dma_wait3A_1231 = arith.constant 0 : i32
        %dma_wait3A_1232 = arith.constant 0 : i32
        %dma_wait3A_1233 = tpu.memref_slice %arg7[%dma_wait3A_1209, %dma_wait3A_1231, %dma_wait3A_1232] : memref<4x32x128xf32, #tpu.memory_space<vmem>> -> memref<1x32x128xf32, #tpu.memory_space<vmem>>
        %dma_wait3A_1234 = tpu.memref_squeeze %dma_wait3A_1233 : memref<1x32x128xf32, #tpu.memory_space<vmem>> -> memref<32x128xf32, #tpu.memory_space<vmem>>
        %dma_wait3A_1235 = arith.constant 16 : i32
        %dma_wait3A_1236 = arith.constant 0 : i32
        %dma_wait3A_1237 = tpu.memref_slice %dma_wait3A_1234[%dma_wait3A_1235, %dma_wait3A_1236] : memref<32x128xf32, #tpu.memory_space<vmem>> -> memref<8x128xf32, #tpu.memory_space<vmem>>
        tpu.wait_dma2 semaphore(%dma_wait3A_1226 : memref<!tpu.dma_semaphore, #tpu.memory_space<semaphore_mem>>) src(%dma_wait3A_1237 : memref<8x128xf32, #tpu.memory_space<vmem>>) dst(%dma_wait3A_1230 : memref<8x128xf32, #tpu.memory_space<hbm>>)
        %dma_wait3A_1238 = arith.constant 2 : i32
        %dma_wait3A_1239 = arith.constant 0 : i32
        %dma_wait3A_1240 = arith.constant 3 : i32
        %dma_wait3A_1241 = arith.constant 0 : i32
        %dma_wait3A_1242 = arith.constant 2 : i32
        %dma_wait3A_1243 = arith.constant 0 : i32
        %dma_wait3A_1244 = arith.constant 0 : i32
        %dma_wait3A_1245 = tpu.memref_slice %arg7[%dma_wait3A_1238, %dma_wait3A_1243, %dma_wait3A_1244] : memref<4x32x128xf32, #tpu.memory_space<vmem>> -> memref<1x32x128xf32, #tpu.memory_space<vmem>>
        %dma_wait3A_1246 = tpu.memref_squeeze %dma_wait3A_1245 : memref<1x32x128xf32, #tpu.memory_space<vmem>> -> memref<32x128xf32, #tpu.memory_space<vmem>>
        %dma_wait3A_1247 = arith.constant 24 : i32
        %dma_wait3A_1248 = arith.constant 0 : i32
        %dma_wait3A_1249 = tpu.memref_slice %dma_wait3A_1246[%dma_wait3A_1247, %dma_wait3A_1248] : memref<32x128xf32, #tpu.memory_space<vmem>> -> memref<8x128xf32, #tpu.memory_space<vmem>>
        %dma_wait3A_1250 = arith.constant 0 : i32
        %dma_wait3A_1251 = arith.constant 0 : i32
        %dma_wait3A_1252 = tpu.memref_slice %arg4[%dma_wait3A_1239, %dma_wait3A_1240, %dma_wait3A_1241, %dma_wait3A_1250, %dma_wait3A_1251] : memref<200x4x32x8x128xf32, #tpu.memory_space<hbm>> -> memref<1x1x1x8x128xf32, #tpu.memory_space<hbm>>
        %dma_wait3A_1253 = tpu.memref_squeeze %dma_wait3A_1252 : memref<1x1x1x8x128xf32, #tpu.memory_space<hbm>> -> memref<8x128xf32, #tpu.memory_space<hbm>>
        %dma_wait3A_1254 = tpu.memref_slice %arg10[%dma_wait3A_1242] : memref<4x!tpu.dma_semaphore, #tpu.memory_space<semaphore_mem>> -> memref<1x!tpu.dma_semaphore, #tpu.memory_space<semaphore_mem>>
        %dma_wait3A_1255 = tpu.memref_squeeze %dma_wait3A_1254 : memref<1x!tpu.dma_semaphore, #tpu.memory_space<semaphore_mem>> -> memref<!tpu.dma_semaphore, #tpu.memory_space<semaphore_mem>>
        %dma_wait3A_1256 = arith.constant 0 : i32
        %dma_wait3A_1257 = arith.constant 0 : i32
        %dma_wait3A_1258 = tpu.memref_slice %arg4[%dma_wait3A_1239, %dma_wait3A_1240, %dma_wait3A_1241, %dma_wait3A_1256, %dma_wait3A_1257] : memref<200x4x32x8x128xf32, #tpu.memory_space<hbm>> -> memref<1x1x1x8x128xf32, #tpu.memory_space<hbm>>
        %dma_wait3A_1259 = tpu.memref_squeeze %dma_wait3A_1258 : memref<1x1x1x8x128xf32, #tpu.memory_space<hbm>> -> memref<8x128xf32, #tpu.memory_space<hbm>>
        %dma_wait3A_1260 = arith.constant 0 : i32
        %dma_wait3A_1261 = arith.constant 0 : i32
        %dma_wait3A_1262 = tpu.memref_slice %arg7[%dma_wait3A_1238, %dma_wait3A_1260, %dma_wait3A_1261] : memref<4x32x128xf32, #tpu.memory_space<vmem>> -> memref<1x32x128xf32, #tpu.memory_space<vmem>>
        %dma_wait3A_1263 = tpu.memref_squeeze %dma_wait3A_1262 : memref<1x32x128xf32, #tpu.memory_space<vmem>> -> memref<32x128xf32, #tpu.memory_space<vmem>>
        %dma_wait3A_1264 = arith.constant 24 : i32
        %dma_wait3A_1265 = arith.constant 0 : i32
        %dma_wait3A_1266 = tpu.memref_slice %dma_wait3A_1263[%dma_wait3A_1264, %dma_wait3A_1265] : memref<32x128xf32, #tpu.memory_space<vmem>> -> memref<8x128xf32, #tpu.memory_space<vmem>>
        tpu.wait_dma2 semaphore(%dma_wait3A_1255 : memref<!tpu.dma_semaphore, #tpu.memory_space<semaphore_mem>>) src(%dma_wait3A_1266 : memref<8x128xf32, #tpu.memory_space<vmem>>) dst(%dma_wait3A_1259 : memref<8x128xf32, #tpu.memory_space<hbm>>)
      } else {
      }
      %and3A_874 = arith.constant 31 : i32
      %and3A_875 = vector.broadcast %and3A_874 : i32 to vector<16xi32>
      %and3A_876 = arith.andi %iota3A, %and3A_875 : vector<16xi32>
      %scan3A_877 = arith.constant 2 : i32
      %scan3A_878 = arith.constant 2 : i32
      %scan3A_879 = arith.constant 0 : i32
      %scan3A_880 = arith.constant 32 : i32
      %scan3A_881 = arith.addi %scan3A_879, %scan3A_880 : i32
      %scan3A_882 = arith.constant 1 : i32
      %scan3A_883 = scf.for %scan3A_1151 = %scan3A_879 to %scan3A_881 step %scan3A_882 iter_args(%scan3A_1152 = %and3A_876) -> (vector<16xi32>)  : i32 {
        %add3A_1153 = arith.constant 0 : i32
        %add3A_1154 = vector.broadcast %add3A_1153 : i32 to vector<16xi32>
        %add3A_1155 = arith.addi %iota3A, %add3A_1154 : vector<16xi32>
        %gather3A = arith.constant 0 : i32
        %gather3A_1156 = arith.constant 0 : i32
        %gather3A_1157 = tpu.memref_slice %arg6[%scan3A_877, %gather3A, %gather3A_1156] : memref<4x128x32xf32, #tpu.memory_space<vmem>> -> memref<1x128x32xf32, #tpu.memory_space<vmem>>
        %gather3A_1158 = tpu.memref_squeeze %gather3A_1157 : memref<1x128x32xf32, #tpu.memory_space<vmem>> -> memref<128x32xf32, #tpu.memory_space<vmem>>
        %gather3A_1159 = tpu.vector_load_idx %gather3A_1158[%add3A_1155, %scan3A_1152] : memref<128x32xf32, #tpu.memory_space<vmem>>[vector<16xi32>, vector<16xi32>], vector<16xf32>,
        %add3A_1160 = arith.constant 16 : i32
        %add3A_1161 = vector.broadcast %add3A_1160 : i32 to vector<16xi32>
        %add3A_1162 = arith.addi %iota3A, %add3A_1161 : vector<16xi32>
        %gather3A_1163 = arith.constant 0 : i32
        %gather3A_1164 = arith.constant 0 : i32
        %gather3A_1165 = tpu.memref_slice %arg6[%scan3A_877, %gather3A_1163, %gather3A_1164] : memref<4x128x32xf32, #tpu.memory_space<vmem>> -> memref<1x128x32xf32, #tpu.memory_space<vmem>>
        %gather3A_1166 = tpu.memref_squeeze %gather3A_1165 : memref<1x128x32xf32, #tpu.memory_space<vmem>> -> memref<128x32xf32, #tpu.memory_space<vmem>>
        %gather3A_1167 = tpu.vector_load_idx %gather3A_1166[%add3A_1162, %scan3A_1152] : memref<128x32xf32, #tpu.memory_space<vmem>>[vector<16xi32>, vector<16xi32>], vector<16xf32>,
        %add3A_1168 = arith.constant 32 : i32
        %add3A_1169 = vector.broadcast %add3A_1168 : i32 to vector<16xi32>
        %add3A_1170 = arith.addi %iota3A, %add3A_1169 : vector<16xi32>
        %gather3A_1171 = arith.constant 0 : i32
        %gather3A_1172 = arith.constant 0 : i32
        %gather3A_1173 = tpu.memref_slice %arg6[%scan3A_877, %gather3A_1171, %gather3A_1172] : memref<4x128x32xf32, #tpu.memory_space<vmem>> -> memref<1x128x32xf32, #tpu.memory_space<vmem>>
        %gather3A_1174 = tpu.memref_squeeze %gather3A_1173 : memref<1x128x32xf32, #tpu.memory_space<vmem>> -> memref<128x32xf32, #tpu.memory_space<vmem>>
        %gather3A_1175 = tpu.vector_load_idx %gather3A_1174[%add3A_1170, %scan3A_1152] : memref<128x32xf32, #tpu.memory_space<vmem>>[vector<16xi32>, vector<16xi32>], vector<16xf32>,
        %add3A_1176 = arith.constant 48 : i32
        %add3A_1177 = vector.broadcast %add3A_1176 : i32 to vector<16xi32>
        %add3A_1178 = arith.addi %iota3A, %add3A_1177 : vector<16xi32>
        %gather3A_1179 = arith.constant 0 : i32
        %gather3A_1180 = arith.constant 0 : i32
        %gather3A_1181 = tpu.memref_slice %arg6[%scan3A_877, %gather3A_1179, %gather3A_1180] : memref<4x128x32xf32, #tpu.memory_space<vmem>> -> memref<1x128x32xf32, #tpu.memory_space<vmem>>
        %gather3A_1182 = tpu.memref_squeeze %gather3A_1181 : memref<1x128x32xf32, #tpu.memory_space<vmem>> -> memref<128x32xf32, #tpu.memory_space<vmem>>
        %gather3A_1183 = tpu.vector_load_idx %gather3A_1182[%add3A_1178, %scan3A_1152] : memref<128x32xf32, #tpu.memory_space<vmem>>[vector<16xi32>, vector<16xi32>], vector<16xf32>,
        %add3A_1184 = arith.constant 64 : i32
        %add3A_1185 = vector.broadcast %add3A_1184 : i32 to vector<16xi32>
        %add3A_1186 = arith.addi %iota3A, %add3A_1185 : vector<16xi32>
        %gather3A_1187 = arith.constant 0 : i32
        %gather3A_1188 = arith.constant 0 : i32
        %gather3A_1189 = tpu.memref_slice %arg6[%scan3A_877, %gather3A_1187, %gather3A_1188] : memref<4x128x32xf32, #tpu.memory_space<vmem>> -> memref<1x128x32xf32, #tpu.memory_space<vmem>>
        %gather3A_1190 = tpu.memref_squeeze %gather3A_1189 : memref<1x128x32xf32, #tpu.memory_space<vmem>> -> memref<128x32xf32, #tpu.memory_space<vmem>>
        %gather3A_1191 = tpu.vector_load_idx %gather3A_1190[%add3A_1186, %scan3A_1152] : memref<128x32xf32, #tpu.memory_space<vmem>>[vector<16xi32>, vector<16xi32>], vector<16xf32>,
        %add3A_1192 = arith.constant 80 : i32
        %add3A_1193 = vector.broadcast %add3A_1192 : i32 to vector<16xi32>
        %add3A_1194 = arith.addi %iota3A, %add3A_1193 : vector<16xi32>
        %gather3A_1195 = arith.constant 0 : i32
        %gather3A_1196 = arith.constant 0 : i32
        %gather3A_1197 = tpu.memref_slice %arg6[%scan3A_877, %gather3A_1195, %gather3A_1196] : memref<4x128x32xf32, #tpu.memory_space<vmem>> -> memref<1x128x32xf32, #tpu.memory_space<vmem>>
        %gather3A_1198 = tpu.memref_squeeze %gather3A_1197 : memref<1x128x32xf32, #tpu.memory_space<vmem>> -> memref<128x32xf32, #tpu.memory_space<vmem>>
        %gather3A_1199 = tpu.vector_load_idx %gather3A_1198[%add3A_1194, %scan3A_1152] : memref<128x32xf32, #tpu.memory_space<vmem>>[vector<16xi32>, vector<16xi32>], vector<16xf32>,
        %add3A_1200 = arith.constant 96 : i32
        %add3A_1201 = vector.broadcast %add3A_1200 : i32 to vector<16xi32>
        %add3A_1202 = arith.addi %iota3A, %add3A_1201 : vector<16xi32>
        %gather3A_1203 = arith.constant 0 : i32
        %gather3A_1204 = arith.constant 0 : i32
        %gather3A_1205 = tpu.memref_slice %arg6[%scan3A_877, %gather3A_1203, %gather3A_1204] : memref<4x128x32xf32, #tpu.memory_space<vmem>> -> memref<1x128x32xf32, #tpu.memory_space<vmem>>
        %gather3A_1206 = tpu.memref_squeeze %gather3A_1205 : memref<1x128x32xf32, #tpu.memory_space<vmem>> -> memref<128x32xf32, #tpu.memory_space<vmem>>
        %gather3A_1207 = tpu.vector_load_idx %gather3A_1206[%add3A_1202, %scan3A_1152] : memref<128x32xf32, #tpu.memory_space<vmem>>[vector<16xi32>, vector<16xi32>], vector<16xf32>,
        %add3A_1208 = arith.constant 112 : i32
        %add3A_1209 = vector.broadcast %add3A_1208 : i32 to vector<16xi32>
        %add3A_1210 = arith.addi %iota3A, %add3A_1209 : vector<16xi32>
        %gather3A_1211 = arith.constant 0 : i32
        %gather3A_1212 = arith.constant 0 : i32
        %gather3A_1213 = tpu.memref_slice %arg6[%scan3A_877, %gather3A_1211, %gather3A_1212] : memref<4x128x32xf32, #tpu.memory_space<vmem>> -> memref<1x128x32xf32, #tpu.memory_space<vmem>>
        %gather3A_1214 = tpu.memref_squeeze %gather3A_1213 : memref<1x128x32xf32, #tpu.memory_space<vmem>> -> memref<128x32xf32, #tpu.memory_space<vmem>>
        %gather3A_1215 = tpu.vector_load_idx %gather3A_1214[%add3A_1210, %scan3A_1152] : memref<128x32xf32, #tpu.memory_space<vmem>>[vector<16xi32>, vector<16xi32>], vector<16xf32>,
        %scatter3A = arith.constant 0 : i32
        %scatter3A_1216 = arith.constant 0 : i32
        %scatter3A_1217 = tpu.memref_slice %arg7[%scan3A_878, %scatter3A, %scatter3A_1216] : memref<4x32x128xf32, #tpu.memory_space<vmem>> -> memref<1x32x128xf32, #tpu.memory_space<vmem>>
        %scatter3A_1218 = tpu.memref_squeeze %scatter3A_1217 : memref<1x32x128xf32, #tpu.memory_space<vmem>> -> memref<32x128xf32, #tpu.memory_space<vmem>>
        tpu.vector_store_idx %scatter3A_1218[%scan3A_1152, %add3A_1155], %gather3A_1159 : memref<32x128xf32, #tpu.memory_space<vmem>>[vector<16xi32>, vector<16xi32>], vector<16xf32>,
        %scatter3A_1219 = arith.constant 0 : i32
        %scatter3A_1220 = arith.constant 0 : i32
        %scatter3A_1221 = tpu.memref_slice %arg7[%scan3A_878, %scatter3A_1219, %scatter3A_1220] : memref<4x32x128xf32, #tpu.memory_space<vmem>> -> memref<1x32x128xf32, #tpu.memory_space<vmem>>
        %scatter3A_1222 = tpu.memref_squeeze %scatter3A_1221 : memref<1x32x128xf32, #tpu.memory_space<vmem>> -> memref<32x128xf32, #tpu.memory_space<vmem>>
        tpu.vector_store_idx %scatter3A_1222[%scan3A_1152, %add3A_1162], %gather3A_1167 : memref<32x128xf32, #tpu.memory_space<vmem>>[vector<16xi32>, vector<16xi32>], vector<16xf32>,
        %scatter3A_1223 = arith.constant 0 : i32
        %scatter3A_1224 = arith.constant 0 : i32
        %scatter3A_1225 = tpu.memref_slice %arg7[%scan3A_878, %scatter3A_1223, %scatter3A_1224] : memref<4x32x128xf32, #tpu.memory_space<vmem>> -> memref<1x32x128xf32, #tpu.memory_space<vmem>>
        %scatter3A_1226 = tpu.memref_squeeze %scatter3A_1225 : memref<1x32x128xf32, #tpu.memory_space<vmem>> -> memref<32x128xf32, #tpu.memory_space<vmem>>
        tpu.vector_store_idx %scatter3A_1226[%scan3A_1152, %add3A_1170], %gather3A_1175 : memref<32x128xf32, #tpu.memory_space<vmem>>[vector<16xi32>, vector<16xi32>], vector<16xf32>,
        %scatter3A_1227 = arith.constant 0 : i32
        %scatter3A_1228 = arith.constant 0 : i32
        %scatter3A_1229 = tpu.memref_slice %arg7[%scan3A_878, %scatter3A_1227, %scatter3A_1228] : memref<4x32x128xf32, #tpu.memory_space<vmem>> -> memref<1x32x128xf32, #tpu.memory_space<vmem>>
        %scatter3A_1230 = tpu.memref_squeeze %scatter3A_1229 : memref<1x32x128xf32, #tpu.memory_space<vmem>> -> memref<32x128xf32, #tpu.memory_space<vmem>>
        tpu.vector_store_idx %scatter3A_1230[%scan3A_1152, %add3A_1178], %gather3A_1183 : memref<32x128xf32, #tpu.memory_space<vmem>>[vector<16xi32>, vector<16xi32>], vector<16xf32>,
        %scatter3A_1231 = arith.constant 0 : i32
        %scatter3A_1232 = arith.constant 0 : i32
        %scatter3A_1233 = tpu.memref_slice %arg7[%scan3A_878, %scatter3A_1231, %scatter3A_1232] : memref<4x32x128xf32, #tpu.memory_space<vmem>> -> memref<1x32x128xf32, #tpu.memory_space<vmem>>
        %scatter3A_1234 = tpu.memref_squeeze %scatter3A_1233 : memref<1x32x128xf32, #tpu.memory_space<vmem>> -> memref<32x128xf32, #tpu.memory_space<vmem>>
        tpu.vector_store_idx %scatter3A_1234[%scan3A_1152, %add3A_1186], %gather3A_1191 : memref<32x128xf32, #tpu.memory_space<vmem>>[vector<16xi32>, vector<16xi32>], vector<16xf32>,
        %scatter3A_1235 = arith.constant 0 : i32
        %scatter3A_1236 = arith.constant 0 : i32
        %scatter3A_1237 = tpu.memref_slice %arg7[%scan3A_878, %scatter3A_1235, %scatter3A_1236] : memref<4x32x128xf32, #tpu.memory_space<vmem>> -> memref<1x32x128xf32, #tpu.memory_space<vmem>>
        %scatter3A_1238 = tpu.memref_squeeze %scatter3A_1237 : memref<1x32x128xf32, #tpu.memory_space<vmem>> -> memref<32x128xf32, #tpu.memory_space<vmem>>
        tpu.vector_store_idx %scatter3A_1238[%scan3A_1152, %add3A_1194], %gather3A_1199 : memref<32x128xf32, #tpu.memory_space<vmem>>[vector<16xi32>, vector<16xi32>], vector<16xf32>,
        %scatter3A_1239 = arith.constant 0 : i32
        %scatter3A_1240 = arith.constant 0 : i32
        %scatter3A_1241 = tpu.memref_slice %arg7[%scan3A_878, %scatter3A_1239, %scatter3A_1240] : memref<4x32x128xf32, #tpu.memory_space<vmem>> -> memref<1x32x128xf32, #tpu.memory_space<vmem>>
        %scatter3A_1242 = tpu.memref_squeeze %scatter3A_1241 : memref<1x32x128xf32, #tpu.memory_space<vmem>> -> memref<32x128xf32, #tpu.memory_space<vmem>>
        tpu.vector_store_idx %scatter3A_1242[%scan3A_1152, %add3A_1202], %gather3A_1207 : memref<32x128xf32, #tpu.memory_space<vmem>>[vector<16xi32>, vector<16xi32>], vector<16xf32>,
        %scatter3A_1243 = arith.constant 0 : i32
        %scatter3A_1244 = arith.constant 0 : i32
        %scatter3A_1245 = tpu.memref_slice %arg7[%scan3A_878, %scatter3A_1243, %scatter3A_1244] : memref<4x32x128xf32, #tpu.memory_space<vmem>> -> memref<1x32x128xf32, #tpu.memory_space<vmem>>
        %scatter3A_1246 = tpu.memref_squeeze %scatter3A_1245 : memref<1x32x128xf32, #tpu.memory_space<vmem>> -> memref<32x128xf32, #tpu.memory_space<vmem>>
        tpu.vector_store_idx %scatter3A_1246[%scan3A_1152, %add3A_1210], %gather3A_1215 : memref<32x128xf32, #tpu.memory_space<vmem>>[vector<16xi32>, vector<16xi32>], vector<16xf32>,
        %add3A_1247 = arith.constant 1 : i32
        %add3A_1248 = vector.broadcast %add3A_1247 : i32 to vector<16xi32>
        %add3A_1249 = arith.addi %scan3A_1152, %add3A_1248 : vector<16xi32>
        %and3A_1250 = arith.constant 31 : i32
        %and3A_1251 = vector.broadcast %and3A_1250 : i32 to vector<16xi32>
        %and3A_1252 = arith.andi %add3A_1249, %and3A_1251 : vector<16xi32>
        scf.yield %and3A_1252 : vector<16xi32>
      }
      %scan3A_884 = arith.constant 32 : i32
      %dma_start3A_885 = arith.constant 2 : i32
      %dma_start3A_886 = arith.constant 0 : i32
      %dma_start3A_887 = arith.constant 2 : i32
      %dma_start3A_888 = arith.constant 0 : i32
      %dma_start3A_889 = arith.constant 0 : i32
      %dma_start3A_890 = tpu.memref_slice %arg7[%dma_start3A_885, %dma_start3A_888, %dma_start3A_889] : memref<4x32x128xf32, #tpu.memory_space<vmem>> -> memref<1x32x128xf32, #tpu.memory_space<vmem>>
      %dma_start3A_891 = tpu.memref_squeeze %dma_start3A_890 : memref<1x32x128xf32, #tpu.memory_space<vmem>> -> memref<32x128xf32, #tpu.memory_space<vmem>>
      %dma_start3A_892 = arith.constant 0 : i32
      %dma_start3A_893 = arith.constant 0 : i32
      %dma_start3A_894 = tpu.memref_slice %dma_start3A_891[%dma_start3A_892, %dma_start3A_893] : memref<32x128xf32, #tpu.memory_space<vmem>> -> memref<8x128xf32, #tpu.memory_space<vmem>>
      %dma_start3A_895 = arith.constant 0 : i32
      %dma_start3A_896 = arith.constant 0 : i32
      %dma_start3A_897 = tpu.memref_slice %arg4[%add3A_852, %dma_start3A_886, %add3A, %dma_start3A_895, %dma_start3A_896] : memref<200x4x32x8x128xf32, #tpu.memory_space<hbm>> -> memref<1x1x1x8x128xf32, #tpu.memory_space<hbm>>
      %dma_start3A_898 = tpu.memref_squeeze %dma_start3A_897 : memref<1x1x1x8x128xf32, #tpu.memory_space<hbm>> -> memref<8x128xf32, #tpu.memory_space<hbm>>
      %dma_start3A_899 = tpu.memref_slice %arg10[%dma_start3A_887] : memref<4x!tpu.dma_semaphore, #tpu.memory_space<semaphore_mem>> -> memref<1x!tpu.dma_semaphore, #tpu.memory_space<semaphore_mem>>
      %dma_start3A_900 = tpu.memref_squeeze %dma_start3A_899 : memref<1x!tpu.dma_semaphore, #tpu.memory_space<semaphore_mem>> -> memref<!tpu.dma_semaphore, #tpu.memory_space<semaphore_mem>>
      %dma_start3A_901 = arith.constant 0 : i32
      %dma_start3A_902 = arith.constant 0 : i32
      %dma_start3A_903 = tpu.memref_slice %arg4[%add3A_852, %dma_start3A_886, %add3A, %dma_start3A_901, %dma_start3A_902] : memref<200x4x32x8x128xf32, #tpu.memory_space<hbm>> -> memref<1x1x1x8x128xf32, #tpu.memory_space<hbm>>
      %dma_start3A_904 = tpu.memref_squeeze %dma_start3A_903 : memref<1x1x1x8x128xf32, #tpu.memory_space<hbm>> -> memref<8x128xf32, #tpu.memory_space<hbm>>
      %dma_start3A_905 = arith.constant 0 : i32
      %dma_start3A_906 = arith.constant 0 : i32
      %dma_start3A_907 = tpu.memref_slice %arg7[%dma_start3A_885, %dma_start3A_905, %dma_start3A_906] : memref<4x32x128xf32, #tpu.memory_space<vmem>> -> memref<1x32x128xf32, #tpu.memory_space<vmem>>
      %dma_start3A_908 = tpu.memref_squeeze %dma_start3A_907 : memref<1x32x128xf32, #tpu.memory_space<vmem>> -> memref<32x128xf32, #tpu.memory_space<vmem>>
      %dma_start3A_909 = arith.constant 0 : i32
      %dma_start3A_910 = arith.constant 0 : i32
      %dma_start3A_911 = tpu.memref_slice %dma_start3A_908[%dma_start3A_909, %dma_start3A_910] : memref<32x128xf32, #tpu.memory_space<vmem>> -> memref<8x128xf32, #tpu.memory_space<vmem>>
      tpu.enqueue_dma source(%dma_start3A_911 : memref<8x128xf32, #tpu.memory_space<vmem>>) target(%dma_start3A_904 : memref<8x128xf32, #tpu.memory_space<hbm>>) target_semaphore(%dma_start3A_900 : memref<!tpu.dma_semaphore, #tpu.memory_space<semaphore_mem>>)
      %dma_start3A_912 = arith.constant 2 : i32
      %dma_start3A_913 = arith.constant 1 : i32
      %dma_start3A_914 = arith.constant 2 : i32
      %dma_start3A_915 = arith.constant 0 : i32
      %dma_start3A_916 = arith.constant 0 : i32
      %dma_start3A_917 = tpu.memref_slice %arg7[%dma_start3A_912, %dma_start3A_915, %dma_start3A_916] : memref<4x32x128xf32, #tpu.memory_space<vmem>> -> memref<1x32x128xf32, #tpu.memory_space<vmem>>
      %dma_start3A_918 = tpu.memref_squeeze %dma_start3A_917 : memref<1x32x128xf32, #tpu.memory_space<vmem>> -> memref<32x128xf32, #tpu.memory_space<vmem>>
      %dma_start3A_919 = arith.constant 8 : i32
      %dma_start3A_920 = arith.constant 0 : i32
      %dma_start3A_921 = tpu.memref_slice %dma_start3A_918[%dma_start3A_919, %dma_start3A_920] : memref<32x128xf32, #tpu.memory_space<vmem>> -> memref<8x128xf32, #tpu.memory_space<vmem>>
      %dma_start3A_922 = arith.constant 0 : i32
      %dma_start3A_923 = arith.constant 0 : i32
      %dma_start3A_924 = tpu.memref_slice %arg4[%add3A_852, %dma_start3A_913, %add3A, %dma_start3A_922, %dma_start3A_923] : memref<200x4x32x8x128xf32, #tpu.memory_space<hbm>> -> memref<1x1x1x8x128xf32, #tpu.memory_space<hbm>>
      %dma_start3A_925 = tpu.memref_squeeze %dma_start3A_924 : memref<1x1x1x8x128xf32, #tpu.memory_space<hbm>> -> memref<8x128xf32, #tpu.memory_space<hbm>>
      %dma_start3A_926 = tpu.memref_slice %arg10[%dma_start3A_914] : memref<4x!tpu.dma_semaphore, #tpu.memory_space<semaphore_mem>> -> memref<1x!tpu.dma_semaphore, #tpu.memory_space<semaphore_mem>>
      %dma_start3A_927 = tpu.memref_squeeze %dma_start3A_926 : memref<1x!tpu.dma_semaphore, #tpu.memory_space<semaphore_mem>> -> memref<!tpu.dma_semaphore, #tpu.memory_space<semaphore_mem>>
      %dma_start3A_928 = arith.constant 0 : i32
      %dma_start3A_929 = arith.constant 0 : i32
      %dma_start3A_930 = tpu.memref_slice %arg4[%add3A_852, %dma_start3A_913, %add3A, %dma_start3A_928, %dma_start3A_929] : memref<200x4x32x8x128xf32, #tpu.memory_space<hbm>> -> memref<1x1x1x8x128xf32, #tpu.memory_space<hbm>>
      %dma_start3A_931 = tpu.memref_squeeze %dma_start3A_930 : memref<1x1x1x8x128xf32, #tpu.memory_space<hbm>> -> memref<8x128xf32, #tpu.memory_space<hbm>>
      %dma_start3A_932 = arith.constant 0 : i32
      %dma_start3A_933 = arith.constant 0 : i32
      %dma_start3A_934 = tpu.memref_slice %arg7[%dma_start3A_912, %dma_start3A_932, %dma_start3A_933] : memref<4x32x128xf32, #tpu.memory_space<vmem>> -> memref<1x32x128xf32, #tpu.memory_space<vmem>>
      %dma_start3A_935 = tpu.memref_squeeze %dma_start3A_934 : memref<1x32x128xf32, #tpu.memory_space<vmem>> -> memref<32x128xf32, #tpu.memory_space<vmem>>
      %dma_start3A_936 = arith.constant 8 : i32
      %dma_start3A_937 = arith.constant 0 : i32
      %dma_start3A_938 = tpu.memref_slice %dma_start3A_935[%dma_start3A_936, %dma_start3A_937] : memref<32x128xf32, #tpu.memory_space<vmem>> -> memref<8x128xf32, #tpu.memory_space<vmem>>
      tpu.enqueue_dma source(%dma_start3A_938 : memref<8x128xf32, #tpu.memory_space<vmem>>) target(%dma_start3A_931 : memref<8x128xf32, #tpu.memory_space<hbm>>) target_semaphore(%dma_start3A_927 : memref<!tpu.dma_semaphore, #tpu.memory_space<semaphore_mem>>)
      %dma_start3A_939 = arith.constant 2 : i32
      %dma_start3A_940 = arith.constant 2 : i32
      %dma_start3A_941 = arith.constant 2 : i32
      %dma_start3A_942 = arith.constant 0 : i32
      %dma_start3A_943 = arith.constant 0 : i32
      %dma_start3A_944 = tpu.memref_slice %arg7[%dma_start3A_939, %dma_start3A_942, %dma_start3A_943] : memref<4x32x128xf32, #tpu.memory_space<vmem>> -> memref<1x32x128xf32, #tpu.memory_space<vmem>>
      %dma_start3A_945 = tpu.memref_squeeze %dma_start3A_944 : memref<1x32x128xf32, #tpu.memory_space<vmem>> -> memref<32x128xf32, #tpu.memory_space<vmem>>
      %dma_start3A_946 = arith.constant 16 : i32
      %dma_start3A_947 = arith.constant 0 : i32
      %dma_start3A_948 = tpu.memref_slice %dma_start3A_945[%dma_start3A_946, %dma_start3A_947] : memref<32x128xf32, #tpu.memory_space<vmem>> -> memref<8x128xf32, #tpu.memory_space<vmem>>
      %dma_start3A_949 = arith.constant 0 : i32
      %dma_start3A_950 = arith.constant 0 : i32
      %dma_start3A_951 = tpu.memref_slice %arg4[%add3A_852, %dma_start3A_940, %add3A, %dma_start3A_949, %dma_start3A_950] : memref<200x4x32x8x128xf32, #tpu.memory_space<hbm>> -> memref<1x1x1x8x128xf32, #tpu.memory_space<hbm>>
      %dma_start3A_952 = tpu.memref_squeeze %dma_start3A_951 : memref<1x1x1x8x128xf32, #tpu.memory_space<hbm>> -> memref<8x128xf32, #tpu.memory_space<hbm>>
      %dma_start3A_953 = tpu.memref_slice %arg10[%dma_start3A_941] : memref<4x!tpu.dma_semaphore, #tpu.memory_space<semaphore_mem>> -> memref<1x!tpu.dma_semaphore, #tpu.memory_space<semaphore_mem>>
      %dma_start3A_954 = tpu.memref_squeeze %dma_start3A_953 : memref<1x!tpu.dma_semaphore, #tpu.memory_space<semaphore_mem>> -> memref<!tpu.dma_semaphore, #tpu.memory_space<semaphore_mem>>
      %dma_start3A_955 = arith.constant 0 : i32
      %dma_start3A_956 = arith.constant 0 : i32
      %dma_start3A_957 = tpu.memref_slice %arg4[%add3A_852, %dma_start3A_940, %add3A, %dma_start3A_955, %dma_start3A_956] : memref<200x4x32x8x128xf32, #tpu.memory_space<hbm>> -> memref<1x1x1x8x128xf32, #tpu.memory_space<hbm>>
      %dma_start3A_958 = tpu.memref_squeeze %dma_start3A_957 : memref<1x1x1x8x128xf32, #tpu.memory_space<hbm>> -> memref<8x128xf32, #tpu.memory_space<hbm>>
      %dma_start3A_959 = arith.constant 0 : i32
      %dma_start3A_960 = arith.constant 0 : i32
      %dma_start3A_961 = tpu.memref_slice %arg7[%dma_start3A_939, %dma_start3A_959, %dma_start3A_960] : memref<4x32x128xf32, #tpu.memory_space<vmem>> -> memref<1x32x128xf32, #tpu.memory_space<vmem>>
      %dma_start3A_962 = tpu.memref_squeeze %dma_start3A_961 : memref<1x32x128xf32, #tpu.memory_space<vmem>> -> memref<32x128xf32, #tpu.memory_space<vmem>>
      %dma_start3A_963 = arith.constant 16 : i32
      %dma_start3A_964 = arith.constant 0 : i32
      %dma_start3A_965 = tpu.memref_slice %dma_start3A_962[%dma_start3A_963, %dma_start3A_964] : memref<32x128xf32, #tpu.memory_space<vmem>> -> memref<8x128xf32, #tpu.memory_space<vmem>>
      tpu.enqueue_dma source(%dma_start3A_965 : memref<8x128xf32, #tpu.memory_space<vmem>>) target(%dma_start3A_958 : memref<8x128xf32, #tpu.memory_space<hbm>>) target_semaphore(%dma_start3A_954 : memref<!tpu.dma_semaphore, #tpu.memory_space<semaphore_mem>>)
      %dma_start3A_966 = arith.constant 2 : i32
      %dma_start3A_967 = arith.constant 3 : i32
      %dma_start3A_968 = arith.constant 2 : i32
      %dma_start3A_969 = arith.constant 0 : i32
      %dma_start3A_970 = arith.constant 0 : i32
      %dma_start3A_971 = tpu.memref_slice %arg7[%dma_start3A_966, %dma_start3A_969, %dma_start3A_970] : memref<4x32x128xf32, #tpu.memory_space<vmem>> -> memref<1x32x128xf32, #tpu.memory_space<vmem>>
      %dma_start3A_972 = tpu.memref_squeeze %dma_start3A_971 : memref<1x32x128xf32, #tpu.memory_space<vmem>> -> memref<32x128xf32, #tpu.memory_space<vmem>>
      %dma_start3A_973 = arith.constant 24 : i32
      %dma_start3A_974 = arith.constant 0 : i32
      %dma_start3A_975 = tpu.memref_slice %dma_start3A_972[%dma_start3A_973, %dma_start3A_974] : memref<32x128xf32, #tpu.memory_space<vmem>> -> memref<8x128xf32, #tpu.memory_space<vmem>>
      %dma_start3A_976 = arith.constant 0 : i32
      %dma_start3A_977 = arith.constant 0 : i32
      %dma_start3A_978 = tpu.memref_slice %arg4[%add3A_852, %dma_start3A_967, %add3A, %dma_start3A_976, %dma_start3A_977] : memref<200x4x32x8x128xf32, #tpu.memory_space<hbm>> -> memref<1x1x1x8x128xf32, #tpu.memory_space<hbm>>
      %dma_start3A_979 = tpu.memref_squeeze %dma_start3A_978 : memref<1x1x1x8x128xf32, #tpu.memory_space<hbm>> -> memref<8x128xf32, #tpu.memory_space<hbm>>
      %dma_start3A_980 = tpu.memref_slice %arg10[%dma_start3A_968] : memref<4x!tpu.dma_semaphore, #tpu.memory_space<semaphore_mem>> -> memref<1x!tpu.dma_semaphore, #tpu.memory_space<semaphore_mem>>
      %dma_start3A_981 = tpu.memref_squeeze %dma_start3A_980 : memref<1x!tpu.dma_semaphore, #tpu.memory_space<semaphore_mem>> -> memref<!tpu.dma_semaphore, #tpu.memory_space<semaphore_mem>>
      %dma_start3A_982 = arith.constant 0 : i32
      %dma_start3A_983 = arith.constant 0 : i32
      %dma_start3A_984 = tpu.memref_slice %arg4[%add3A_852, %dma_start3A_967, %add3A, %dma_start3A_982, %dma_start3A_983] : memref<200x4x32x8x128xf32, #tpu.memory_space<hbm>> -> memref<1x1x1x8x128xf32, #tpu.memory_space<hbm>>
      %dma_start3A_985 = tpu.memref_squeeze %dma_start3A_984 : memref<1x1x1x8x128xf32, #tpu.memory_space<hbm>> -> memref<8x128xf32, #tpu.memory_space<hbm>>
      %dma_start3A_986 = arith.constant 0 : i32
      %dma_start3A_987 = arith.constant 0 : i32
      %dma_start3A_988 = tpu.memref_slice %arg7[%dma_start3A_966, %dma_start3A_986, %dma_start3A_987] : memref<4x32x128xf32, #tpu.memory_space<vmem>> -> memref<1x32x128xf32, #tpu.memory_space<vmem>>
      %dma_start3A_989 = tpu.memref_squeeze %dma_start3A_988 : memref<1x32x128xf32, #tpu.memory_space<vmem>> -> memref<32x128xf32, #tpu.memory_space<vmem>>
      %dma_start3A_990 = arith.constant 24 : i32
      %dma_start3A_991 = arith.constant 0 : i32
      %dma_start3A_992 = tpu.memref_slice %dma_start3A_989[%dma_start3A_990, %dma_start3A_991] : memref<32x128xf32, #tpu.memory_space<vmem>> -> memref<8x128xf32, #tpu.memory_space<vmem>>
      tpu.enqueue_dma source(%dma_start3A_992 : memref<8x128xf32, #tpu.memory_space<vmem>>) target(%dma_start3A_985 : memref<8x128xf32, #tpu.memory_space<hbm>>) target_semaphore(%dma_start3A_981 : memref<!tpu.dma_semaphore, #tpu.memory_space<semaphore_mem>>)
      %add3A_993 = arith.constant 4 : i32
      %add3A_994 = arith.addi %add3A_852, %add3A_993 : i32
      %lt3A_995 = arith.constant 200 : i32
      %lt3A_996 = arith.cmpi slt, %add3A_994, %lt3A_995 : i32
      %convert_element_type3A_997 = arith.extui %lt3A_996 : i1 to i32
      %cond3A_998 = arith.constant 0 : i32
      %cond3A_999 = arith.cmpi ne, %convert_element_type3A_997, %cond3A_998 : i32
      scf.if %cond3A_999 {
        %add3A_1151 = arith.constant 4 : i32
        %add3A_1152 = arith.addi %add3A_852, %add3A_1151 : i32
        %jit3A = arith.constant 8 : i32
        %div3A = arith.divsi %add3A_1152, %jit3A : i32
        %sign3A = arith.constant 0 : i32
        %sign3A_1153 = arith.cmpi sgt, %add3A_1152, %sign3A : i32
        %sign3A_1154 = arith.extui %sign3A_1153 : i1 to i32
        %sign3A_1155 = arith.constant 0 : i32
        %sign3A_1156 = arith.cmpi slt, %add3A_1152, %sign3A_1155 : i32
        %sign3A_1157 = arith.extui %sign3A_1156 : i1 to i32
        %sign3A_1158 = arith.subi %sign3A_1154, %sign3A_1157 : i32
        %sign3A_1159 = arith.constant 0 : i32
        %sign3A_1160 = arith.cmpi sgt, %jit3A, %sign3A_1159 : i32
        %sign3A_1161 = arith.extui %sign3A_1160 : i1 to i32
        %sign3A_1162 = arith.constant 0 : i32
        %sign3A_1163 = arith.cmpi slt, %jit3A, %sign3A_1162 : i32
        %sign3A_1164 = arith.extui %sign3A_1163 : i1 to i32
        %sign3A_1165 = arith.subi %sign3A_1161, %sign3A_1164 : i32
        %ne3A = arith.cmpi ne, %sign3A_1158, %sign3A_1165 : i32
        %rem3A = arith.remsi %add3A_1152, %jit3A : i32
        %ne3A_1166 = arith.constant 0 : i32
        %ne3A_1167 = arith.cmpi ne, %rem3A, %ne3A_1166 : i32
        %and3A_1168 = arith.andi %ne3A, %ne3A_1167 : i1
        %sub3A = arith.constant 1 : i32
        %sub3A_1169 = arith.subi %div3A, %sub3A : i32
        %select_n3A = arith.select %and3A_1168, %sub3A_1169, %div3A : i32
        %jit3A_1170 = arith.constant 8 : i32
        %eq3A = arith.constant 0 : i32
        %eq3A_1171 = arith.cmpi eq, %jit3A_1170, %eq3A : i32
        %jit3A_1172 = arith.constant 1 : i32
        %select_n3A_1173 = arith.select %eq3A_1171, %jit3A_1172, %jit3A_1170 : i32
        %rem3A_1174 = arith.remsi %add3A_1152, %select_n3A_1173 : i32
        %ne3A_1175 = arith.constant 0 : i32
        %ne3A_1176 = arith.cmpi ne, %rem3A_1174, %ne3A_1175 : i32
        %lt3A_1177 = arith.constant 0 : i32
        %lt3A_1178 = arith.cmpi slt, %rem3A_1174, %lt3A_1177 : i32
        %lt3A_1179 = arith.constant 0 : i32
        %lt3A_1180 = arith.cmpi slt, %select_n3A_1173, %lt3A_1179 : i32
        %ne3A_1181 = arith.xori %lt3A_1178, %lt3A_1180 : i1
        %and3A_1182 = arith.andi %ne3A_1181, %ne3A_1176 : i1
        %add3A_1183 = arith.addi %rem3A_1174, %select_n3A_1173 : i32
        %select_n3A_1184 = arith.select %and3A_1182, %add3A_1183, %rem3A_1174 : i32
        %dma_start3A_1185 = arith.constant 2 : i32
        %dma_start3A_1186 = arith.constant 2 : i32
        %dma_start3A_1187 = arith.constant 0 : i32
        %dma_start3A_1188 = arith.constant 0 : i32
        %dma_start3A_1189 = tpu.memref_slice %arg6[%dma_start3A_1185, %dma_start3A_1187, %dma_start3A_1188] : memref<4x128x32xf32, #tpu.memory_space<vmem>> -> memref<1x128x32xf32, #tpu.memory_space<vmem>>
        %dma_start3A_1190 = tpu.memref_squeeze %dma_start3A_1189 : memref<1x128x32xf32, #tpu.memory_space<vmem>> -> memref<128x32xf32, #tpu.memory_space<vmem>>
        %dma_start3A_1191 = arith.constant 0 : i32
        %dma_start3A_1192 = tpu.memref_slice %arg5[%select_n3A, %select_n3A_1184, %dma_start3A_1191] : memref<25x8x128xi32, #tpu.memory_space<vmem>> -> memref<1x1x128xi32, #tpu.memory_space<vmem>>
        %dma_start3A_1193 = tpu.memref_squeeze %dma_start3A_1192 : memref<1x1x128xi32, #tpu.memory_space<vmem>> -> memref<128xi32, #tpu.memory_space<vmem>>
        %dma_start3A_1194 = arith.constant 0 : i32
        %dma_start3A_1195 = arith.constant 0 : i32
        %dma_start3A_1196 = tpu.memref_slice %arg3[%dma_start3A_1194, %dma_start3A_1195] : memref<1000000x32xf32, #tpu.memory_space<hbm>> -> memref<1000000x32xf32, #tpu.memory_space<hbm>>
        %dma_start3A_1197 = tpu.memref_slice %arg9[%dma_start3A_1186] : memref<4x!tpu.dma_semaphore, #tpu.memory_space<semaphore_mem>> -> memref<1x!tpu.dma_semaphore, #tpu.memory_space<semaphore_mem>>
        %dma_start3A_1198 = tpu.memref_squeeze %dma_start3A_1197 : memref<1x!tpu.dma_semaphore, #tpu.memory_space<semaphore_mem>> -> memref<!tpu.dma_semaphore, #tpu.memory_space<semaphore_mem>>
        tpu.enqueue_indirect_dma source(%dma_start3A_1196 : memref<1000000x32xf32, #tpu.memory_space<hbm>>) target(%dma_start3A_1190 : memref<128x32xf32, #tpu.memory_space<vmem>>) offsets(%dma_start3A_1193 : memref<128xi32, #tpu.memory_space<vmem>>) semaphore(%dma_start3A_1198 : memref<!tpu.dma_semaphore, #tpu.memory_space<semaphore_mem>>)
      } else {
      }
      %mul3A_1000 = arith.constant 4 : i32
      %mul3A_1001 = arith.muli %scan3A_551, %mul3A_1000 : i32
      %add3A_1002 = arith.constant 3 : i32
      %add3A_1003 = arith.addi %mul3A_1001, %add3A_1002 : i32
      %dma_wait3A_1004 = arith.constant 0 : i32
      %dma_wait3A_1005 = arith.constant 0 : i32
      %dma_wait3A_1006 = arith.constant 3 : i32
      %dma_wait3A_1007 = arith.constant 3 : i32
      %dma_wait3A_1008 = arith.constant 0 : i32
      %dma_wait3A_1009 = arith.constant 0 : i32
      %dma_wait3A_1010 = tpu.memref_slice %arg6[%dma_wait3A_1006, %dma_wait3A_1008, %dma_wait3A_1009] : memref<4x128x32xf32, #tpu.memory_space<vmem>> -> memref<1x128x32xf32, #tpu.memory_space<vmem>>
      %dma_wait3A_1011 = tpu.memref_squeeze %dma_wait3A_1010 : memref<1x128x32xf32, #tpu.memory_space<vmem>> -> memref<128x32xf32, #tpu.memory_space<vmem>>
      %dma_wait3A_1012 = arith.constant 0 : i32
      %dma_wait3A_1013 = tpu.memref_slice %arg5[%dma_wait3A_1004, %dma_wait3A_1005, %dma_wait3A_1012] : memref<25x8x128xi32, #tpu.memory_space<vmem>> -> memref<1x1x128xi32, #tpu.memory_space<vmem>>
      %dma_wait3A_1014 = tpu.memref_squeeze %dma_wait3A_1013 : memref<1x1x128xi32, #tpu.memory_space<vmem>> -> memref<128xi32, #tpu.memory_space<vmem>>
      %dma_wait3A_1015 = arith.constant 0 : i32
      %dma_wait3A_1016 = arith.constant 0 : i32
      %dma_wait3A_1017 = tpu.memref_slice %arg3[%dma_wait3A_1015, %dma_wait3A_1016] : memref<1000000x32xf32, #tpu.memory_space<hbm>> -> memref<1000000x32xf32, #tpu.memory_space<hbm>>
      %dma_wait3A_1018 = tpu.memref_slice %arg9[%dma_wait3A_1007] : memref<4x!tpu.dma_semaphore, #tpu.memory_space<semaphore_mem>> -> memref<1x!tpu.dma_semaphore, #tpu.memory_space<semaphore_mem>>
      %dma_wait3A_1019 = tpu.memref_squeeze %dma_wait3A_1018 : memref<1x!tpu.dma_semaphore, #tpu.memory_space<semaphore_mem>> -> memref<!tpu.dma_semaphore, #tpu.memory_space<semaphore_mem>>
      tpu.wait_indirect_dma semaphore(%dma_wait3A_1019 : memref<!tpu.dma_semaphore, #tpu.memory_space<semaphore_mem>>) src(%dma_wait3A_1017 : memref<1000000x32xf32, #tpu.memory_space<hbm>>) dst(%dma_wait3A_1011 : memref<128x32xf32, #tpu.memory_space<vmem>>)
      %gt3A_1020 = arith.constant 0 : i32
      %gt3A_1021 = arith.cmpi sgt, %scan3A_551, %gt3A_1020 : i32
      %convert_element_type3A_1022 = arith.extui %gt3A_1021 : i1 to i32
      %cond3A_1023 = arith.constant 0 : i32
      %cond3A_1024 = arith.cmpi ne, %convert_element_type3A_1022, %cond3A_1023 : i32
      scf.if %cond3A_1024 {
        %dma_wait3A_1151 = arith.constant 3 : i32
        %dma_wait3A_1152 = arith.constant 0 : i32
        %dma_wait3A_1153 = arith.constant 0 : i32
        %dma_wait3A_1154 = arith.constant 0 : i32
        %dma_wait3A_1155 = arith.constant 3 : i32
        %dma_wait3A_1156 = arith.constant 0 : i32
        %dma_wait3A_1157 = arith.constant 0 : i32
        %dma_wait3A_1158 = tpu.memref_slice %arg7[%dma_wait3A_1151, %dma_wait3A_1156, %dma_wait3A_1157] : memref<4x32x128xf32, #tpu.memory_space<vmem>> -> memref<1x32x128xf32, #tpu.memory_space<vmem>>
        %dma_wait3A_1159 = tpu.memref_squeeze %dma_wait3A_1158 : memref<1x32x128xf32, #tpu.memory_space<vmem>> -> memref<32x128xf32, #tpu.memory_space<vmem>>
        %dma_wait3A_1160 = arith.constant 0 : i32
        %dma_wait3A_1161 = arith.constant 0 : i32
        %dma_wait3A_1162 = tpu.memref_slice %dma_wait3A_1159[%dma_wait3A_1160, %dma_wait3A_1161] : memref<32x128xf32, #tpu.memory_space<vmem>> -> memref<8x128xf32, #tpu.memory_space<vmem>>
        %dma_wait3A_1163 = arith.constant 0 : i32
        %dma_wait3A_1164 = arith.constant 0 : i32
        %dma_wait3A_1165 = tpu.memref_slice %arg4[%dma_wait3A_1152, %dma_wait3A_1153, %dma_wait3A_1154, %dma_wait3A_1163, %dma_wait3A_1164] : memref<200x4x32x8x128xf32, #tpu.memory_space<hbm>> -> memref<1x1x1x8x128xf32, #tpu.memory_space<hbm>>
        %dma_wait3A_1166 = tpu.memref_squeeze %dma_wait3A_1165 : memref<1x1x1x8x128xf32, #tpu.memory_space<hbm>> -> memref<8x128xf32, #tpu.memory_space<hbm>>
        %dma_wait3A_1167 = tpu.memref_slice %arg10[%dma_wait3A_1155] : memref<4x!tpu.dma_semaphore, #tpu.memory_space<semaphore_mem>> -> memref<1x!tpu.dma_semaphore, #tpu.memory_space<semaphore_mem>>
        %dma_wait3A_1168 = tpu.memref_squeeze %dma_wait3A_1167 : memref<1x!tpu.dma_semaphore, #tpu.memory_space<semaphore_mem>> -> memref<!tpu.dma_semaphore, #tpu.memory_space<semaphore_mem>>
        %dma_wait3A_1169 = arith.constant 0 : i32
        %dma_wait3A_1170 = arith.constant 0 : i32
        %dma_wait3A_1171 = tpu.memref_slice %arg4[%dma_wait3A_1152, %dma_wait3A_1153, %dma_wait3A_1154, %dma_wait3A_1169, %dma_wait3A_1170] : memref<200x4x32x8x128xf32, #tpu.memory_space<hbm>> -> memref<1x1x1x8x128xf32, #tpu.memory_space<hbm>>
        %dma_wait3A_1172 = tpu.memref_squeeze %dma_wait3A_1171 : memref<1x1x1x8x128xf32, #tpu.memory_space<hbm>> -> memref<8x128xf32, #tpu.memory_space<hbm>>
        %dma_wait3A_1173 = arith.constant 0 : i32
        %dma_wait3A_1174 = arith.constant 0 : i32
        %dma_wait3A_1175 = tpu.memref_slice %arg7[%dma_wait3A_1151, %dma_wait3A_1173, %dma_wait3A_1174] : memref<4x32x128xf32, #tpu.memory_space<vmem>> -> memref<1x32x128xf32, #tpu.memory_space<vmem>>
        %dma_wait3A_1176 = tpu.memref_squeeze %dma_wait3A_1175 : memref<1x32x128xf32, #tpu.memory_space<vmem>> -> memref<32x128xf32, #tpu.memory_space<vmem>>
        %dma_wait3A_1177 = arith.constant 0 : i32
        %dma_wait3A_1178 = arith.constant 0 : i32
        %dma_wait3A_1179 = tpu.memref_slice %dma_wait3A_1176[%dma_wait3A_1177, %dma_wait3A_1178] : memref<32x128xf32, #tpu.memory_space<vmem>> -> memref<8x128xf32, #tpu.memory_space<vmem>>
        tpu.wait_dma2 semaphore(%dma_wait3A_1168 : memref<!tpu.dma_semaphore, #tpu.memory_space<semaphore_mem>>) src(%dma_wait3A_1179 : memref<8x128xf32, #tpu.memory_space<vmem>>) dst(%dma_wait3A_1172 : memref<8x128xf32, #tpu.memory_space<hbm>>)
        %dma_wait3A_1180 = arith.constant 3 : i32
        %dma_wait3A_1181 = arith.constant 0 : i32
        %dma_wait3A_1182 = arith.constant 1 : i32
        %dma_wait3A_1183 = arith.constant 0 : i32
        %dma_wait3A_1184 = arith.constant 3 : i32
        %dma_wait3A_1185 = arith.constant 0 : i32
        %dma_wait3A_1186 = arith.constant 0 : i32
        %dma_wait3A_1187 = tpu.memref_slice %arg7[%dma_wait3A_1180, %dma_wait3A_1185, %dma_wait3A_1186] : memref<4x32x128xf32, #tpu.memory_space<vmem>> -> memref<1x32x128xf32, #tpu.memory_space<vmem>>
        %dma_wait3A_1188 = tpu.memref_squeeze %dma_wait3A_1187 : memref<1x32x128xf32, #tpu.memory_space<vmem>> -> memref<32x128xf32, #tpu.memory_space<vmem>>
        %dma_wait3A_1189 = arith.constant 8 : i32
        %dma_wait3A_1190 = arith.constant 0 : i32
        %dma_wait3A_1191 = tpu.memref_slice %dma_wait3A_1188[%dma_wait3A_1189, %dma_wait3A_1190] : memref<32x128xf32, #tpu.memory_space<vmem>> -> memref<8x128xf32, #tpu.memory_space<vmem>>
        %dma_wait3A_1192 = arith.constant 0 : i32
        %dma_wait3A_1193 = arith.constant 0 : i32
        %dma_wait3A_1194 = tpu.memref_slice %arg4[%dma_wait3A_1181, %dma_wait3A_1182, %dma_wait3A_1183, %dma_wait3A_1192, %dma_wait3A_1193] : memref<200x4x32x8x128xf32, #tpu.memory_space<hbm>> -> memref<1x1x1x8x128xf32, #tpu.memory_space<hbm>>
        %dma_wait3A_1195 = tpu.memref_squeeze %dma_wait3A_1194 : memref<1x1x1x8x128xf32, #tpu.memory_space<hbm>> -> memref<8x128xf32, #tpu.memory_space<hbm>>
        %dma_wait3A_1196 = tpu.memref_slice %arg10[%dma_wait3A_1184] : memref<4x!tpu.dma_semaphore, #tpu.memory_space<semaphore_mem>> -> memref<1x!tpu.dma_semaphore, #tpu.memory_space<semaphore_mem>>
        %dma_wait3A_1197 = tpu.memref_squeeze %dma_wait3A_1196 : memref<1x!tpu.dma_semaphore, #tpu.memory_space<semaphore_mem>> -> memref<!tpu.dma_semaphore, #tpu.memory_space<semaphore_mem>>
        %dma_wait3A_1198 = arith.constant 0 : i32
        %dma_wait3A_1199 = arith.constant 0 : i32
        %dma_wait3A_1200 = tpu.memref_slice %arg4[%dma_wait3A_1181, %dma_wait3A_1182, %dma_wait3A_1183, %dma_wait3A_1198, %dma_wait3A_1199] : memref<200x4x32x8x128xf32, #tpu.memory_space<hbm>> -> memref<1x1x1x8x128xf32, #tpu.memory_space<hbm>>
        %dma_wait3A_1201 = tpu.memref_squeeze %dma_wait3A_1200 : memref<1x1x1x8x128xf32, #tpu.memory_space<hbm>> -> memref<8x128xf32, #tpu.memory_space<hbm>>
        %dma_wait3A_1202 = arith.constant 0 : i32
        %dma_wait3A_1203 = arith.constant 0 : i32
        %dma_wait3A_1204 = tpu.memref_slice %arg7[%dma_wait3A_1180, %dma_wait3A_1202, %dma_wait3A_1203] : memref<4x32x128xf32, #tpu.memory_space<vmem>> -> memref<1x32x128xf32, #tpu.memory_space<vmem>>
        %dma_wait3A_1205 = tpu.memref_squeeze %dma_wait3A_1204 : memref<1x32x128xf32, #tpu.memory_space<vmem>> -> memref<32x128xf32, #tpu.memory_space<vmem>>
        %dma_wait3A_1206 = arith.constant 8 : i32
        %dma_wait3A_1207 = arith.constant 0 : i32
        %dma_wait3A_1208 = tpu.memref_slice %dma_wait3A_1205[%dma_wait3A_1206, %dma_wait3A_1207] : memref<32x128xf32, #tpu.memory_space<vmem>> -> memref<8x128xf32, #tpu.memory_space<vmem>>
        tpu.wait_dma2 semaphore(%dma_wait3A_1197 : memref<!tpu.dma_semaphore, #tpu.memory_space<semaphore_mem>>) src(%dma_wait3A_1208 : memref<8x128xf32, #tpu.memory_space<vmem>>) dst(%dma_wait3A_1201 : memref<8x128xf32, #tpu.memory_space<hbm>>)
        %dma_wait3A_1209 = arith.constant 3 : i32
        %dma_wait3A_1210 = arith.constant 0 : i32
        %dma_wait3A_1211 = arith.constant 2 : i32
        %dma_wait3A_1212 = arith.constant 0 : i32
        %dma_wait3A_1213 = arith.constant 3 : i32
        %dma_wait3A_1214 = arith.constant 0 : i32
        %dma_wait3A_1215 = arith.constant 0 : i32
        %dma_wait3A_1216 = tpu.memref_slice %arg7[%dma_wait3A_1209, %dma_wait3A_1214, %dma_wait3A_1215] : memref<4x32x128xf32, #tpu.memory_space<vmem>> -> memref<1x32x128xf32, #tpu.memory_space<vmem>>
        %dma_wait3A_1217 = tpu.memref_squeeze %dma_wait3A_1216 : memref<1x32x128xf32, #tpu.memory_space<vmem>> -> memref<32x128xf32, #tpu.memory_space<vmem>>
        %dma_wait3A_1218 = arith.constant 16 : i32
        %dma_wait3A_1219 = arith.constant 0 : i32
        %dma_wait3A_1220 = tpu.memref_slice %dma_wait3A_1217[%dma_wait3A_1218, %dma_wait3A_1219] : memref<32x128xf32, #tpu.memory_space<vmem>> -> memref<8x128xf32, #tpu.memory_space<vmem>>
        %dma_wait3A_1221 = arith.constant 0 : i32
        %dma_wait3A_1222 = arith.constant 0 : i32
        %dma_wait3A_1223 = tpu.memref_slice %arg4[%dma_wait3A_1210, %dma_wait3A_1211, %dma_wait3A_1212, %dma_wait3A_1221, %dma_wait3A_1222] : memref<200x4x32x8x128xf32, #tpu.memory_space<hbm>> -> memref<1x1x1x8x128xf32, #tpu.memory_space<hbm>>
        %dma_wait3A_1224 = tpu.memref_squeeze %dma_wait3A_1223 : memref<1x1x1x8x128xf32, #tpu.memory_space<hbm>> -> memref<8x128xf32, #tpu.memory_space<hbm>>
        %dma_wait3A_1225 = tpu.memref_slice %arg10[%dma_wait3A_1213] : memref<4x!tpu.dma_semaphore, #tpu.memory_space<semaphore_mem>> -> memref<1x!tpu.dma_semaphore, #tpu.memory_space<semaphore_mem>>
        %dma_wait3A_1226 = tpu.memref_squeeze %dma_wait3A_1225 : memref<1x!tpu.dma_semaphore, #tpu.memory_space<semaphore_mem>> -> memref<!tpu.dma_semaphore, #tpu.memory_space<semaphore_mem>>
        %dma_wait3A_1227 = arith.constant 0 : i32
        %dma_wait3A_1228 = arith.constant 0 : i32
        %dma_wait3A_1229 = tpu.memref_slice %arg4[%dma_wait3A_1210, %dma_wait3A_1211, %dma_wait3A_1212, %dma_wait3A_1227, %dma_wait3A_1228] : memref<200x4x32x8x128xf32, #tpu.memory_space<hbm>> -> memref<1x1x1x8x128xf32, #tpu.memory_space<hbm>>
        %dma_wait3A_1230 = tpu.memref_squeeze %dma_wait3A_1229 : memref<1x1x1x8x128xf32, #tpu.memory_space<hbm>> -> memref<8x128xf32, #tpu.memory_space<hbm>>
        %dma_wait3A_1231 = arith.constant 0 : i32
        %dma_wait3A_1232 = arith.constant 0 : i32
        %dma_wait3A_1233 = tpu.memref_slice %arg7[%dma_wait3A_1209, %dma_wait3A_1231, %dma_wait3A_1232] : memref<4x32x128xf32, #tpu.memory_space<vmem>> -> memref<1x32x128xf32, #tpu.memory_space<vmem>>
        %dma_wait3A_1234 = tpu.memref_squeeze %dma_wait3A_1233 : memref<1x32x128xf32, #tpu.memory_space<vmem>> -> memref<32x128xf32, #tpu.memory_space<vmem>>
        %dma_wait3A_1235 = arith.constant 16 : i32
        %dma_wait3A_1236 = arith.constant 0 : i32
        %dma_wait3A_1237 = tpu.memref_slice %dma_wait3A_1234[%dma_wait3A_1235, %dma_wait3A_1236] : memref<32x128xf32, #tpu.memory_space<vmem>> -> memref<8x128xf32, #tpu.memory_space<vmem>>
        tpu.wait_dma2 semaphore(%dma_wait3A_1226 : memref<!tpu.dma_semaphore, #tpu.memory_space<semaphore_mem>>) src(%dma_wait3A_1237 : memref<8x128xf32, #tpu.memory_space<vmem>>) dst(%dma_wait3A_1230 : memref<8x128xf32, #tpu.memory_space<hbm>>)
        %dma_wait3A_1238 = arith.constant 3 : i32
        %dma_wait3A_1239 = arith.constant 0 : i32
        %dma_wait3A_1240 = arith.constant 3 : i32
        %dma_wait3A_1241 = arith.constant 0 : i32
        %dma_wait3A_1242 = arith.constant 3 : i32
        %dma_wait3A_1243 = arith.constant 0 : i32
        %dma_wait3A_1244 = arith.constant 0 : i32
        %dma_wait3A_1245 = tpu.memref_slice %arg7[%dma_wait3A_1238, %dma_wait3A_1243, %dma_wait3A_1244] : memref<4x32x128xf32, #tpu.memory_space<vmem>> -> memref<1x32x128xf32, #tpu.memory_space<vmem>>
        %dma_wait3A_1246 = tpu.memref_squeeze %dma_wait3A_1245 : memref<1x32x128xf32, #tpu.memory_space<vmem>> -> memref<32x128xf32, #tpu.memory_space<vmem>>
        %dma_wait3A_1247 = arith.constant 24 : i32
        %dma_wait3A_1248 = arith.constant 0 : i32
        %dma_wait3A_1249 = tpu.memref_slice %dma_wait3A_1246[%dma_wait3A_1247, %dma_wait3A_1248] : memref<32x128xf32, #tpu.memory_space<vmem>> -> memref<8x128xf32, #tpu.memory_space<vmem>>
        %dma_wait3A_1250 = arith.constant 0 : i32
        %dma_wait3A_1251 = arith.constant 0 : i32
        %dma_wait3A_1252 = tpu.memref_slice %arg4[%dma_wait3A_1239, %dma_wait3A_1240, %dma_wait3A_1241, %dma_wait3A_1250, %dma_wait3A_1251] : memref<200x4x32x8x128xf32, #tpu.memory_space<hbm>> -> memref<1x1x1x8x128xf32, #tpu.memory_space<hbm>>
        %dma_wait3A_1253 = tpu.memref_squeeze %dma_wait3A_1252 : memref<1x1x1x8x128xf32, #tpu.memory_space<hbm>> -> memref<8x128xf32, #tpu.memory_space<hbm>>
        %dma_wait3A_1254 = tpu.memref_slice %arg10[%dma_wait3A_1242] : memref<4x!tpu.dma_semaphore, #tpu.memory_space<semaphore_mem>> -> memref<1x!tpu.dma_semaphore, #tpu.memory_space<semaphore_mem>>
        %dma_wait3A_1255 = tpu.memref_squeeze %dma_wait3A_1254 : memref<1x!tpu.dma_semaphore, #tpu.memory_space<semaphore_mem>> -> memref<!tpu.dma_semaphore, #tpu.memory_space<semaphore_mem>>
        %dma_wait3A_1256 = arith.constant 0 : i32
        %dma_wait3A_1257 = arith.constant 0 : i32
        %dma_wait3A_1258 = tpu.memref_slice %arg4[%dma_wait3A_1239, %dma_wait3A_1240, %dma_wait3A_1241, %dma_wait3A_1256, %dma_wait3A_1257] : memref<200x4x32x8x128xf32, #tpu.memory_space<hbm>> -> memref<1x1x1x8x128xf32, #tpu.memory_space<hbm>>
        %dma_wait3A_1259 = tpu.memref_squeeze %dma_wait3A_1258 : memref<1x1x1x8x128xf32, #tpu.memory_space<hbm>> -> memref<8x128xf32, #tpu.memory_space<hbm>>
        %dma_wait3A_1260 = arith.constant 0 : i32
        %dma_wait3A_1261 = arith.constant 0 : i32
        %dma_wait3A_1262 = tpu.memref_slice %arg7[%dma_wait3A_1238, %dma_wait3A_1260, %dma_wait3A_1261] : memref<4x32x128xf32, #tpu.memory_space<vmem>> -> memref<1x32x128xf32, #tpu.memory_space<vmem>>
        %dma_wait3A_1263 = tpu.memref_squeeze %dma_wait3A_1262 : memref<1x32x128xf32, #tpu.memory_space<vmem>> -> memref<32x128xf32, #tpu.memory_space<vmem>>
        %dma_wait3A_1264 = arith.constant 24 : i32
        %dma_wait3A_1265 = arith.constant 0 : i32
        %dma_wait3A_1266 = tpu.memref_slice %dma_wait3A_1263[%dma_wait3A_1264, %dma_wait3A_1265] : memref<32x128xf32, #tpu.memory_space<vmem>> -> memref<8x128xf32, #tpu.memory_space<vmem>>
        tpu.wait_dma2 semaphore(%dma_wait3A_1255 : memref<!tpu.dma_semaphore, #tpu.memory_space<semaphore_mem>>) src(%dma_wait3A_1266 : memref<8x128xf32, #tpu.memory_space<vmem>>) dst(%dma_wait3A_1259 : memref<8x128xf32, #tpu.memory_space<hbm>>)
      } else {
      }
      %and3A_1025 = arith.constant 31 : i32
      %and3A_1026 = vector.broadcast %and3A_1025 : i32 to vector<16xi32>
      %and3A_1027 = arith.andi %iota3A, %and3A_1026 : vector<16xi32>
      %scan3A_1028 = arith.constant 3 : i32
      %scan3A_1029 = arith.constant 3 : i32
      %scan3A_1030 = arith.constant 0 : i32
      %scan3A_1031 = arith.constant 32 : i32
      %scan3A_1032 = arith.addi %scan3A_1030, %scan3A_1031 : i32
      %scan3A_1033 = arith.constant 1 : i32
      %scan3A_1034 = scf.for %scan3A_1151 = %scan3A_1030 to %scan3A_1032 step %scan3A_1033 iter_args(%scan3A_1152 = %and3A_1027) -> (vector<16xi32>)  : i32 {
        %add3A_1153 = arith.constant 0 : i32
        %add3A_1154 = vector.broadcast %add3A_1153 : i32 to vector<16xi32>
        %add3A_1155 = arith.addi %iota3A, %add3A_1154 : vector<16xi32>
        %gather3A = arith.constant 0 : i32
        %gather3A_1156 = arith.constant 0 : i32
        %gather3A_1157 = tpu.memref_slice %arg6[%scan3A_1028, %gather3A, %gather3A_1156] : memref<4x128x32xf32, #tpu.memory_space<vmem>> -> memref<1x128x32xf32, #tpu.memory_space<vmem>>
        %gather3A_1158 = tpu.memref_squeeze %gather3A_1157 : memref<1x128x32xf32, #tpu.memory_space<vmem>> -> memref<128x32xf32, #tpu.memory_space<vmem>>
        %gather3A_1159 = tpu.vector_load_idx %gather3A_1158[%add3A_1155, %scan3A_1152] : memref<128x32xf32, #tpu.memory_space<vmem>>[vector<16xi32>, vector<16xi32>], vector<16xf32>,
        %add3A_1160 = arith.constant 16 : i32
        %add3A_1161 = vector.broadcast %add3A_1160 : i32 to vector<16xi32>
        %add3A_1162 = arith.addi %iota3A, %add3A_1161 : vector<16xi32>
        %gather3A_1163 = arith.constant 0 : i32
        %gather3A_1164 = arith.constant 0 : i32
        %gather3A_1165 = tpu.memref_slice %arg6[%scan3A_1028, %gather3A_1163, %gather3A_1164] : memref<4x128x32xf32, #tpu.memory_space<vmem>> -> memref<1x128x32xf32, #tpu.memory_space<vmem>>
        %gather3A_1166 = tpu.memref_squeeze %gather3A_1165 : memref<1x128x32xf32, #tpu.memory_space<vmem>> -> memref<128x32xf32, #tpu.memory_space<vmem>>
        %gather3A_1167 = tpu.vector_load_idx %gather3A_1166[%add3A_1162, %scan3A_1152] : memref<128x32xf32, #tpu.memory_space<vmem>>[vector<16xi32>, vector<16xi32>], vector<16xf32>,
        %add3A_1168 = arith.constant 32 : i32
        %add3A_1169 = vector.broadcast %add3A_1168 : i32 to vector<16xi32>
        %add3A_1170 = arith.addi %iota3A, %add3A_1169 : vector<16xi32>
        %gather3A_1171 = arith.constant 0 : i32
        %gather3A_1172 = arith.constant 0 : i32
        %gather3A_1173 = tpu.memref_slice %arg6[%scan3A_1028, %gather3A_1171, %gather3A_1172] : memref<4x128x32xf32, #tpu.memory_space<vmem>> -> memref<1x128x32xf32, #tpu.memory_space<vmem>>
        %gather3A_1174 = tpu.memref_squeeze %gather3A_1173 : memref<1x128x32xf32, #tpu.memory_space<vmem>> -> memref<128x32xf32, #tpu.memory_space<vmem>>
        %gather3A_1175 = tpu.vector_load_idx %gather3A_1174[%add3A_1170, %scan3A_1152] : memref<128x32xf32, #tpu.memory_space<vmem>>[vector<16xi32>, vector<16xi32>], vector<16xf32>,
        %add3A_1176 = arith.constant 48 : i32
        %add3A_1177 = vector.broadcast %add3A_1176 : i32 to vector<16xi32>
        %add3A_1178 = arith.addi %iota3A, %add3A_1177 : vector<16xi32>
        %gather3A_1179 = arith.constant 0 : i32
        %gather3A_1180 = arith.constant 0 : i32
        %gather3A_1181 = tpu.memref_slice %arg6[%scan3A_1028, %gather3A_1179, %gather3A_1180] : memref<4x128x32xf32, #tpu.memory_space<vmem>> -> memref<1x128x32xf32, #tpu.memory_space<vmem>>
        %gather3A_1182 = tpu.memref_squeeze %gather3A_1181 : memref<1x128x32xf32, #tpu.memory_space<vmem>> -> memref<128x32xf32, #tpu.memory_space<vmem>>
        %gather3A_1183 = tpu.vector_load_idx %gather3A_1182[%add3A_1178, %scan3A_1152] : memref<128x32xf32, #tpu.memory_space<vmem>>[vector<16xi32>, vector<16xi32>], vector<16xf32>,
        %add3A_1184 = arith.constant 64 : i32
        %add3A_1185 = vector.broadcast %add3A_1184 : i32 to vector<16xi32>
        %add3A_1186 = arith.addi %iota3A, %add3A_1185 : vector<16xi32>
        %gather3A_1187 = arith.constant 0 : i32
        %gather3A_1188 = arith.constant 0 : i32
        %gather3A_1189 = tpu.memref_slice %arg6[%scan3A_1028, %gather3A_1187, %gather3A_1188] : memref<4x128x32xf32, #tpu.memory_space<vmem>> -> memref<1x128x32xf32, #tpu.memory_space<vmem>>
        %gather3A_1190 = tpu.memref_squeeze %gather3A_1189 : memref<1x128x32xf32, #tpu.memory_space<vmem>> -> memref<128x32xf32, #tpu.memory_space<vmem>>
        %gather3A_1191 = tpu.vector_load_idx %gather3A_1190[%add3A_1186, %scan3A_1152] : memref<128x32xf32, #tpu.memory_space<vmem>>[vector<16xi32>, vector<16xi32>], vector<16xf32>,
        %add3A_1192 = arith.constant 80 : i32
        %add3A_1193 = vector.broadcast %add3A_1192 : i32 to vector<16xi32>
        %add3A_1194 = arith.addi %iota3A, %add3A_1193 : vector<16xi32>
        %gather3A_1195 = arith.constant 0 : i32
        %gather3A_1196 = arith.constant 0 : i32
        %gather3A_1197 = tpu.memref_slice %arg6[%scan3A_1028, %gather3A_1195, %gather3A_1196] : memref<4x128x32xf32, #tpu.memory_space<vmem>> -> memref<1x128x32xf32, #tpu.memory_space<vmem>>
        %gather3A_1198 = tpu.memref_squeeze %gather3A_1197 : memref<1x128x32xf32, #tpu.memory_space<vmem>> -> memref<128x32xf32, #tpu.memory_space<vmem>>
        %gather3A_1199 = tpu.vector_load_idx %gather3A_1198[%add3A_1194, %scan3A_1152] : memref<128x32xf32, #tpu.memory_space<vmem>>[vector<16xi32>, vector<16xi32>], vector<16xf32>,
        %add3A_1200 = arith.constant 96 : i32
        %add3A_1201 = vector.broadcast %add3A_1200 : i32 to vector<16xi32>
        %add3A_1202 = arith.addi %iota3A, %add3A_1201 : vector<16xi32>
        %gather3A_1203 = arith.constant 0 : i32
        %gather3A_1204 = arith.constant 0 : i32
        %gather3A_1205 = tpu.memref_slice %arg6[%scan3A_1028, %gather3A_1203, %gather3A_1204] : memref<4x128x32xf32, #tpu.memory_space<vmem>> -> memref<1x128x32xf32, #tpu.memory_space<vmem>>
        %gather3A_1206 = tpu.memref_squeeze %gather3A_1205 : memref<1x128x32xf32, #tpu.memory_space<vmem>> -> memref<128x32xf32, #tpu.memory_space<vmem>>
        %gather3A_1207 = tpu.vector_load_idx %gather3A_1206[%add3A_1202, %scan3A_1152] : memref<128x32xf32, #tpu.memory_space<vmem>>[vector<16xi32>, vector<16xi32>], vector<16xf32>,
        %add3A_1208 = arith.constant 112 : i32
        %add3A_1209 = vector.broadcast %add3A_1208 : i32 to vector<16xi32>
        %add3A_1210 = arith.addi %iota3A, %add3A_1209 : vector<16xi32>
        %gather3A_1211 = arith.constant 0 : i32
        %gather3A_1212 = arith.constant 0 : i32
        %gather3A_1213 = tpu.memref_slice %arg6[%scan3A_1028, %gather3A_1211, %gather3A_1212] : memref<4x128x32xf32, #tpu.memory_space<vmem>> -> memref<1x128x32xf32, #tpu.memory_space<vmem>>
        %gather3A_1214 = tpu.memref_squeeze %gather3A_1213 : memref<1x128x32xf32, #tpu.memory_space<vmem>> -> memref<128x32xf32, #tpu.memory_space<vmem>>
        %gather3A_1215 = tpu.vector_load_idx %gather3A_1214[%add3A_1210, %scan3A_1152] : memref<128x32xf32, #tpu.memory_space<vmem>>[vector<16xi32>, vector<16xi32>], vector<16xf32>,
        %scatter3A = arith.constant 0 : i32
        %scatter3A_1216 = arith.constant 0 : i32
        %scatter3A_1217 = tpu.memref_slice %arg7[%scan3A_1029, %scatter3A, %scatter3A_1216] : memref<4x32x128xf32, #tpu.memory_space<vmem>> -> memref<1x32x128xf32, #tpu.memory_space<vmem>>
        %scatter3A_1218 = tpu.memref_squeeze %scatter3A_1217 : memref<1x32x128xf32, #tpu.memory_space<vmem>> -> memref<32x128xf32, #tpu.memory_space<vmem>>
        tpu.vector_store_idx %scatter3A_1218[%scan3A_1152, %add3A_1155], %gather3A_1159 : memref<32x128xf32, #tpu.memory_space<vmem>>[vector<16xi32>, vector<16xi32>], vector<16xf32>,
        %scatter3A_1219 = arith.constant 0 : i32
        %scatter3A_1220 = arith.constant 0 : i32
        %scatter3A_1221 = tpu.memref_slice %arg7[%scan3A_1029, %scatter3A_1219, %scatter3A_1220] : memref<4x32x128xf32, #tpu.memory_space<vmem>> -> memref<1x32x128xf32, #tpu.memory_space<vmem>>
        %scatter3A_1222 = tpu.memref_squeeze %scatter3A_1221 : memref<1x32x128xf32, #tpu.memory_space<vmem>> -> memref<32x128xf32, #tpu.memory_space<vmem>>
        tpu.vector_store_idx %scatter3A_1222[%scan3A_1152, %add3A_1162], %gather3A_1167 : memref<32x128xf32, #tpu.memory_space<vmem>>[vector<16xi32>, vector<16xi32>], vector<16xf32>,
        %scatter3A_1223 = arith.constant 0 : i32
        %scatter3A_1224 = arith.constant 0 : i32
        %scatter3A_1225 = tpu.memref_slice %arg7[%scan3A_1029, %scatter3A_1223, %scatter3A_1224] : memref<4x32x128xf32, #tpu.memory_space<vmem>> -> memref<1x32x128xf32, #tpu.memory_space<vmem>>
        %scatter3A_1226 = tpu.memref_squeeze %scatter3A_1225 : memref<1x32x128xf32, #tpu.memory_space<vmem>> -> memref<32x128xf32, #tpu.memory_space<vmem>>
        tpu.vector_store_idx %scatter3A_1226[%scan3A_1152, %add3A_1170], %gather3A_1175 : memref<32x128xf32, #tpu.memory_space<vmem>>[vector<16xi32>, vector<16xi32>], vector<16xf32>,
        %scatter3A_1227 = arith.constant 0 : i32
        %scatter3A_1228 = arith.constant 0 : i32
        %scatter3A_1229 = tpu.memref_slice %arg7[%scan3A_1029, %scatter3A_1227, %scatter3A_1228] : memref<4x32x128xf32, #tpu.memory_space<vmem>> -> memref<1x32x128xf32, #tpu.memory_space<vmem>>
        %scatter3A_1230 = tpu.memref_squeeze %scatter3A_1229 : memref<1x32x128xf32, #tpu.memory_space<vmem>> -> memref<32x128xf32, #tpu.memory_space<vmem>>
        tpu.vector_store_idx %scatter3A_1230[%scan3A_1152, %add3A_1178], %gather3A_1183 : memref<32x128xf32, #tpu.memory_space<vmem>>[vector<16xi32>, vector<16xi32>], vector<16xf32>,
        %scatter3A_1231 = arith.constant 0 : i32
        %scatter3A_1232 = arith.constant 0 : i32
        %scatter3A_1233 = tpu.memref_slice %arg7[%scan3A_1029, %scatter3A_1231, %scatter3A_1232] : memref<4x32x128xf32, #tpu.memory_space<vmem>> -> memref<1x32x128xf32, #tpu.memory_space<vmem>>
        %scatter3A_1234 = tpu.memref_squeeze %scatter3A_1233 : memref<1x32x128xf32, #tpu.memory_space<vmem>> -> memref<32x128xf32, #tpu.memory_space<vmem>>
        tpu.vector_store_idx %scatter3A_1234[%scan3A_1152, %add3A_1186], %gather3A_1191 : memref<32x128xf32, #tpu.memory_space<vmem>>[vector<16xi32>, vector<16xi32>], vector<16xf32>,
        %scatter3A_1235 = arith.constant 0 : i32
        %scatter3A_1236 = arith.constant 0 : i32
        %scatter3A_1237 = tpu.memref_slice %arg7[%scan3A_1029, %scatter3A_1235, %scatter3A_1236] : memref<4x32x128xf32, #tpu.memory_space<vmem>> -> memref<1x32x128xf32, #tpu.memory_space<vmem>>
        %scatter3A_1238 = tpu.memref_squeeze %scatter3A_1237 : memref<1x32x128xf32, #tpu.memory_space<vmem>> -> memref<32x128xf32, #tpu.memory_space<vmem>>
        tpu.vector_store_idx %scatter3A_1238[%scan3A_1152, %add3A_1194], %gather3A_1199 : memref<32x128xf32, #tpu.memory_space<vmem>>[vector<16xi32>, vector<16xi32>], vector<16xf32>,
        %scatter3A_1239 = arith.constant 0 : i32
        %scatter3A_1240 = arith.constant 0 : i32
        %scatter3A_1241 = tpu.memref_slice %arg7[%scan3A_1029, %scatter3A_1239, %scatter3A_1240] : memref<4x32x128xf32, #tpu.memory_space<vmem>> -> memref<1x32x128xf32, #tpu.memory_space<vmem>>
        %scatter3A_1242 = tpu.memref_squeeze %scatter3A_1241 : memref<1x32x128xf32, #tpu.memory_space<vmem>> -> memref<32x128xf32, #tpu.memory_space<vmem>>
        tpu.vector_store_idx %scatter3A_1242[%scan3A_1152, %add3A_1202], %gather3A_1207 : memref<32x128xf32, #tpu.memory_space<vmem>>[vector<16xi32>, vector<16xi32>], vector<16xf32>,
        %scatter3A_1243 = arith.constant 0 : i32
        %scatter3A_1244 = arith.constant 0 : i32
        %scatter3A_1245 = tpu.memref_slice %arg7[%scan3A_1029, %scatter3A_1243, %scatter3A_1244] : memref<4x32x128xf32, #tpu.memory_space<vmem>> -> memref<1x32x128xf32, #tpu.memory_space<vmem>>
        %scatter3A_1246 = tpu.memref_squeeze %scatter3A_1245 : memref<1x32x128xf32, #tpu.memory_space<vmem>> -> memref<32x128xf32, #tpu.memory_space<vmem>>
        tpu.vector_store_idx %scatter3A_1246[%scan3A_1152, %add3A_1210], %gather3A_1215 : memref<32x128xf32, #tpu.memory_space<vmem>>[vector<16xi32>, vector<16xi32>], vector<16xf32>,
        %add3A_1247 = arith.constant 1 : i32
        %add3A_1248 = vector.broadcast %add3A_1247 : i32 to vector<16xi32>
        %add3A_1249 = arith.addi %scan3A_1152, %add3A_1248 : vector<16xi32>
        %and3A_1250 = arith.constant 31 : i32
        %and3A_1251 = vector.broadcast %and3A_1250 : i32 to vector<16xi32>
        %and3A_1252 = arith.andi %add3A_1249, %and3A_1251 : vector<16xi32>
        scf.yield %and3A_1252 : vector<16xi32>
      }
      %scan3A_1035 = arith.constant 32 : i32
      %dma_start3A_1036 = arith.constant 3 : i32
      %dma_start3A_1037 = arith.constant 0 : i32
      %dma_start3A_1038 = arith.constant 3 : i32
      %dma_start3A_1039 = arith.constant 0 : i32
      %dma_start3A_1040 = arith.constant 0 : i32
      %dma_start3A_1041 = tpu.memref_slice %arg7[%dma_start3A_1036, %dma_start3A_1039, %dma_start3A_1040] : memref<4x32x128xf32, #tpu.memory_space<vmem>> -> memref<1x32x128xf32, #tpu.memory_space<vmem>>
      %dma_start3A_1042 = tpu.memref_squeeze %dma_start3A_1041 : memref<1x32x128xf32, #tpu.memory_space<vmem>> -> memref<32x128xf32, #tpu.memory_space<vmem>>
      %dma_start3A_1043 = arith.constant 0 : i32
      %dma_start3A_1044 = arith.constant 0 : i32
      %dma_start3A_1045 = tpu.memref_slice %dma_start3A_1042[%dma_start3A_1043, %dma_start3A_1044] : memref<32x128xf32, #tpu.memory_space<vmem>> -> memref<8x128xf32, #tpu.memory_space<vmem>>
      %dma_start3A_1046 = arith.constant 0 : i32
      %dma_start3A_1047 = arith.constant 0 : i32
      %dma_start3A_1048 = tpu.memref_slice %arg4[%add3A_1003, %dma_start3A_1037, %add3A, %dma_start3A_1046, %dma_start3A_1047] : memref<200x4x32x8x128xf32, #tpu.memory_space<hbm>> -> memref<1x1x1x8x128xf32, #tpu.memory_space<hbm>>
      %dma_start3A_1049 = tpu.memref_squeeze %dma_start3A_1048 : memref<1x1x1x8x128xf32, #tpu.memory_space<hbm>> -> memref<8x128xf32, #tpu.memory_space<hbm>>
      %dma_start3A_1050 = tpu.memref_slice %arg10[%dma_start3A_1038] : memref<4x!tpu.dma_semaphore, #tpu.memory_space<semaphore_mem>> -> memref<1x!tpu.dma_semaphore, #tpu.memory_space<semaphore_mem>>
      %dma_start3A_1051 = tpu.memref_squeeze %dma_start3A_1050 : memref<1x!tpu.dma_semaphore, #tpu.memory_space<semaphore_mem>> -> memref<!tpu.dma_semaphore, #tpu.memory_space<semaphore_mem>>
      %dma_start3A_1052 = arith.constant 0 : i32
      %dma_start3A_1053 = arith.constant 0 : i32
      %dma_start3A_1054 = tpu.memref_slice %arg4[%add3A_1003, %dma_start3A_1037, %add3A, %dma_start3A_1052, %dma_start3A_1053] : memref<200x4x32x8x128xf32, #tpu.memory_space<hbm>> -> memref<1x1x1x8x128xf32, #tpu.memory_space<hbm>>
      %dma_start3A_1055 = tpu.memref_squeeze %dma_start3A_1054 : memref<1x1x1x8x128xf32, #tpu.memory_space<hbm>> -> memref<8x128xf32, #tpu.memory_space<hbm>>
      %dma_start3A_1056 = arith.constant 0 : i32
      %dma_start3A_1057 = arith.constant 0 : i32
      %dma_start3A_1058 = tpu.memref_slice %arg7[%dma_start3A_1036, %dma_start3A_1056, %dma_start3A_1057] : memref<4x32x128xf32, #tpu.memory_space<vmem>> -> memref<1x32x128xf32, #tpu.memory_space<vmem>>
      %dma_start3A_1059 = tpu.memref_squeeze %dma_start3A_1058 : memref<1x32x128xf32, #tpu.memory_space<vmem>> -> memref<32x128xf32, #tpu.memory_space<vmem>>
      %dma_start3A_1060 = arith.constant 0 : i32
      %dma_start3A_1061 = arith.constant 0 : i32
      %dma_start3A_1062 = tpu.memref_slice %dma_start3A_1059[%dma_start3A_1060, %dma_start3A_1061] : memref<32x128xf32, #tpu.memory_space<vmem>> -> memref<8x128xf32, #tpu.memory_space<vmem>>
      tpu.enqueue_dma source(%dma_start3A_1062 : memref<8x128xf32, #tpu.memory_space<vmem>>) target(%dma_start3A_1055 : memref<8x128xf32, #tpu.memory_space<hbm>>) target_semaphore(%dma_start3A_1051 : memref<!tpu.dma_semaphore, #tpu.memory_space<semaphore_mem>>)
      %dma_start3A_1063 = arith.constant 3 : i32
      %dma_start3A_1064 = arith.constant 1 : i32
      %dma_start3A_1065 = arith.constant 3 : i32
      %dma_start3A_1066 = arith.constant 0 : i32
      %dma_start3A_1067 = arith.constant 0 : i32
      %dma_start3A_1068 = tpu.memref_slice %arg7[%dma_start3A_1063, %dma_start3A_1066, %dma_start3A_1067] : memref<4x32x128xf32, #tpu.memory_space<vmem>> -> memref<1x32x128xf32, #tpu.memory_space<vmem>>
      %dma_start3A_1069 = tpu.memref_squeeze %dma_start3A_1068 : memref<1x32x128xf32, #tpu.memory_space<vmem>> -> memref<32x128xf32, #tpu.memory_space<vmem>>
      %dma_start3A_1070 = arith.constant 8 : i32
      %dma_start3A_1071 = arith.constant 0 : i32
      %dma_start3A_1072 = tpu.memref_slice %dma_start3A_1069[%dma_start3A_1070, %dma_start3A_1071] : memref<32x128xf32, #tpu.memory_space<vmem>> -> memref<8x128xf32, #tpu.memory_space<vmem>>
      %dma_start3A_1073 = arith.constant 0 : i32
      %dma_start3A_1074 = arith.constant 0 : i32
      %dma_start3A_1075 = tpu.memref_slice %arg4[%add3A_1003, %dma_start3A_1064, %add3A, %dma_start3A_1073, %dma_start3A_1074] : memref<200x4x32x8x128xf32, #tpu.memory_space<hbm>> -> memref<1x1x1x8x128xf32, #tpu.memory_space<hbm>>
      %dma_start3A_1076 = tpu.memref_squeeze %dma_start3A_1075 : memref<1x1x1x8x128xf32, #tpu.memory_space<hbm>> -> memref<8x128xf32, #tpu.memory_space<hbm>>
      %dma_start3A_1077 = tpu.memref_slice %arg10[%dma_start3A_1065] : memref<4x!tpu.dma_semaphore, #tpu.memory_space<semaphore_mem>> -> memref<1x!tpu.dma_semaphore, #tpu.memory_space<semaphore_mem>>
      %dma_start3A_1078 = tpu.memref_squeeze %dma_start3A_1077 : memref<1x!tpu.dma_semaphore, #tpu.memory_space<semaphore_mem>> -> memref<!tpu.dma_semaphore, #tpu.memory_space<semaphore_mem>>
      %dma_start3A_1079 = arith.constant 0 : i32
      %dma_start3A_1080 = arith.constant 0 : i32
      %dma_start3A_1081 = tpu.memref_slice %arg4[%add3A_1003, %dma_start3A_1064, %add3A, %dma_start3A_1079, %dma_start3A_1080] : memref<200x4x32x8x128xf32, #tpu.memory_space<hbm>> -> memref<1x1x1x8x128xf32, #tpu.memory_space<hbm>>
      %dma_start3A_1082 = tpu.memref_squeeze %dma_start3A_1081 : memref<1x1x1x8x128xf32, #tpu.memory_space<hbm>> -> memref<8x128xf32, #tpu.memory_space<hbm>>
      %dma_start3A_1083 = arith.constant 0 : i32
      %dma_start3A_1084 = arith.constant 0 : i32
      %dma_start3A_1085 = tpu.memref_slice %arg7[%dma_start3A_1063, %dma_start3A_1083, %dma_start3A_1084] : memref<4x32x128xf32, #tpu.memory_space<vmem>> -> memref<1x32x128xf32, #tpu.memory_space<vmem>>
      %dma_start3A_1086 = tpu.memref_squeeze %dma_start3A_1085 : memref<1x32x128xf32, #tpu.memory_space<vmem>> -> memref<32x128xf32, #tpu.memory_space<vmem>>
      %dma_start3A_1087 = arith.constant 8 : i32
      %dma_start3A_1088 = arith.constant 0 : i32
      %dma_start3A_1089 = tpu.memref_slice %dma_start3A_1086[%dma_start3A_1087, %dma_start3A_1088] : memref<32x128xf32, #tpu.memory_space<vmem>> -> memref<8x128xf32, #tpu.memory_space<vmem>>
      tpu.enqueue_dma source(%dma_start3A_1089 : memref<8x128xf32, #tpu.memory_space<vmem>>) target(%dma_start3A_1082 : memref<8x128xf32, #tpu.memory_space<hbm>>) target_semaphore(%dma_start3A_1078 : memref<!tpu.dma_semaphore, #tpu.memory_space<semaphore_mem>>)
      %dma_start3A_1090 = arith.constant 3 : i32
      %dma_start3A_1091 = arith.constant 2 : i32
      %dma_start3A_1092 = arith.constant 3 : i32
      %dma_start3A_1093 = arith.constant 0 : i32
      %dma_start3A_1094 = arith.constant 0 : i32
      %dma_start3A_1095 = tpu.memref_slice %arg7[%dma_start3A_1090, %dma_start3A_1093, %dma_start3A_1094] : memref<4x32x128xf32, #tpu.memory_space<vmem>> -> memref<1x32x128xf32, #tpu.memory_space<vmem>>
      %dma_start3A_1096 = tpu.memref_squeeze %dma_start3A_1095 : memref<1x32x128xf32, #tpu.memory_space<vmem>> -> memref<32x128xf32, #tpu.memory_space<vmem>>
      %dma_start3A_1097 = arith.constant 16 : i32
      %dma_start3A_1098 = arith.constant 0 : i32
      %dma_start3A_1099 = tpu.memref_slice %dma_start3A_1096[%dma_start3A_1097, %dma_start3A_1098] : memref<32x128xf32, #tpu.memory_space<vmem>> -> memref<8x128xf32, #tpu.memory_space<vmem>>
      %dma_start3A_1100 = arith.constant 0 : i32
      %dma_start3A_1101 = arith.constant 0 : i32
      %dma_start3A_1102 = tpu.memref_slice %arg4[%add3A_1003, %dma_start3A_1091, %add3A, %dma_start3A_1100, %dma_start3A_1101] : memref<200x4x32x8x128xf32, #tpu.memory_space<hbm>> -> memref<1x1x1x8x128xf32, #tpu.memory_space<hbm>>
      %dma_start3A_1103 = tpu.memref_squeeze %dma_start3A_1102 : memref<1x1x1x8x128xf32, #tpu.memory_space<hbm>> -> memref<8x128xf32, #tpu.memory_space<hbm>>
      %dma_start3A_1104 = tpu.memref_slice %arg10[%dma_start3A_1092] : memref<4x!tpu.dma_semaphore, #tpu.memory_space<semaphore_mem>> -> memref<1x!tpu.dma_semaphore, #tpu.memory_space<semaphore_mem>>
      %dma_start3A_1105 = tpu.memref_squeeze %dma_start3A_1104 : memref<1x!tpu.dma_semaphore, #tpu.memory_space<semaphore_mem>> -> memref<!tpu.dma_semaphore, #tpu.memory_space<semaphore_mem>>
      %dma_start3A_1106 = arith.constant 0 : i32
      %dma_start3A_1107 = arith.constant 0 : i32
      %dma_start3A_1108 = tpu.memref_slice %arg4[%add3A_1003, %dma_start3A_1091, %add3A, %dma_start3A_1106, %dma_start3A_1107] : memref<200x4x32x8x128xf32, #tpu.memory_space<hbm>> -> memref<1x1x1x8x128xf32, #tpu.memory_space<hbm>>
      %dma_start3A_1109 = tpu.memref_squeeze %dma_start3A_1108 : memref<1x1x1x8x128xf32, #tpu.memory_space<hbm>> -> memref<8x128xf32, #tpu.memory_space<hbm>>
      %dma_start3A_1110 = arith.constant 0 : i32
      %dma_start3A_1111 = arith.constant 0 : i32
      %dma_start3A_1112 = tpu.memref_slice %arg7[%dma_start3A_1090, %dma_start3A_1110, %dma_start3A_1111] : memref<4x32x128xf32, #tpu.memory_space<vmem>> -> memref<1x32x128xf32, #tpu.memory_space<vmem>>
      %dma_start3A_1113 = tpu.memref_squeeze %dma_start3A_1112 : memref<1x32x128xf32, #tpu.memory_space<vmem>> -> memref<32x128xf32, #tpu.memory_space<vmem>>
      %dma_start3A_1114 = arith.constant 16 : i32
      %dma_start3A_1115 = arith.constant 0 : i32
      %dma_start3A_1116 = tpu.memref_slice %dma_start3A_1113[%dma_start3A_1114, %dma_start3A_1115] : memref<32x128xf32, #tpu.memory_space<vmem>> -> memref<8x128xf32, #tpu.memory_space<vmem>>
      tpu.enqueue_dma source(%dma_start3A_1116 : memref<8x128xf32, #tpu.memory_space<vmem>>) target(%dma_start3A_1109 : memref<8x128xf32, #tpu.memory_space<hbm>>) target_semaphore(%dma_start3A_1105 : memref<!tpu.dma_semaphore, #tpu.memory_space<semaphore_mem>>)
      %dma_start3A_1117 = arith.constant 3 : i32
      %dma_start3A_1118 = arith.constant 3 : i32
      %dma_start3A_1119 = arith.constant 3 : i32
      %dma_start3A_1120 = arith.constant 0 : i32
      %dma_start3A_1121 = arith.constant 0 : i32
      %dma_start3A_1122 = tpu.memref_slice %arg7[%dma_start3A_1117, %dma_start3A_1120, %dma_start3A_1121] : memref<4x32x128xf32, #tpu.memory_space<vmem>> -> memref<1x32x128xf32, #tpu.memory_space<vmem>>
      %dma_start3A_1123 = tpu.memref_squeeze %dma_start3A_1122 : memref<1x32x128xf32, #tpu.memory_space<vmem>> -> memref<32x128xf32, #tpu.memory_space<vmem>>
      %dma_start3A_1124 = arith.constant 24 : i32
      %dma_start3A_1125 = arith.constant 0 : i32
      %dma_start3A_1126 = tpu.memref_slice %dma_start3A_1123[%dma_start3A_1124, %dma_start3A_1125] : memref<32x128xf32, #tpu.memory_space<vmem>> -> memref<8x128xf32, #tpu.memory_space<vmem>>
      %dma_start3A_1127 = arith.constant 0 : i32
      %dma_start3A_1128 = arith.constant 0 : i32
      %dma_start3A_1129 = tpu.memref_slice %arg4[%add3A_1003, %dma_start3A_1118, %add3A, %dma_start3A_1127, %dma_start3A_1128] : memref<200x4x32x8x128xf32, #tpu.memory_space<hbm>> -> memref<1x1x1x8x128xf32, #tpu.memory_space<hbm>>
      %dma_start3A_1130 = tpu.memref_squeeze %dma_start3A_1129 : memref<1x1x1x8x128xf32, #tpu.memory_space<hbm>> -> memref<8x128xf32, #tpu.memory_space<hbm>>
      %dma_start3A_1131 = tpu.memref_slice %arg10[%dma_start3A_1119] : memref<4x!tpu.dma_semaphore, #tpu.memory_space<semaphore_mem>> -> memref<1x!tpu.dma_semaphore, #tpu.memory_space<semaphore_mem>>
      %dma_start3A_1132 = tpu.memref_squeeze %dma_start3A_1131 : memref<1x!tpu.dma_semaphore, #tpu.memory_space<semaphore_mem>> -> memref<!tpu.dma_semaphore, #tpu.memory_space<semaphore_mem>>
      %dma_start3A_1133 = arith.constant 0 : i32
      %dma_start3A_1134 = arith.constant 0 : i32
      %dma_start3A_1135 = tpu.memref_slice %arg4[%add3A_1003, %dma_start3A_1118, %add3A, %dma_start3A_1133, %dma_start3A_1134] : memref<200x4x32x8x128xf32, #tpu.memory_space<hbm>> -> memref<1x1x1x8x128xf32, #tpu.memory_space<hbm>>
      %dma_start3A_1136 = tpu.memref_squeeze %dma_start3A_1135 : memref<1x1x1x8x128xf32, #tpu.memory_space<hbm>> -> memref<8x128xf32, #tpu.memory_space<hbm>>
      %dma_start3A_1137 = arith.constant 0 : i32
      %dma_start3A_1138 = arith.constant 0 : i32
      %dma_start3A_1139 = tpu.memref_slice %arg7[%dma_start3A_1117, %dma_start3A_1137, %dma_start3A_1138] : memref<4x32x128xf32, #tpu.memory_space<vmem>> -> memref<1x32x128xf32, #tpu.memory_space<vmem>>
      %dma_start3A_1140 = tpu.memref_squeeze %dma_start3A_1139 : memref<1x32x128xf32, #tpu.memory_space<vmem>> -> memref<32x128xf32, #tpu.memory_space<vmem>>
      %dma_start3A_1141 = arith.constant 24 : i32
      %dma_start3A_1142 = arith.constant 0 : i32
      %dma_start3A_1143 = tpu.memref_slice %dma_start3A_1140[%dma_start3A_1141, %dma_start3A_1142] : memref<32x128xf32, #tpu.memory_space<vmem>> -> memref<8x128xf32, #tpu.memory_space<vmem>>
      tpu.enqueue_dma source(%dma_start3A_1143 : memref<8x128xf32, #tpu.memory_space<vmem>>) target(%dma_start3A_1136 : memref<8x128xf32, #tpu.memory_space<hbm>>) target_semaphore(%dma_start3A_1132 : memref<!tpu.dma_semaphore, #tpu.memory_space<semaphore_mem>>)
      %add3A_1144 = arith.constant 4 : i32
      %add3A_1145 = arith.addi %add3A_1003, %add3A_1144 : i32
      %lt3A_1146 = arith.constant 200 : i32
      %lt3A_1147 = arith.cmpi slt, %add3A_1145, %lt3A_1146 : i32
      %convert_element_type3A_1148 = arith.extui %lt3A_1147 : i1 to i32
      %cond3A_1149 = arith.constant 0 : i32
      %cond3A_1150 = arith.cmpi ne, %convert_element_type3A_1148, %cond3A_1149 : i32
      scf.if %cond3A_1150 {
        %add3A_1151 = arith.constant 4 : i32
        %add3A_1152 = arith.addi %add3A_1003, %add3A_1151 : i32
        %jit3A = arith.constant 8 : i32
        %div3A = arith.divsi %add3A_1152, %jit3A : i32
        %sign3A = arith.constant 0 : i32
        %sign3A_1153 = arith.cmpi sgt, %add3A_1152, %sign3A : i32
        %sign3A_1154 = arith.extui %sign3A_1153 : i1 to i32
        %sign3A_1155 = arith.constant 0 : i32
        %sign3A_1156 = arith.cmpi slt, %add3A_1152, %sign3A_1155 : i32
        %sign3A_1157 = arith.extui %sign3A_1156 : i1 to i32
        %sign3A_1158 = arith.subi %sign3A_1154, %sign3A_1157 : i32
        %sign3A_1159 = arith.constant 0 : i32
        %sign3A_1160 = arith.cmpi sgt, %jit3A, %sign3A_1159 : i32
        %sign3A_1161 = arith.extui %sign3A_1160 : i1 to i32
        %sign3A_1162 = arith.constant 0 : i32
        %sign3A_1163 = arith.cmpi slt, %jit3A, %sign3A_1162 : i32
        %sign3A_1164 = arith.extui %sign3A_1163 : i1 to i32
        %sign3A_1165 = arith.subi %sign3A_1161, %sign3A_1164 : i32
        %ne3A = arith.cmpi ne, %sign3A_1158, %sign3A_1165 : i32
        %rem3A = arith.remsi %add3A_1152, %jit3A : i32
        %ne3A_1166 = arith.constant 0 : i32
        %ne3A_1167 = arith.cmpi ne, %rem3A, %ne3A_1166 : i32
        %and3A_1168 = arith.andi %ne3A, %ne3A_1167 : i1
        %sub3A = arith.constant 1 : i32
        %sub3A_1169 = arith.subi %div3A, %sub3A : i32
        %select_n3A = arith.select %and3A_1168, %sub3A_1169, %div3A : i32
        %jit3A_1170 = arith.constant 8 : i32
        %eq3A = arith.constant 0 : i32
        %eq3A_1171 = arith.cmpi eq, %jit3A_1170, %eq3A : i32
        %jit3A_1172 = arith.constant 1 : i32
        %select_n3A_1173 = arith.select %eq3A_1171, %jit3A_1172, %jit3A_1170 : i32
        %rem3A_1174 = arith.remsi %add3A_1152, %select_n3A_1173 : i32
        %ne3A_1175 = arith.constant 0 : i32
        %ne3A_1176 = arith.cmpi ne, %rem3A_1174, %ne3A_1175 : i32
        %lt3A_1177 = arith.constant 0 : i32
        %lt3A_1178 = arith.cmpi slt, %rem3A_1174, %lt3A_1177 : i32
        %lt3A_1179 = arith.constant 0 : i32
        %lt3A_1180 = arith.cmpi slt, %select_n3A_1173, %lt3A_1179 : i32
        %ne3A_1181 = arith.xori %lt3A_1178, %lt3A_1180 : i1
        %and3A_1182 = arith.andi %ne3A_1181, %ne3A_1176 : i1
        %add3A_1183 = arith.addi %rem3A_1174, %select_n3A_1173 : i32
        %select_n3A_1184 = arith.select %and3A_1182, %add3A_1183, %rem3A_1174 : i32
        %dma_start3A_1185 = arith.constant 3 : i32
        %dma_start3A_1186 = arith.constant 3 : i32
        %dma_start3A_1187 = arith.constant 0 : i32
        %dma_start3A_1188 = arith.constant 0 : i32
        %dma_start3A_1189 = tpu.memref_slice %arg6[%dma_start3A_1185, %dma_start3A_1187, %dma_start3A_1188] : memref<4x128x32xf32, #tpu.memory_space<vmem>> -> memref<1x128x32xf32, #tpu.memory_space<vmem>>
        %dma_start3A_1190 = tpu.memref_squeeze %dma_start3A_1189 : memref<1x128x32xf32, #tpu.memory_space<vmem>> -> memref<128x32xf32, #tpu.memory_space<vmem>>
        %dma_start3A_1191 = arith.constant 0 : i32
        %dma_start3A_1192 = tpu.memref_slice %arg5[%select_n3A, %select_n3A_1184, %dma_start3A_1191] : memref<25x8x128xi32, #tpu.memory_space<vmem>> -> memref<1x1x128xi32, #tpu.memory_space<vmem>>
        %dma_start3A_1193 = tpu.memref_squeeze %dma_start3A_1192 : memref<1x1x128xi32, #tpu.memory_space<vmem>> -> memref<128xi32, #tpu.memory_space<vmem>>
        %dma_start3A_1194 = arith.constant 0 : i32
        %dma_start3A_1195 = arith.constant 0 : i32
        %dma_start3A_1196 = tpu.memref_slice %arg3[%dma_start3A_1194, %dma_start3A_1195] : memref<1000000x32xf32, #tpu.memory_space<hbm>> -> memref<1000000x32xf32, #tpu.memory_space<hbm>>
        %dma_start3A_1197 = tpu.memref_slice %arg9[%dma_start3A_1186] : memref<4x!tpu.dma_semaphore, #tpu.memory_space<semaphore_mem>> -> memref<1x!tpu.dma_semaphore, #tpu.memory_space<semaphore_mem>>
        %dma_start3A_1198 = tpu.memref_squeeze %dma_start3A_1197 : memref<1x!tpu.dma_semaphore, #tpu.memory_space<semaphore_mem>> -> memref<!tpu.dma_semaphore, #tpu.memory_space<semaphore_mem>>
        tpu.enqueue_indirect_dma source(%dma_start3A_1196 : memref<1000000x32xf32, #tpu.memory_space<hbm>>) target(%dma_start3A_1190 : memref<128x32xf32, #tpu.memory_space<vmem>>) offsets(%dma_start3A_1193 : memref<128xi32, #tpu.memory_space<vmem>>) semaphore(%dma_start3A_1198 : memref<!tpu.dma_semaphore, #tpu.memory_space<semaphore_mem>>)
      } else {
      }
    }
    %scan3A_86 = arith.constant 50 : i32
    %dma_wait3A_87 = arith.constant 0 : i32
    %dma_wait3A_88 = arith.constant 0 : i32
    %dma_wait3A_89 = arith.constant 0 : i32
    %dma_wait3A_90 = arith.constant 0 : i32
    %dma_wait3A_91 = arith.constant 0 : i32
    %dma_wait3A_92 = arith.constant 0 : i32
    %dma_wait3A_93 = arith.constant 0 : i32
    %dma_wait3A_94 = tpu.memref_slice %arg7[%dma_wait3A_87, %dma_wait3A_92, %dma_wait3A_93] : memref<4x32x128xf32, #tpu.memory_space<vmem>> -> memref<1x32x128xf32, #tpu.memory_space<vmem>>
    %dma_wait3A_95 = tpu.memref_squeeze %dma_wait3A_94 : memref<1x32x128xf32, #tpu.memory_space<vmem>> -> memref<32x128xf32, #tpu.memory_space<vmem>>
    %dma_wait3A_96 = arith.constant 0 : i32
    %dma_wait3A_97 = arith.constant 0 : i32
    %dma_wait3A_98 = tpu.memref_slice %dma_wait3A_95[%dma_wait3A_96, %dma_wait3A_97] : memref<32x128xf32, #tpu.memory_space<vmem>> -> memref<8x128xf32, #tpu.memory_space<vmem>>
    %dma_wait3A_99 = arith.constant 0 : i32
    %dma_wait3A_100 = arith.constant 0 : i32
    %dma_wait3A_101 = tpu.memref_slice %arg4[%dma_wait3A_88, %dma_wait3A_89, %dma_wait3A_90, %dma_wait3A_99, %dma_wait3A_100] : memref<200x4x32x8x128xf32, #tpu.memory_space<hbm>> -> memref<1x1x1x8x128xf32, #tpu.memory_space<hbm>>
    %dma_wait3A_102 = tpu.memref_squeeze %dma_wait3A_101 : memref<1x1x1x8x128xf32, #tpu.memory_space<hbm>> -> memref<8x128xf32, #tpu.memory_space<hbm>>
    %dma_wait3A_103 = tpu.memref_slice %arg10[%dma_wait3A_91] : memref<4x!tpu.dma_semaphore, #tpu.memory_space<semaphore_mem>> -> memref<1x!tpu.dma_semaphore, #tpu.memory_space<semaphore_mem>>
    %dma_wait3A_104 = tpu.memref_squeeze %dma_wait3A_103 : memref<1x!tpu.dma_semaphore, #tpu.memory_space<semaphore_mem>> -> memref<!tpu.dma_semaphore, #tpu.memory_space<semaphore_mem>>
    %dma_wait3A_105 = arith.constant 0 : i32
    %dma_wait3A_106 = arith.constant 0 : i32
    %dma_wait3A_107 = tpu.memref_slice %arg4[%dma_wait3A_88, %dma_wait3A_89, %dma_wait3A_90, %dma_wait3A_105, %dma_wait3A_106] : memref<200x4x32x8x128xf32, #tpu.memory_space<hbm>> -> memref<1x1x1x8x128xf32, #tpu.memory_space<hbm>>
    %dma_wait3A_108 = tpu.memref_squeeze %dma_wait3A_107 : memref<1x1x1x8x128xf32, #tpu.memory_space<hbm>> -> memref<8x128xf32, #tpu.memory_space<hbm>>
    %dma_wait3A_109 = arith.constant 0 : i32
    %dma_wait3A_110 = arith.constant 0 : i32
    %dma_wait3A_111 = tpu.memref_slice %arg7[%dma_wait3A_87, %dma_wait3A_109, %dma_wait3A_110] : memref<4x32x128xf32, #tpu.memory_space<vmem>> -> memref<1x32x128xf32, #tpu.memory_space<vmem>>
    %dma_wait3A_112 = tpu.memref_squeeze %dma_wait3A_111 : memref<1x32x128xf32, #tpu.memory_space<vmem>> -> memref<32x128xf32, #tpu.memory_space<vmem>>
    %dma_wait3A_113 = arith.constant 0 : i32
    %dma_wait3A_114 = arith.constant 0 : i32
    %dma_wait3A_115 = tpu.memref_slice %dma_wait3A_112[%dma_wait3A_113, %dma_wait3A_114] : memref<32x128xf32, #tpu.memory_space<vmem>> -> memref<8x128xf32, #tpu.memory_space<vmem>>
    tpu.wait_dma2 semaphore(%dma_wait3A_104 : memref<!tpu.dma_semaphore, #tpu.memory_space<semaphore_mem>>) src(%dma_wait3A_115 : memref<8x128xf32, #tpu.memory_space<vmem>>) dst(%dma_wait3A_108 : memref<8x128xf32, #tpu.memory_space<hbm>>)
    %dma_wait3A_116 = arith.constant 0 : i32
    %dma_wait3A_117 = arith.constant 0 : i32
    %dma_wait3A_118 = arith.constant 1 : i32
    %dma_wait3A_119 = arith.constant 0 : i32
    %dma_wait3A_120 = arith.constant 0 : i32
    %dma_wait3A_121 = arith.constant 0 : i32
    %dma_wait3A_122 = arith.constant 0 : i32
    %dma_wait3A_123 = tpu.memref_slice %arg7[%dma_wait3A_116, %dma_wait3A_121, %dma_wait3A_122] : memref<4x32x128xf32, #tpu.memory_space<vmem>> -> memref<1x32x128xf32, #tpu.memory_space<vmem>>
    %dma_wait3A_124 = tpu.memref_squeeze %dma_wait3A_123 : memref<1x32x128xf32, #tpu.memory_space<vmem>> -> memref<32x128xf32, #tpu.memory_space<vmem>>
    %dma_wait3A_125 = arith.constant 8 : i32
    %dma_wait3A_126 = arith.constant 0 : i32
    %dma_wait3A_127 = tpu.memref_slice %dma_wait3A_124[%dma_wait3A_125, %dma_wait3A_126] : memref<32x128xf32, #tpu.memory_space<vmem>> -> memref<8x128xf32, #tpu.memory_space<vmem>>
    %dma_wait3A_128 = arith.constant 0 : i32
    %dma_wait3A_129 = arith.constant 0 : i32
    %dma_wait3A_130 = tpu.memref_slice %arg4[%dma_wait3A_117, %dma_wait3A_118, %dma_wait3A_119, %dma_wait3A_128, %dma_wait3A_129] : memref<200x4x32x8x128xf32, #tpu.memory_space<hbm>> -> memref<1x1x1x8x128xf32, #tpu.memory_space<hbm>>
    %dma_wait3A_131 = tpu.memref_squeeze %dma_wait3A_130 : memref<1x1x1x8x128xf32, #tpu.memory_space<hbm>> -> memref<8x128xf32, #tpu.memory_space<hbm>>
    %dma_wait3A_132 = tpu.memref_slice %arg10[%dma_wait3A_120] : memref<4x!tpu.dma_semaphore, #tpu.memory_space<semaphore_mem>> -> memref<1x!tpu.dma_semaphore, #tpu.memory_space<semaphore_mem>>
    %dma_wait3A_133 = tpu.memref_squeeze %dma_wait3A_132 : memref<1x!tpu.dma_semaphore, #tpu.memory_space<semaphore_mem>> -> memref<!tpu.dma_semaphore, #tpu.memory_space<semaphore_mem>>
    %dma_wait3A_134 = arith.constant 0 : i32
    %dma_wait3A_135 = arith.constant 0 : i32
    %dma_wait3A_136 = tpu.memref_slice %arg4[%dma_wait3A_117, %dma_wait3A_118, %dma_wait3A_119, %dma_wait3A_134, %dma_wait3A_135] : memref<200x4x32x8x128xf32, #tpu.memory_space<hbm>> -> memref<1x1x1x8x128xf32, #tpu.memory_space<hbm>>
    %dma_wait3A_137 = tpu.memref_squeeze %dma_wait3A_136 : memref<1x1x1x8x128xf32, #tpu.memory_space<hbm>> -> memref<8x128xf32, #tpu.memory_space<hbm>>
    %dma_wait3A_138 = arith.constant 0 : i32
    %dma_wait3A_139 = arith.constant 0 : i32
    %dma_wait3A_140 = tpu.memref_slice %arg7[%dma_wait3A_116, %dma_wait3A_138, %dma_wait3A_139] : memref<4x32x128xf32, #tpu.memory_space<vmem>> -> memref<1x32x128xf32, #tpu.memory_space<vmem>>
    %dma_wait3A_141 = tpu.memref_squeeze %dma_wait3A_140 : memref<1x32x128xf32, #tpu.memory_space<vmem>> -> memref<32x128xf32, #tpu.memory_space<vmem>>
    %dma_wait3A_142 = arith.constant 8 : i32
    %dma_wait3A_143 = arith.constant 0 : i32
    %dma_wait3A_144 = tpu.memref_slice %dma_wait3A_141[%dma_wait3A_142, %dma_wait3A_143] : memref<32x128xf32, #tpu.memory_space<vmem>> -> memref<8x128xf32, #tpu.memory_space<vmem>>
    tpu.wait_dma2 semaphore(%dma_wait3A_133 : memref<!tpu.dma_semaphore, #tpu.memory_space<semaphore_mem>>) src(%dma_wait3A_144 : memref<8x128xf32, #tpu.memory_space<vmem>>) dst(%dma_wait3A_137 : memref<8x128xf32, #tpu.memory_space<hbm>>)
    %dma_wait3A_145 = arith.constant 0 : i32
    %dma_wait3A_146 = arith.constant 0 : i32
    %dma_wait3A_147 = arith.constant 2 : i32
    %dma_wait3A_148 = arith.constant 0 : i32
    %dma_wait3A_149 = arith.constant 0 : i32
    %dma_wait3A_150 = arith.constant 0 : i32
    %dma_wait3A_151 = arith.constant 0 : i32
    %dma_wait3A_152 = tpu.memref_slice %arg7[%dma_wait3A_145, %dma_wait3A_150, %dma_wait3A_151] : memref<4x32x128xf32, #tpu.memory_space<vmem>> -> memref<1x32x128xf32, #tpu.memory_space<vmem>>
    %dma_wait3A_153 = tpu.memref_squeeze %dma_wait3A_152 : memref<1x32x128xf32, #tpu.memory_space<vmem>> -> memref<32x128xf32, #tpu.memory_space<vmem>>
    %dma_wait3A_154 = arith.constant 16 : i32
    %dma_wait3A_155 = arith.constant 0 : i32
    %dma_wait3A_156 = tpu.memref_slice %dma_wait3A_153[%dma_wait3A_154, %dma_wait3A_155] : memref<32x128xf32, #tpu.memory_space<vmem>> -> memref<8x128xf32, #tpu.memory_space<vmem>>
    %dma_wait3A_157 = arith.constant 0 : i32
    %dma_wait3A_158 = arith.constant 0 : i32
    %dma_wait3A_159 = tpu.memref_slice %arg4[%dma_wait3A_146, %dma_wait3A_147, %dma_wait3A_148, %dma_wait3A_157, %dma_wait3A_158] : memref<200x4x32x8x128xf32, #tpu.memory_space<hbm>> -> memref<1x1x1x8x128xf32, #tpu.memory_space<hbm>>
    %dma_wait3A_160 = tpu.memref_squeeze %dma_wait3A_159 : memref<1x1x1x8x128xf32, #tpu.memory_space<hbm>> -> memref<8x128xf32, #tpu.memory_space<hbm>>
    %dma_wait3A_161 = tpu.memref_slice %arg10[%dma_wait3A_149] : memref<4x!tpu.dma_semaphore, #tpu.memory_space<semaphore_mem>> -> memref<1x!tpu.dma_semaphore, #tpu.memory_space<semaphore_mem>>
    %dma_wait3A_162 = tpu.memref_squeeze %dma_wait3A_161 : memref<1x!tpu.dma_semaphore, #tpu.memory_space<semaphore_mem>> -> memref<!tpu.dma_semaphore, #tpu.memory_space<semaphore_mem>>
    %dma_wait3A_163 = arith.constant 0 : i32
    %dma_wait3A_164 = arith.constant 0 : i32
    %dma_wait3A_165 = tpu.memref_slice %arg4[%dma_wait3A_146, %dma_wait3A_147, %dma_wait3A_148, %dma_wait3A_163, %dma_wait3A_164] : memref<200x4x32x8x128xf32, #tpu.memory_space<hbm>> -> memref<1x1x1x8x128xf32, #tpu.memory_space<hbm>>
    %dma_wait3A_166 = tpu.memref_squeeze %dma_wait3A_165 : memref<1x1x1x8x128xf32, #tpu.memory_space<hbm>> -> memref<8x128xf32, #tpu.memory_space<hbm>>
    %dma_wait3A_167 = arith.constant 0 : i32
    %dma_wait3A_168 = arith.constant 0 : i32
    %dma_wait3A_169 = tpu.memref_slice %arg7[%dma_wait3A_145, %dma_wait3A_167, %dma_wait3A_168] : memref<4x32x128xf32, #tpu.memory_space<vmem>> -> memref<1x32x128xf32, #tpu.memory_space<vmem>>
    %dma_wait3A_170 = tpu.memref_squeeze %dma_wait3A_169 : memref<1x32x128xf32, #tpu.memory_space<vmem>> -> memref<32x128xf32, #tpu.memory_space<vmem>>
    %dma_wait3A_171 = arith.constant 16 : i32
    %dma_wait3A_172 = arith.constant 0 : i32
    %dma_wait3A_173 = tpu.memref_slice %dma_wait3A_170[%dma_wait3A_171, %dma_wait3A_172] : memref<32x128xf32, #tpu.memory_space<vmem>> -> memref<8x128xf32, #tpu.memory_space<vmem>>
    tpu.wait_dma2 semaphore(%dma_wait3A_162 : memref<!tpu.dma_semaphore, #tpu.memory_space<semaphore_mem>>) src(%dma_wait3A_173 : memref<8x128xf32, #tpu.memory_space<vmem>>) dst(%dma_wait3A_166 : memref<8x128xf32, #tpu.memory_space<hbm>>)
    %dma_wait3A_174 = arith.constant 0 : i32
    %dma_wait3A_175 = arith.constant 0 : i32
    %dma_wait3A_176 = arith.constant 3 : i32
    %dma_wait3A_177 = arith.constant 0 : i32
    %dma_wait3A_178 = arith.constant 0 : i32
    %dma_wait3A_179 = arith.constant 0 : i32
    %dma_wait3A_180 = arith.constant 0 : i32
    %dma_wait3A_181 = tpu.memref_slice %arg7[%dma_wait3A_174, %dma_wait3A_179, %dma_wait3A_180] : memref<4x32x128xf32, #tpu.memory_space<vmem>> -> memref<1x32x128xf32, #tpu.memory_space<vmem>>
    %dma_wait3A_182 = tpu.memref_squeeze %dma_wait3A_181 : memref<1x32x128xf32, #tpu.memory_space<vmem>> -> memref<32x128xf32, #tpu.memory_space<vmem>>
    %dma_wait3A_183 = arith.constant 24 : i32
    %dma_wait3A_184 = arith.constant 0 : i32
    %dma_wait3A_185 = tpu.memref_slice %dma_wait3A_182[%dma_wait3A_183, %dma_wait3A_184] : memref<32x128xf32, #tpu.memory_space<vmem>> -> memref<8x128xf32, #tpu.memory_space<vmem>>
    %dma_wait3A_186 = arith.constant 0 : i32
    %dma_wait3A_187 = arith.constant 0 : i32
    %dma_wait3A_188 = tpu.memref_slice %arg4[%dma_wait3A_175, %dma_wait3A_176, %dma_wait3A_177, %dma_wait3A_186, %dma_wait3A_187] : memref<200x4x32x8x128xf32, #tpu.memory_space<hbm>> -> memref<1x1x1x8x128xf32, #tpu.memory_space<hbm>>
    %dma_wait3A_189 = tpu.memref_squeeze %dma_wait3A_188 : memref<1x1x1x8x128xf32, #tpu.memory_space<hbm>> -> memref<8x128xf32, #tpu.memory_space<hbm>>
    %dma_wait3A_190 = tpu.memref_slice %arg10[%dma_wait3A_178] : memref<4x!tpu.dma_semaphore, #tpu.memory_space<semaphore_mem>> -> memref<1x!tpu.dma_semaphore, #tpu.memory_space<semaphore_mem>>
    %dma_wait3A_191 = tpu.memref_squeeze %dma_wait3A_190 : memref<1x!tpu.dma_semaphore, #tpu.memory_space<semaphore_mem>> -> memref<!tpu.dma_semaphore, #tpu.memory_space<semaphore_mem>>
    %dma_wait3A_192 = arith.constant 0 : i32
    %dma_wait3A_193 = arith.constant 0 : i32
    %dma_wait3A_194 = tpu.memref_slice %arg4[%dma_wait3A_175, %dma_wait3A_176, %dma_wait3A_177, %dma_wait3A_192, %dma_wait3A_193] : memref<200x4x32x8x128xf32, #tpu.memory_space<hbm>> -> memref<1x1x1x8x128xf32, #tpu.memory_space<hbm>>
    %dma_wait3A_195 = tpu.memref_squeeze %dma_wait3A_194 : memref<1x1x1x8x128xf32, #tpu.memory_space<hbm>> -> memref<8x128xf32, #tpu.memory_space<hbm>>
    %dma_wait3A_196 = arith.constant 0 : i32
    %dma_wait3A_197 = arith.constant 0 : i32
    %dma_wait3A_198 = tpu.memref_slice %arg7[%dma_wait3A_174, %dma_wait3A_196, %dma_wait3A_197] : memref<4x32x128xf32, #tpu.memory_space<vmem>> -> memref<1x32x128xf32, #tpu.memory_space<vmem>>
    %dma_wait3A_199 = tpu.memref_squeeze %dma_wait3A_198 : memref<1x32x128xf32, #tpu.memory_space<vmem>> -> memref<32x128xf32, #tpu.memory_space<vmem>>
    %dma_wait3A_200 = arith.constant 24 : i32
    %dma_wait3A_201 = arith.constant 0 : i32
    %dma_wait3A_202 = tpu.memref_slice %dma_wait3A_199[%dma_wait3A_200, %dma_wait3A_201] : memref<32x128xf32, #tpu.memory_space<vmem>> -> memref<8x128xf32, #tpu.memory_space<vmem>>
    tpu.wait_dma2 semaphore(%dma_wait3A_191 : memref<!tpu.dma_semaphore, #tpu.memory_space<semaphore_mem>>) src(%dma_wait3A_202 : memref<8x128xf32, #tpu.memory_space<vmem>>) dst(%dma_wait3A_195 : memref<8x128xf32, #tpu.memory_space<hbm>>)
    %dma_wait3A_203 = arith.constant 1 : i32
    %dma_wait3A_204 = arith.constant 0 : i32
    %dma_wait3A_205 = arith.constant 0 : i32
    %dma_wait3A_206 = arith.constant 0 : i32
    %dma_wait3A_207 = arith.constant 1 : i32
    %dma_wait3A_208 = arith.constant 0 : i32
    %dma_wait3A_209 = arith.constant 0 : i32
    %dma_wait3A_210 = tpu.memref_slice %arg7[%dma_wait3A_203, %dma_wait3A_208, %dma_wait3A_209] : memref<4x32x128xf32, #tpu.memory_space<vmem>> -> memref<1x32x128xf32, #tpu.memory_space<vmem>>
    %dma_wait3A_211 = tpu.memref_squeeze %dma_wait3A_210 : memref<1x32x128xf32, #tpu.memory_space<vmem>> -> memref<32x128xf32, #tpu.memory_space<vmem>>
    %dma_wait3A_212 = arith.constant 0 : i32
    %dma_wait3A_213 = arith.constant 0 : i32
    %dma_wait3A_214 = tpu.memref_slice %dma_wait3A_211[%dma_wait3A_212, %dma_wait3A_213] : memref<32x128xf32, #tpu.memory_space<vmem>> -> memref<8x128xf32, #tpu.memory_space<vmem>>
    %dma_wait3A_215 = arith.constant 0 : i32
    %dma_wait3A_216 = arith.constant 0 : i32
    %dma_wait3A_217 = tpu.memref_slice %arg4[%dma_wait3A_204, %dma_wait3A_205, %dma_wait3A_206, %dma_wait3A_215, %dma_wait3A_216] : memref<200x4x32x8x128xf32, #tpu.memory_space<hbm>> -> memref<1x1x1x8x128xf32, #tpu.memory_space<hbm>>
    %dma_wait3A_218 = tpu.memref_squeeze %dma_wait3A_217 : memref<1x1x1x8x128xf32, #tpu.memory_space<hbm>> -> memref<8x128xf32, #tpu.memory_space<hbm>>
    %dma_wait3A_219 = tpu.memref_slice %arg10[%dma_wait3A_207] : memref<4x!tpu.dma_semaphore, #tpu.memory_space<semaphore_mem>> -> memref<1x!tpu.dma_semaphore, #tpu.memory_space<semaphore_mem>>
    %dma_wait3A_220 = tpu.memref_squeeze %dma_wait3A_219 : memref<1x!tpu.dma_semaphore, #tpu.memory_space<semaphore_mem>> -> memref<!tpu.dma_semaphore, #tpu.memory_space<semaphore_mem>>
    %dma_wait3A_221 = arith.constant 0 : i32
    %dma_wait3A_222 = arith.constant 0 : i32
    %dma_wait3A_223 = tpu.memref_slice %arg4[%dma_wait3A_204, %dma_wait3A_205, %dma_wait3A_206, %dma_wait3A_221, %dma_wait3A_222] : memref<200x4x32x8x128xf32, #tpu.memory_space<hbm>> -> memref<1x1x1x8x128xf32, #tpu.memory_space<hbm>>
    %dma_wait3A_224 = tpu.memref_squeeze %dma_wait3A_223 : memref<1x1x1x8x128xf32, #tpu.memory_space<hbm>> -> memref<8x128xf32, #tpu.memory_space<hbm>>
    %dma_wait3A_225 = arith.constant 0 : i32
    %dma_wait3A_226 = arith.constant 0 : i32
    %dma_wait3A_227 = tpu.memref_slice %arg7[%dma_wait3A_203, %dma_wait3A_225, %dma_wait3A_226] : memref<4x32x128xf32, #tpu.memory_space<vmem>> -> memref<1x32x128xf32, #tpu.memory_space<vmem>>
    %dma_wait3A_228 = tpu.memref_squeeze %dma_wait3A_227 : memref<1x32x128xf32, #tpu.memory_space<vmem>> -> memref<32x128xf32, #tpu.memory_space<vmem>>
    %dma_wait3A_229 = arith.constant 0 : i32
    %dma_wait3A_230 = arith.constant 0 : i32
    %dma_wait3A_231 = tpu.memref_slice %dma_wait3A_228[%dma_wait3A_229, %dma_wait3A_230] : memref<32x128xf32, #tpu.memory_space<vmem>> -> memref<8x128xf32, #tpu.memory_space<vmem>>
    tpu.wait_dma2 semaphore(%dma_wait3A_220 : memref<!tpu.dma_semaphore, #tpu.memory_space<semaphore_mem>>) src(%dma_wait3A_231 : memref<8x128xf32, #tpu.memory_space<vmem>>) dst(%dma_wait3A_224 : memref<8x128xf32, #tpu.memory_space<hbm>>)
    %dma_wait3A_232 = arith.constant 1 : i32
    %dma_wait3A_233 = arith.constant 0 : i32
    %dma_wait3A_234 = arith.constant 1 : i32
    %dma_wait3A_235 = arith.constant 0 : i32
    %dma_wait3A_236 = arith.constant 1 : i32
    %dma_wait3A_237 = arith.constant 0 : i32
    %dma_wait3A_238 = arith.constant 0 : i32
    %dma_wait3A_239 = tpu.memref_slice %arg7[%dma_wait3A_232, %dma_wait3A_237, %dma_wait3A_238] : memref<4x32x128xf32, #tpu.memory_space<vmem>> -> memref<1x32x128xf32, #tpu.memory_space<vmem>>
    %dma_wait3A_240 = tpu.memref_squeeze %dma_wait3A_239 : memref<1x32x128xf32, #tpu.memory_space<vmem>> -> memref<32x128xf32, #tpu.memory_space<vmem>>
    %dma_wait3A_241 = arith.constant 8 : i32
    %dma_wait3A_242 = arith.constant 0 : i32
    %dma_wait3A_243 = tpu.memref_slice %dma_wait3A_240[%dma_wait3A_241, %dma_wait3A_242] : memref<32x128xf32, #tpu.memory_space<vmem>> -> memref<8x128xf32, #tpu.memory_space<vmem>>
    %dma_wait3A_244 = arith.constant 0 : i32
    %dma_wait3A_245 = arith.constant 0 : i32
    %dma_wait3A_246 = tpu.memref_slice %arg4[%dma_wait3A_233, %dma_wait3A_234, %dma_wait3A_235, %dma_wait3A_244, %dma_wait3A_245] : memref<200x4x32x8x128xf32, #tpu.memory_space<hbm>> -> memref<1x1x1x8x128xf32, #tpu.memory_space<hbm>>
    %dma_wait3A_247 = tpu.memref_squeeze %dma_wait3A_246 : memref<1x1x1x8x128xf32, #tpu.memory_space<hbm>> -> memref<8x128xf32, #tpu.memory_space<hbm>>
    %dma_wait3A_248 = tpu.memref_slice %arg10[%dma_wait3A_236] : memref<4x!tpu.dma_semaphore, #tpu.memory_space<semaphore_mem>> -> memref<1x!tpu.dma_semaphore, #tpu.memory_space<semaphore_mem>>
    %dma_wait3A_249 = tpu.memref_squeeze %dma_wait3A_248 : memref<1x!tpu.dma_semaphore, #tpu.memory_space<semaphore_mem>> -> memref<!tpu.dma_semaphore, #tpu.memory_space<semaphore_mem>>
    %dma_wait3A_250 = arith.constant 0 : i32
    %dma_wait3A_251 = arith.constant 0 : i32
    %dma_wait3A_252 = tpu.memref_slice %arg4[%dma_wait3A_233, %dma_wait3A_234, %dma_wait3A_235, %dma_wait3A_250, %dma_wait3A_251] : memref<200x4x32x8x128xf32, #tpu.memory_space<hbm>> -> memref<1x1x1x8x128xf32, #tpu.memory_space<hbm>>
    %dma_wait3A_253 = tpu.memref_squeeze %dma_wait3A_252 : memref<1x1x1x8x128xf32, #tpu.memory_space<hbm>> -> memref<8x128xf32, #tpu.memory_space<hbm>>
    %dma_wait3A_254 = arith.constant 0 : i32
    %dma_wait3A_255 = arith.constant 0 : i32
    %dma_wait3A_256 = tpu.memref_slice %arg7[%dma_wait3A_232, %dma_wait3A_254, %dma_wait3A_255] : memref<4x32x128xf32, #tpu.memory_space<vmem>> -> memref<1x32x128xf32, #tpu.memory_space<vmem>>
    %dma_wait3A_257 = tpu.memref_squeeze %dma_wait3A_256 : memref<1x32x128xf32, #tpu.memory_space<vmem>> -> memref<32x128xf32, #tpu.memory_space<vmem>>
    %dma_wait3A_258 = arith.constant 8 : i32
    %dma_wait3A_259 = arith.constant 0 : i32
    %dma_wait3A_260 = tpu.memref_slice %dma_wait3A_257[%dma_wait3A_258, %dma_wait3A_259] : memref<32x128xf32, #tpu.memory_space<vmem>> -> memref<8x128xf32, #tpu.memory_space<vmem>>
    tpu.wait_dma2 semaphore(%dma_wait3A_249 : memref<!tpu.dma_semaphore, #tpu.memory_space<semaphore_mem>>) src(%dma_wait3A_260 : memref<8x128xf32, #tpu.memory_space<vmem>>) dst(%dma_wait3A_253 : memref<8x128xf32, #tpu.memory_space<hbm>>)
    %dma_wait3A_261 = arith.constant 1 : i32
    %dma_wait3A_262 = arith.constant 0 : i32
    %dma_wait3A_263 = arith.constant 2 : i32
    %dma_wait3A_264 = arith.constant 0 : i32
    %dma_wait3A_265 = arith.constant 1 : i32
    %dma_wait3A_266 = arith.constant 0 : i32
    %dma_wait3A_267 = arith.constant 0 : i32
    %dma_wait3A_268 = tpu.memref_slice %arg7[%dma_wait3A_261, %dma_wait3A_266, %dma_wait3A_267] : memref<4x32x128xf32, #tpu.memory_space<vmem>> -> memref<1x32x128xf32, #tpu.memory_space<vmem>>
    %dma_wait3A_269 = tpu.memref_squeeze %dma_wait3A_268 : memref<1x32x128xf32, #tpu.memory_space<vmem>> -> memref<32x128xf32, #tpu.memory_space<vmem>>
    %dma_wait3A_270 = arith.constant 16 : i32
    %dma_wait3A_271 = arith.constant 0 : i32
    %dma_wait3A_272 = tpu.memref_slice %dma_wait3A_269[%dma_wait3A_270, %dma_wait3A_271] : memref<32x128xf32, #tpu.memory_space<vmem>> -> memref<8x128xf32, #tpu.memory_space<vmem>>
    %dma_wait3A_273 = arith.constant 0 : i32
    %dma_wait3A_274 = arith.constant 0 : i32
    %dma_wait3A_275 = tpu.memref_slice %arg4[%dma_wait3A_262, %dma_wait3A_263, %dma_wait3A_264, %dma_wait3A_273, %dma_wait3A_274] : memref<200x4x32x8x128xf32, #tpu.memory_space<hbm>> -> memref<1x1x1x8x128xf32, #tpu.memory_space<hbm>>
    %dma_wait3A_276 = tpu.memref_squeeze %dma_wait3A_275 : memref<1x1x1x8x128xf32, #tpu.memory_space<hbm>> -> memref<8x128xf32, #tpu.memory_space<hbm>>
    %dma_wait3A_277 = tpu.memref_slice %arg10[%dma_wait3A_265] : memref<4x!tpu.dma_semaphore, #tpu.memory_space<semaphore_mem>> -> memref<1x!tpu.dma_semaphore, #tpu.memory_space<semaphore_mem>>
    %dma_wait3A_278 = tpu.memref_squeeze %dma_wait3A_277 : memref<1x!tpu.dma_semaphore, #tpu.memory_space<semaphore_mem>> -> memref<!tpu.dma_semaphore, #tpu.memory_space<semaphore_mem>>
    %dma_wait3A_279 = arith.constant 0 : i32
    %dma_wait3A_280 = arith.constant 0 : i32
    %dma_wait3A_281 = tpu.memref_slice %arg4[%dma_wait3A_262, %dma_wait3A_263, %dma_wait3A_264, %dma_wait3A_279, %dma_wait3A_280] : memref<200x4x32x8x128xf32, #tpu.memory_space<hbm>> -> memref<1x1x1x8x128xf32, #tpu.memory_space<hbm>>
    %dma_wait3A_282 = tpu.memref_squeeze %dma_wait3A_281 : memref<1x1x1x8x128xf32, #tpu.memory_space<hbm>> -> memref<8x128xf32, #tpu.memory_space<hbm>>
    %dma_wait3A_283 = arith.constant 0 : i32
    %dma_wait3A_284 = arith.constant 0 : i32
    %dma_wait3A_285 = tpu.memref_slice %arg7[%dma_wait3A_261, %dma_wait3A_283, %dma_wait3A_284] : memref<4x32x128xf32, #tpu.memory_space<vmem>> -> memref<1x32x128xf32, #tpu.memory_space<vmem>>
    %dma_wait3A_286 = tpu.memref_squeeze %dma_wait3A_285 : memref<1x32x128xf32, #tpu.memory_space<vmem>> -> memref<32x128xf32, #tpu.memory_space<vmem>>
    %dma_wait3A_287 = arith.constant 16 : i32
    %dma_wait3A_288 = arith.constant 0 : i32
    %dma_wait3A_289 = tpu.memref_slice %dma_wait3A_286[%dma_wait3A_287, %dma_wait3A_288] : memref<32x128xf32, #tpu.memory_space<vmem>> -> memref<8x128xf32, #tpu.memory_space<vmem>>
    tpu.wait_dma2 semaphore(%dma_wait3A_278 : memref<!tpu.dma_semaphore, #tpu.memory_space<semaphore_mem>>) src(%dma_wait3A_289 : memref<8x128xf32, #tpu.memory_space<vmem>>) dst(%dma_wait3A_282 : memref<8x128xf32, #tpu.memory_space<hbm>>)
    %dma_wait3A_290 = arith.constant 1 : i32
    %dma_wait3A_291 = arith.constant 0 : i32
    %dma_wait3A_292 = arith.constant 3 : i32
    %dma_wait3A_293 = arith.constant 0 : i32
    %dma_wait3A_294 = arith.constant 1 : i32
    %dma_wait3A_295 = arith.constant 0 : i32
    %dma_wait3A_296 = arith.constant 0 : i32
    %dma_wait3A_297 = tpu.memref_slice %arg7[%dma_wait3A_290, %dma_wait3A_295, %dma_wait3A_296] : memref<4x32x128xf32, #tpu.memory_space<vmem>> -> memref<1x32x128xf32, #tpu.memory_space<vmem>>
    %dma_wait3A_298 = tpu.memref_squeeze %dma_wait3A_297 : memref<1x32x128xf32, #tpu.memory_space<vmem>> -> memref<32x128xf32, #tpu.memory_space<vmem>>
    %dma_wait3A_299 = arith.constant 24 : i32
    %dma_wait3A_300 = arith.constant 0 : i32
    %dma_wait3A_301 = tpu.memref_slice %dma_wait3A_298[%dma_wait3A_299, %dma_wait3A_300] : memref<32x128xf32, #tpu.memory_space<vmem>> -> memref<8x128xf32, #tpu.memory_space<vmem>>
    %dma_wait3A_302 = arith.constant 0 : i32
    %dma_wait3A_303 = arith.constant 0 : i32
    %dma_wait3A_304 = tpu.memref_slice %arg4[%dma_wait3A_291, %dma_wait3A_292, %dma_wait3A_293, %dma_wait3A_302, %dma_wait3A_303] : memref<200x4x32x8x128xf32, #tpu.memory_space<hbm>> -> memref<1x1x1x8x128xf32, #tpu.memory_space<hbm>>
    %dma_wait3A_305 = tpu.memref_squeeze %dma_wait3A_304 : memref<1x1x1x8x128xf32, #tpu.memory_space<hbm>> -> memref<8x128xf32, #tpu.memory_space<hbm>>
    %dma_wait3A_306 = tpu.memref_slice %arg10[%dma_wait3A_294] : memref<4x!tpu.dma_semaphore, #tpu.memory_space<semaphore_mem>> -> memref<1x!tpu.dma_semaphore, #tpu.memory_space<semaphore_mem>>
    %dma_wait3A_307 = tpu.memref_squeeze %dma_wait3A_306 : memref<1x!tpu.dma_semaphore, #tpu.memory_space<semaphore_mem>> -> memref<!tpu.dma_semaphore, #tpu.memory_space<semaphore_mem>>
    %dma_wait3A_308 = arith.constant 0 : i32
    %dma_wait3A_309 = arith.constant 0 : i32
    %dma_wait3A_310 = tpu.memref_slice %arg4[%dma_wait3A_291, %dma_wait3A_292, %dma_wait3A_293, %dma_wait3A_308, %dma_wait3A_309] : memref<200x4x32x8x128xf32, #tpu.memory_space<hbm>> -> memref<1x1x1x8x128xf32, #tpu.memory_space<hbm>>
    %dma_wait3A_311 = tpu.memref_squeeze %dma_wait3A_310 : memref<1x1x1x8x128xf32, #tpu.memory_space<hbm>> -> memref<8x128xf32, #tpu.memory_space<hbm>>
    %dma_wait3A_312 = arith.constant 0 : i32
    %dma_wait3A_313 = arith.constant 0 : i32
    %dma_wait3A_314 = tpu.memref_slice %arg7[%dma_wait3A_290, %dma_wait3A_312, %dma_wait3A_313] : memref<4x32x128xf32, #tpu.memory_space<vmem>> -> memref<1x32x128xf32, #tpu.memory_space<vmem>>
    %dma_wait3A_315 = tpu.memref_squeeze %dma_wait3A_314 : memref<1x32x128xf32, #tpu.memory_space<vmem>> -> memref<32x128xf32, #tpu.memory_space<vmem>>
    %dma_wait3A_316 = arith.constant 24 : i32
    %dma_wait3A_317 = arith.constant 0 : i32
    %dma_wait3A_318 = tpu.memref_slice %dma_wait3A_315[%dma_wait3A_316, %dma_wait3A_317] : memref<32x128xf32, #tpu.memory_space<vmem>> -> memref<8x128xf32, #tpu.memory_space<vmem>>
    tpu.wait_dma2 semaphore(%dma_wait3A_307 : memref<!tpu.dma_semaphore, #tpu.memory_space<semaphore_mem>>) src(%dma_wait3A_318 : memref<8x128xf32, #tpu.memory_space<vmem>>) dst(%dma_wait3A_311 : memref<8x128xf32, #tpu.memory_space<hbm>>)
    %dma_wait3A_319 = arith.constant 2 : i32
    %dma_wait3A_320 = arith.constant 0 : i32
    %dma_wait3A_321 = arith.constant 0 : i32
    %dma_wait3A_322 = arith.constant 0 : i32
    %dma_wait3A_323 = arith.constant 2 : i32
    %dma_wait3A_324 = arith.constant 0 : i32
    %dma_wait3A_325 = arith.constant 0 : i32
    %dma_wait3A_326 = tpu.memref_slice %arg7[%dma_wait3A_319, %dma_wait3A_324, %dma_wait3A_325] : memref<4x32x128xf32, #tpu.memory_space<vmem>> -> memref<1x32x128xf32, #tpu.memory_space<vmem>>
    %dma_wait3A_327 = tpu.memref_squeeze %dma_wait3A_326 : memref<1x32x128xf32, #tpu.memory_space<vmem>> -> memref<32x128xf32, #tpu.memory_space<vmem>>
    %dma_wait3A_328 = arith.constant 0 : i32
    %dma_wait3A_329 = arith.constant 0 : i32
    %dma_wait3A_330 = tpu.memref_slice %dma_wait3A_327[%dma_wait3A_328, %dma_wait3A_329] : memref<32x128xf32, #tpu.memory_space<vmem>> -> memref<8x128xf32, #tpu.memory_space<vmem>>
    %dma_wait3A_331 = arith.constant 0 : i32
    %dma_wait3A_332 = arith.constant 0 : i32
    %dma_wait3A_333 = tpu.memref_slice %arg4[%dma_wait3A_320, %dma_wait3A_321, %dma_wait3A_322, %dma_wait3A_331, %dma_wait3A_332] : memref<200x4x32x8x128xf32, #tpu.memory_space<hbm>> -> memref<1x1x1x8x128xf32, #tpu.memory_space<hbm>>
    %dma_wait3A_334 = tpu.memref_squeeze %dma_wait3A_333 : memref<1x1x1x8x128xf32, #tpu.memory_space<hbm>> -> memref<8x128xf32, #tpu.memory_space<hbm>>
    %dma_wait3A_335 = tpu.memref_slice %arg10[%dma_wait3A_323] : memref<4x!tpu.dma_semaphore, #tpu.memory_space<semaphore_mem>> -> memref<1x!tpu.dma_semaphore, #tpu.memory_space<semaphore_mem>>
    %dma_wait3A_336 = tpu.memref_squeeze %dma_wait3A_335 : memref<1x!tpu.dma_semaphore, #tpu.memory_space<semaphore_mem>> -> memref<!tpu.dma_semaphore, #tpu.memory_space<semaphore_mem>>
    %dma_wait3A_337 = arith.constant 0 : i32
    %dma_wait3A_338 = arith.constant 0 : i32
    %dma_wait3A_339 = tpu.memref_slice %arg4[%dma_wait3A_320, %dma_wait3A_321, %dma_wait3A_322, %dma_wait3A_337, %dma_wait3A_338] : memref<200x4x32x8x128xf32, #tpu.memory_space<hbm>> -> memref<1x1x1x8x128xf32, #tpu.memory_space<hbm>>
    %dma_wait3A_340 = tpu.memref_squeeze %dma_wait3A_339 : memref<1x1x1x8x128xf32, #tpu.memory_space<hbm>> -> memref<8x128xf32, #tpu.memory_space<hbm>>
    %dma_wait3A_341 = arith.constant 0 : i32
    %dma_wait3A_342 = arith.constant 0 : i32
    %dma_wait3A_343 = tpu.memref_slice %arg7[%dma_wait3A_319, %dma_wait3A_341, %dma_wait3A_342] : memref<4x32x128xf32, #tpu.memory_space<vmem>> -> memref<1x32x128xf32, #tpu.memory_space<vmem>>
    %dma_wait3A_344 = tpu.memref_squeeze %dma_wait3A_343 : memref<1x32x128xf32, #tpu.memory_space<vmem>> -> memref<32x128xf32, #tpu.memory_space<vmem>>
    %dma_wait3A_345 = arith.constant 0 : i32
    %dma_wait3A_346 = arith.constant 0 : i32
    %dma_wait3A_347 = tpu.memref_slice %dma_wait3A_344[%dma_wait3A_345, %dma_wait3A_346] : memref<32x128xf32, #tpu.memory_space<vmem>> -> memref<8x128xf32, #tpu.memory_space<vmem>>
    tpu.wait_dma2 semaphore(%dma_wait3A_336 : memref<!tpu.dma_semaphore, #tpu.memory_space<semaphore_mem>>) src(%dma_wait3A_347 : memref<8x128xf32, #tpu.memory_space<vmem>>) dst(%dma_wait3A_340 : memref<8x128xf32, #tpu.memory_space<hbm>>)
    %dma_wait3A_348 = arith.constant 2 : i32
    %dma_wait3A_349 = arith.constant 0 : i32
    %dma_wait3A_350 = arith.constant 1 : i32
    %dma_wait3A_351 = arith.constant 0 : i32
    %dma_wait3A_352 = arith.constant 2 : i32
    %dma_wait3A_353 = arith.constant 0 : i32
    %dma_wait3A_354 = arith.constant 0 : i32
    %dma_wait3A_355 = tpu.memref_slice %arg7[%dma_wait3A_348, %dma_wait3A_353, %dma_wait3A_354] : memref<4x32x128xf32, #tpu.memory_space<vmem>> -> memref<1x32x128xf32, #tpu.memory_space<vmem>>
    %dma_wait3A_356 = tpu.memref_squeeze %dma_wait3A_355 : memref<1x32x128xf32, #tpu.memory_space<vmem>> -> memref<32x128xf32, #tpu.memory_space<vmem>>
    %dma_wait3A_357 = arith.constant 8 : i32
    %dma_wait3A_358 = arith.constant 0 : i32
    %dma_wait3A_359 = tpu.memref_slice %dma_wait3A_356[%dma_wait3A_357, %dma_wait3A_358] : memref<32x128xf32, #tpu.memory_space<vmem>> -> memref<8x128xf32, #tpu.memory_space<vmem>>
    %dma_wait3A_360 = arith.constant 0 : i32
    %dma_wait3A_361 = arith.constant 0 : i32
    %dma_wait3A_362 = tpu.memref_slice %arg4[%dma_wait3A_349, %dma_wait3A_350, %dma_wait3A_351, %dma_wait3A_360, %dma_wait3A_361] : memref<200x4x32x8x128xf32, #tpu.memory_space<hbm>> -> memref<1x1x1x8x128xf32, #tpu.memory_space<hbm>>
    %dma_wait3A_363 = tpu.memref_squeeze %dma_wait3A_362 : memref<1x1x1x8x128xf32, #tpu.memory_space<hbm>> -> memref<8x128xf32, #tpu.memory_space<hbm>>
    %dma_wait3A_364 = tpu.memref_slice %arg10[%dma_wait3A_352] : memref<4x!tpu.dma_semaphore, #tpu.memory_space<semaphore_mem>> -> memref<1x!tpu.dma_semaphore, #tpu.memory_space<semaphore_mem>>
    %dma_wait3A_365 = tpu.memref_squeeze %dma_wait3A_364 : memref<1x!tpu.dma_semaphore, #tpu.memory_space<semaphore_mem>> -> memref<!tpu.dma_semaphore, #tpu.memory_space<semaphore_mem>>
    %dma_wait3A_366 = arith.constant 0 : i32
    %dma_wait3A_367 = arith.constant 0 : i32
    %dma_wait3A_368 = tpu.memref_slice %arg4[%dma_wait3A_349, %dma_wait3A_350, %dma_wait3A_351, %dma_wait3A_366, %dma_wait3A_367] : memref<200x4x32x8x128xf32, #tpu.memory_space<hbm>> -> memref<1x1x1x8x128xf32, #tpu.memory_space<hbm>>
    %dma_wait3A_369 = tpu.memref_squeeze %dma_wait3A_368 : memref<1x1x1x8x128xf32, #tpu.memory_space<hbm>> -> memref<8x128xf32, #tpu.memory_space<hbm>>
    %dma_wait3A_370 = arith.constant 0 : i32
    %dma_wait3A_371 = arith.constant 0 : i32
    %dma_wait3A_372 = tpu.memref_slice %arg7[%dma_wait3A_348, %dma_wait3A_370, %dma_wait3A_371] : memref<4x32x128xf32, #tpu.memory_space<vmem>> -> memref<1x32x128xf32, #tpu.memory_space<vmem>>
    %dma_wait3A_373 = tpu.memref_squeeze %dma_wait3A_372 : memref<1x32x128xf32, #tpu.memory_space<vmem>> -> memref<32x128xf32, #tpu.memory_space<vmem>>
    %dma_wait3A_374 = arith.constant 8 : i32
    %dma_wait3A_375 = arith.constant 0 : i32
    %dma_wait3A_376 = tpu.memref_slice %dma_wait3A_373[%dma_wait3A_374, %dma_wait3A_375] : memref<32x128xf32, #tpu.memory_space<vmem>> -> memref<8x128xf32, #tpu.memory_space<vmem>>
    tpu.wait_dma2 semaphore(%dma_wait3A_365 : memref<!tpu.dma_semaphore, #tpu.memory_space<semaphore_mem>>) src(%dma_wait3A_376 : memref<8x128xf32, #tpu.memory_space<vmem>>) dst(%dma_wait3A_369 : memref<8x128xf32, #tpu.memory_space<hbm>>)
    %dma_wait3A_377 = arith.constant 2 : i32
    %dma_wait3A_378 = arith.constant 0 : i32
    %dma_wait3A_379 = arith.constant 2 : i32
    %dma_wait3A_380 = arith.constant 0 : i32
    %dma_wait3A_381 = arith.constant 2 : i32
    %dma_wait3A_382 = arith.constant 0 : i32
    %dma_wait3A_383 = arith.constant 0 : i32
    %dma_wait3A_384 = tpu.memref_slice %arg7[%dma_wait3A_377, %dma_wait3A_382, %dma_wait3A_383] : memref<4x32x128xf32, #tpu.memory_space<vmem>> -> memref<1x32x128xf32, #tpu.memory_space<vmem>>
    %dma_wait3A_385 = tpu.memref_squeeze %dma_wait3A_384 : memref<1x32x128xf32, #tpu.memory_space<vmem>> -> memref<32x128xf32, #tpu.memory_space<vmem>>
    %dma_wait3A_386 = arith.constant 16 : i32
    %dma_wait3A_387 = arith.constant 0 : i32
    %dma_wait3A_388 = tpu.memref_slice %dma_wait3A_385[%dma_wait3A_386, %dma_wait3A_387] : memref<32x128xf32, #tpu.memory_space<vmem>> -> memref<8x128xf32, #tpu.memory_space<vmem>>
    %dma_wait3A_389 = arith.constant 0 : i32
    %dma_wait3A_390 = arith.constant 0 : i32
    %dma_wait3A_391 = tpu.memref_slice %arg4[%dma_wait3A_378, %dma_wait3A_379, %dma_wait3A_380, %dma_wait3A_389, %dma_wait3A_390] : memref<200x4x32x8x128xf32, #tpu.memory_space<hbm>> -> memref<1x1x1x8x128xf32, #tpu.memory_space<hbm>>
    %dma_wait3A_392 = tpu.memref_squeeze %dma_wait3A_391 : memref<1x1x1x8x128xf32, #tpu.memory_space<hbm>> -> memref<8x128xf32, #tpu.memory_space<hbm>>
    %dma_wait3A_393 = tpu.memref_slice %arg10[%dma_wait3A_381] : memref<4x!tpu.dma_semaphore, #tpu.memory_space<semaphore_mem>> -> memref<1x!tpu.dma_semaphore, #tpu.memory_space<semaphore_mem>>
    %dma_wait3A_394 = tpu.memref_squeeze %dma_wait3A_393 : memref<1x!tpu.dma_semaphore, #tpu.memory_space<semaphore_mem>> -> memref<!tpu.dma_semaphore, #tpu.memory_space<semaphore_mem>>
    %dma_wait3A_395 = arith.constant 0 : i32
    %dma_wait3A_396 = arith.constant 0 : i32
    %dma_wait3A_397 = tpu.memref_slice %arg4[%dma_wait3A_378, %dma_wait3A_379, %dma_wait3A_380, %dma_wait3A_395, %dma_wait3A_396] : memref<200x4x32x8x128xf32, #tpu.memory_space<hbm>> -> memref<1x1x1x8x128xf32, #tpu.memory_space<hbm>>
    %dma_wait3A_398 = tpu.memref_squeeze %dma_wait3A_397 : memref<1x1x1x8x128xf32, #tpu.memory_space<hbm>> -> memref<8x128xf32, #tpu.memory_space<hbm>>
    %dma_wait3A_399 = arith.constant 0 : i32
    %dma_wait3A_400 = arith.constant 0 : i32
    %dma_wait3A_401 = tpu.memref_slice %arg7[%dma_wait3A_377, %dma_wait3A_399, %dma_wait3A_400] : memref<4x32x128xf32, #tpu.memory_space<vmem>> -> memref<1x32x128xf32, #tpu.memory_space<vmem>>
    %dma_wait3A_402 = tpu.memref_squeeze %dma_wait3A_401 : memref<1x32x128xf32, #tpu.memory_space<vmem>> -> memref<32x128xf32, #tpu.memory_space<vmem>>
    %dma_wait3A_403 = arith.constant 16 : i32
    %dma_wait3A_404 = arith.constant 0 : i32
    %dma_wait3A_405 = tpu.memref_slice %dma_wait3A_402[%dma_wait3A_403, %dma_wait3A_404] : memref<32x128xf32, #tpu.memory_space<vmem>> -> memref<8x128xf32, #tpu.memory_space<vmem>>
    tpu.wait_dma2 semaphore(%dma_wait3A_394 : memref<!tpu.dma_semaphore, #tpu.memory_space<semaphore_mem>>) src(%dma_wait3A_405 : memref<8x128xf32, #tpu.memory_space<vmem>>) dst(%dma_wait3A_398 : memref<8x128xf32, #tpu.memory_space<hbm>>)
    %dma_wait3A_406 = arith.constant 2 : i32
    %dma_wait3A_407 = arith.constant 0 : i32
    %dma_wait3A_408 = arith.constant 3 : i32
    %dma_wait3A_409 = arith.constant 0 : i32
    %dma_wait3A_410 = arith.constant 2 : i32
    %dma_wait3A_411 = arith.constant 0 : i32
    %dma_wait3A_412 = arith.constant 0 : i32
    %dma_wait3A_413 = tpu.memref_slice %arg7[%dma_wait3A_406, %dma_wait3A_411, %dma_wait3A_412] : memref<4x32x128xf32, #tpu.memory_space<vmem>> -> memref<1x32x128xf32, #tpu.memory_space<vmem>>
    %dma_wait3A_414 = tpu.memref_squeeze %dma_wait3A_413 : memref<1x32x128xf32, #tpu.memory_space<vmem>> -> memref<32x128xf32, #tpu.memory_space<vmem>>
    %dma_wait3A_415 = arith.constant 24 : i32
    %dma_wait3A_416 = arith.constant 0 : i32
    %dma_wait3A_417 = tpu.memref_slice %dma_wait3A_414[%dma_wait3A_415, %dma_wait3A_416] : memref<32x128xf32, #tpu.memory_space<vmem>> -> memref<8x128xf32, #tpu.memory_space<vmem>>
    %dma_wait3A_418 = arith.constant 0 : i32
    %dma_wait3A_419 = arith.constant 0 : i32
    %dma_wait3A_420 = tpu.memref_slice %arg4[%dma_wait3A_407, %dma_wait3A_408, %dma_wait3A_409, %dma_wait3A_418, %dma_wait3A_419] : memref<200x4x32x8x128xf32, #tpu.memory_space<hbm>> -> memref<1x1x1x8x128xf32, #tpu.memory_space<hbm>>
    %dma_wait3A_421 = tpu.memref_squeeze %dma_wait3A_420 : memref<1x1x1x8x128xf32, #tpu.memory_space<hbm>> -> memref<8x128xf32, #tpu.memory_space<hbm>>
    %dma_wait3A_422 = tpu.memref_slice %arg10[%dma_wait3A_410] : memref<4x!tpu.dma_semaphore, #tpu.memory_space<semaphore_mem>> -> memref<1x!tpu.dma_semaphore, #tpu.memory_space<semaphore_mem>>
    %dma_wait3A_423 = tpu.memref_squeeze %dma_wait3A_422 : memref<1x!tpu.dma_semaphore, #tpu.memory_space<semaphore_mem>> -> memref<!tpu.dma_semaphore, #tpu.memory_space<semaphore_mem>>
    %dma_wait3A_424 = arith.constant 0 : i32
    %dma_wait3A_425 = arith.constant 0 : i32
    %dma_wait3A_426 = tpu.memref_slice %arg4[%dma_wait3A_407, %dma_wait3A_408, %dma_wait3A_409, %dma_wait3A_424, %dma_wait3A_425] : memref<200x4x32x8x128xf32, #tpu.memory_space<hbm>> -> memref<1x1x1x8x128xf32, #tpu.memory_space<hbm>>
    %dma_wait3A_427 = tpu.memref_squeeze %dma_wait3A_426 : memref<1x1x1x8x128xf32, #tpu.memory_space<hbm>> -> memref<8x128xf32, #tpu.memory_space<hbm>>
    %dma_wait3A_428 = arith.constant 0 : i32
    %dma_wait3A_429 = arith.constant 0 : i32
    %dma_wait3A_430 = tpu.memref_slice %arg7[%dma_wait3A_406, %dma_wait3A_428, %dma_wait3A_429] : memref<4x32x128xf32, #tpu.memory_space<vmem>> -> memref<1x32x128xf32, #tpu.memory_space<vmem>>
    %dma_wait3A_431 = tpu.memref_squeeze %dma_wait3A_430 : memref<1x32x128xf32, #tpu.memory_space<vmem>> -> memref<32x128xf32, #tpu.memory_space<vmem>>
    %dma_wait3A_432 = arith.constant 24 : i32
    %dma_wait3A_433 = arith.constant 0 : i32
    %dma_wait3A_434 = tpu.memref_slice %dma_wait3A_431[%dma_wait3A_432, %dma_wait3A_433] : memref<32x128xf32, #tpu.memory_space<vmem>> -> memref<8x128xf32, #tpu.memory_space<vmem>>
    tpu.wait_dma2 semaphore(%dma_wait3A_423 : memref<!tpu.dma_semaphore, #tpu.memory_space<semaphore_mem>>) src(%dma_wait3A_434 : memref<8x128xf32, #tpu.memory_space<vmem>>) dst(%dma_wait3A_427 : memref<8x128xf32, #tpu.memory_space<hbm>>)
    %dma_wait3A_435 = arith.constant 3 : i32
    %dma_wait3A_436 = arith.constant 0 : i32
    %dma_wait3A_437 = arith.constant 0 : i32
    %dma_wait3A_438 = arith.constant 0 : i32
    %dma_wait3A_439 = arith.constant 3 : i32
    %dma_wait3A_440 = arith.constant 0 : i32
    %dma_wait3A_441 = arith.constant 0 : i32
    %dma_wait3A_442 = tpu.memref_slice %arg7[%dma_wait3A_435, %dma_wait3A_440, %dma_wait3A_441] : memref<4x32x128xf32, #tpu.memory_space<vmem>> -> memref<1x32x128xf32, #tpu.memory_space<vmem>>
    %dma_wait3A_443 = tpu.memref_squeeze %dma_wait3A_442 : memref<1x32x128xf32, #tpu.memory_space<vmem>> -> memref<32x128xf32, #tpu.memory_space<vmem>>
    %dma_wait3A_444 = arith.constant 0 : i32
    %dma_wait3A_445 = arith.constant 0 : i32
    %dma_wait3A_446 = tpu.memref_slice %dma_wait3A_443[%dma_wait3A_444, %dma_wait3A_445] : memref<32x128xf32, #tpu.memory_space<vmem>> -> memref<8x128xf32, #tpu.memory_space<vmem>>
    %dma_wait3A_447 = arith.constant 0 : i32
    %dma_wait3A_448 = arith.constant 0 : i32
    %dma_wait3A_449 = tpu.memref_slice %arg4[%dma_wait3A_436, %dma_wait3A_437, %dma_wait3A_438, %dma_wait3A_447, %dma_wait3A_448] : memref<200x4x32x8x128xf32, #tpu.memory_space<hbm>> -> memref<1x1x1x8x128xf32, #tpu.memory_space<hbm>>
    %dma_wait3A_450 = tpu.memref_squeeze %dma_wait3A_449 : memref<1x1x1x8x128xf32, #tpu.memory_space<hbm>> -> memref<8x128xf32, #tpu.memory_space<hbm>>
    %dma_wait3A_451 = tpu.memref_slice %arg10[%dma_wait3A_439] : memref<4x!tpu.dma_semaphore, #tpu.memory_space<semaphore_mem>> -> memref<1x!tpu.dma_semaphore, #tpu.memory_space<semaphore_mem>>
    %dma_wait3A_452 = tpu.memref_squeeze %dma_wait3A_451 : memref<1x!tpu.dma_semaphore, #tpu.memory_space<semaphore_mem>> -> memref<!tpu.dma_semaphore, #tpu.memory_space<semaphore_mem>>
    %dma_wait3A_453 = arith.constant 0 : i32
    %dma_wait3A_454 = arith.constant 0 : i32
    %dma_wait3A_455 = tpu.memref_slice %arg4[%dma_wait3A_436, %dma_wait3A_437, %dma_wait3A_438, %dma_wait3A_453, %dma_wait3A_454] : memref<200x4x32x8x128xf32, #tpu.memory_space<hbm>> -> memref<1x1x1x8x128xf32, #tpu.memory_space<hbm>>
    %dma_wait3A_456 = tpu.memref_squeeze %dma_wait3A_455 : memref<1x1x1x8x128xf32, #tpu.memory_space<hbm>> -> memref<8x128xf32, #tpu.memory_space<hbm>>
    %dma_wait3A_457 = arith.constant 0 : i32
    %dma_wait3A_458 = arith.constant 0 : i32
    %dma_wait3A_459 = tpu.memref_slice %arg7[%dma_wait3A_435, %dma_wait3A_457, %dma_wait3A_458] : memref<4x32x128xf32, #tpu.memory_space<vmem>> -> memref<1x32x128xf32, #tpu.memory_space<vmem>>
    %dma_wait3A_460 = tpu.memref_squeeze %dma_wait3A_459 : memref<1x32x128xf32, #tpu.memory_space<vmem>> -> memref<32x128xf32, #tpu.memory_space<vmem>>
    %dma_wait3A_461 = arith.constant 0 : i32
    %dma_wait3A_462 = arith.constant 0 : i32
    %dma_wait3A_463 = tpu.memref_slice %dma_wait3A_460[%dma_wait3A_461, %dma_wait3A_462] : memref<32x128xf32, #tpu.memory_space<vmem>> -> memref<8x128xf32, #tpu.memory_space<vmem>>
    tpu.wait_dma2 semaphore(%dma_wait3A_452 : memref<!tpu.dma_semaphore, #tpu.memory_space<semaphore_mem>>) src(%dma_wait3A_463 : memref<8x128xf32, #tpu.memory_space<vmem>>) dst(%dma_wait3A_456 : memref<8x128xf32, #tpu.memory_space<hbm>>)
    %dma_wait3A_464 = arith.constant 3 : i32
    %dma_wait3A_465 = arith.constant 0 : i32
    %dma_wait3A_466 = arith.constant 1 : i32
    %dma_wait3A_467 = arith.constant 0 : i32
    %dma_wait3A_468 = arith.constant 3 : i32
    %dma_wait3A_469 = arith.constant 0 : i32
    %dma_wait3A_470 = arith.constant 0 : i32
    %dma_wait3A_471 = tpu.memref_slice %arg7[%dma_wait3A_464, %dma_wait3A_469, %dma_wait3A_470] : memref<4x32x128xf32, #tpu.memory_space<vmem>> -> memref<1x32x128xf32, #tpu.memory_space<vmem>>
    %dma_wait3A_472 = tpu.memref_squeeze %dma_wait3A_471 : memref<1x32x128xf32, #tpu.memory_space<vmem>> -> memref<32x128xf32, #tpu.memory_space<vmem>>
    %dma_wait3A_473 = arith.constant 8 : i32
    %dma_wait3A_474 = arith.constant 0 : i32
    %dma_wait3A_475 = tpu.memref_slice %dma_wait3A_472[%dma_wait3A_473, %dma_wait3A_474] : memref<32x128xf32, #tpu.memory_space<vmem>> -> memref<8x128xf32, #tpu.memory_space<vmem>>
    %dma_wait3A_476 = arith.constant 0 : i32
    %dma_wait3A_477 = arith.constant 0 : i32
    %dma_wait3A_478 = tpu.memref_slice %arg4[%dma_wait3A_465, %dma_wait3A_466, %dma_wait3A_467, %dma_wait3A_476, %dma_wait3A_477] : memref<200x4x32x8x128xf32, #tpu.memory_space<hbm>> -> memref<1x1x1x8x128xf32, #tpu.memory_space<hbm>>
    %dma_wait3A_479 = tpu.memref_squeeze %dma_wait3A_478 : memref<1x1x1x8x128xf32, #tpu.memory_space<hbm>> -> memref<8x128xf32, #tpu.memory_space<hbm>>
    %dma_wait3A_480 = tpu.memref_slice %arg10[%dma_wait3A_468] : memref<4x!tpu.dma_semaphore, #tpu.memory_space<semaphore_mem>> -> memref<1x!tpu.dma_semaphore, #tpu.memory_space<semaphore_mem>>
    %dma_wait3A_481 = tpu.memref_squeeze %dma_wait3A_480 : memref<1x!tpu.dma_semaphore, #tpu.memory_space<semaphore_mem>> -> memref<!tpu.dma_semaphore, #tpu.memory_space<semaphore_mem>>
    %dma_wait3A_482 = arith.constant 0 : i32
    %dma_wait3A_483 = arith.constant 0 : i32
    %dma_wait3A_484 = tpu.memref_slice %arg4[%dma_wait3A_465, %dma_wait3A_466, %dma_wait3A_467, %dma_wait3A_482, %dma_wait3A_483] : memref<200x4x32x8x128xf32, #tpu.memory_space<hbm>> -> memref<1x1x1x8x128xf32, #tpu.memory_space<hbm>>
    %dma_wait3A_485 = tpu.memref_squeeze %dma_wait3A_484 : memref<1x1x1x8x128xf32, #tpu.memory_space<hbm>> -> memref<8x128xf32, #tpu.memory_space<hbm>>
    %dma_wait3A_486 = arith.constant 0 : i32
    %dma_wait3A_487 = arith.constant 0 : i32
    %dma_wait3A_488 = tpu.memref_slice %arg7[%dma_wait3A_464, %dma_wait3A_486, %dma_wait3A_487] : memref<4x32x128xf32, #tpu.memory_space<vmem>> -> memref<1x32x128xf32, #tpu.memory_space<vmem>>
    %dma_wait3A_489 = tpu.memref_squeeze %dma_wait3A_488 : memref<1x32x128xf32, #tpu.memory_space<vmem>> -> memref<32x128xf32, #tpu.memory_space<vmem>>
    %dma_wait3A_490 = arith.constant 8 : i32
    %dma_wait3A_491 = arith.constant 0 : i32
    %dma_wait3A_492 = tpu.memref_slice %dma_wait3A_489[%dma_wait3A_490, %dma_wait3A_491] : memref<32x128xf32, #tpu.memory_space<vmem>> -> memref<8x128xf32, #tpu.memory_space<vmem>>
    tpu.wait_dma2 semaphore(%dma_wait3A_481 : memref<!tpu.dma_semaphore, #tpu.memory_space<semaphore_mem>>) src(%dma_wait3A_492 : memref<8x128xf32, #tpu.memory_space<vmem>>) dst(%dma_wait3A_485 : memref<8x128xf32, #tpu.memory_space<hbm>>)
    %dma_wait3A_493 = arith.constant 3 : i32
    %dma_wait3A_494 = arith.constant 0 : i32
    %dma_wait3A_495 = arith.constant 2 : i32
    %dma_wait3A_496 = arith.constant 0 : i32
    %dma_wait3A_497 = arith.constant 3 : i32
    %dma_wait3A_498 = arith.constant 0 : i32
    %dma_wait3A_499 = arith.constant 0 : i32
    %dma_wait3A_500 = tpu.memref_slice %arg7[%dma_wait3A_493, %dma_wait3A_498, %dma_wait3A_499] : memref<4x32x128xf32, #tpu.memory_space<vmem>> -> memref<1x32x128xf32, #tpu.memory_space<vmem>>
    %dma_wait3A_501 = tpu.memref_squeeze %dma_wait3A_500 : memref<1x32x128xf32, #tpu.memory_space<vmem>> -> memref<32x128xf32, #tpu.memory_space<vmem>>
    %dma_wait3A_502 = arith.constant 16 : i32
    %dma_wait3A_503 = arith.constant 0 : i32
    %dma_wait3A_504 = tpu.memref_slice %dma_wait3A_501[%dma_wait3A_502, %dma_wait3A_503] : memref<32x128xf32, #tpu.memory_space<vmem>> -> memref<8x128xf32, #tpu.memory_space<vmem>>
    %dma_wait3A_505 = arith.constant 0 : i32
    %dma_wait3A_506 = arith.constant 0 : i32
    %dma_wait3A_507 = tpu.memref_slice %arg4[%dma_wait3A_494, %dma_wait3A_495, %dma_wait3A_496, %dma_wait3A_505, %dma_wait3A_506] : memref<200x4x32x8x128xf32, #tpu.memory_space<hbm>> -> memref<1x1x1x8x128xf32, #tpu.memory_space<hbm>>
    %dma_wait3A_508 = tpu.memref_squeeze %dma_wait3A_507 : memref<1x1x1x8x128xf32, #tpu.memory_space<hbm>> -> memref<8x128xf32, #tpu.memory_space<hbm>>
    %dma_wait3A_509 = tpu.memref_slice %arg10[%dma_wait3A_497] : memref<4x!tpu.dma_semaphore, #tpu.memory_space<semaphore_mem>> -> memref<1x!tpu.dma_semaphore, #tpu.memory_space<semaphore_mem>>
    %dma_wait3A_510 = tpu.memref_squeeze %dma_wait3A_509 : memref<1x!tpu.dma_semaphore, #tpu.memory_space<semaphore_mem>> -> memref<!tpu.dma_semaphore, #tpu.memory_space<semaphore_mem>>
    %dma_wait3A_511 = arith.constant 0 : i32
    %dma_wait3A_512 = arith.constant 0 : i32
    %dma_wait3A_513 = tpu.memref_slice %arg4[%dma_wait3A_494, %dma_wait3A_495, %dma_wait3A_496, %dma_wait3A_511, %dma_wait3A_512] : memref<200x4x32x8x128xf32, #tpu.memory_space<hbm>> -> memref<1x1x1x8x128xf32, #tpu.memory_space<hbm>>
    %dma_wait3A_514 = tpu.memref_squeeze %dma_wait3A_513 : memref<1x1x1x8x128xf32, #tpu.memory_space<hbm>> -> memref<8x128xf32, #tpu.memory_space<hbm>>
    %dma_wait3A_515 = arith.constant 0 : i32
    %dma_wait3A_516 = arith.constant 0 : i32
    %dma_wait3A_517 = tpu.memref_slice %arg7[%dma_wait3A_493, %dma_wait3A_515, %dma_wait3A_516] : memref<4x32x128xf32, #tpu.memory_space<vmem>> -> memref<1x32x128xf32, #tpu.memory_space<vmem>>
    %dma_wait3A_518 = tpu.memref_squeeze %dma_wait3A_517 : memref<1x32x128xf32, #tpu.memory_space<vmem>> -> memref<32x128xf32, #tpu.memory_space<vmem>>
    %dma_wait3A_519 = arith.constant 16 : i32
    %dma_wait3A_520 = arith.constant 0 : i32
    %dma_wait3A_521 = tpu.memref_slice %dma_wait3A_518[%dma_wait3A_519, %dma_wait3A_520] : memref<32x128xf32, #tpu.memory_space<vmem>> -> memref<8x128xf32, #tpu.memory_space<vmem>>
    tpu.wait_dma2 semaphore(%dma_wait3A_510 : memref<!tpu.dma_semaphore, #tpu.memory_space<semaphore_mem>>) src(%dma_wait3A_521 : memref<8x128xf32, #tpu.memory_space<vmem>>) dst(%dma_wait3A_514 : memref<8x128xf32, #tpu.memory_space<hbm>>)
    %dma_wait3A_522 = arith.constant 3 : i32
    %dma_wait3A_523 = arith.constant 0 : i32
    %dma_wait3A_524 = arith.constant 3 : i32
    %dma_wait3A_525 = arith.constant 0 : i32
    %dma_wait3A_526 = arith.constant 3 : i32
    %dma_wait3A_527 = arith.constant 0 : i32
    %dma_wait3A_528 = arith.constant 0 : i32
    %dma_wait3A_529 = tpu.memref_slice %arg7[%dma_wait3A_522, %dma_wait3A_527, %dma_wait3A_528] : memref<4x32x128xf32, #tpu.memory_space<vmem>> -> memref<1x32x128xf32, #tpu.memory_space<vmem>>
    %dma_wait3A_530 = tpu.memref_squeeze %dma_wait3A_529 : memref<1x32x128xf32, #tpu.memory_space<vmem>> -> memref<32x128xf32, #tpu.memory_space<vmem>>
    %dma_wait3A_531 = arith.constant 24 : i32
    %dma_wait3A_532 = arith.constant 0 : i32
    %dma_wait3A_533 = tpu.memref_slice %dma_wait3A_530[%dma_wait3A_531, %dma_wait3A_532] : memref<32x128xf32, #tpu.memory_space<vmem>> -> memref<8x128xf32, #tpu.memory_space<vmem>>
    %dma_wait3A_534 = arith.constant 0 : i32
    %dma_wait3A_535 = arith.constant 0 : i32
    %dma_wait3A_536 = tpu.memref_slice %arg4[%dma_wait3A_523, %dma_wait3A_524, %dma_wait3A_525, %dma_wait3A_534, %dma_wait3A_535] : memref<200x4x32x8x128xf32, #tpu.memory_space<hbm>> -> memref<1x1x1x8x128xf32, #tpu.memory_space<hbm>>
    %dma_wait3A_537 = tpu.memref_squeeze %dma_wait3A_536 : memref<1x1x1x8x128xf32, #tpu.memory_space<hbm>> -> memref<8x128xf32, #tpu.memory_space<hbm>>
    %dma_wait3A_538 = tpu.memref_slice %arg10[%dma_wait3A_526] : memref<4x!tpu.dma_semaphore, #tpu.memory_space<semaphore_mem>> -> memref<1x!tpu.dma_semaphore, #tpu.memory_space<semaphore_mem>>
    %dma_wait3A_539 = tpu.memref_squeeze %dma_wait3A_538 : memref<1x!tpu.dma_semaphore, #tpu.memory_space<semaphore_mem>> -> memref<!tpu.dma_semaphore, #tpu.memory_space<semaphore_mem>>
    %dma_wait3A_540 = arith.constant 0 : i32
    %dma_wait3A_541 = arith.constant 0 : i32
    %dma_wait3A_542 = tpu.memref_slice %arg4[%dma_wait3A_523, %dma_wait3A_524, %dma_wait3A_525, %dma_wait3A_540, %dma_wait3A_541] : memref<200x4x32x8x128xf32, #tpu.memory_space<hbm>> -> memref<1x1x1x8x128xf32, #tpu.memory_space<hbm>>
    %dma_wait3A_543 = tpu.memref_squeeze %dma_wait3A_542 : memref<1x1x1x8x128xf32, #tpu.memory_space<hbm>> -> memref<8x128xf32, #tpu.memory_space<hbm>>
    %dma_wait3A_544 = arith.constant 0 : i32
    %dma_wait3A_545 = arith.constant 0 : i32
    %dma_wait3A_546 = tpu.memref_slice %arg7[%dma_wait3A_522, %dma_wait3A_544, %dma_wait3A_545] : memref<4x32x128xf32, #tpu.memory_space<vmem>> -> memref<1x32x128xf32, #tpu.memory_space<vmem>>
    %dma_wait3A_547 = tpu.memref_squeeze %dma_wait3A_546 : memref<1x32x128xf32, #tpu.memory_space<vmem>> -> memref<32x128xf32, #tpu.memory_space<vmem>>
    %dma_wait3A_548 = arith.constant 24 : i32
    %dma_wait3A_549 = arith.constant 0 : i32
    %dma_wait3A_550 = tpu.memref_slice %dma_wait3A_547[%dma_wait3A_548, %dma_wait3A_549] : memref<32x128xf32, #tpu.memory_space<vmem>> -> memref<8x128xf32, #tpu.memory_space<vmem>>
    tpu.wait_dma2 semaphore(%dma_wait3A_539 : memref<!tpu.dma_semaphore, #tpu.memory_space<semaphore_mem>>) src(%dma_wait3A_550 : memref<8x128xf32, #tpu.memory_space<vmem>>) dst(%dma_wait3A_543 : memref<8x128xf32, #tpu.memory_space<hbm>>)
    return
  }
}

#map = affine_map<(d0, d1) -> (0, 0)>
module attributes {stable_mosaic.version = 14 : i64} {
  func.func @ka(%arg0: i32, %arg1: i32, %arg2: memref<32x1000000xf32, #tpu.memory_space<hbm>>, %arg3: memref<250000x128xf32, #tpu.memory_space<hbm>>, %arg4: memref<2x32x768xf32, #tpu.memory_space<vmem>>, %arg5: memref<2x192x128xf32, #tpu.memory_space<vmem>>, %arg6: memref<32x64xf32, #tpu.memory_space<vmem>>, %arg7: memref<16x128xf32, #tpu.memory_space<vmem>>, %arg8: memref<2x!tpu.dma_semaphore, #tpu.memory_space<semaphore_mem>>, %arg9: memref<2x!tpu.dma_semaphore, #tpu.memory_space<semaphore_mem>>) attributes {dimension_semantics = [#tpu.dimension_semantics<core_parallel>, #tpu.dimension_semantics<subcore_parallel>], iteration_bounds = array<i64: 2, 16>, scalar_prefetch = 0 : i64, scratch_operands = 6 : i64, tpu.core_type = #tpu.core_type<sc_vector_subcore>, window_params = [{transform_indices = #map}, {transform_indices = #map}]} {
    %mul3A = arith.constant 2 : i32
    %mul3A_0 = arith.muli %arg1, %mul3A : i32
    %add3A = arith.addi %mul3A_0, %arg0 : i32
    %iota3A = tpu.iota {dimensions = array<i32: 0>} : vector<16xi32>
    %sub3A = arith.constant 1302 : i32
    %sub3A_1 = arith.subi %sub3A, %add3A : i32
    %add3A_2 = arith.constant 32 : i32
    %add3A_3 = arith.addi %sub3A_1, %add3A_2 : i32
    %sub3A_4 = arith.constant 1 : i32
    %sub3A_5 = arith.subi %add3A_3, %sub3A_4 : i32
    %jit3A = arith.constant 32 : i32
    %div3A = arith.divsi %sub3A_5, %jit3A : i32
    %sign3A = arith.constant 0 : i32
    %sign3A_6 = arith.cmpi sgt, %sub3A_5, %sign3A : i32
    %sign3A_7 = arith.extui %sign3A_6 : i1 to i32
    %sign3A_8 = arith.constant 0 : i32
    %sign3A_9 = arith.cmpi slt, %sub3A_5, %sign3A_8 : i32
    %sign3A_10 = arith.extui %sign3A_9 : i1 to i32
    %sign3A_11 = arith.subi %sign3A_7, %sign3A_10 : i32
    %sign3A_12 = arith.constant 0 : i32
    %sign3A_13 = arith.cmpi sgt, %jit3A, %sign3A_12 : i32
    %sign3A_14 = arith.extui %sign3A_13 : i1 to i32
    %sign3A_15 = arith.constant 0 : i32
    %sign3A_16 = arith.cmpi slt, %jit3A, %sign3A_15 : i32
    %sign3A_17 = arith.extui %sign3A_16 : i1 to i32
    %sign3A_18 = arith.subi %sign3A_14, %sign3A_17 : i32
    %ne3A = arith.cmpi ne, %sign3A_11, %sign3A_18 : i32
    %rem3A = arith.remsi %sub3A_5, %jit3A : i32
    %ne3A_19 = arith.constant 0 : i32
    %ne3A_20 = arith.cmpi ne, %rem3A, %ne3A_19 : i32
    %and3A = arith.andi %ne3A, %ne3A_20 : i1
    %sub3A_21 = arith.constant 1 : i32
    %sub3A_22 = arith.subi %div3A, %sub3A_21 : i32
    %select_n3A = arith.select %and3A, %sub3A_22, %div3A : i32
    %while3A = arith.constant 0 : i32
    %while3A_23 = arith.subi %select_n3A, %while3A : i32
    %while3A_24 = arith.addi %while3A, %while3A_23 : i32
    %while3A_25 = arith.constant 1 : i32
    %while3A_26 = arith.divsi %while3A_23, %while3A_25 : i32
    %while3A_27 = arith.muli %while3A_26, %while3A_25 : i32
    %while3A_28 = arith.addi %while3A, %while3A_27 : i32
    %while3A_29 = arith.constant 1 : i32
    scf.for %while3A_42 = %while3A to %while3A_28 step %while3A_29  : i32 {
      %jit3A_43 = arith.constant 2 : i32
      %eq3A_44 = arith.constant 0 : i32
      %eq3A_45 = arith.cmpi eq, %jit3A_43, %eq3A_44 : i32
      %jit3A_46 = arith.constant 1 : i32
      %select_n3A_47 = arith.select %eq3A_45, %jit3A_46, %jit3A_43 : i32
      %rem3A_48 = arith.remsi %while3A_42, %select_n3A_47 : i32
      %ne3A_49 = arith.constant 0 : i32
      %ne3A_50 = arith.cmpi ne, %rem3A_48, %ne3A_49 : i32
      %lt3A = arith.constant 0 : i32
      %lt3A_51 = arith.cmpi slt, %rem3A_48, %lt3A : i32
      %lt3A_52 = arith.constant 0 : i32
      %lt3A_53 = arith.cmpi slt, %select_n3A_47, %lt3A_52 : i32
      %ne3A_54 = arith.xori %lt3A_51, %lt3A_53 : i1
      %and3A_55 = arith.andi %ne3A_54, %ne3A_50 : i1
      %add3A_56 = arith.addi %rem3A_48, %select_n3A_47 : i32
      %select_n3A_57 = arith.select %and3A_55, %add3A_56, %rem3A_48 : i32
      %mul3A_58 = arith.constant 32 : i32
      %mul3A_59 = arith.muli %mul3A_58, %while3A_42 : i32
      %add3A_60 = arith.addi %add3A, %mul3A_59 : i32
      %mul3A_61 = arith.constant 768 : i32
      %mul3A_62 = arith.muli %add3A_60, %mul3A_61 : i32
      %multiple_of3A = tpu.assume_multiple %mul3A_62, 128 : i32
      %dma_start3A = arith.constant 0 : i32
      %dma_start3A_63 = arith.constant 0 : i32
      %dma_start3A_64 = tpu.memref_slice %arg4[%select_n3A_57, %dma_start3A, %dma_start3A_63] : memref<2x32x768xf32, #tpu.memory_space<vmem>> -> memref<1x32x768xf32, #tpu.memory_space<vmem>>
      %dma_start3A_65 = tpu.memref_squeeze %dma_start3A_64 : memref<1x32x768xf32, #tpu.memory_space<vmem>> -> memref<32x768xf32, #tpu.memory_space<vmem>>
      %dma_start3A_66 = arith.constant 0 : i32
      %dma_start3A_67 = tpu.memref_slice %arg2[%dma_start3A_66, %multiple_of3A] : memref<32x1000000xf32, #tpu.memory_space<hbm>> -> memref<32x768xf32, #tpu.memory_space<hbm>>
      %dma_start3A_68 = tpu.memref_slice %arg8[%select_n3A_57] : memref<2x!tpu.dma_semaphore, #tpu.memory_space<semaphore_mem>> -> memref<1x!tpu.dma_semaphore, #tpu.memory_space<semaphore_mem>>
      %dma_start3A_69 = tpu.memref_squeeze %dma_start3A_68 : memref<1x!tpu.dma_semaphore, #tpu.memory_space<semaphore_mem>> -> memref<!tpu.dma_semaphore, #tpu.memory_space<semaphore_mem>>
      %dma_start3A_70 = arith.constant 0 : i32
      %dma_start3A_71 = arith.constant 0 : i32
      %dma_start3A_72 = tpu.memref_slice %arg4[%select_n3A_57, %dma_start3A_70, %dma_start3A_71] : memref<2x32x768xf32, #tpu.memory_space<vmem>> -> memref<1x32x768xf32, #tpu.memory_space<vmem>>
      %dma_start3A_73 = tpu.memref_squeeze %dma_start3A_72 : memref<1x32x768xf32, #tpu.memory_space<vmem>> -> memref<32x768xf32, #tpu.memory_space<vmem>>
      %dma_start3A_74 = arith.constant 0 : i32
      %dma_start3A_75 = tpu.memref_slice %arg2[%dma_start3A_74, %multiple_of3A] : memref<32x1000000xf32, #tpu.memory_space<hbm>> -> memref<32x768xf32, #tpu.memory_space<hbm>>
      tpu.enqueue_dma source(%dma_start3A_75 : memref<32x768xf32, #tpu.memory_space<hbm>>) target(%dma_start3A_73 : memref<32x768xf32, #tpu.memory_space<vmem>>) target_semaphore(%dma_start3A_69 : memref<!tpu.dma_semaphore, #tpu.memory_space<semaphore_mem>>)
      %dma_wait3A = arith.constant 0 : i32
      %dma_wait3A_76 = arith.constant 0 : i32
      %dma_wait3A_77 = tpu.memref_slice %arg4[%select_n3A_57, %dma_wait3A, %dma_wait3A_76] : memref<2x32x768xf32, #tpu.memory_space<vmem>> -> memref<1x32x768xf32, #tpu.memory_space<vmem>>
      %dma_wait3A_78 = tpu.memref_squeeze %dma_wait3A_77 : memref<1x32x768xf32, #tpu.memory_space<vmem>> -> memref<32x768xf32, #tpu.memory_space<vmem>>
      %dma_wait3A_79 = arith.constant 0 : i32
      %dma_wait3A_80 = tpu.memref_slice %arg2[%dma_wait3A_79, %multiple_of3A] : memref<32x1000000xf32, #tpu.memory_space<hbm>> -> memref<32x768xf32, #tpu.memory_space<hbm>>
      %dma_wait3A_81 = tpu.memref_slice %arg8[%select_n3A_57] : memref<2x!tpu.dma_semaphore, #tpu.memory_space<semaphore_mem>> -> memref<1x!tpu.dma_semaphore, #tpu.memory_space<semaphore_mem>>
      %dma_wait3A_82 = tpu.memref_squeeze %dma_wait3A_81 : memref<1x!tpu.dma_semaphore, #tpu.memory_space<semaphore_mem>> -> memref<!tpu.dma_semaphore, #tpu.memory_space<semaphore_mem>>
      %dma_wait3A_83 = arith.constant 0 : i32
      %dma_wait3A_84 = arith.constant 0 : i32
      %dma_wait3A_85 = tpu.memref_slice %arg4[%select_n3A_57, %dma_wait3A_83, %dma_wait3A_84] : memref<2x32x768xf32, #tpu.memory_space<vmem>> -> memref<1x32x768xf32, #tpu.memory_space<vmem>>
      %dma_wait3A_86 = tpu.memref_squeeze %dma_wait3A_85 : memref<1x32x768xf32, #tpu.memory_space<vmem>> -> memref<32x768xf32, #tpu.memory_space<vmem>>
      %dma_wait3A_87 = arith.constant 0 : i32
      %dma_wait3A_88 = tpu.memref_slice %arg2[%dma_wait3A_87, %multiple_of3A] : memref<32x1000000xf32, #tpu.memory_space<hbm>> -> memref<32x768xf32, #tpu.memory_space<hbm>>
      tpu.wait_dma2 semaphore(%dma_wait3A_82 : memref<!tpu.dma_semaphore, #tpu.memory_space<semaphore_mem>>) src(%dma_wait3A_88 : memref<32x768xf32, #tpu.memory_space<hbm>>) dst(%dma_wait3A_86 : memref<32x768xf32, #tpu.memory_space<vmem>>)
      %ge3A_89 = arith.constant 2 : i32
      %ge3A_90 = arith.cmpi sge, %while3A_42, %ge3A_89 : i32
      %convert_element_type3A_91 = arith.extui %ge3A_90 : i1 to i32
      %cond3A_92 = arith.constant 0 : i32
      %cond3A_93 = arith.cmpi ne, %convert_element_type3A_91, %cond3A_92 : i32
      scf.if %cond3A_93 {
        %dma_wait3A_140 = arith.constant 0 : i32
        %dma_wait3A_141 = arith.constant 0 : i32
        %dma_wait3A_142 = tpu.memref_slice %arg5[%select_n3A_57, %dma_wait3A_140, %dma_wait3A_141] : memref<2x192x128xf32, #tpu.memory_space<vmem>> -> memref<1x192x128xf32, #tpu.memory_space<vmem>>
        %dma_wait3A_143 = tpu.memref_squeeze %dma_wait3A_142 : memref<1x192x128xf32, #tpu.memory_space<vmem>> -> memref<192x128xf32, #tpu.memory_space<vmem>>
        %dma_wait3A_144 = arith.constant 0 : i32
        %dma_wait3A_145 = arith.constant 0 : i32
        %dma_wait3A_146 = tpu.memref_slice %arg3[%dma_wait3A_144, %dma_wait3A_145] : memref<250000x128xf32, #tpu.memory_space<hbm>> -> memref<192x128xf32, #tpu.memory_space<hbm>>
        %dma_wait3A_147 = tpu.memref_slice %arg9[%select_n3A_57] : memref<2x!tpu.dma_semaphore, #tpu.memory_space<semaphore_mem>> -> memref<1x!tpu.dma_semaphore, #tpu.memory_space<semaphore_mem>>
        %dma_wait3A_148 = tpu.memref_squeeze %dma_wait3A_147 : memref<1x!tpu.dma_semaphore, #tpu.memory_space<semaphore_mem>> -> memref<!tpu.dma_semaphore, #tpu.memory_space<semaphore_mem>>
        %dma_wait3A_149 = arith.constant 0 : i32
        %dma_wait3A_150 = arith.constant 0 : i32
        %dma_wait3A_151 = tpu.memref_slice %arg3[%dma_wait3A_149, %dma_wait3A_150] : memref<250000x128xf32, #tpu.memory_space<hbm>> -> memref<192x128xf32, #tpu.memory_space<hbm>>
        %dma_wait3A_152 = arith.constant 0 : i32
        %dma_wait3A_153 = arith.constant 0 : i32
        %dma_wait3A_154 = tpu.memref_slice %arg5[%select_n3A_57, %dma_wait3A_152, %dma_wait3A_153] : memref<2x192x128xf32, #tpu.memory_space<vmem>> -> memref<1x192x128xf32, #tpu.memory_space<vmem>>
        %dma_wait3A_155 = tpu.memref_squeeze %dma_wait3A_154 : memref<1x192x128xf32, #tpu.memory_space<vmem>> -> memref<192x128xf32, #tpu.memory_space<vmem>>
        tpu.wait_dma2 semaphore(%dma_wait3A_148 : memref<!tpu.dma_semaphore, #tpu.memory_space<semaphore_mem>>) src(%dma_wait3A_155 : memref<192x128xf32, #tpu.memory_space<vmem>>) dst(%dma_wait3A_151 : memref<192x128xf32, #tpu.memory_space<hbm>>)
      } else {
      }
      %scan3A = arith.constant 0 : i32
      %scan3A_94 = arith.constant 96 : i32
      %scan3A_95 = arith.addi %scan3A, %scan3A_94 : i32
      %scan3A_96 = arith.constant 1 : i32
      scf.for %scan3A_140 = %scan3A to %scan3A_95 step %scan3A_96  : i32 {
        %shift_right_logical3A = arith.constant 1 : i32
        %shift_right_logical3A_141 = arith.shrui %scan3A_140, %shift_right_logical3A : i32
        %and3A_142 = arith.constant 1 : i32
        %and3A_143 = arith.andi %scan3A_140, %and3A_142 : i32
        %shift_left3A = arith.constant 4 : i32
        %shift_left3A_144 = arith.shli %shift_right_logical3A_141, %shift_left3A : i32
        %add3A_145 = vector.broadcast %shift_left3A_144 : i32 to vector<16xi32>
        %add3A_146 = arith.addi %iota3A, %add3A_145 : vector<16xi32>
        %shift_right_logical3A_147 = arith.constant 2 : i32
        %shift_right_logical3A_148 = vector.broadcast %shift_right_logical3A_147 : i32 to vector<16xi32>
        %shift_right_logical3A_149 = arith.shrui %add3A_146, %shift_right_logical3A_148 : vector<16xi32>
        %and3A_150 = arith.constant 3 : i32
        %and3A_151 = vector.broadcast %and3A_150 : i32 to vector<16xi32>
        %and3A_152 = arith.andi %add3A_146, %and3A_151 : vector<16xi32>
        %shift_left3A_153 = arith.constant 5 : i32
        %shift_left3A_154 = vector.broadcast %shift_left3A_153 : i32 to vector<16xi32>
        %shift_left3A_155 = arith.shli %and3A_152, %shift_left3A_154 : vector<16xi32>
        %shift_left3A_156 = arith.constant 4 : i32
        %shift_left3A_157 = arith.shli %and3A_143, %shift_left3A_156 : i32
        %add3A_158 = vector.broadcast %shift_left3A_157 : i32 to vector<16xi32>
        %add3A_159 = arith.addi %iota3A, %add3A_158 : vector<16xi32>
        %and3A_160 = arith.constant 31 : i32
        %and3A_161 = vector.broadcast %and3A_160 : i32 to vector<16xi32>
        %and3A_162 = arith.andi %add3A_159, %and3A_161 : vector<16xi32>
        %gather3A = arith.constant 0 : i32
        %gather3A_163 = arith.constant 0 : i32
        %gather3A_164 = tpu.memref_slice %arg4[%select_n3A_57, %gather3A, %gather3A_163] : memref<2x32x768xf32, #tpu.memory_space<vmem>> -> memref<1x32x768xf32, #tpu.memory_space<vmem>>
        %gather3A_165 = tpu.memref_squeeze %gather3A_164 : memref<1x32x768xf32, #tpu.memory_space<vmem>> -> memref<32x768xf32, #tpu.memory_space<vmem>>
        %gather3A_166 = tpu.vector_load_idx %gather3A_165[%and3A_162, %add3A_146] : memref<32x768xf32, #tpu.memory_space<vmem>>[vector<16xi32>, vector<16xi32>], vector<16xf32>,
        %add3A_167 = arith.constant 1 : i32
        %add3A_168 = vector.broadcast %add3A_167 : i32 to vector<16xi32>
        %add3A_169 = arith.addi %and3A_162, %add3A_168 : vector<16xi32>
        %and3A_170 = arith.constant 31 : i32
        %and3A_171 = vector.broadcast %and3A_170 : i32 to vector<16xi32>
        %and3A_172 = arith.andi %add3A_169, %and3A_171 : vector<16xi32>
        %gather3A_173 = arith.constant 0 : i32
        %gather3A_174 = arith.constant 0 : i32
        %gather3A_175 = tpu.memref_slice %arg4[%select_n3A_57, %gather3A_173, %gather3A_174] : memref<2x32x768xf32, #tpu.memory_space<vmem>> -> memref<1x32x768xf32, #tpu.memory_space<vmem>>
        %gather3A_176 = tpu.memref_squeeze %gather3A_175 : memref<1x32x768xf32, #tpu.memory_space<vmem>> -> memref<32x768xf32, #tpu.memory_space<vmem>>
        %gather3A_177 = tpu.vector_load_idx %gather3A_176[%and3A_172, %add3A_146] : memref<32x768xf32, #tpu.memory_space<vmem>>[vector<16xi32>, vector<16xi32>], vector<16xf32>,
        %add3A_178 = arith.constant 1 : i32
        %add3A_179 = vector.broadcast %add3A_178 : i32 to vector<16xi32>
        %add3A_180 = arith.addi %and3A_172, %add3A_179 : vector<16xi32>
        %and3A_181 = arith.constant 31 : i32
        %and3A_182 = vector.broadcast %and3A_181 : i32 to vector<16xi32>
        %and3A_183 = arith.andi %add3A_180, %and3A_182 : vector<16xi32>
        %gather3A_184 = arith.constant 0 : i32
        %gather3A_185 = arith.constant 0 : i32
        %gather3A_186 = tpu.memref_slice %arg4[%select_n3A_57, %gather3A_184, %gather3A_185] : memref<2x32x768xf32, #tpu.memory_space<vmem>> -> memref<1x32x768xf32, #tpu.memory_space<vmem>>
        %gather3A_187 = tpu.memref_squeeze %gather3A_186 : memref<1x32x768xf32, #tpu.memory_space<vmem>> -> memref<32x768xf32, #tpu.memory_space<vmem>>
        %gather3A_188 = tpu.vector_load_idx %gather3A_187[%and3A_183, %add3A_146] : memref<32x768xf32, #tpu.memory_space<vmem>>[vector<16xi32>, vector<16xi32>], vector<16xf32>,
        %add3A_189 = arith.constant 1 : i32
        %add3A_190 = vector.broadcast %add3A_189 : i32 to vector<16xi32>
        %add3A_191 = arith.addi %and3A_183, %add3A_190 : vector<16xi32>
        %and3A_192 = arith.constant 31 : i32
        %and3A_193 = vector.broadcast %and3A_192 : i32 to vector<16xi32>
        %and3A_194 = arith.andi %add3A_191, %and3A_193 : vector<16xi32>
        %gather3A_195 = arith.constant 0 : i32
        %gather3A_196 = arith.constant 0 : i32
        %gather3A_197 = tpu.memref_slice %arg4[%select_n3A_57, %gather3A_195, %gather3A_196] : memref<2x32x768xf32, #tpu.memory_space<vmem>> -> memref<1x32x768xf32, #tpu.memory_space<vmem>>
        %gather3A_198 = tpu.memref_squeeze %gather3A_197 : memref<1x32x768xf32, #tpu.memory_space<vmem>> -> memref<32x768xf32, #tpu.memory_space<vmem>>
        %gather3A_199 = tpu.vector_load_idx %gather3A_198[%and3A_194, %add3A_146] : memref<32x768xf32, #tpu.memory_space<vmem>>[vector<16xi32>, vector<16xi32>], vector<16xf32>,
        %add3A_200 = arith.constant 1 : i32
        %add3A_201 = vector.broadcast %add3A_200 : i32 to vector<16xi32>
        %add3A_202 = arith.addi %and3A_194, %add3A_201 : vector<16xi32>
        %and3A_203 = arith.constant 31 : i32
        %and3A_204 = vector.broadcast %and3A_203 : i32 to vector<16xi32>
        %and3A_205 = arith.andi %add3A_202, %and3A_204 : vector<16xi32>
        %gather3A_206 = arith.constant 0 : i32
        %gather3A_207 = arith.constant 0 : i32
        %gather3A_208 = tpu.memref_slice %arg4[%select_n3A_57, %gather3A_206, %gather3A_207] : memref<2x32x768xf32, #tpu.memory_space<vmem>> -> memref<1x32x768xf32, #tpu.memory_space<vmem>>
        %gather3A_209 = tpu.memref_squeeze %gather3A_208 : memref<1x32x768xf32, #tpu.memory_space<vmem>> -> memref<32x768xf32, #tpu.memory_space<vmem>>
        %gather3A_210 = tpu.vector_load_idx %gather3A_209[%and3A_205, %add3A_146] : memref<32x768xf32, #tpu.memory_space<vmem>>[vector<16xi32>, vector<16xi32>], vector<16xf32>,
        %add3A_211 = arith.constant 1 : i32
        %add3A_212 = vector.broadcast %add3A_211 : i32 to vector<16xi32>
        %add3A_213 = arith.addi %and3A_205, %add3A_212 : vector<16xi32>
        %and3A_214 = arith.constant 31 : i32
        %and3A_215 = vector.broadcast %and3A_214 : i32 to vector<16xi32>
        %and3A_216 = arith.andi %add3A_213, %and3A_215 : vector<16xi32>
        %gather3A_217 = arith.constant 0 : i32
        %gather3A_218 = arith.constant 0 : i32
        %gather3A_219 = tpu.memref_slice %arg4[%select_n3A_57, %gather3A_217, %gather3A_218] : memref<2x32x768xf32, #tpu.memory_space<vmem>> -> memref<1x32x768xf32, #tpu.memory_space<vmem>>
        %gather3A_220 = tpu.memref_squeeze %gather3A_219 : memref<1x32x768xf32, #tpu.memory_space<vmem>> -> memref<32x768xf32, #tpu.memory_space<vmem>>
        %gather3A_221 = tpu.vector_load_idx %gather3A_220[%and3A_216, %add3A_146] : memref<32x768xf32, #tpu.memory_space<vmem>>[vector<16xi32>, vector<16xi32>], vector<16xf32>,
        %add3A_222 = arith.constant 1 : i32
        %add3A_223 = vector.broadcast %add3A_222 : i32 to vector<16xi32>
        %add3A_224 = arith.addi %and3A_216, %add3A_223 : vector<16xi32>
        %and3A_225 = arith.constant 31 : i32
        %and3A_226 = vector.broadcast %and3A_225 : i32 to vector<16xi32>
        %and3A_227 = arith.andi %add3A_224, %and3A_226 : vector<16xi32>
        %gather3A_228 = arith.constant 0 : i32
        %gather3A_229 = arith.constant 0 : i32
        %gather3A_230 = tpu.memref_slice %arg4[%select_n3A_57, %gather3A_228, %gather3A_229] : memref<2x32x768xf32, #tpu.memory_space<vmem>> -> memref<1x32x768xf32, #tpu.memory_space<vmem>>
        %gather3A_231 = tpu.memref_squeeze %gather3A_230 : memref<1x32x768xf32, #tpu.memory_space<vmem>> -> memref<32x768xf32, #tpu.memory_space<vmem>>
        %gather3A_232 = tpu.vector_load_idx %gather3A_231[%and3A_227, %add3A_146] : memref<32x768xf32, #tpu.memory_space<vmem>>[vector<16xi32>, vector<16xi32>], vector<16xf32>,
        %add3A_233 = arith.constant 1 : i32
        %add3A_234 = vector.broadcast %add3A_233 : i32 to vector<16xi32>
        %add3A_235 = arith.addi %and3A_227, %add3A_234 : vector<16xi32>
        %and3A_236 = arith.constant 31 : i32
        %and3A_237 = vector.broadcast %and3A_236 : i32 to vector<16xi32>
        %and3A_238 = arith.andi %add3A_235, %and3A_237 : vector<16xi32>
        %gather3A_239 = arith.constant 0 : i32
        %gather3A_240 = arith.constant 0 : i32
        %gather3A_241 = tpu.memref_slice %arg4[%select_n3A_57, %gather3A_239, %gather3A_240] : memref<2x32x768xf32, #tpu.memory_space<vmem>> -> memref<1x32x768xf32, #tpu.memory_space<vmem>>
        %gather3A_242 = tpu.memref_squeeze %gather3A_241 : memref<1x32x768xf32, #tpu.memory_space<vmem>> -> memref<32x768xf32, #tpu.memory_space<vmem>>
        %gather3A_243 = tpu.vector_load_idx %gather3A_242[%and3A_238, %add3A_146] : memref<32x768xf32, #tpu.memory_space<vmem>>[vector<16xi32>, vector<16xi32>], vector<16xf32>,
        %add3A_244 = arith.constant 1 : i32
        %add3A_245 = vector.broadcast %add3A_244 : i32 to vector<16xi32>
        %add3A_246 = arith.addi %and3A_238, %add3A_245 : vector<16xi32>
        %and3A_247 = arith.constant 31 : i32
        %and3A_248 = vector.broadcast %and3A_247 : i32 to vector<16xi32>
        %and3A_249 = arith.andi %add3A_246, %and3A_248 : vector<16xi32>
        %gather3A_250 = arith.constant 0 : i32
        %gather3A_251 = arith.constant 0 : i32
        %gather3A_252 = tpu.memref_slice %arg4[%select_n3A_57, %gather3A_250, %gather3A_251] : memref<2x32x768xf32, #tpu.memory_space<vmem>> -> memref<1x32x768xf32, #tpu.memory_space<vmem>>
        %gather3A_253 = tpu.memref_squeeze %gather3A_252 : memref<1x32x768xf32, #tpu.memory_space<vmem>> -> memref<32x768xf32, #tpu.memory_space<vmem>>
        %gather3A_254 = tpu.vector_load_idx %gather3A_253[%and3A_249, %add3A_146] : memref<32x768xf32, #tpu.memory_space<vmem>>[vector<16xi32>, vector<16xi32>], vector<16xf32>,
        %add3A_255 = arith.constant 1 : i32
        %add3A_256 = vector.broadcast %add3A_255 : i32 to vector<16xi32>
        %add3A_257 = arith.addi %and3A_249, %add3A_256 : vector<16xi32>
        %and3A_258 = arith.constant 31 : i32
        %and3A_259 = vector.broadcast %and3A_258 : i32 to vector<16xi32>
        %and3A_260 = arith.andi %add3A_257, %and3A_259 : vector<16xi32>
        %gather3A_261 = arith.constant 0 : i32
        %gather3A_262 = arith.constant 0 : i32
        %gather3A_263 = tpu.memref_slice %arg4[%select_n3A_57, %gather3A_261, %gather3A_262] : memref<2x32x768xf32, #tpu.memory_space<vmem>> -> memref<1x32x768xf32, #tpu.memory_space<vmem>>
        %gather3A_264 = tpu.memref_squeeze %gather3A_263 : memref<1x32x768xf32, #tpu.memory_space<vmem>> -> memref<32x768xf32, #tpu.memory_space<vmem>>
        %gather3A_265 = tpu.vector_load_idx %gather3A_264[%and3A_260, %add3A_146] : memref<32x768xf32, #tpu.memory_space<vmem>>[vector<16xi32>, vector<16xi32>], vector<16xf32>,
        %add3A_266 = arith.constant 1 : i32
        %add3A_267 = vector.broadcast %add3A_266 : i32 to vector<16xi32>
        %add3A_268 = arith.addi %and3A_260, %add3A_267 : vector<16xi32>
        %and3A_269 = arith.constant 31 : i32
        %and3A_270 = vector.broadcast %and3A_269 : i32 to vector<16xi32>
        %and3A_271 = arith.andi %add3A_268, %and3A_270 : vector<16xi32>
        %gather3A_272 = arith.constant 0 : i32
        %gather3A_273 = arith.constant 0 : i32
        %gather3A_274 = tpu.memref_slice %arg4[%select_n3A_57, %gather3A_272, %gather3A_273] : memref<2x32x768xf32, #tpu.memory_space<vmem>> -> memref<1x32x768xf32, #tpu.memory_space<vmem>>
        %gather3A_275 = tpu.memref_squeeze %gather3A_274 : memref<1x32x768xf32, #tpu.memory_space<vmem>> -> memref<32x768xf32, #tpu.memory_space<vmem>>
        %gather3A_276 = tpu.vector_load_idx %gather3A_275[%and3A_271, %add3A_146] : memref<32x768xf32, #tpu.memory_space<vmem>>[vector<16xi32>, vector<16xi32>], vector<16xf32>,
        %add3A_277 = arith.constant 1 : i32
        %add3A_278 = vector.broadcast %add3A_277 : i32 to vector<16xi32>
        %add3A_279 = arith.addi %and3A_271, %add3A_278 : vector<16xi32>
        %and3A_280 = arith.constant 31 : i32
        %and3A_281 = vector.broadcast %and3A_280 : i32 to vector<16xi32>
        %and3A_282 = arith.andi %add3A_279, %and3A_281 : vector<16xi32>
        %gather3A_283 = arith.constant 0 : i32
        %gather3A_284 = arith.constant 0 : i32
        %gather3A_285 = tpu.memref_slice %arg4[%select_n3A_57, %gather3A_283, %gather3A_284] : memref<2x32x768xf32, #tpu.memory_space<vmem>> -> memref<1x32x768xf32, #tpu.memory_space<vmem>>
        %gather3A_286 = tpu.memref_squeeze %gather3A_285 : memref<1x32x768xf32, #tpu.memory_space<vmem>> -> memref<32x768xf32, #tpu.memory_space<vmem>>
        %gather3A_287 = tpu.vector_load_idx %gather3A_286[%and3A_282, %add3A_146] : memref<32x768xf32, #tpu.memory_space<vmem>>[vector<16xi32>, vector<16xi32>], vector<16xf32>,
        %add3A_288 = arith.constant 1 : i32
        %add3A_289 = vector.broadcast %add3A_288 : i32 to vector<16xi32>
        %add3A_290 = arith.addi %and3A_282, %add3A_289 : vector<16xi32>
        %and3A_291 = arith.constant 31 : i32
        %and3A_292 = vector.broadcast %and3A_291 : i32 to vector<16xi32>
        %and3A_293 = arith.andi %add3A_290, %and3A_292 : vector<16xi32>
        %gather3A_294 = arith.constant 0 : i32
        %gather3A_295 = arith.constant 0 : i32
        %gather3A_296 = tpu.memref_slice %arg4[%select_n3A_57, %gather3A_294, %gather3A_295] : memref<2x32x768xf32, #tpu.memory_space<vmem>> -> memref<1x32x768xf32, #tpu.memory_space<vmem>>
        %gather3A_297 = tpu.memref_squeeze %gather3A_296 : memref<1x32x768xf32, #tpu.memory_space<vmem>> -> memref<32x768xf32, #tpu.memory_space<vmem>>
        %gather3A_298 = tpu.vector_load_idx %gather3A_297[%and3A_293, %add3A_146] : memref<32x768xf32, #tpu.memory_space<vmem>>[vector<16xi32>, vector<16xi32>], vector<16xf32>,
        %add3A_299 = arith.constant 1 : i32
        %add3A_300 = vector.broadcast %add3A_299 : i32 to vector<16xi32>
        %add3A_301 = arith.addi %and3A_293, %add3A_300 : vector<16xi32>
        %and3A_302 = arith.constant 31 : i32
        %and3A_303 = vector.broadcast %and3A_302 : i32 to vector<16xi32>
        %and3A_304 = arith.andi %add3A_301, %and3A_303 : vector<16xi32>
        %gather3A_305 = arith.constant 0 : i32
        %gather3A_306 = arith.constant 0 : i32
        %gather3A_307 = tpu.memref_slice %arg4[%select_n3A_57, %gather3A_305, %gather3A_306] : memref<2x32x768xf32, #tpu.memory_space<vmem>> -> memref<1x32x768xf32, #tpu.memory_space<vmem>>
        %gather3A_308 = tpu.memref_squeeze %gather3A_307 : memref<1x32x768xf32, #tpu.memory_space<vmem>> -> memref<32x768xf32, #tpu.memory_space<vmem>>
        %gather3A_309 = tpu.vector_load_idx %gather3A_308[%and3A_304, %add3A_146] : memref<32x768xf32, #tpu.memory_space<vmem>>[vector<16xi32>, vector<16xi32>], vector<16xf32>,
        %add3A_310 = arith.constant 1 : i32
        %add3A_311 = vector.broadcast %add3A_310 : i32 to vector<16xi32>
        %add3A_312 = arith.addi %and3A_304, %add3A_311 : vector<16xi32>
        %and3A_313 = arith.constant 31 : i32
        %and3A_314 = vector.broadcast %and3A_313 : i32 to vector<16xi32>
        %and3A_315 = arith.andi %add3A_312, %and3A_314 : vector<16xi32>
        %gather3A_316 = arith.constant 0 : i32
        %gather3A_317 = arith.constant 0 : i32
        %gather3A_318 = tpu.memref_slice %arg4[%select_n3A_57, %gather3A_316, %gather3A_317] : memref<2x32x768xf32, #tpu.memory_space<vmem>> -> memref<1x32x768xf32, #tpu.memory_space<vmem>>
        %gather3A_319 = tpu.memref_squeeze %gather3A_318 : memref<1x32x768xf32, #tpu.memory_space<vmem>> -> memref<32x768xf32, #tpu.memory_space<vmem>>
        %gather3A_320 = tpu.vector_load_idx %gather3A_319[%and3A_315, %add3A_146] : memref<32x768xf32, #tpu.memory_space<vmem>>[vector<16xi32>, vector<16xi32>], vector<16xf32>,
        %add3A_321 = arith.constant 1 : i32
        %add3A_322 = vector.broadcast %add3A_321 : i32 to vector<16xi32>
        %add3A_323 = arith.addi %and3A_315, %add3A_322 : vector<16xi32>
        %and3A_324 = arith.constant 31 : i32
        %and3A_325 = vector.broadcast %and3A_324 : i32 to vector<16xi32>
        %and3A_326 = arith.andi %add3A_323, %and3A_325 : vector<16xi32>
        %gather3A_327 = arith.constant 0 : i32
        %gather3A_328 = arith.constant 0 : i32
        %gather3A_329 = tpu.memref_slice %arg4[%select_n3A_57, %gather3A_327, %gather3A_328] : memref<2x32x768xf32, #tpu.memory_space<vmem>> -> memref<1x32x768xf32, #tpu.memory_space<vmem>>
        %gather3A_330 = tpu.memref_squeeze %gather3A_329 : memref<1x32x768xf32, #tpu.memory_space<vmem>> -> memref<32x768xf32, #tpu.memory_space<vmem>>
        %gather3A_331 = tpu.vector_load_idx %gather3A_330[%and3A_326, %add3A_146] : memref<32x768xf32, #tpu.memory_space<vmem>>[vector<16xi32>, vector<16xi32>], vector<16xf32>,
        %add3A_332 = arith.constant 1 : i32
        %add3A_333 = vector.broadcast %add3A_332 : i32 to vector<16xi32>
        %add3A_334 = arith.addi %and3A_326, %add3A_333 : vector<16xi32>
        %and3A_335 = arith.constant 31 : i32
        %and3A_336 = vector.broadcast %and3A_335 : i32 to vector<16xi32>
        %and3A_337 = arith.andi %add3A_334, %and3A_336 : vector<16xi32>
        %add3A_338 = arith.addi %shift_left3A_155, %and3A_162 : vector<16xi32>
        %scatter3A = arith.constant 0 : i32
        %scatter3A_339 = arith.constant 0 : i32
        %scatter3A_340 = tpu.memref_slice %arg5[%select_n3A_57, %scatter3A, %scatter3A_339] : memref<2x192x128xf32, #tpu.memory_space<vmem>> -> memref<1x192x128xf32, #tpu.memory_space<vmem>>
        %scatter3A_341 = tpu.memref_squeeze %scatter3A_340 : memref<1x192x128xf32, #tpu.memory_space<vmem>> -> memref<192x128xf32, #tpu.memory_space<vmem>>
        tpu.vector_store_idx %scatter3A_341[%shift_right_logical3A_149, %add3A_338], %gather3A_166 : memref<192x128xf32, #tpu.memory_space<vmem>>[vector<16xi32>, vector<16xi32>], vector<16xf32>,
        %add3A_342 = arith.addi %shift_left3A_155, %and3A_172 : vector<16xi32>
        %scatter3A_343 = arith.constant 0 : i32
        %scatter3A_344 = arith.constant 0 : i32
        %scatter3A_345 = tpu.memref_slice %arg5[%select_n3A_57, %scatter3A_343, %scatter3A_344] : memref<2x192x128xf32, #tpu.memory_space<vmem>> -> memref<1x192x128xf32, #tpu.memory_space<vmem>>
        %scatter3A_346 = tpu.memref_squeeze %scatter3A_345 : memref<1x192x128xf32, #tpu.memory_space<vmem>> -> memref<192x128xf32, #tpu.memory_space<vmem>>
        tpu.vector_store_idx %scatter3A_346[%shift_right_logical3A_149, %add3A_342], %gather3A_177 : memref<192x128xf32, #tpu.memory_space<vmem>>[vector<16xi32>, vector<16xi32>], vector<16xf32>,
        %add3A_347 = arith.addi %shift_left3A_155, %and3A_183 : vector<16xi32>
        %scatter3A_348 = arith.constant 0 : i32
        %scatter3A_349 = arith.constant 0 : i32
        %scatter3A_350 = tpu.memref_slice %arg5[%select_n3A_57, %scatter3A_348, %scatter3A_349] : memref<2x192x128xf32, #tpu.memory_space<vmem>> -> memref<1x192x128xf32, #tpu.memory_space<vmem>>
        %scatter3A_351 = tpu.memref_squeeze %scatter3A_350 : memref<1x192x128xf32, #tpu.memory_space<vmem>> -> memref<192x128xf32, #tpu.memory_space<vmem>>
        tpu.vector_store_idx %scatter3A_351[%shift_right_logical3A_149, %add3A_347], %gather3A_188 : memref<192x128xf32, #tpu.memory_space<vmem>>[vector<16xi32>, vector<16xi32>], vector<16xf32>,
        %add3A_352 = arith.addi %shift_left3A_155, %and3A_194 : vector<16xi32>
        %scatter3A_353 = arith.constant 0 : i32
        %scatter3A_354 = arith.constant 0 : i32
        %scatter3A_355 = tpu.memref_slice %arg5[%select_n3A_57, %scatter3A_353, %scatter3A_354] : memref<2x192x128xf32, #tpu.memory_space<vmem>> -> memref<1x192x128xf32, #tpu.memory_space<vmem>>
        %scatter3A_356 = tpu.memref_squeeze %scatter3A_355 : memref<1x192x128xf32, #tpu.memory_space<vmem>> -> memref<192x128xf32, #tpu.memory_space<vmem>>
        tpu.vector_store_idx %scatter3A_356[%shift_right_logical3A_149, %add3A_352], %gather3A_199 : memref<192x128xf32, #tpu.memory_space<vmem>>[vector<16xi32>, vector<16xi32>], vector<16xf32>,
        %add3A_357 = arith.addi %shift_left3A_155, %and3A_205 : vector<16xi32>
        %scatter3A_358 = arith.constant 0 : i32
        %scatter3A_359 = arith.constant 0 : i32
        %scatter3A_360 = tpu.memref_slice %arg5[%select_n3A_57, %scatter3A_358, %scatter3A_359] : memref<2x192x128xf32, #tpu.memory_space<vmem>> -> memref<1x192x128xf32, #tpu.memory_space<vmem>>
        %scatter3A_361 = tpu.memref_squeeze %scatter3A_360 : memref<1x192x128xf32, #tpu.memory_space<vmem>> -> memref<192x128xf32, #tpu.memory_space<vmem>>
        tpu.vector_store_idx %scatter3A_361[%shift_right_logical3A_149, %add3A_357], %gather3A_210 : memref<192x128xf32, #tpu.memory_space<vmem>>[vector<16xi32>, vector<16xi32>], vector<16xf32>,
        %add3A_362 = arith.addi %shift_left3A_155, %and3A_216 : vector<16xi32>
        %scatter3A_363 = arith.constant 0 : i32
        %scatter3A_364 = arith.constant 0 : i32
        %scatter3A_365 = tpu.memref_slice %arg5[%select_n3A_57, %scatter3A_363, %scatter3A_364] : memref<2x192x128xf32, #tpu.memory_space<vmem>> -> memref<1x192x128xf32, #tpu.memory_space<vmem>>
        %scatter3A_366 = tpu.memref_squeeze %scatter3A_365 : memref<1x192x128xf32, #tpu.memory_space<vmem>> -> memref<192x128xf32, #tpu.memory_space<vmem>>
        tpu.vector_store_idx %scatter3A_366[%shift_right_logical3A_149, %add3A_362], %gather3A_221 : memref<192x128xf32, #tpu.memory_space<vmem>>[vector<16xi32>, vector<16xi32>], vector<16xf32>,
        %add3A_367 = arith.addi %shift_left3A_155, %and3A_227 : vector<16xi32>
        %scatter3A_368 = arith.constant 0 : i32
        %scatter3A_369 = arith.constant 0 : i32
        %scatter3A_370 = tpu.memref_slice %arg5[%select_n3A_57, %scatter3A_368, %scatter3A_369] : memref<2x192x128xf32, #tpu.memory_space<vmem>> -> memref<1x192x128xf32, #tpu.memory_space<vmem>>
        %scatter3A_371 = tpu.memref_squeeze %scatter3A_370 : memref<1x192x128xf32, #tpu.memory_space<vmem>> -> memref<192x128xf32, #tpu.memory_space<vmem>>
        tpu.vector_store_idx %scatter3A_371[%shift_right_logical3A_149, %add3A_367], %gather3A_232 : memref<192x128xf32, #tpu.memory_space<vmem>>[vector<16xi32>, vector<16xi32>], vector<16xf32>,
        %add3A_372 = arith.addi %shift_left3A_155, %and3A_238 : vector<16xi32>
        %scatter3A_373 = arith.constant 0 : i32
        %scatter3A_374 = arith.constant 0 : i32
        %scatter3A_375 = tpu.memref_slice %arg5[%select_n3A_57, %scatter3A_373, %scatter3A_374] : memref<2x192x128xf32, #tpu.memory_space<vmem>> -> memref<1x192x128xf32, #tpu.memory_space<vmem>>
        %scatter3A_376 = tpu.memref_squeeze %scatter3A_375 : memref<1x192x128xf32, #tpu.memory_space<vmem>> -> memref<192x128xf32, #tpu.memory_space<vmem>>
        tpu.vector_store_idx %scatter3A_376[%shift_right_logical3A_149, %add3A_372], %gather3A_243 : memref<192x128xf32, #tpu.memory_space<vmem>>[vector<16xi32>, vector<16xi32>], vector<16xf32>,
        %add3A_377 = arith.addi %shift_left3A_155, %and3A_249 : vector<16xi32>
        %scatter3A_378 = arith.constant 0 : i32
        %scatter3A_379 = arith.constant 0 : i32
        %scatter3A_380 = tpu.memref_slice %arg5[%select_n3A_57, %scatter3A_378, %scatter3A_379] : memref<2x192x128xf32, #tpu.memory_space<vmem>> -> memref<1x192x128xf32, #tpu.memory_space<vmem>>
        %scatter3A_381 = tpu.memref_squeeze %scatter3A_380 : memref<1x192x128xf32, #tpu.memory_space<vmem>> -> memref<192x128xf32, #tpu.memory_space<vmem>>
        tpu.vector_store_idx %scatter3A_381[%shift_right_logical3A_149, %add3A_377], %gather3A_254 : memref<192x128xf32, #tpu.memory_space<vmem>>[vector<16xi32>, vector<16xi32>], vector<16xf32>,
        %add3A_382 = arith.addi %shift_left3A_155, %and3A_260 : vector<16xi32>
        %scatter3A_383 = arith.constant 0 : i32
        %scatter3A_384 = arith.constant 0 : i32
        %scatter3A_385 = tpu.memref_slice %arg5[%select_n3A_57, %scatter3A_383, %scatter3A_384] : memref<2x192x128xf32, #tpu.memory_space<vmem>> -> memref<1x192x128xf32, #tpu.memory_space<vmem>>
        %scatter3A_386 = tpu.memref_squeeze %scatter3A_385 : memref<1x192x128xf32, #tpu.memory_space<vmem>> -> memref<192x128xf32, #tpu.memory_space<vmem>>
        tpu.vector_store_idx %scatter3A_386[%shift_right_logical3A_149, %add3A_382], %gather3A_265 : memref<192x128xf32, #tpu.memory_space<vmem>>[vector<16xi32>, vector<16xi32>], vector<16xf32>,
        %add3A_387 = arith.addi %shift_left3A_155, %and3A_271 : vector<16xi32>
        %scatter3A_388 = arith.constant 0 : i32
        %scatter3A_389 = arith.constant 0 : i32
        %scatter3A_390 = tpu.memref_slice %arg5[%select_n3A_57, %scatter3A_388, %scatter3A_389] : memref<2x192x128xf32, #tpu.memory_space<vmem>> -> memref<1x192x128xf32, #tpu.memory_space<vmem>>
        %scatter3A_391 = tpu.memref_squeeze %scatter3A_390 : memref<1x192x128xf32, #tpu.memory_space<vmem>> -> memref<192x128xf32, #tpu.memory_space<vmem>>
        tpu.vector_store_idx %scatter3A_391[%shift_right_logical3A_149, %add3A_387], %gather3A_276 : memref<192x128xf32, #tpu.memory_space<vmem>>[vector<16xi32>, vector<16xi32>], vector<16xf32>,
        %add3A_392 = arith.addi %shift_left3A_155, %and3A_282 : vector<16xi32>
        %scatter3A_393 = arith.constant 0 : i32
        %scatter3A_394 = arith.constant 0 : i32
        %scatter3A_395 = tpu.memref_slice %arg5[%select_n3A_57, %scatter3A_393, %scatter3A_394] : memref<2x192x128xf32, #tpu.memory_space<vmem>> -> memref<1x192x128xf32, #tpu.memory_space<vmem>>
        %scatter3A_396 = tpu.memref_squeeze %scatter3A_395 : memref<1x192x128xf32, #tpu.memory_space<vmem>> -> memref<192x128xf32, #tpu.memory_space<vmem>>
        tpu.vector_store_idx %scatter3A_396[%shift_right_logical3A_149, %add3A_392], %gather3A_287 : memref<192x128xf32, #tpu.memory_space<vmem>>[vector<16xi32>, vector<16xi32>], vector<16xf32>,
        %add3A_397 = arith.addi %shift_left3A_155, %and3A_293 : vector<16xi32>
        %scatter3A_398 = arith.constant 0 : i32
        %scatter3A_399 = arith.constant 0 : i32
        %scatter3A_400 = tpu.memref_slice %arg5[%select_n3A_57, %scatter3A_398, %scatter3A_399] : memref<2x192x128xf32, #tpu.memory_space<vmem>> -> memref<1x192x128xf32, #tpu.memory_space<vmem>>
        %scatter3A_401 = tpu.memref_squeeze %scatter3A_400 : memref<1x192x128xf32, #tpu.memory_space<vmem>> -> memref<192x128xf32, #tpu.memory_space<vmem>>
        tpu.vector_store_idx %scatter3A_401[%shift_right_logical3A_149, %add3A_397], %gather3A_298 : memref<192x128xf32, #tpu.memory_space<vmem>>[vector<16xi32>, vector<16xi32>], vector<16xf32>,
        %add3A_402 = arith.addi %shift_left3A_155, %and3A_304 : vector<16xi32>
        %scatter3A_403 = arith.constant 0 : i32
        %scatter3A_404 = arith.constant 0 : i32
        %scatter3A_405 = tpu.memref_slice %arg5[%select_n3A_57, %scatter3A_403, %scatter3A_404] : memref<2x192x128xf32, #tpu.memory_space<vmem>> -> memref<1x192x128xf32, #tpu.memory_space<vmem>>
        %scatter3A_406 = tpu.memref_squeeze %scatter3A_405 : memref<1x192x128xf32, #tpu.memory_space<vmem>> -> memref<192x128xf32, #tpu.memory_space<vmem>>
        tpu.vector_store_idx %scatter3A_406[%shift_right_logical3A_149, %add3A_402], %gather3A_309 : memref<192x128xf32, #tpu.memory_space<vmem>>[vector<16xi32>, vector<16xi32>], vector<16xf32>,
        %add3A_407 = arith.addi %shift_left3A_155, %and3A_315 : vector<16xi32>
        %scatter3A_408 = arith.constant 0 : i32
        %scatter3A_409 = arith.constant 0 : i32
        %scatter3A_410 = tpu.memref_slice %arg5[%select_n3A_57, %scatter3A_408, %scatter3A_409] : memref<2x192x128xf32, #tpu.memory_space<vmem>> -> memref<1x192x128xf32, #tpu.memory_space<vmem>>
        %scatter3A_411 = tpu.memref_squeeze %scatter3A_410 : memref<1x192x128xf32, #tpu.memory_space<vmem>> -> memref<192x128xf32, #tpu.memory_space<vmem>>
        tpu.vector_store_idx %scatter3A_411[%shift_right_logical3A_149, %add3A_407], %gather3A_320 : memref<192x128xf32, #tpu.memory_space<vmem>>[vector<16xi32>, vector<16xi32>], vector<16xf32>,
        %add3A_412 = arith.addi %shift_left3A_155, %and3A_326 : vector<16xi32>
        %scatter3A_413 = arith.constant 0 : i32
        %scatter3A_414 = arith.constant 0 : i32
        %scatter3A_415 = tpu.memref_slice %arg5[%select_n3A_57, %scatter3A_413, %scatter3A_414] : memref<2x192x128xf32, #tpu.memory_space<vmem>> -> memref<1x192x128xf32, #tpu.memory_space<vmem>>
        %scatter3A_416 = tpu.memref_squeeze %scatter3A_415 : memref<1x192x128xf32, #tpu.memory_space<vmem>> -> memref<192x128xf32, #tpu.memory_space<vmem>>
        tpu.vector_store_idx %scatter3A_416[%shift_right_logical3A_149, %add3A_412], %gather3A_331 : memref<192x128xf32, #tpu.memory_space<vmem>>[vector<16xi32>, vector<16xi32>], vector<16xf32>,
      }
      %scan3A_97 = arith.constant 96 : i32
      %mul3A_98 = arith.constant 768 : i32
      %mul3A_99 = arith.muli %add3A_60, %mul3A_98 : i32
      %multiple_of3A_100 = tpu.assume_multiple %mul3A_99, 128 : i32
      %jit3A_101 = arith.constant 4 : i32
      %div3A_102 = arith.divsi %multiple_of3A_100, %jit3A_101 : i32
      %sign3A_103 = arith.constant 0 : i32
      %sign3A_104 = arith.cmpi sgt, %multiple_of3A_100, %sign3A_103 : i32
      %sign3A_105 = arith.extui %sign3A_104 : i1 to i32
      %sign3A_106 = arith.constant 0 : i32
      %sign3A_107 = arith.cmpi slt, %multiple_of3A_100, %sign3A_106 : i32
      %sign3A_108 = arith.extui %sign3A_107 : i1 to i32
      %sign3A_109 = arith.subi %sign3A_105, %sign3A_108 : i32
      %sign3A_110 = arith.constant 0 : i32
      %sign3A_111 = arith.cmpi sgt, %jit3A_101, %sign3A_110 : i32
      %sign3A_112 = arith.extui %sign3A_111 : i1 to i32
      %sign3A_113 = arith.constant 0 : i32
      %sign3A_114 = arith.cmpi slt, %jit3A_101, %sign3A_113 : i32
      %sign3A_115 = arith.extui %sign3A_114 : i1 to i32
      %sign3A_116 = arith.subi %sign3A_112, %sign3A_115 : i32
      %ne3A_117 = arith.cmpi ne, %sign3A_109, %sign3A_116 : i32
      %rem3A_118 = arith.remsi %multiple_of3A_100, %jit3A_101 : i32
      %ne3A_119 = arith.constant 0 : i32
      %ne3A_120 = arith.cmpi ne, %rem3A_118, %ne3A_119 : i32
      %and3A_121 = arith.andi %ne3A_117, %ne3A_120 : i1
      %sub3A_122 = arith.constant 1 : i32
      %sub3A_123 = arith.subi %div3A_102, %sub3A_122 : i32
      %select_n3A_124 = arith.select %and3A_121, %sub3A_123, %div3A_102 : i32
      %multiple_of3A_125 = tpu.assume_multiple %select_n3A_124, 8 : i32
      %dma_start3A_126 = arith.constant 0 : i32
      %dma_start3A_127 = arith.constant 0 : i32
      %dma_start3A_128 = tpu.memref_slice %arg5[%select_n3A_57, %dma_start3A_126, %dma_start3A_127] : memref<2x192x128xf32, #tpu.memory_space<vmem>> -> memref<1x192x128xf32, #tpu.memory_space<vmem>>
      %dma_start3A_129 = tpu.memref_squeeze %dma_start3A_128 : memref<1x192x128xf32, #tpu.memory_space<vmem>> -> memref<192x128xf32, #tpu.memory_space<vmem>>
      %dma_start3A_130 = arith.constant 0 : i32
      %dma_start3A_131 = tpu.memref_slice %arg3[%multiple_of3A_125, %dma_start3A_130] : memref<250000x128xf32, #tpu.memory_space<hbm>> -> memref<192x128xf32, #tpu.memory_space<hbm>>
      %dma_start3A_132 = tpu.memref_slice %arg9[%select_n3A_57] : memref<2x!tpu.dma_semaphore, #tpu.memory_space<semaphore_mem>> -> memref<1x!tpu.dma_semaphore, #tpu.memory_space<semaphore_mem>>
      %dma_start3A_133 = tpu.memref_squeeze %dma_start3A_132 : memref<1x!tpu.dma_semaphore, #tpu.memory_space<semaphore_mem>> -> memref<!tpu.dma_semaphore, #tpu.memory_space<semaphore_mem>>
      %dma_start3A_134 = arith.constant 0 : i32
      %dma_start3A_135 = tpu.memref_slice %arg3[%multiple_of3A_125, %dma_start3A_134] : memref<250000x128xf32, #tpu.memory_space<hbm>> -> memref<192x128xf32, #tpu.memory_space<hbm>>
      %dma_start3A_136 = arith.constant 0 : i32
      %dma_start3A_137 = arith.constant 0 : i32
      %dma_start3A_138 = tpu.memref_slice %arg5[%select_n3A_57, %dma_start3A_136, %dma_start3A_137] : memref<2x192x128xf32, #tpu.memory_space<vmem>> -> memref<1x192x128xf32, #tpu.memory_space<vmem>>
      %dma_start3A_139 = tpu.memref_squeeze %dma_start3A_138 : memref<1x192x128xf32, #tpu.memory_space<vmem>> -> memref<192x128xf32, #tpu.memory_space<vmem>>
      tpu.enqueue_dma source(%dma_start3A_139 : memref<192x128xf32, #tpu.memory_space<vmem>>) target(%dma_start3A_135 : memref<192x128xf32, #tpu.memory_space<hbm>>) target_semaphore(%dma_start3A_133 : memref<!tpu.dma_semaphore, #tpu.memory_space<semaphore_mem>>)
    }
    %while3A_30 = arith.constant 1 : i32
    scf.for %while3A_42 = %while3A_28 to %while3A_24 step %while3A_30  : i32 {
      %jit3A_43 = arith.constant 2 : i32
      %eq3A_44 = arith.constant 0 : i32
      %eq3A_45 = arith.cmpi eq, %jit3A_43, %eq3A_44 : i32
      %jit3A_46 = arith.constant 1 : i32
      %select_n3A_47 = arith.select %eq3A_45, %jit3A_46, %jit3A_43 : i32
      %rem3A_48 = arith.remsi %while3A_42, %select_n3A_47 : i32
      %ne3A_49 = arith.constant 0 : i32
      %ne3A_50 = arith.cmpi ne, %rem3A_48, %ne3A_49 : i32
      %lt3A = arith.constant 0 : i32
      %lt3A_51 = arith.cmpi slt, %rem3A_48, %lt3A : i32
      %lt3A_52 = arith.constant 0 : i32
      %lt3A_53 = arith.cmpi slt, %select_n3A_47, %lt3A_52 : i32
      %ne3A_54 = arith.xori %lt3A_51, %lt3A_53 : i1
      %and3A_55 = arith.andi %ne3A_54, %ne3A_50 : i1
      %add3A_56 = arith.addi %rem3A_48, %select_n3A_47 : i32
      %select_n3A_57 = arith.select %and3A_55, %add3A_56, %rem3A_48 : i32
      %mul3A_58 = arith.constant 32 : i32
      %mul3A_59 = arith.muli %mul3A_58, %while3A_42 : i32
      %add3A_60 = arith.addi %add3A, %mul3A_59 : i32
      %mul3A_61 = arith.constant 768 : i32
      %mul3A_62 = arith.muli %add3A_60, %mul3A_61 : i32
      %multiple_of3A = tpu.assume_multiple %mul3A_62, 128 : i32
      %dma_start3A = arith.constant 0 : i32
      %dma_start3A_63 = arith.constant 0 : i32
      %dma_start3A_64 = tpu.memref_slice %arg4[%select_n3A_57, %dma_start3A, %dma_start3A_63] : memref<2x32x768xf32, #tpu.memory_space<vmem>> -> memref<1x32x768xf32, #tpu.memory_space<vmem>>
      %dma_start3A_65 = tpu.memref_squeeze %dma_start3A_64 : memref<1x32x768xf32, #tpu.memory_space<vmem>> -> memref<32x768xf32, #tpu.memory_space<vmem>>
      %dma_start3A_66 = arith.constant 0 : i32
      %dma_start3A_67 = tpu.memref_slice %arg2[%dma_start3A_66, %multiple_of3A] : memref<32x1000000xf32, #tpu.memory_space<hbm>> -> memref<32x768xf32, #tpu.memory_space<hbm>>
      %dma_start3A_68 = tpu.memref_slice %arg8[%select_n3A_57] : memref<2x!tpu.dma_semaphore, #tpu.memory_space<semaphore_mem>> -> memref<1x!tpu.dma_semaphore, #tpu.memory_space<semaphore_mem>>
      %dma_start3A_69 = tpu.memref_squeeze %dma_start3A_68 : memref<1x!tpu.dma_semaphore, #tpu.memory_space<semaphore_mem>> -> memref<!tpu.dma_semaphore, #tpu.memory_space<semaphore_mem>>
      %dma_start3A_70 = arith.constant 0 : i32
      %dma_start3A_71 = arith.constant 0 : i32
      %dma_start3A_72 = tpu.memref_slice %arg4[%select_n3A_57, %dma_start3A_70, %dma_start3A_71] : memref<2x32x768xf32, #tpu.memory_space<vmem>> -> memref<1x32x768xf32, #tpu.memory_space<vmem>>
      %dma_start3A_73 = tpu.memref_squeeze %dma_start3A_72 : memref<1x32x768xf32, #tpu.memory_space<vmem>> -> memref<32x768xf32, #tpu.memory_space<vmem>>
      %dma_start3A_74 = arith.constant 0 : i32
      %dma_start3A_75 = tpu.memref_slice %arg2[%dma_start3A_74, %multiple_of3A] : memref<32x1000000xf32, #tpu.memory_space<hbm>> -> memref<32x768xf32, #tpu.memory_space<hbm>>
      tpu.enqueue_dma source(%dma_start3A_75 : memref<32x768xf32, #tpu.memory_space<hbm>>) target(%dma_start3A_73 : memref<32x768xf32, #tpu.memory_space<vmem>>) target_semaphore(%dma_start3A_69 : memref<!tpu.dma_semaphore, #tpu.memory_space<semaphore_mem>>)
      %dma_wait3A = arith.constant 0 : i32
      %dma_wait3A_76 = arith.constant 0 : i32
      %dma_wait3A_77 = tpu.memref_slice %arg4[%select_n3A_57, %dma_wait3A, %dma_wait3A_76] : memref<2x32x768xf32, #tpu.memory_space<vmem>> -> memref<1x32x768xf32, #tpu.memory_space<vmem>>
      %dma_wait3A_78 = tpu.memref_squeeze %dma_wait3A_77 : memref<1x32x768xf32, #tpu.memory_space<vmem>> -> memref<32x768xf32, #tpu.memory_space<vmem>>
      %dma_wait3A_79 = arith.constant 0 : i32
      %dma_wait3A_80 = tpu.memref_slice %arg2[%dma_wait3A_79, %multiple_of3A] : memref<32x1000000xf32, #tpu.memory_space<hbm>> -> memref<32x768xf32, #tpu.memory_space<hbm>>
      %dma_wait3A_81 = tpu.memref_slice %arg8[%select_n3A_57] : memref<2x!tpu.dma_semaphore, #tpu.memory_space<semaphore_mem>> -> memref<1x!tpu.dma_semaphore, #tpu.memory_space<semaphore_mem>>
      %dma_wait3A_82 = tpu.memref_squeeze %dma_wait3A_81 : memref<1x!tpu.dma_semaphore, #tpu.memory_space<semaphore_mem>> -> memref<!tpu.dma_semaphore, #tpu.memory_space<semaphore_mem>>
      %dma_wait3A_83 = arith.constant 0 : i32
      %dma_wait3A_84 = arith.constant 0 : i32
      %dma_wait3A_85 = tpu.memref_slice %arg4[%select_n3A_57, %dma_wait3A_83, %dma_wait3A_84] : memref<2x32x768xf32, #tpu.memory_space<vmem>> -> memref<1x32x768xf32, #tpu.memory_space<vmem>>
      %dma_wait3A_86 = tpu.memref_squeeze %dma_wait3A_85 : memref<1x32x768xf32, #tpu.memory_space<vmem>> -> memref<32x768xf32, #tpu.memory_space<vmem>>
      %dma_wait3A_87 = arith.constant 0 : i32
      %dma_wait3A_88 = tpu.memref_slice %arg2[%dma_wait3A_87, %multiple_of3A] : memref<32x1000000xf32, #tpu.memory_space<hbm>> -> memref<32x768xf32, #tpu.memory_space<hbm>>
      tpu.wait_dma2 semaphore(%dma_wait3A_82 : memref<!tpu.dma_semaphore, #tpu.memory_space<semaphore_mem>>) src(%dma_wait3A_88 : memref<32x768xf32, #tpu.memory_space<hbm>>) dst(%dma_wait3A_86 : memref<32x768xf32, #tpu.memory_space<vmem>>)
      %ge3A_89 = arith.constant 2 : i32
      %ge3A_90 = arith.cmpi sge, %while3A_42, %ge3A_89 : i32
      %convert_element_type3A_91 = arith.extui %ge3A_90 : i1 to i32
      %cond3A_92 = arith.constant 0 : i32
      %cond3A_93 = arith.cmpi ne, %convert_element_type3A_91, %cond3A_92 : i32
      scf.if %cond3A_93 {
        %dma_wait3A_140 = arith.constant 0 : i32
        %dma_wait3A_141 = arith.constant 0 : i32
        %dma_wait3A_142 = tpu.memref_slice %arg5[%select_n3A_57, %dma_wait3A_140, %dma_wait3A_141] : memref<2x192x128xf32, #tpu.memory_space<vmem>> -> memref<1x192x128xf32, #tpu.memory_space<vmem>>
        %dma_wait3A_143 = tpu.memref_squeeze %dma_wait3A_142 : memref<1x192x128xf32, #tpu.memory_space<vmem>> -> memref<192x128xf32, #tpu.memory_space<vmem>>
        %dma_wait3A_144 = arith.constant 0 : i32
        %dma_wait3A_145 = arith.constant 0 : i32
        %dma_wait3A_146 = tpu.memref_slice %arg3[%dma_wait3A_144, %dma_wait3A_145] : memref<250000x128xf32, #tpu.memory_space<hbm>> -> memref<192x128xf32, #tpu.memory_space<hbm>>
        %dma_wait3A_147 = tpu.memref_slice %arg9[%select_n3A_57] : memref<2x!tpu.dma_semaphore, #tpu.memory_space<semaphore_mem>> -> memref<1x!tpu.dma_semaphore, #tpu.memory_space<semaphore_mem>>
        %dma_wait3A_148 = tpu.memref_squeeze %dma_wait3A_147 : memref<1x!tpu.dma_semaphore, #tpu.memory_space<semaphore_mem>> -> memref<!tpu.dma_semaphore, #tpu.memory_space<semaphore_mem>>
        %dma_wait3A_149 = arith.constant 0 : i32
        %dma_wait3A_150 = arith.constant 0 : i32
        %dma_wait3A_151 = tpu.memref_slice %arg3[%dma_wait3A_149, %dma_wait3A_150] : memref<250000x128xf32, #tpu.memory_space<hbm>> -> memref<192x128xf32, #tpu.memory_space<hbm>>
        %dma_wait3A_152 = arith.constant 0 : i32
        %dma_wait3A_153 = arith.constant 0 : i32
        %dma_wait3A_154 = tpu.memref_slice %arg5[%select_n3A_57, %dma_wait3A_152, %dma_wait3A_153] : memref<2x192x128xf32, #tpu.memory_space<vmem>> -> memref<1x192x128xf32, #tpu.memory_space<vmem>>
        %dma_wait3A_155 = tpu.memref_squeeze %dma_wait3A_154 : memref<1x192x128xf32, #tpu.memory_space<vmem>> -> memref<192x128xf32, #tpu.memory_space<vmem>>
        tpu.wait_dma2 semaphore(%dma_wait3A_148 : memref<!tpu.dma_semaphore, #tpu.memory_space<semaphore_mem>>) src(%dma_wait3A_155 : memref<192x128xf32, #tpu.memory_space<vmem>>) dst(%dma_wait3A_151 : memref<192x128xf32, #tpu.memory_space<hbm>>)
      } else {
      }
      %scan3A = arith.constant 0 : i32
      %scan3A_94 = arith.constant 96 : i32
      %scan3A_95 = arith.addi %scan3A, %scan3A_94 : i32
      %scan3A_96 = arith.constant 1 : i32
      scf.for %scan3A_140 = %scan3A to %scan3A_95 step %scan3A_96  : i32 {
        %shift_right_logical3A = arith.constant 1 : i32
        %shift_right_logical3A_141 = arith.shrui %scan3A_140, %shift_right_logical3A : i32
        %and3A_142 = arith.constant 1 : i32
        %and3A_143 = arith.andi %scan3A_140, %and3A_142 : i32
        %shift_left3A = arith.constant 4 : i32
        %shift_left3A_144 = arith.shli %shift_right_logical3A_141, %shift_left3A : i32
        %add3A_145 = vector.broadcast %shift_left3A_144 : i32 to vector<16xi32>
        %add3A_146 = arith.addi %iota3A, %add3A_145 : vector<16xi32>
        %shift_right_logical3A_147 = arith.constant 2 : i32
        %shift_right_logical3A_148 = vector.broadcast %shift_right_logical3A_147 : i32 to vector<16xi32>
        %shift_right_logical3A_149 = arith.shrui %add3A_146, %shift_right_logical3A_148 : vector<16xi32>
        %and3A_150 = arith.constant 3 : i32
        %and3A_151 = vector.broadcast %and3A_150 : i32 to vector<16xi32>
        %and3A_152 = arith.andi %add3A_146, %and3A_151 : vector<16xi32>
        %shift_left3A_153 = arith.constant 5 : i32
        %shift_left3A_154 = vector.broadcast %shift_left3A_153 : i32 to vector<16xi32>
        %shift_left3A_155 = arith.shli %and3A_152, %shift_left3A_154 : vector<16xi32>
        %shift_left3A_156 = arith.constant 4 : i32
        %shift_left3A_157 = arith.shli %and3A_143, %shift_left3A_156 : i32
        %add3A_158 = vector.broadcast %shift_left3A_157 : i32 to vector<16xi32>
        %add3A_159 = arith.addi %iota3A, %add3A_158 : vector<16xi32>
        %and3A_160 = arith.constant 31 : i32
        %and3A_161 = vector.broadcast %and3A_160 : i32 to vector<16xi32>
        %and3A_162 = arith.andi %add3A_159, %and3A_161 : vector<16xi32>
        %gather3A = arith.constant 0 : i32
        %gather3A_163 = arith.constant 0 : i32
        %gather3A_164 = tpu.memref_slice %arg4[%select_n3A_57, %gather3A, %gather3A_163] : memref<2x32x768xf32, #tpu.memory_space<vmem>> -> memref<1x32x768xf32, #tpu.memory_space<vmem>>
        %gather3A_165 = tpu.memref_squeeze %gather3A_164 : memref<1x32x768xf32, #tpu.memory_space<vmem>> -> memref<32x768xf32, #tpu.memory_space<vmem>>
        %gather3A_166 = tpu.vector_load_idx %gather3A_165[%and3A_162, %add3A_146] : memref<32x768xf32, #tpu.memory_space<vmem>>[vector<16xi32>, vector<16xi32>], vector<16xf32>,
        %add3A_167 = arith.constant 1 : i32
        %add3A_168 = vector.broadcast %add3A_167 : i32 to vector<16xi32>
        %add3A_169 = arith.addi %and3A_162, %add3A_168 : vector<16xi32>
        %and3A_170 = arith.constant 31 : i32
        %and3A_171 = vector.broadcast %and3A_170 : i32 to vector<16xi32>
        %and3A_172 = arith.andi %add3A_169, %and3A_171 : vector<16xi32>
        %gather3A_173 = arith.constant 0 : i32
        %gather3A_174 = arith.constant 0 : i32
        %gather3A_175 = tpu.memref_slice %arg4[%select_n3A_57, %gather3A_173, %gather3A_174] : memref<2x32x768xf32, #tpu.memory_space<vmem>> -> memref<1x32x768xf32, #tpu.memory_space<vmem>>
        %gather3A_176 = tpu.memref_squeeze %gather3A_175 : memref<1x32x768xf32, #tpu.memory_space<vmem>> -> memref<32x768xf32, #tpu.memory_space<vmem>>
        %gather3A_177 = tpu.vector_load_idx %gather3A_176[%and3A_172, %add3A_146] : memref<32x768xf32, #tpu.memory_space<vmem>>[vector<16xi32>, vector<16xi32>], vector<16xf32>,
        %add3A_178 = arith.constant 1 : i32
        %add3A_179 = vector.broadcast %add3A_178 : i32 to vector<16xi32>
        %add3A_180 = arith.addi %and3A_172, %add3A_179 : vector<16xi32>
        %and3A_181 = arith.constant 31 : i32
        %and3A_182 = vector.broadcast %and3A_181 : i32 to vector<16xi32>
        %and3A_183 = arith.andi %add3A_180, %and3A_182 : vector<16xi32>
        %gather3A_184 = arith.constant 0 : i32
        %gather3A_185 = arith.constant 0 : i32
        %gather3A_186 = tpu.memref_slice %arg4[%select_n3A_57, %gather3A_184, %gather3A_185] : memref<2x32x768xf32, #tpu.memory_space<vmem>> -> memref<1x32x768xf32, #tpu.memory_space<vmem>>
        %gather3A_187 = tpu.memref_squeeze %gather3A_186 : memref<1x32x768xf32, #tpu.memory_space<vmem>> -> memref<32x768xf32, #tpu.memory_space<vmem>>
        %gather3A_188 = tpu.vector_load_idx %gather3A_187[%and3A_183, %add3A_146] : memref<32x768xf32, #tpu.memory_space<vmem>>[vector<16xi32>, vector<16xi32>], vector<16xf32>,
        %add3A_189 = arith.constant 1 : i32
        %add3A_190 = vector.broadcast %add3A_189 : i32 to vector<16xi32>
        %add3A_191 = arith.addi %and3A_183, %add3A_190 : vector<16xi32>
        %and3A_192 = arith.constant 31 : i32
        %and3A_193 = vector.broadcast %and3A_192 : i32 to vector<16xi32>
        %and3A_194 = arith.andi %add3A_191, %and3A_193 : vector<16xi32>
        %gather3A_195 = arith.constant 0 : i32
        %gather3A_196 = arith.constant 0 : i32
        %gather3A_197 = tpu.memref_slice %arg4[%select_n3A_57, %gather3A_195, %gather3A_196] : memref<2x32x768xf32, #tpu.memory_space<vmem>> -> memref<1x32x768xf32, #tpu.memory_space<vmem>>
        %gather3A_198 = tpu.memref_squeeze %gather3A_197 : memref<1x32x768xf32, #tpu.memory_space<vmem>> -> memref<32x768xf32, #tpu.memory_space<vmem>>
        %gather3A_199 = tpu.vector_load_idx %gather3A_198[%and3A_194, %add3A_146] : memref<32x768xf32, #tpu.memory_space<vmem>>[vector<16xi32>, vector<16xi32>], vector<16xf32>,
        %add3A_200 = arith.constant 1 : i32
        %add3A_201 = vector.broadcast %add3A_200 : i32 to vector<16xi32>
        %add3A_202 = arith.addi %and3A_194, %add3A_201 : vector<16xi32>
        %and3A_203 = arith.constant 31 : i32
        %and3A_204 = vector.broadcast %and3A_203 : i32 to vector<16xi32>
        %and3A_205 = arith.andi %add3A_202, %and3A_204 : vector<16xi32>
        %gather3A_206 = arith.constant 0 : i32
        %gather3A_207 = arith.constant 0 : i32
        %gather3A_208 = tpu.memref_slice %arg4[%select_n3A_57, %gather3A_206, %gather3A_207] : memref<2x32x768xf32, #tpu.memory_space<vmem>> -> memref<1x32x768xf32, #tpu.memory_space<vmem>>
        %gather3A_209 = tpu.memref_squeeze %gather3A_208 : memref<1x32x768xf32, #tpu.memory_space<vmem>> -> memref<32x768xf32, #tpu.memory_space<vmem>>
        %gather3A_210 = tpu.vector_load_idx %gather3A_209[%and3A_205, %add3A_146] : memref<32x768xf32, #tpu.memory_space<vmem>>[vector<16xi32>, vector<16xi32>], vector<16xf32>,
        %add3A_211 = arith.constant 1 : i32
        %add3A_212 = vector.broadcast %add3A_211 : i32 to vector<16xi32>
        %add3A_213 = arith.addi %and3A_205, %add3A_212 : vector<16xi32>
        %and3A_214 = arith.constant 31 : i32
        %and3A_215 = vector.broadcast %and3A_214 : i32 to vector<16xi32>
        %and3A_216 = arith.andi %add3A_213, %and3A_215 : vector<16xi32>
        %gather3A_217 = arith.constant 0 : i32
        %gather3A_218 = arith.constant 0 : i32
        %gather3A_219 = tpu.memref_slice %arg4[%select_n3A_57, %gather3A_217, %gather3A_218] : memref<2x32x768xf32, #tpu.memory_space<vmem>> -> memref<1x32x768xf32, #tpu.memory_space<vmem>>
        %gather3A_220 = tpu.memref_squeeze %gather3A_219 : memref<1x32x768xf32, #tpu.memory_space<vmem>> -> memref<32x768xf32, #tpu.memory_space<vmem>>
        %gather3A_221 = tpu.vector_load_idx %gather3A_220[%and3A_216, %add3A_146] : memref<32x768xf32, #tpu.memory_space<vmem>>[vector<16xi32>, vector<16xi32>], vector<16xf32>,
        %add3A_222 = arith.constant 1 : i32
        %add3A_223 = vector.broadcast %add3A_222 : i32 to vector<16xi32>
        %add3A_224 = arith.addi %and3A_216, %add3A_223 : vector<16xi32>
        %and3A_225 = arith.constant 31 : i32
        %and3A_226 = vector.broadcast %and3A_225 : i32 to vector<16xi32>
        %and3A_227 = arith.andi %add3A_224, %and3A_226 : vector<16xi32>
        %gather3A_228 = arith.constant 0 : i32
        %gather3A_229 = arith.constant 0 : i32
        %gather3A_230 = tpu.memref_slice %arg4[%select_n3A_57, %gather3A_228, %gather3A_229] : memref<2x32x768xf32, #tpu.memory_space<vmem>> -> memref<1x32x768xf32, #tpu.memory_space<vmem>>
        %gather3A_231 = tpu.memref_squeeze %gather3A_230 : memref<1x32x768xf32, #tpu.memory_space<vmem>> -> memref<32x768xf32, #tpu.memory_space<vmem>>
        %gather3A_232 = tpu.vector_load_idx %gather3A_231[%and3A_227, %add3A_146] : memref<32x768xf32, #tpu.memory_space<vmem>>[vector<16xi32>, vector<16xi32>], vector<16xf32>,
        %add3A_233 = arith.constant 1 : i32
        %add3A_234 = vector.broadcast %add3A_233 : i32 to vector<16xi32>
        %add3A_235 = arith.addi %and3A_227, %add3A_234 : vector<16xi32>
        %and3A_236 = arith.constant 31 : i32
        %and3A_237 = vector.broadcast %and3A_236 : i32 to vector<16xi32>
        %and3A_238 = arith.andi %add3A_235, %and3A_237 : vector<16xi32>
        %gather3A_239 = arith.constant 0 : i32
        %gather3A_240 = arith.constant 0 : i32
        %gather3A_241 = tpu.memref_slice %arg4[%select_n3A_57, %gather3A_239, %gather3A_240] : memref<2x32x768xf32, #tpu.memory_space<vmem>> -> memref<1x32x768xf32, #tpu.memory_space<vmem>>
        %gather3A_242 = tpu.memref_squeeze %gather3A_241 : memref<1x32x768xf32, #tpu.memory_space<vmem>> -> memref<32x768xf32, #tpu.memory_space<vmem>>
        %gather3A_243 = tpu.vector_load_idx %gather3A_242[%and3A_238, %add3A_146] : memref<32x768xf32, #tpu.memory_space<vmem>>[vector<16xi32>, vector<16xi32>], vector<16xf32>,
        %add3A_244 = arith.constant 1 : i32
        %add3A_245 = vector.broadcast %add3A_244 : i32 to vector<16xi32>
        %add3A_246 = arith.addi %and3A_238, %add3A_245 : vector<16xi32>
        %and3A_247 = arith.constant 31 : i32
        %and3A_248 = vector.broadcast %and3A_247 : i32 to vector<16xi32>
        %and3A_249 = arith.andi %add3A_246, %and3A_248 : vector<16xi32>
        %gather3A_250 = arith.constant 0 : i32
        %gather3A_251 = arith.constant 0 : i32
        %gather3A_252 = tpu.memref_slice %arg4[%select_n3A_57, %gather3A_250, %gather3A_251] : memref<2x32x768xf32, #tpu.memory_space<vmem>> -> memref<1x32x768xf32, #tpu.memory_space<vmem>>
        %gather3A_253 = tpu.memref_squeeze %gather3A_252 : memref<1x32x768xf32, #tpu.memory_space<vmem>> -> memref<32x768xf32, #tpu.memory_space<vmem>>
        %gather3A_254 = tpu.vector_load_idx %gather3A_253[%and3A_249, %add3A_146] : memref<32x768xf32, #tpu.memory_space<vmem>>[vector<16xi32>, vector<16xi32>], vector<16xf32>,
        %add3A_255 = arith.constant 1 : i32
        %add3A_256 = vector.broadcast %add3A_255 : i32 to vector<16xi32>
        %add3A_257 = arith.addi %and3A_249, %add3A_256 : vector<16xi32>
        %and3A_258 = arith.constant 31 : i32
        %and3A_259 = vector.broadcast %and3A_258 : i32 to vector<16xi32>
        %and3A_260 = arith.andi %add3A_257, %and3A_259 : vector<16xi32>
        %gather3A_261 = arith.constant 0 : i32
        %gather3A_262 = arith.constant 0 : i32
        %gather3A_263 = tpu.memref_slice %arg4[%select_n3A_57, %gather3A_261, %gather3A_262] : memref<2x32x768xf32, #tpu.memory_space<vmem>> -> memref<1x32x768xf32, #tpu.memory_space<vmem>>
        %gather3A_264 = tpu.memref_squeeze %gather3A_263 : memref<1x32x768xf32, #tpu.memory_space<vmem>> -> memref<32x768xf32, #tpu.memory_space<vmem>>
        %gather3A_265 = tpu.vector_load_idx %gather3A_264[%and3A_260, %add3A_146] : memref<32x768xf32, #tpu.memory_space<vmem>>[vector<16xi32>, vector<16xi32>], vector<16xf32>,
        %add3A_266 = arith.constant 1 : i32
        %add3A_267 = vector.broadcast %add3A_266 : i32 to vector<16xi32>
        %add3A_268 = arith.addi %and3A_260, %add3A_267 : vector<16xi32>
        %and3A_269 = arith.constant 31 : i32
        %and3A_270 = vector.broadcast %and3A_269 : i32 to vector<16xi32>
        %and3A_271 = arith.andi %add3A_268, %and3A_270 : vector<16xi32>
        %gather3A_272 = arith.constant 0 : i32
        %gather3A_273 = arith.constant 0 : i32
        %gather3A_274 = tpu.memref_slice %arg4[%select_n3A_57, %gather3A_272, %gather3A_273] : memref<2x32x768xf32, #tpu.memory_space<vmem>> -> memref<1x32x768xf32, #tpu.memory_space<vmem>>
        %gather3A_275 = tpu.memref_squeeze %gather3A_274 : memref<1x32x768xf32, #tpu.memory_space<vmem>> -> memref<32x768xf32, #tpu.memory_space<vmem>>
        %gather3A_276 = tpu.vector_load_idx %gather3A_275[%and3A_271, %add3A_146] : memref<32x768xf32, #tpu.memory_space<vmem>>[vector<16xi32>, vector<16xi32>], vector<16xf32>,
        %add3A_277 = arith.constant 1 : i32
        %add3A_278 = vector.broadcast %add3A_277 : i32 to vector<16xi32>
        %add3A_279 = arith.addi %and3A_271, %add3A_278 : vector<16xi32>
        %and3A_280 = arith.constant 31 : i32
        %and3A_281 = vector.broadcast %and3A_280 : i32 to vector<16xi32>
        %and3A_282 = arith.andi %add3A_279, %and3A_281 : vector<16xi32>
        %gather3A_283 = arith.constant 0 : i32
        %gather3A_284 = arith.constant 0 : i32
        %gather3A_285 = tpu.memref_slice %arg4[%select_n3A_57, %gather3A_283, %gather3A_284] : memref<2x32x768xf32, #tpu.memory_space<vmem>> -> memref<1x32x768xf32, #tpu.memory_space<vmem>>
        %gather3A_286 = tpu.memref_squeeze %gather3A_285 : memref<1x32x768xf32, #tpu.memory_space<vmem>> -> memref<32x768xf32, #tpu.memory_space<vmem>>
        %gather3A_287 = tpu.vector_load_idx %gather3A_286[%and3A_282, %add3A_146] : memref<32x768xf32, #tpu.memory_space<vmem>>[vector<16xi32>, vector<16xi32>], vector<16xf32>,
        %add3A_288 = arith.constant 1 : i32
        %add3A_289 = vector.broadcast %add3A_288 : i32 to vector<16xi32>
        %add3A_290 = arith.addi %and3A_282, %add3A_289 : vector<16xi32>
        %and3A_291 = arith.constant 31 : i32
        %and3A_292 = vector.broadcast %and3A_291 : i32 to vector<16xi32>
        %and3A_293 = arith.andi %add3A_290, %and3A_292 : vector<16xi32>
        %gather3A_294 = arith.constant 0 : i32
        %gather3A_295 = arith.constant 0 : i32
        %gather3A_296 = tpu.memref_slice %arg4[%select_n3A_57, %gather3A_294, %gather3A_295] : memref<2x32x768xf32, #tpu.memory_space<vmem>> -> memref<1x32x768xf32, #tpu.memory_space<vmem>>
        %gather3A_297 = tpu.memref_squeeze %gather3A_296 : memref<1x32x768xf32, #tpu.memory_space<vmem>> -> memref<32x768xf32, #tpu.memory_space<vmem>>
        %gather3A_298 = tpu.vector_load_idx %gather3A_297[%and3A_293, %add3A_146] : memref<32x768xf32, #tpu.memory_space<vmem>>[vector<16xi32>, vector<16xi32>], vector<16xf32>,
        %add3A_299 = arith.constant 1 : i32
        %add3A_300 = vector.broadcast %add3A_299 : i32 to vector<16xi32>
        %add3A_301 = arith.addi %and3A_293, %add3A_300 : vector<16xi32>
        %and3A_302 = arith.constant 31 : i32
        %and3A_303 = vector.broadcast %and3A_302 : i32 to vector<16xi32>
        %and3A_304 = arith.andi %add3A_301, %and3A_303 : vector<16xi32>
        %gather3A_305 = arith.constant 0 : i32
        %gather3A_306 = arith.constant 0 : i32
        %gather3A_307 = tpu.memref_slice %arg4[%select_n3A_57, %gather3A_305, %gather3A_306] : memref<2x32x768xf32, #tpu.memory_space<vmem>> -> memref<1x32x768xf32, #tpu.memory_space<vmem>>
        %gather3A_308 = tpu.memref_squeeze %gather3A_307 : memref<1x32x768xf32, #tpu.memory_space<vmem>> -> memref<32x768xf32, #tpu.memory_space<vmem>>
        %gather3A_309 = tpu.vector_load_idx %gather3A_308[%and3A_304, %add3A_146] : memref<32x768xf32, #tpu.memory_space<vmem>>[vector<16xi32>, vector<16xi32>], vector<16xf32>,
        %add3A_310 = arith.constant 1 : i32
        %add3A_311 = vector.broadcast %add3A_310 : i32 to vector<16xi32>
        %add3A_312 = arith.addi %and3A_304, %add3A_311 : vector<16xi32>
        %and3A_313 = arith.constant 31 : i32
        %and3A_314 = vector.broadcast %and3A_313 : i32 to vector<16xi32>
        %and3A_315 = arith.andi %add3A_312, %and3A_314 : vector<16xi32>
        %gather3A_316 = arith.constant 0 : i32
        %gather3A_317 = arith.constant 0 : i32
        %gather3A_318 = tpu.memref_slice %arg4[%select_n3A_57, %gather3A_316, %gather3A_317] : memref<2x32x768xf32, #tpu.memory_space<vmem>> -> memref<1x32x768xf32, #tpu.memory_space<vmem>>
        %gather3A_319 = tpu.memref_squeeze %gather3A_318 : memref<1x32x768xf32, #tpu.memory_space<vmem>> -> memref<32x768xf32, #tpu.memory_space<vmem>>
        %gather3A_320 = tpu.vector_load_idx %gather3A_319[%and3A_315, %add3A_146] : memref<32x768xf32, #tpu.memory_space<vmem>>[vector<16xi32>, vector<16xi32>], vector<16xf32>,
        %add3A_321 = arith.constant 1 : i32
        %add3A_322 = vector.broadcast %add3A_321 : i32 to vector<16xi32>
        %add3A_323 = arith.addi %and3A_315, %add3A_322 : vector<16xi32>
        %and3A_324 = arith.constant 31 : i32
        %and3A_325 = vector.broadcast %and3A_324 : i32 to vector<16xi32>
        %and3A_326 = arith.andi %add3A_323, %and3A_325 : vector<16xi32>
        %gather3A_327 = arith.constant 0 : i32
        %gather3A_328 = arith.constant 0 : i32
        %gather3A_329 = tpu.memref_slice %arg4[%select_n3A_57, %gather3A_327, %gather3A_328] : memref<2x32x768xf32, #tpu.memory_space<vmem>> -> memref<1x32x768xf32, #tpu.memory_space<vmem>>
        %gather3A_330 = tpu.memref_squeeze %gather3A_329 : memref<1x32x768xf32, #tpu.memory_space<vmem>> -> memref<32x768xf32, #tpu.memory_space<vmem>>
        %gather3A_331 = tpu.vector_load_idx %gather3A_330[%and3A_326, %add3A_146] : memref<32x768xf32, #tpu.memory_space<vmem>>[vector<16xi32>, vector<16xi32>], vector<16xf32>,
        %add3A_332 = arith.constant 1 : i32
        %add3A_333 = vector.broadcast %add3A_332 : i32 to vector<16xi32>
        %add3A_334 = arith.addi %and3A_326, %add3A_333 : vector<16xi32>
        %and3A_335 = arith.constant 31 : i32
        %and3A_336 = vector.broadcast %and3A_335 : i32 to vector<16xi32>
        %and3A_337 = arith.andi %add3A_334, %and3A_336 : vector<16xi32>
        %add3A_338 = arith.addi %shift_left3A_155, %and3A_162 : vector<16xi32>
        %scatter3A = arith.constant 0 : i32
        %scatter3A_339 = arith.constant 0 : i32
        %scatter3A_340 = tpu.memref_slice %arg5[%select_n3A_57, %scatter3A, %scatter3A_339] : memref<2x192x128xf32, #tpu.memory_space<vmem>> -> memref<1x192x128xf32, #tpu.memory_space<vmem>>
        %scatter3A_341 = tpu.memref_squeeze %scatter3A_340 : memref<1x192x128xf32, #tpu.memory_space<vmem>> -> memref<192x128xf32, #tpu.memory_space<vmem>>
        tpu.vector_store_idx %scatter3A_341[%shift_right_logical3A_149, %add3A_338], %gather3A_166 : memref<192x128xf32, #tpu.memory_space<vmem>>[vector<16xi32>, vector<16xi32>], vector<16xf32>,
        %add3A_342 = arith.addi %shift_left3A_155, %and3A_172 : vector<16xi32>
        %scatter3A_343 = arith.constant 0 : i32
        %scatter3A_344 = arith.constant 0 : i32
        %scatter3A_345 = tpu.memref_slice %arg5[%select_n3A_57, %scatter3A_343, %scatter3A_344] : memref<2x192x128xf32, #tpu.memory_space<vmem>> -> memref<1x192x128xf32, #tpu.memory_space<vmem>>
        %scatter3A_346 = tpu.memref_squeeze %scatter3A_345 : memref<1x192x128xf32, #tpu.memory_space<vmem>> -> memref<192x128xf32, #tpu.memory_space<vmem>>
        tpu.vector_store_idx %scatter3A_346[%shift_right_logical3A_149, %add3A_342], %gather3A_177 : memref<192x128xf32, #tpu.memory_space<vmem>>[vector<16xi32>, vector<16xi32>], vector<16xf32>,
        %add3A_347 = arith.addi %shift_left3A_155, %and3A_183 : vector<16xi32>
        %scatter3A_348 = arith.constant 0 : i32
        %scatter3A_349 = arith.constant 0 : i32
        %scatter3A_350 = tpu.memref_slice %arg5[%select_n3A_57, %scatter3A_348, %scatter3A_349] : memref<2x192x128xf32, #tpu.memory_space<vmem>> -> memref<1x192x128xf32, #tpu.memory_space<vmem>>
        %scatter3A_351 = tpu.memref_squeeze %scatter3A_350 : memref<1x192x128xf32, #tpu.memory_space<vmem>> -> memref<192x128xf32, #tpu.memory_space<vmem>>
        tpu.vector_store_idx %scatter3A_351[%shift_right_logical3A_149, %add3A_347], %gather3A_188 : memref<192x128xf32, #tpu.memory_space<vmem>>[vector<16xi32>, vector<16xi32>], vector<16xf32>,
        %add3A_352 = arith.addi %shift_left3A_155, %and3A_194 : vector<16xi32>
        %scatter3A_353 = arith.constant 0 : i32
        %scatter3A_354 = arith.constant 0 : i32
        %scatter3A_355 = tpu.memref_slice %arg5[%select_n3A_57, %scatter3A_353, %scatter3A_354] : memref<2x192x128xf32, #tpu.memory_space<vmem>> -> memref<1x192x128xf32, #tpu.memory_space<vmem>>
        %scatter3A_356 = tpu.memref_squeeze %scatter3A_355 : memref<1x192x128xf32, #tpu.memory_space<vmem>> -> memref<192x128xf32, #tpu.memory_space<vmem>>
        tpu.vector_store_idx %scatter3A_356[%shift_right_logical3A_149, %add3A_352], %gather3A_199 : memref<192x128xf32, #tpu.memory_space<vmem>>[vector<16xi32>, vector<16xi32>], vector<16xf32>,
        %add3A_357 = arith.addi %shift_left3A_155, %and3A_205 : vector<16xi32>
        %scatter3A_358 = arith.constant 0 : i32
        %scatter3A_359 = arith.constant 0 : i32
        %scatter3A_360 = tpu.memref_slice %arg5[%select_n3A_57, %scatter3A_358, %scatter3A_359] : memref<2x192x128xf32, #tpu.memory_space<vmem>> -> memref<1x192x128xf32, #tpu.memory_space<vmem>>
        %scatter3A_361 = tpu.memref_squeeze %scatter3A_360 : memref<1x192x128xf32, #tpu.memory_space<vmem>> -> memref<192x128xf32, #tpu.memory_space<vmem>>
        tpu.vector_store_idx %scatter3A_361[%shift_right_logical3A_149, %add3A_357], %gather3A_210 : memref<192x128xf32, #tpu.memory_space<vmem>>[vector<16xi32>, vector<16xi32>], vector<16xf32>,
        %add3A_362 = arith.addi %shift_left3A_155, %and3A_216 : vector<16xi32>
        %scatter3A_363 = arith.constant 0 : i32
        %scatter3A_364 = arith.constant 0 : i32
        %scatter3A_365 = tpu.memref_slice %arg5[%select_n3A_57, %scatter3A_363, %scatter3A_364] : memref<2x192x128xf32, #tpu.memory_space<vmem>> -> memref<1x192x128xf32, #tpu.memory_space<vmem>>
        %scatter3A_366 = tpu.memref_squeeze %scatter3A_365 : memref<1x192x128xf32, #tpu.memory_space<vmem>> -> memref<192x128xf32, #tpu.memory_space<vmem>>
        tpu.vector_store_idx %scatter3A_366[%shift_right_logical3A_149, %add3A_362], %gather3A_221 : memref<192x128xf32, #tpu.memory_space<vmem>>[vector<16xi32>, vector<16xi32>], vector<16xf32>,
        %add3A_367 = arith.addi %shift_left3A_155, %and3A_227 : vector<16xi32>
        %scatter3A_368 = arith.constant 0 : i32
        %scatter3A_369 = arith.constant 0 : i32
        %scatter3A_370 = tpu.memref_slice %arg5[%select_n3A_57, %scatter3A_368, %scatter3A_369] : memref<2x192x128xf32, #tpu.memory_space<vmem>> -> memref<1x192x128xf32, #tpu.memory_space<vmem>>
        %scatter3A_371 = tpu.memref_squeeze %scatter3A_370 : memref<1x192x128xf32, #tpu.memory_space<vmem>> -> memref<192x128xf32, #tpu.memory_space<vmem>>
        tpu.vector_store_idx %scatter3A_371[%shift_right_logical3A_149, %add3A_367], %gather3A_232 : memref<192x128xf32, #tpu.memory_space<vmem>>[vector<16xi32>, vector<16xi32>], vector<16xf32>,
        %add3A_372 = arith.addi %shift_left3A_155, %and3A_238 : vector<16xi32>
        %scatter3A_373 = arith.constant 0 : i32
        %scatter3A_374 = arith.constant 0 : i32
        %scatter3A_375 = tpu.memref_slice %arg5[%select_n3A_57, %scatter3A_373, %scatter3A_374] : memref<2x192x128xf32, #tpu.memory_space<vmem>> -> memref<1x192x128xf32, #tpu.memory_space<vmem>>
        %scatter3A_376 = tpu.memref_squeeze %scatter3A_375 : memref<1x192x128xf32, #tpu.memory_space<vmem>> -> memref<192x128xf32, #tpu.memory_space<vmem>>
        tpu.vector_store_idx %scatter3A_376[%shift_right_logical3A_149, %add3A_372], %gather3A_243 : memref<192x128xf32, #tpu.memory_space<vmem>>[vector<16xi32>, vector<16xi32>], vector<16xf32>,
        %add3A_377 = arith.addi %shift_left3A_155, %and3A_249 : vector<16xi32>
        %scatter3A_378 = arith.constant 0 : i32
        %scatter3A_379 = arith.constant 0 : i32
        %scatter3A_380 = tpu.memref_slice %arg5[%select_n3A_57, %scatter3A_378, %scatter3A_379] : memref<2x192x128xf32, #tpu.memory_space<vmem>> -> memref<1x192x128xf32, #tpu.memory_space<vmem>>
        %scatter3A_381 = tpu.memref_squeeze %scatter3A_380 : memref<1x192x128xf32, #tpu.memory_space<vmem>> -> memref<192x128xf32, #tpu.memory_space<vmem>>
        tpu.vector_store_idx %scatter3A_381[%shift_right_logical3A_149, %add3A_377], %gather3A_254 : memref<192x128xf32, #tpu.memory_space<vmem>>[vector<16xi32>, vector<16xi32>], vector<16xf32>,
        %add3A_382 = arith.addi %shift_left3A_155, %and3A_260 : vector<16xi32>
        %scatter3A_383 = arith.constant 0 : i32
        %scatter3A_384 = arith.constant 0 : i32
        %scatter3A_385 = tpu.memref_slice %arg5[%select_n3A_57, %scatter3A_383, %scatter3A_384] : memref<2x192x128xf32, #tpu.memory_space<vmem>> -> memref<1x192x128xf32, #tpu.memory_space<vmem>>
        %scatter3A_386 = tpu.memref_squeeze %scatter3A_385 : memref<1x192x128xf32, #tpu.memory_space<vmem>> -> memref<192x128xf32, #tpu.memory_space<vmem>>
        tpu.vector_store_idx %scatter3A_386[%shift_right_logical3A_149, %add3A_382], %gather3A_265 : memref<192x128xf32, #tpu.memory_space<vmem>>[vector<16xi32>, vector<16xi32>], vector<16xf32>,
        %add3A_387 = arith.addi %shift_left3A_155, %and3A_271 : vector<16xi32>
        %scatter3A_388 = arith.constant 0 : i32
        %scatter3A_389 = arith.constant 0 : i32
        %scatter3A_390 = tpu.memref_slice %arg5[%select_n3A_57, %scatter3A_388, %scatter3A_389] : memref<2x192x128xf32, #tpu.memory_space<vmem>> -> memref<1x192x128xf32, #tpu.memory_space<vmem>>
        %scatter3A_391 = tpu.memref_squeeze %scatter3A_390 : memref<1x192x128xf32, #tpu.memory_space<vmem>> -> memref<192x128xf32, #tpu.memory_space<vmem>>
        tpu.vector_store_idx %scatter3A_391[%shift_right_logical3A_149, %add3A_387], %gather3A_276 : memref<192x128xf32, #tpu.memory_space<vmem>>[vector<16xi32>, vector<16xi32>], vector<16xf32>,
        %add3A_392 = arith.addi %shift_left3A_155, %and3A_282 : vector<16xi32>
        %scatter3A_393 = arith.constant 0 : i32
        %scatter3A_394 = arith.constant 0 : i32
        %scatter3A_395 = tpu.memref_slice %arg5[%select_n3A_57, %scatter3A_393, %scatter3A_394] : memref<2x192x128xf32, #tpu.memory_space<vmem>> -> memref<1x192x128xf32, #tpu.memory_space<vmem>>
        %scatter3A_396 = tpu.memref_squeeze %scatter3A_395 : memref<1x192x128xf32, #tpu.memory_space<vmem>> -> memref<192x128xf32, #tpu.memory_space<vmem>>
        tpu.vector_store_idx %scatter3A_396[%shift_right_logical3A_149, %add3A_392], %gather3A_287 : memref<192x128xf32, #tpu.memory_space<vmem>>[vector<16xi32>, vector<16xi32>], vector<16xf32>,
        %add3A_397 = arith.addi %shift_left3A_155, %and3A_293 : vector<16xi32>
        %scatter3A_398 = arith.constant 0 : i32
        %scatter3A_399 = arith.constant 0 : i32
        %scatter3A_400 = tpu.memref_slice %arg5[%select_n3A_57, %scatter3A_398, %scatter3A_399] : memref<2x192x128xf32, #tpu.memory_space<vmem>> -> memref<1x192x128xf32, #tpu.memory_space<vmem>>
        %scatter3A_401 = tpu.memref_squeeze %scatter3A_400 : memref<1x192x128xf32, #tpu.memory_space<vmem>> -> memref<192x128xf32, #tpu.memory_space<vmem>>
        tpu.vector_store_idx %scatter3A_401[%shift_right_logical3A_149, %add3A_397], %gather3A_298 : memref<192x128xf32, #tpu.memory_space<vmem>>[vector<16xi32>, vector<16xi32>], vector<16xf32>,
        %add3A_402 = arith.addi %shift_left3A_155, %and3A_304 : vector<16xi32>
        %scatter3A_403 = arith.constant 0 : i32
        %scatter3A_404 = arith.constant 0 : i32
        %scatter3A_405 = tpu.memref_slice %arg5[%select_n3A_57, %scatter3A_403, %scatter3A_404] : memref<2x192x128xf32, #tpu.memory_space<vmem>> -> memref<1x192x128xf32, #tpu.memory_space<vmem>>
        %scatter3A_406 = tpu.memref_squeeze %scatter3A_405 : memref<1x192x128xf32, #tpu.memory_space<vmem>> -> memref<192x128xf32, #tpu.memory_space<vmem>>
        tpu.vector_store_idx %scatter3A_406[%shift_right_logical3A_149, %add3A_402], %gather3A_309 : memref<192x128xf32, #tpu.memory_space<vmem>>[vector<16xi32>, vector<16xi32>], vector<16xf32>,
        %add3A_407 = arith.addi %shift_left3A_155, %and3A_315 : vector<16xi32>
        %scatter3A_408 = arith.constant 0 : i32
        %scatter3A_409 = arith.constant 0 : i32
        %scatter3A_410 = tpu.memref_slice %arg5[%select_n3A_57, %scatter3A_408, %scatter3A_409] : memref<2x192x128xf32, #tpu.memory_space<vmem>> -> memref<1x192x128xf32, #tpu.memory_space<vmem>>
        %scatter3A_411 = tpu.memref_squeeze %scatter3A_410 : memref<1x192x128xf32, #tpu.memory_space<vmem>> -> memref<192x128xf32, #tpu.memory_space<vmem>>
        tpu.vector_store_idx %scatter3A_411[%shift_right_logical3A_149, %add3A_407], %gather3A_320 : memref<192x128xf32, #tpu.memory_space<vmem>>[vector<16xi32>, vector<16xi32>], vector<16xf32>,
        %add3A_412 = arith.addi %shift_left3A_155, %and3A_326 : vector<16xi32>
        %scatter3A_413 = arith.constant 0 : i32
        %scatter3A_414 = arith.constant 0 : i32
        %scatter3A_415 = tpu.memref_slice %arg5[%select_n3A_57, %scatter3A_413, %scatter3A_414] : memref<2x192x128xf32, #tpu.memory_space<vmem>> -> memref<1x192x128xf32, #tpu.memory_space<vmem>>
        %scatter3A_416 = tpu.memref_squeeze %scatter3A_415 : memref<1x192x128xf32, #tpu.memory_space<vmem>> -> memref<192x128xf32, #tpu.memory_space<vmem>>
        tpu.vector_store_idx %scatter3A_416[%shift_right_logical3A_149, %add3A_412], %gather3A_331 : memref<192x128xf32, #tpu.memory_space<vmem>>[vector<16xi32>, vector<16xi32>], vector<16xf32>,
      }
      %scan3A_97 = arith.constant 96 : i32
      %mul3A_98 = arith.constant 768 : i32
      %mul3A_99 = arith.muli %add3A_60, %mul3A_98 : i32
      %multiple_of3A_100 = tpu.assume_multiple %mul3A_99, 128 : i32
      %jit3A_101 = arith.constant 4 : i32
      %div3A_102 = arith.divsi %multiple_of3A_100, %jit3A_101 : i32
      %sign3A_103 = arith.constant 0 : i32
      %sign3A_104 = arith.cmpi sgt, %multiple_of3A_100, %sign3A_103 : i32
      %sign3A_105 = arith.extui %sign3A_104 : i1 to i32
      %sign3A_106 = arith.constant 0 : i32
      %sign3A_107 = arith.cmpi slt, %multiple_of3A_100, %sign3A_106 : i32
      %sign3A_108 = arith.extui %sign3A_107 : i1 to i32
      %sign3A_109 = arith.subi %sign3A_105, %sign3A_108 : i32
      %sign3A_110 = arith.constant 0 : i32
      %sign3A_111 = arith.cmpi sgt, %jit3A_101, %sign3A_110 : i32
      %sign3A_112 = arith.extui %sign3A_111 : i1 to i32
      %sign3A_113 = arith.constant 0 : i32
      %sign3A_114 = arith.cmpi slt, %jit3A_101, %sign3A_113 : i32
      %sign3A_115 = arith.extui %sign3A_114 : i1 to i32
      %sign3A_116 = arith.subi %sign3A_112, %sign3A_115 : i32
      %ne3A_117 = arith.cmpi ne, %sign3A_109, %sign3A_116 : i32
      %rem3A_118 = arith.remsi %multiple_of3A_100, %jit3A_101 : i32
      %ne3A_119 = arith.constant 0 : i32
      %ne3A_120 = arith.cmpi ne, %rem3A_118, %ne3A_119 : i32
      %and3A_121 = arith.andi %ne3A_117, %ne3A_120 : i1
      %sub3A_122 = arith.constant 1 : i32
      %sub3A_123 = arith.subi %div3A_102, %sub3A_122 : i32
      %select_n3A_124 = arith.select %and3A_121, %sub3A_123, %div3A_102 : i32
      %multiple_of3A_125 = tpu.assume_multiple %select_n3A_124, 8 : i32
      %dma_start3A_126 = arith.constant 0 : i32
      %dma_start3A_127 = arith.constant 0 : i32
      %dma_start3A_128 = tpu.memref_slice %arg5[%select_n3A_57, %dma_start3A_126, %dma_start3A_127] : memref<2x192x128xf32, #tpu.memory_space<vmem>> -> memref<1x192x128xf32, #tpu.memory_space<vmem>>
      %dma_start3A_129 = tpu.memref_squeeze %dma_start3A_128 : memref<1x192x128xf32, #tpu.memory_space<vmem>> -> memref<192x128xf32, #tpu.memory_space<vmem>>
      %dma_start3A_130 = arith.constant 0 : i32
      %dma_start3A_131 = tpu.memref_slice %arg3[%multiple_of3A_125, %dma_start3A_130] : memref<250000x128xf32, #tpu.memory_space<hbm>> -> memref<192x128xf32, #tpu.memory_space<hbm>>
      %dma_start3A_132 = tpu.memref_slice %arg9[%select_n3A_57] : memref<2x!tpu.dma_semaphore, #tpu.memory_space<semaphore_mem>> -> memref<1x!tpu.dma_semaphore, #tpu.memory_space<semaphore_mem>>
      %dma_start3A_133 = tpu.memref_squeeze %dma_start3A_132 : memref<1x!tpu.dma_semaphore, #tpu.memory_space<semaphore_mem>> -> memref<!tpu.dma_semaphore, #tpu.memory_space<semaphore_mem>>
      %dma_start3A_134 = arith.constant 0 : i32
      %dma_start3A_135 = tpu.memref_slice %arg3[%multiple_of3A_125, %dma_start3A_134] : memref<250000x128xf32, #tpu.memory_space<hbm>> -> memref<192x128xf32, #tpu.memory_space<hbm>>
      %dma_start3A_136 = arith.constant 0 : i32
      %dma_start3A_137 = arith.constant 0 : i32
      %dma_start3A_138 = tpu.memref_slice %arg5[%select_n3A_57, %dma_start3A_136, %dma_start3A_137] : memref<2x192x128xf32, #tpu.memory_space<vmem>> -> memref<1x192x128xf32, #tpu.memory_space<vmem>>
      %dma_start3A_139 = tpu.memref_squeeze %dma_start3A_138 : memref<1x192x128xf32, #tpu.memory_space<vmem>> -> memref<192x128xf32, #tpu.memory_space<vmem>>
      tpu.enqueue_dma source(%dma_start3A_139 : memref<192x128xf32, #tpu.memory_space<vmem>>) target(%dma_start3A_135 : memref<192x128xf32, #tpu.memory_space<hbm>>) target_semaphore(%dma_start3A_133 : memref<!tpu.dma_semaphore, #tpu.memory_space<semaphore_mem>>)
    }
    %ge3A = arith.constant 1 : i32
    %ge3A_31 = arith.cmpi sge, %select_n3A, %ge3A : i32
    %convert_element_type3A = arith.extui %ge3A_31 : i1 to i32
    %cond3A = arith.constant 0 : i32
    %cond3A_32 = arith.cmpi ne, %convert_element_type3A, %cond3A : i32
    scf.if %cond3A_32 {
      %dma_wait3A = arith.constant 0 : i32
      %dma_wait3A_42 = arith.constant 0 : i32
      %dma_wait3A_43 = arith.constant 0 : i32
      %dma_wait3A_44 = arith.constant 0 : i32
      %dma_wait3A_45 = tpu.memref_slice %arg5[%dma_wait3A, %dma_wait3A_43, %dma_wait3A_44] : memref<2x192x128xf32, #tpu.memory_space<vmem>> -> memref<1x192x128xf32, #tpu.memory_space<vmem>>
      %dma_wait3A_46 = tpu.memref_squeeze %dma_wait3A_45 : memref<1x192x128xf32, #tpu.memory_space<vmem>> -> memref<192x128xf32, #tpu.memory_space<vmem>>
      %dma_wait3A_47 = arith.constant 0 : i32
      %dma_wait3A_48 = arith.constant 0 : i32
      %dma_wait3A_49 = tpu.memref_slice %arg3[%dma_wait3A_47, %dma_wait3A_48] : memref<250000x128xf32, #tpu.memory_space<hbm>> -> memref<192x128xf32, #tpu.memory_space<hbm>>
      %dma_wait3A_50 = tpu.memref_slice %arg9[%dma_wait3A_42] : memref<2x!tpu.dma_semaphore, #tpu.memory_space<semaphore_mem>> -> memref<1x!tpu.dma_semaphore, #tpu.memory_space<semaphore_mem>>
      %dma_wait3A_51 = tpu.memref_squeeze %dma_wait3A_50 : memref<1x!tpu.dma_semaphore, #tpu.memory_space<semaphore_mem>> -> memref<!tpu.dma_semaphore, #tpu.memory_space<semaphore_mem>>
      %dma_wait3A_52 = arith.constant 0 : i32
      %dma_wait3A_53 = arith.constant 0 : i32
      %dma_wait3A_54 = tpu.memref_slice %arg3[%dma_wait3A_52, %dma_wait3A_53] : memref<250000x128xf32, #tpu.memory_space<hbm>> -> memref<192x128xf32, #tpu.memory_space<hbm>>
      %dma_wait3A_55 = arith.constant 0 : i32
      %dma_wait3A_56 = arith.constant 0 : i32
      %dma_wait3A_57 = tpu.memref_slice %arg5[%dma_wait3A, %dma_wait3A_55, %dma_wait3A_56] : memref<2x192x128xf32, #tpu.memory_space<vmem>> -> memref<1x192x128xf32, #tpu.memory_space<vmem>>
      %dma_wait3A_58 = tpu.memref_squeeze %dma_wait3A_57 : memref<1x192x128xf32, #tpu.memory_space<vmem>> -> memref<192x128xf32, #tpu.memory_space<vmem>>
      tpu.wait_dma2 semaphore(%dma_wait3A_51 : memref<!tpu.dma_semaphore, #tpu.memory_space<semaphore_mem>>) src(%dma_wait3A_58 : memref<192x128xf32, #tpu.memory_space<vmem>>) dst(%dma_wait3A_54 : memref<192x128xf32, #tpu.memory_space<hbm>>)
    } else {
    }
    %ge3A_33 = arith.constant 2 : i32
    %ge3A_34 = arith.cmpi sge, %select_n3A, %ge3A_33 : i32
    %convert_element_type3A_35 = arith.extui %ge3A_34 : i1 to i32
    %cond3A_36 = arith.constant 0 : i32
    %cond3A_37 = arith.cmpi ne, %convert_element_type3A_35, %cond3A_36 : i32
    scf.if %cond3A_37 {
      %dma_wait3A = arith.constant 1 : i32
      %dma_wait3A_42 = arith.constant 1 : i32
      %dma_wait3A_43 = arith.constant 0 : i32
      %dma_wait3A_44 = arith.constant 0 : i32
      %dma_wait3A_45 = tpu.memref_slice %arg5[%dma_wait3A, %dma_wait3A_43, %dma_wait3A_44] : memref<2x192x128xf32, #tpu.memory_space<vmem>> -> memref<1x192x128xf32, #tpu.memory_space<vmem>>
      %dma_wait3A_46 = tpu.memref_squeeze %dma_wait3A_45 : memref<1x192x128xf32, #tpu.memory_space<vmem>> -> memref<192x128xf32, #tpu.memory_space<vmem>>
      %dma_wait3A_47 = arith.constant 0 : i32
      %dma_wait3A_48 = arith.constant 0 : i32
      %dma_wait3A_49 = tpu.memref_slice %arg3[%dma_wait3A_47, %dma_wait3A_48] : memref<250000x128xf32, #tpu.memory_space<hbm>> -> memref<192x128xf32, #tpu.memory_space<hbm>>
      %dma_wait3A_50 = tpu.memref_slice %arg9[%dma_wait3A_42] : memref<2x!tpu.dma_semaphore, #tpu.memory_space<semaphore_mem>> -> memref<1x!tpu.dma_semaphore, #tpu.memory_space<semaphore_mem>>
      %dma_wait3A_51 = tpu.memref_squeeze %dma_wait3A_50 : memref<1x!tpu.dma_semaphore, #tpu.memory_space<semaphore_mem>> -> memref<!tpu.dma_semaphore, #tpu.memory_space<semaphore_mem>>
      %dma_wait3A_52 = arith.constant 0 : i32
      %dma_wait3A_53 = arith.constant 0 : i32
      %dma_wait3A_54 = tpu.memref_slice %arg3[%dma_wait3A_52, %dma_wait3A_53] : memref<250000x128xf32, #tpu.memory_space<hbm>> -> memref<192x128xf32, #tpu.memory_space<hbm>>
      %dma_wait3A_55 = arith.constant 0 : i32
      %dma_wait3A_56 = arith.constant 0 : i32
      %dma_wait3A_57 = tpu.memref_slice %arg5[%dma_wait3A, %dma_wait3A_55, %dma_wait3A_56] : memref<2x192x128xf32, #tpu.memory_space<vmem>> -> memref<1x192x128xf32, #tpu.memory_space<vmem>>
      %dma_wait3A_58 = tpu.memref_squeeze %dma_wait3A_57 : memref<1x192x128xf32, #tpu.memory_space<vmem>> -> memref<192x128xf32, #tpu.memory_space<vmem>>
      tpu.wait_dma2 semaphore(%dma_wait3A_51 : memref<!tpu.dma_semaphore, #tpu.memory_space<semaphore_mem>>) src(%dma_wait3A_58 : memref<192x128xf32, #tpu.memory_space<vmem>>) dst(%dma_wait3A_54 : memref<192x128xf32, #tpu.memory_space<hbm>>)
    } else {
    }
    %eq3A = arith.constant 0 : i32
    %eq3A_38 = arith.cmpi eq, %add3A, %eq3A : i32
    %convert_element_type3A_39 = arith.extui %eq3A_38 : i1 to i32
    %cond3A_40 = arith.constant 0 : i32
    %cond3A_41 = arith.cmpi ne, %convert_element_type3A_39, %cond3A_40 : i32
    scf.if %cond3A_41 {
      %dma_start3A = arith.constant 0 : i32
      %dma_start3A_42 = arith.constant 0 : i32
      %dma_start3A_43 = arith.constant 999936 : i32
      %dma_start3A_44 = tpu.memref_slice %arg2[%dma_start3A_42, %dma_start3A_43] : memref<32x1000000xf32, #tpu.memory_space<hbm>> -> memref<32x64xf32, #tpu.memory_space<hbm>>
      %dma_start3A_45 = tpu.memref_slice %arg8[%dma_start3A] : memref<2x!tpu.dma_semaphore, #tpu.memory_space<semaphore_mem>> -> memref<1x!tpu.dma_semaphore, #tpu.memory_space<semaphore_mem>>
      %dma_start3A_46 = tpu.memref_squeeze %dma_start3A_45 : memref<1x!tpu.dma_semaphore, #tpu.memory_space<semaphore_mem>> -> memref<!tpu.dma_semaphore, #tpu.memory_space<semaphore_mem>>
      %dma_start3A_47 = arith.constant 0 : i32
      %dma_start3A_48 = arith.constant 999936 : i32
      %dma_start3A_49 = tpu.memref_slice %arg2[%dma_start3A_47, %dma_start3A_48] : memref<32x1000000xf32, #tpu.memory_space<hbm>> -> memref<32x64xf32, #tpu.memory_space<hbm>>
      tpu.enqueue_dma source(%dma_start3A_49 : memref<32x64xf32, #tpu.memory_space<hbm>>) target(%arg6 : memref<32x64xf32, #tpu.memory_space<vmem>>) target_semaphore(%dma_start3A_46 : memref<!tpu.dma_semaphore, #tpu.memory_space<semaphore_mem>>)
      %dma_wait3A = arith.constant 0 : i32
      %dma_wait3A_50 = arith.constant 0 : i32
      %dma_wait3A_51 = arith.constant 999936 : i32
      %dma_wait3A_52 = tpu.memref_slice %arg2[%dma_wait3A_50, %dma_wait3A_51] : memref<32x1000000xf32, #tpu.memory_space<hbm>> -> memref<32x64xf32, #tpu.memory_space<hbm>>
      %dma_wait3A_53 = tpu.memref_slice %arg8[%dma_wait3A] : memref<2x!tpu.dma_semaphore, #tpu.memory_space<semaphore_mem>> -> memref<1x!tpu.dma_semaphore, #tpu.memory_space<semaphore_mem>>
      %dma_wait3A_54 = tpu.memref_squeeze %dma_wait3A_53 : memref<1x!tpu.dma_semaphore, #tpu.memory_space<semaphore_mem>> -> memref<!tpu.dma_semaphore, #tpu.memory_space<semaphore_mem>>
      %dma_wait3A_55 = arith.constant 0 : i32
      %dma_wait3A_56 = arith.constant 999936 : i32
      %dma_wait3A_57 = tpu.memref_slice %arg2[%dma_wait3A_55, %dma_wait3A_56] : memref<32x1000000xf32, #tpu.memory_space<hbm>> -> memref<32x64xf32, #tpu.memory_space<hbm>>
      tpu.wait_dma2 semaphore(%dma_wait3A_54 : memref<!tpu.dma_semaphore, #tpu.memory_space<semaphore_mem>>) src(%dma_wait3A_57 : memref<32x64xf32, #tpu.memory_space<hbm>>) dst(%arg6 : memref<32x64xf32, #tpu.memory_space<vmem>>)
      %scan3A = arith.constant 0 : i32
      %scan3A_58 = arith.constant 32 : i32
      %scan3A_59 = arith.addi %scan3A, %scan3A_58 : i32
      %scan3A_60 = arith.constant 1 : i32
      scf.for %scan3A_80 = %scan3A to %scan3A_59 step %scan3A_60  : i32 {
        %shift_right_logical3A = arith.constant 3 : i32
        %shift_right_logical3A_81 = arith.shrui %scan3A_80, %shift_right_logical3A : i32
        %and3A_82 = arith.constant 7 : i32
        %and3A_83 = arith.andi %scan3A_80, %and3A_82 : i32
        %shift_left3A = arith.constant 4 : i32
        %shift_left3A_84 = arith.shli %shift_right_logical3A_81, %shift_left3A : i32
        %add3A_85 = vector.broadcast %shift_left3A_84 : i32 to vector<16xi32>
        %add3A_86 = arith.addi %iota3A, %add3A_85 : vector<16xi32>
        %shift_right_logical3A_87 = arith.constant 2 : i32
        %shift_right_logical3A_88 = vector.broadcast %shift_right_logical3A_87 : i32 to vector<16xi32>
        %shift_right_logical3A_89 = arith.shrui %add3A_86, %shift_right_logical3A_88 : vector<16xi32>
        %and3A_90 = arith.constant 3 : i32
        %and3A_91 = vector.broadcast %and3A_90 : i32 to vector<16xi32>
        %and3A_92 = arith.andi %add3A_86, %and3A_91 : vector<16xi32>
        %shift_left3A_93 = arith.constant 5 : i32
        %shift_left3A_94 = vector.broadcast %shift_left3A_93 : i32 to vector<16xi32>
        %shift_left3A_95 = arith.shli %and3A_92, %shift_left3A_94 : vector<16xi32>
        %shift_left3A_96 = arith.constant 2 : i32
        %shift_left3A_97 = arith.shli %and3A_83, %shift_left3A_96 : i32
        %add3A_98 = vector.broadcast %shift_left3A_97 : i32 to vector<16xi32>
        %add3A_99 = arith.addi %iota3A, %add3A_98 : vector<16xi32>
        %and3A_100 = arith.constant 31 : i32
        %and3A_101 = vector.broadcast %and3A_100 : i32 to vector<16xi32>
        %and3A_102 = arith.andi %add3A_99, %and3A_101 : vector<16xi32>
        %gather3A = tpu.vector_load_idx %arg6[%and3A_102, %add3A_86] : memref<32x64xf32, #tpu.memory_space<vmem>>[vector<16xi32>, vector<16xi32>], vector<16xf32>,
        %add3A_103 = arith.constant 1 : i32
        %add3A_104 = vector.broadcast %add3A_103 : i32 to vector<16xi32>
        %add3A_105 = arith.addi %and3A_102, %add3A_104 : vector<16xi32>
        %and3A_106 = arith.constant 31 : i32
        %and3A_107 = vector.broadcast %and3A_106 : i32 to vector<16xi32>
        %and3A_108 = arith.andi %add3A_105, %and3A_107 : vector<16xi32>
        %gather3A_109 = tpu.vector_load_idx %arg6[%and3A_108, %add3A_86] : memref<32x64xf32, #tpu.memory_space<vmem>>[vector<16xi32>, vector<16xi32>], vector<16xf32>,
        %add3A_110 = arith.constant 1 : i32
        %add3A_111 = vector.broadcast %add3A_110 : i32 to vector<16xi32>
        %add3A_112 = arith.addi %and3A_108, %add3A_111 : vector<16xi32>
        %and3A_113 = arith.constant 31 : i32
        %and3A_114 = vector.broadcast %and3A_113 : i32 to vector<16xi32>
        %and3A_115 = arith.andi %add3A_112, %and3A_114 : vector<16xi32>
        %gather3A_116 = tpu.vector_load_idx %arg6[%and3A_115, %add3A_86] : memref<32x64xf32, #tpu.memory_space<vmem>>[vector<16xi32>, vector<16xi32>], vector<16xf32>,
        %add3A_117 = arith.constant 1 : i32
        %add3A_118 = vector.broadcast %add3A_117 : i32 to vector<16xi32>
        %add3A_119 = arith.addi %and3A_115, %add3A_118 : vector<16xi32>
        %and3A_120 = arith.constant 31 : i32
        %and3A_121 = vector.broadcast %and3A_120 : i32 to vector<16xi32>
        %and3A_122 = arith.andi %add3A_119, %and3A_121 : vector<16xi32>
        %gather3A_123 = tpu.vector_load_idx %arg6[%and3A_122, %add3A_86] : memref<32x64xf32, #tpu.memory_space<vmem>>[vector<16xi32>, vector<16xi32>], vector<16xf32>,
        %add3A_124 = arith.constant 1 : i32
        %add3A_125 = vector.broadcast %add3A_124 : i32 to vector<16xi32>
        %add3A_126 = arith.addi %and3A_122, %add3A_125 : vector<16xi32>
        %and3A_127 = arith.constant 31 : i32
        %and3A_128 = vector.broadcast %and3A_127 : i32 to vector<16xi32>
        %and3A_129 = arith.andi %add3A_126, %and3A_128 : vector<16xi32>
        %add3A_130 = arith.addi %shift_left3A_95, %and3A_102 : vector<16xi32>
        tpu.vector_store_idx %arg7[%shift_right_logical3A_89, %add3A_130], %gather3A : memref<16x128xf32, #tpu.memory_space<vmem>>[vector<16xi32>, vector<16xi32>], vector<16xf32>,
        %add3A_131 = arith.addi %shift_left3A_95, %and3A_108 : vector<16xi32>
        tpu.vector_store_idx %arg7[%shift_right_logical3A_89, %add3A_131], %gather3A_109 : memref<16x128xf32, #tpu.memory_space<vmem>>[vector<16xi32>, vector<16xi32>], vector<16xf32>,
        %add3A_132 = arith.addi %shift_left3A_95, %and3A_115 : vector<16xi32>
        tpu.vector_store_idx %arg7[%shift_right_logical3A_89, %add3A_132], %gather3A_116 : memref<16x128xf32, #tpu.memory_space<vmem>>[vector<16xi32>, vector<16xi32>], vector<16xf32>,
        %add3A_133 = arith.addi %shift_left3A_95, %and3A_122 : vector<16xi32>
        tpu.vector_store_idx %arg7[%shift_right_logical3A_89, %add3A_133], %gather3A_123 : memref<16x128xf32, #tpu.memory_space<vmem>>[vector<16xi32>, vector<16xi32>], vector<16xf32>,
      }
      %scan3A_61 = arith.constant 32 : i32
      %dma_start3A_62 = arith.constant 0 : i32
      %dma_start3A_63 = arith.constant 249984 : i32
      %dma_start3A_64 = arith.constant 0 : i32
      %dma_start3A_65 = tpu.memref_slice %arg3[%dma_start3A_63, %dma_start3A_64] : memref<250000x128xf32, #tpu.memory_space<hbm>> -> memref<16x128xf32, #tpu.memory_space<hbm>>
      %dma_start3A_66 = tpu.memref_slice %arg9[%dma_start3A_62] : memref<2x!tpu.dma_semaphore, #tpu.memory_space<semaphore_mem>> -> memref<1x!tpu.dma_semaphore, #tpu.memory_space<semaphore_mem>>
      %dma_start3A_67 = tpu.memref_squeeze %dma_start3A_66 : memref<1x!tpu.dma_semaphore, #tpu.memory_space<semaphore_mem>> -> memref<!tpu.dma_semaphore, #tpu.memory_space<semaphore_mem>>
      %dma_start3A_68 = arith.constant 249984 : i32
      %dma_start3A_69 = arith.constant 0 : i32
      %dma_start3A_70 = tpu.memref_slice %arg3[%dma_start3A_68, %dma_start3A_69] : memref<250000x128xf32, #tpu.memory_space<hbm>> -> memref<16x128xf32, #tpu.memory_space<hbm>>
      tpu.enqueue_dma source(%arg7 : memref<16x128xf32, #tpu.memory_space<vmem>>) target(%dma_start3A_70 : memref<16x128xf32, #tpu.memory_space<hbm>>) target_semaphore(%dma_start3A_67 : memref<!tpu.dma_semaphore, #tpu.memory_space<semaphore_mem>>)
      %dma_wait3A_71 = arith.constant 0 : i32
      %dma_wait3A_72 = arith.constant 249984 : i32
      %dma_wait3A_73 = arith.constant 0 : i32
      %dma_wait3A_74 = tpu.memref_slice %arg3[%dma_wait3A_72, %dma_wait3A_73] : memref<250000x128xf32, #tpu.memory_space<hbm>> -> memref<16x128xf32, #tpu.memory_space<hbm>>
      %dma_wait3A_75 = tpu.memref_slice %arg9[%dma_wait3A_71] : memref<2x!tpu.dma_semaphore, #tpu.memory_space<semaphore_mem>> -> memref<1x!tpu.dma_semaphore, #tpu.memory_space<semaphore_mem>>
      %dma_wait3A_76 = tpu.memref_squeeze %dma_wait3A_75 : memref<1x!tpu.dma_semaphore, #tpu.memory_space<semaphore_mem>> -> memref<!tpu.dma_semaphore, #tpu.memory_space<semaphore_mem>>
      %dma_wait3A_77 = arith.constant 249984 : i32
      %dma_wait3A_78 = arith.constant 0 : i32
      %dma_wait3A_79 = tpu.memref_slice %arg3[%dma_wait3A_77, %dma_wait3A_78] : memref<250000x128xf32, #tpu.memory_space<hbm>> -> memref<16x128xf32, #tpu.memory_space<hbm>>
      tpu.wait_dma2 semaphore(%dma_wait3A_76 : memref<!tpu.dma_semaphore, #tpu.memory_space<semaphore_mem>>) src(%arg7 : memref<16x128xf32, #tpu.memory_space<vmem>>) dst(%dma_wait3A_79 : memref<16x128xf32, #tpu.memory_space<hbm>>)
    } else {
    }
    return
  }
}

</mosaic_0001>

<sc_bundles>
// kernel: kernel.4.cloned.1.call-start
scs
__scs_entry_jumppad:
0x0: {  	(pc) =	sbr.rel $0x88, $3  }
0x1: {  	(tag) =	ssettag $0x0;
	lr =	simm.s32 $0x1  }
0x2: {  	[smem:$0x3F9F] =	sst lr;
	_ =	strace $0xD0000000  }
0x3: {  	_ = 	snop  }
0x4: {  	_ = 	snop  }
0x5: {  	_ = 	snop  }
0x6: {  	_ = 	snop  }
0x7: {  	_ = 	snop  }
__scs_overlays_trampoline_lowered:
0x8: {  	[smem:$0x3FAE] =	sst s0  }
0x9: {  	[smem:$0x3FAF] =	sst s1  }
0xa: {  	[smem:$0x3FB0] =	sst s2  }
0xb: {  	[smem:$0x3FB1] =	sst s3  }
0xc: {  	[smem:$0x3FB2] =	sst s4  }
0xd: {  	[smem:$0x3FB3] =	sst s5  }
0xe: {  	[smem:$0x3FB4] =	sst s6  }
0xf: {  	[smem:$0x3FB5] =	sst s7  }
0x10: {  	[smem:$0x3FB6] =	sst s8  }
0x11: {  	[smem:$0x3FB7] =	sst s9;
	s0 =	simm.s32 @!p0 $0x0  }
0x12: {  	s1 =	sld [smem:$0x3F9D];
	s0 =	simm.s32 @p0 $0x1  }
0x13: {  	[smem:$0x3FB8] =	sst s0;
	s0 =	simm.s32 @!p1 $0x0  }
0x14: {  	s2 =	sld [smem:$0x3F9C];
	s0 =	simm.s32 @p1 $0x1  }
0x15: {  	[smem:$0x3FB9] =	sst s0;
	s0 =	simm.s32 @!p2 $0x0  }
0x16: {  	s3 =	sld [smem:$0x3FDB];
	s0 =	simm.s32 @p2 $0x1  }
0x17: {  	s4 =	simm.s32 $0x1BF5;
	[smem:$0x3FBB] =	sst s0  }
0x18: {  	s0 =	sld [smem:$0x3F9E];
	_ =	swait.ge [sflag:s4], $0x0  }
0x19: {  	s7 =	sld [smem:$0x3F9F]  }
0x1a: {  	s8 =	sadd.s32 $0xFFFFE003, lr  }
0x1b: {  	s9 =	sadd.s32 $0xFFFFFEF7, lr;
	s5 =	simm.s32 $0xFFFFFFFF;
	p2 =	slt.u32 s8, $0xFFFFF086  }
0x1c: {  	p1 =	slt.u32 s9, $0xF7A;
	s5 =	simm.s32 @!p2 $0x0  }
0x1d: {  	s5 =	simm.s32 @p1 $0x1;
	p0 =	seq.s32 s7, s2  }
0x1e: {  	s7 =	smul.u32 @!p0 $0xF7A, s2;
	p2 =	seq.s32 @!p0 s5, $0x0  }
0x1f: {  	s9 =	smul.u32 $0xF7A, s1;
	s8 =	simm.s32 @!p0 $0x1BF5;
	p2 =	por !p2, p0  }
0x20: {  	[sflag:s8] =	ssyncset.s32 @!p0 $0xFFFFF086;
	s6 =	sadd.s32 @!p0 s3, s7;
	s7 =	simm.s32 @!p0 $0x108  }
0x21: {  	s3 =	sadd.s32 s3, s9;
	s6 =	sadd.s32 @!p0 $0x88, s6;
	s7 =	simm.s32 @p2 $0x1082  }
0x22: {  	[simem:s7], [sflag:s8] =	dma.local @!p0 [hbm:s6], $0xF7A  }
0x23: {  	s9 =	sor.u32 $0xD0000000, s2;
	s6 =	simm.s32 $0x108;
	_ =	swait.ge @!p0 [sflag:s8], $0x0  }
0x24: {  	s3 =	sadd.s32 $0x88, s3;
	s6 =	simm.s32 @!p1 $0x1082;
	[sflag:s4] =	ssyncset.s32 $0xFFFFF086  }
0x25: {  	[simem:s6], [sflag:s4] =	dma.local [hbm:s3], $0xF7A  }
0x26: {  	[smem:$0x3F9F] =	sst s1;
	(tag) =	ssettag s2;
	_ =	strace s9  }
0x27: {  	s1 =	sld [smem:$0x3FAF]  }
0x28: {  	s2 =	sld [smem:$0x3FB0]  }
0x29: {  	s4 =	sld [smem:$0x3FB2]  }
0x2a: {  	p0 =	seq.s32 s5, $0x0;
	s5 =	sld [smem:$0x3FB3]  }
0x2b: {  	s6 =	sld [smem:$0x3FB4]  }
0x2c: {  	s7 =	sld [smem:$0x3FB5]  }
0x2d: {  	s3 =	simm.s32 $0x108;
	s8 =	sld [smem:$0x3FB6]  }
0x2e: {  	s3 =	simm.s32 @!p0 $0x1082;
	s9 =	sld [smem:$0x3FB7]  }
0x2f: {  	lr =	sadd.s32 s0, s3;
	s0 =	sld [smem:$0x3FAE]  }
0x30: {  	s3 =	sld [smem:$0x3FB1]  }
0x31: {  	[smem:$0x3FBA] =	sst s10  }
0x32: {  	s10 =	sld [smem:$0x3FB8];
	_ =	sdelay $0x3  }
0x33: {  	p0 =	seq.s32 s10, $0x1;
	s10 =	sld [smem:$0x3FBA];
	_ =	sdelay $0x3  }
0x34: {  	[smem:$0x3FBA] =	sst s10  }
0x35: {  	s10 =	sld [smem:$0x3FB9];
	_ =	sdelay $0x3  }
0x36: {  	p1 =	seq.s32 s10, $0x1;
	s10 =	sld [smem:$0x3FBA];
	_ =	sdelay $0x3  }
0x37: {  	[smem:$0x3FBA] =	sst s10  }
0x38: {  	s10 =	sld [smem:$0x3FBB]  }
0x39: {  	_ = 	snop;
	(pc) =	sbr.ind lr, $3  }
0x3a: {  	_ = 	snop  }
0x3b: {  	_ = 	snop  }
0x3c: {  	p2 =	seq.s32 s10, $0x1;
	s10 =	sld [smem:$0x3FBA]  }
0x3d: {  	_ =	shalt  }
0x3e: {  	_ =	shalt  }
0x3f: {  	_ =	shalt  }
0x40: {  	_ =	shalt  }
0x41: {  	_ =	shalt  }
0x42: {  	_ =	shalt  }
0x43: {  	_ =	shalt  }
0x44: {  	_ =	shalt  }
0x45: {  	_ =	shalt  }
0x46: {  	_ =	shalt  }
0x47: {  	_ =	shalt  }
0x48: {  	_ =	shalt  }
0x49: {  	_ =	shalt  }
0x4a: {  	_ =	shalt  }
0x4b: {  	_ =	shalt  }
0x4c: {  	_ =	shalt  }
0x4d: {  	_ =	shalt  }
0x4e: {  	_ =	shalt  }
0x4f: {  	_ =	shalt  }
0x50: {  	_ =	shalt  }
0x51: {  	_ =	shalt  }
0x52: {  	_ =	shalt  }
0x53: {  	_ =	shalt  }
0x54: {  	_ =	shalt  }
0x55: {  	_ =	shalt  }
0x56: {  	_ =	shalt  }
0x57: {  	_ =	shalt  }
0x58: {  	_ =	shalt  }
0x59: {  	_ =	shalt  }
0x5a: {  	_ =	shalt  }
0x5b: {  	_ =	shalt  }
0x5c: {  	_ =	shalt  }
0x5d: {  	_ =	shalt  }
0x5e: {  	_ =	shalt  }
0x5f: {  	_ =	shalt  }
0x60: {  	_ =	shalt  }
0x61: {  	_ =	shalt  }
0x62: {  	_ =	shalt  }
0x63: {  	_ =	shalt  }
0x64: {  	_ =	shalt  }
0x65: {  	_ =	shalt  }
0x66: {  	_ =	shalt  }
0x67: {  	_ =	shalt  }
0x68: {  	_ =	shalt  }
0x69: {  	_ =	shalt  }
0x6a: {  	_ =	shalt  }
0x6b: {  	_ =	shalt  }
0x6c: {  	_ =	shalt  }
0x6d: {  	_ =	shalt  }
0x6e: {  	_ =	shalt  }
0x6f: {  	_ =	shalt  }
0x70: {  	_ =	shalt  }
0x71: {  	_ =	shalt  }
0x72: {  	_ =	shalt  }
0x73: {  	_ =	shalt  }
0x74: {  	_ =	shalt  }
0x75: {  	_ =	shalt  }
0x76: {  	_ =	shalt  }
0x77: {  	_ =	shalt  }
0x78: {  	_ =	shalt  }
0x79: {  	_ =	shalt  }
0x7a: {  	_ =	shalt  }
0x7b: {  	_ =	shalt  }
0x7c: {  	_ =	shalt  }
0x7d: {  	_ =	shalt  }
0x7e: {  	_ =	shalt  }
0x7f: {  	_ =	shalt  }
0x80: {  	_ =	shalt  }
0x81: {  	_ =	shalt  }
0x82: {  	_ =	shalt  }
0x83: {  	_ =	shalt  }
0x84: {  	_ =	shalt  }
0x85: {  	_ =	shalt  }
0x86: {  	_ =	shalt  }
0x87: {  	_ =	shalt  }
.Lfunc_end0:
.L_simem_size_0:
called_computation_lowered:
.L_overlay_start_0:
0x88: {  	s2 =	sld [smem:$0x3FD9]  }
0x89: {  	s3 =	sld [smem:$0x3FFE];
	_ =	sdelay $0x1  }
0x8a: {  	s1 =	srdreg.scid  }
0x8b: {  	s0 =	sand.u32 $0x1, s1  }
0x8c: {  	s17 =	sshll.u32 s0, $0xA;
	s2 =	sadd.s32 s3, s2  }
0x8d: {  	s2 =	sadd.s32 s2, s17  }
0x8e: {  	[smem:$0x3FC6] =	sst s2  }
0x8f: {  	_ = 	snop  }
0x90: {  	s2 =	sld [smem:$0x3FC8];
	(tm) =	ssettm $0x1  }
0x91: {  	s18 =	sld [smem:$0x3FFB];
	_ =	sdelay $0x3  }
0x92: {  	_ =	strace s18  }
0x93: {  	s3 =	sld [smem:$0x3FFC];
	_ =	sdelay $0x3  }
0x94: {  	_ =	strace s3  }
0x95: {  	s3 =	sld [smem:$0x3FFD];
	_ =	sdelay $0x3  }
0x96: {  	_ =	strace s3  }
0x97: {  	_ =	strace $0x8FFFFFFF  }
0x98: {  	s19 =	sld [smem:$0x3FDB];
	_ =	sdelay $0x1  }
0x99: {  	s4 =	simm.s32 $_scs_section_size  }
0x9a: {  	s5 =	simm.s32 $_size__tile_overlayer_lowered;
	s6 =	simm.s32 $_tile_overlayer_lowered  }
0x9b: {  	s22 =	simm.s32 $0x1BFF;
	s21 =	sshll.u32 s6, $0x1;
	s3 =	sadd.s32 s4, s19  }
0x9c: {  	s7 =	simm.s32 $0x0;
	s20 =	sshll.u32 s5, $0x1;
	s5 =	sadd.s32 s21, s3  }
0x9d: {  	[timem:s7], [sflag:s22] =	dma.local [hbm:s5], s20  }
0x9e: {  	_ =	swait.ge [sflag:s22], s20  }
0x9f: {  	s4 =	ssub.s32 $0x0, s20;
	[sflag:s22] =	ssyncset.done $0x0  }
0xa0: {  	[sflag:s22] =	ssyncadd.s32 s4;
	_ =	sdelay $0x1  }
0xa1: {  	s23 =	simm.s32 $0x1B8B  }
0xa2: {  	_ =	swait.ge [sflag:s23], $0x1  }
0xa3: {  	[sflag:s23] =	ssyncset.done $0x0  }
0xa4: {  	s25 =	simm.s32 $0x1B8E;
	s24 =	sld [smem:$0x3FFE];
	[sflag:s23] =	ssyncadd.s32 $0xFFFFFFFF  }
0xa5: {  	s26 =	simm.s32 $execute0_lowered;
	[smem:$0x3FD2] =	sst s25  }
0xa6: {  	s5 =	sshll.u32 s26, $0x1;
	_ =	strace $0x80000046;
	[dreg:$0x1] =	wrdreg $0xFFFFFFFF  }
0xa7: {  	s28 =	simm.s32 $_size_execute0_lowered;
	s3 =	sadd.s32 s3, s5;
	[dreg:$0x0] =	wrdreg $0x0  }
0xa8: {  	s5 =	sshll.u32 s28, $0x1;
	[dreg:$0x2] =	wrdreg s3  }
0xa9: {  	[dreg:$0x3] =	wrdreg s5  }
0xaa: {  	[dreg:$0x4] =	wrdreg $0xC0  }
0xab: {  	_ =	task [dreg:s7], $0x5FFFF  }
0xac: {  	[dreg:$0x1] =	wrdreg $0xFFFFFFFF  }
0xad: {  	[dreg:$0x0] =	wrdreg $0x60  }
0xae: {  	[dreg:$0x2] =	wrdreg s2  }
0xaf: {  	[dreg:$0x3] =	wrdreg s24  }
0xb0: {  	[dreg:$0x4] =	wrdreg $0x9  }
0xb1: {  	_ =	task.clear_ibuf [dreg:s7], $0x5FFFF;
	_ =	strace $0x90000046  }
0xb2: {  	s29 =	simm.s32 $0x9;
	_ =	strace $0x80000048  }
0xb3: {  	_ =	swait.ge [sflag:s29], $0x1  }
0xb4: {  	[sflag:s29] =	ssyncadd.s32 $0xFFFFFFFF  }
0xb5: {  	_ =	strace $0x90000048  }
0xb6: {  	_ =	sfence  }
0xb7: {  	s30 =	sld [smem:$0x0];
	_ =	sdelay $0x2  }
0xb8: {  	s31 =	sshll.u32 s1, $0xD;
	s1 =	sshrl.u32 s1, $0x2  }
0xb9: {  	s3 =	sand.u32 $0x4000, s31;
	s1 =	sadd.s32 s1, s30  }
0xba: {  	s0 =	sor.u32 s3, s0;
	s1 =	sshll.u32 s1, $0x11  }
0xbb: {  	s0 =	sor.u32 s1, s0  }
0xbc: {  	s0 =	sadd.s32 $0x8F2B, s0  }
0xbd: {  	[sflag:s0] =	ssyncadd.remote.s32 $0x1  }
0xbe: {  	_ =	sfence.sel $0xFFFF  }
0xbf: {  	[dreg:$0x0] =	wrdreg $0xFFFFFFFF;
	(pc) =	sbr.abs _section_cstart, $3  }
0xc0: {  	[dreg:$0x1] =	wrdreg $0xFFFFFFFF  }
0xc1: {  	_ =	task.clear_ibuf [dreg:s7], $0x2FFFF;
	_ =	strace $0x9FFFFFFF  }
0xc2: {  	(tm) =	ssettm $0x7FFFFFFF  }
0xc3: {  	_ =	shalt  }
tec
execute0_lowered:
.L_overlay_start_1:
0x0: {  	(tag) =	ssettag $0x1  }
0x1: {  	vm12 =	vcmask $0x300  }
0x2: {  	v0 =	vimm.s32 $0x0;
	vm13 =	vcmask $0x704;
	vm11 =	vcmask $0xB08  }
0x3: {  	vm10 =	vcmask $0xF0C;
	vm9 =	vcmask $0x1310;
	vm8 =	vcmask $0x1714  }
0x4: {  	vm7 =	vcmask $0x1B18;
	vm6 =	vcmask $0x2320;
	vm5 =	vcmask $0x2724  }
0x5: {  	vm4 =	vcmask $0x2B28;
	vm3 =	vcmask $0x2F2C;
	v41 =	vlaneseq.u32  }
0x6: {  	vm2 =	vcmask $0x3330;
	vm1 =	vcmask $0x3734;
	vm0 =	vcmask $0x3B38  }
0x7: {  	v5 =	vimm.s32 $0x80;
	v6 =	vimm.s32 $0x100;
	v7 =	vimm.s32 $0x180  }
0x8: {  	v11 =	vimm.s32 $0x200;
	v12 =	vimm.s32 $0x280;
	v13 =	vimm.s32 $0x300  }
0x9: {  	v21 =	vimm.s32 $0x6B4A2908;
	v22 =	vimm.s32 $0x63422100;
	v24 =	vimm.s32 $0x67462504  }
0xa: {  	vm15 =	vcmask $0x1F10;
	v0 =	vsel vm12, $0x80, v0;
	v2 =	vand.u32 $0x7, v41  }
0xb: {  	v10 =	vadd.s32 $0x1, v41;
	v42 =	vadd.s32 $0x2, v41;
	v5 =	vsel vm12, $0x100, v5  }
0xc: {  	v6 =	vsel vm12, $0x180, v6;
	v7 =	vsel vm12, $0x200, v7;
	v16 =	vadd.s32 $0x5, v41  }
0xd: {  	v11 =	vsel vm12, $0x280, v11;
	v12 =	vsel vm12, $0x300, v12;
	v13 =	vsel vm12, $0x380, v13  }
0xe: {  	v17 =	vadd.s32 $0x6, v41;
	v18 =	vadd.s32 $0x7, v41;
	v19 =	vadd.s32 $0x8, v41  }
0xf: {  	v20 =	vadd.s32 $0x9, v41;
	v43 =	vadd.s32 $0xC, v41;
	v23 =	vunpack.c.0.s8.s32 v21  }
0x10: {  	v21 =	vimm.s32 $0x6F4E2D0C;
	v26 =	vunpack.c.0.s8.s32 v22;
	v24 =	vunpack.c.0.s8.s32 v24  }
0x11: {  	v47 =	vadd.s32 $0xD, v41;
	v22 =	vadd.s32 $0xF, v41;
	v0 =	vsel vm13, $0x100, v0  }
0x12: {  	v5 =	vsel vm13, $0x180, v5;
	v6 =	vsel vm13, $0x200, v6;
	v7 =	vsel vm13, $0x280, v7  }
0x13: {  	v11 =	vsel vm13, $0x300, v11;
	v12 =	vsel vm13, $0x380, v12;
	v13 =	vsel vm13, $0x0, v13  }
0x14: {  	v25 =	vunpack.c.0.s8.s32 v21;
	v21 =	vadd.s32 $0xE, v41;
	v0 =	vsel vm11, $0x180, v0  }
0x15: {  	v5 =	vsel vm11, $0x200, v5;
	v6 =	vsel vm11, $0x280, v6;
	v7 =	vsel vm11, $0x300, v7  }
0x16: {  	v11 =	vsel vm11, $0x380, v11;
	v12 =	vsel vm11, $0x0, v12;
	v13 =	vsel vm11, $0x80, v13  }
0x17: {  	v24 =	vsel vm15, v24, v26;
	v26 =	vand.u32 $0x3, v41;
	v0 =	vsel vm10, $0x200, v0  }
0x18: {  	v5 =	vsel vm10, $0x280, v5;
	v6 =	vsel vm10, $0x300, v6;
	v7 =	vsel vm10, $0x380, v7  }
0x19: {  	v11 =	vsel vm10, $0x0, v11;
	v12 =	vsel vm10, $0x80, v12;
	v13 =	vsel vm10, $0x100, v13  }
0x1a: {  	v25 =	vsel vm15, v25, v23;
	v23 =	vmul.u32 $0x20, v26;
	v0 =	vsel vm9, $0x280, v0  }
0x1b: {  	v5 =	vsel vm9, $0x300, v5;
	v6 =	vsel vm9, $0x380, v6;
	v7 =	vsel vm9, $0x0, v7  }
0x1c: {  	v11 =	vsel vm9, $0x80, v11;
	v12 =	vsel vm9, $0x100, v12;
	v13 =	vsel vm9, $0x180, v13  }
0x1d: {  	v25 =	vcombine.low v24, v25;
	v0 =	vsel vm8, $0x300, v0;
	v5 =	vsel vm8, $0x380, v5  }
0x1e: {  	v6 =	vsel vm8, $0x0, v6;
	v7 =	vsel vm8, $0x80, v7;
	v11 =	vsel vm8, $0x100, v11  }
0x1f: {  	v12 =	vsel vm8, $0x180, v12;
	v13 =	vsel vm8, $0x200, v13;
	v0 =	vsel vm7, $0x380, v0  }
0x20: {  	v5 =	vsel vm7, $0x0, v5;
	v6 =	vsel vm7, $0x80, v6;
	v7 =	vsel vm7, $0x100, v7  }
0x21: {  	v11 =	vsel vm7, $0x180, v11;
	v12 =	vsel vm7, $0x200, v12;
	v13 =	vsel vm7, $0x280, v13  }
0x22: {  	v0 =	vsel vm6, $0x80, v0;
	v5 =	vsel vm6, $0x100, v5;
	v6 =	vsel vm6, $0x180, v6  }
0x23: {  	v7 =	vsel vm6, $0x200, v7;
	v11 =	vsel vm6, $0x280, v11;
	v12 =	vsel vm6, $0x300, v12  }
0x24: {  	v13 =	vsel vm6, $0x380, v13;
	v0 =	vsel vm5, $0x100, v0;
	v5 =	vsel vm5, $0x180, v5  }
0x25: {  	v6 =	vsel vm5, $0x200, v6;
	v7 =	vsel vm5, $0x280, v7;
	v11 =	vsel vm5, $0x300, v11  }
0x26: {  	v12 =	vsel vm5, $0x380, v12;
	v13 =	vsel vm5, $0x0, v13;
	v1 =	vsel vm4, $0x180, v0  }
0x27: {  	v5 =	vsel vm4, $0x200, v5;
	v6 =	vsel vm4, $0x280, v6;
	v7 =	vsel vm4, $0x300, v7  }
0x28: {  	s0 =	rddreg [dreg:$0x0];
	v11 =	vsel vm4, $0x380, v11;
	v12 =	vsel vm4, $0x0, v12;
	v13 =	vsel vm4, $0x80, v13  }
0x29: {  	s7 =	rddreg [dreg:$0x1];
	v1 =	vsel vm3, $0x200, v1;
	v5 =	vsel vm3, $0x280, v5;
	v6 =	vsel vm3, $0x300, v6  }
0x2a: {  	s1 =	rddreg [dreg:$0x2];
	s2 =	simm.s32 $0x0;
	v7 =	vsel vm3, $0x380, v7;
	v11 =	vsel vm3, $0x0, v11;
	v12 =	vsel vm3, $0x80, v12  }
0x2b: {  	s4 =	srdreg.scid;
	s3 =	stileid.u32;
	s11 =	simm.s32 $0x7A1400;
	v13 =	vsel vm3, $0x100, v13;
	v3 =	vsel vm2, $0x280, v1;
	v1 =	vmul.u32 $0x80, v2  }
0x2c: {  	s12 =	simm.s32 $0x3;
	s13 =	simm.s32 $0x4;
	s14 =	simm.s32 $0x400;
	v5 =	vsel vm2, $0x300, v5;
	v6 =	vsel vm2, $0x380, v6;
	v9 =	vsel vm2, $0x0, v7  }
0x2d: {  	s15 =	simm.s32 $0x18000;
	s16 =	simm.s32 $0x1;
	s17 =	simm.s32 $0x19000;
	v11 =	vsel vm2, $0x80, v11;
	v12 =	vsel vm2, $0x100, v12;
	v15 =	vsel vm2, $0x180, v13  }
0x2e: {  	s18 =	simm.s32 $0x0;
	[smem:$0x7FF] =	sst s2;
	s5 =	sand.u32 $0x1, s4;
	v3 =	vsel vm1, $0x300, v3;
	v5 =	vsel vm1, $0x380, v5;
	v8 =	vsel vm1, $0x0, v6  }
.Ltmp0:
0x2f: {  	s4 =	sadd.s32 $0x800, s7;
	s7 =	sadd.s32 $0x3D1000, s7;
	v6 =	vadd.s32 $0x3, v41;
	v9 =	vsel vm1, $0x80, v9;
	v11 =	vsel vm1, $0x100, v11;
	(pc) =	sbr.rel .LBB2_1-.Ltmp0, $4  }
0x30: {  	s6 =	sshll.u32 s3, $0x1;
	_ =	strace $0x80000047;
	s8 =	ssub.s32 $0x2, s5;
	[tilespmem:$0x1FFE0] =	vst v21;
	v14 =	vsel vm1, $0x180, v12;
	v15 =	vsel vm1, $0x200, v15;
	v12 =	vadd.s32 $0xA, v41  }
0x31: {  	s5 =	sor.u32 s5, s6;
	s6 =	sadd.s32 $0xF4200, s0;
	s9 =	sshrl.u32 s8, $0x1;
	[tilespmem:$0x1FFC0] =	vst v23;
	v3 =	vsel vm0, $0x380, v3;
	v13 =	vsel vm0, $0x200, v14;
	v14 =	vadd.s32 $0xB, v41  }
0x32: {  	s10 =	ssub.s32 $0x535, s5;
	p0 =	sne.s32 s5, $0x0;
	s9 =	ssub.s32 s8, s9;
	v5 =	vsel vm0, $0x0, v5;
	v7 =	vsel vm0, $0x80, v8;
	v8 =	vadd.s32 $0x4, v41;
	[tilespmem:$0x1FFD0] =	vst v14  }
0x33: {  	s8 =	sshrl.u32 s10, $0x5;
	s10 =	simm.s32 $0x1800;
	s9 =	smax.u32 s9, $0x1;
	v9 =	vsel vm0, $0x100, v9;
	v11 =	vsel vm0, $0x180, v11;
	v15 =	vsel vm0, $0x280, v15;
	[tilespmem:$0x1FFF0] =	vst v8  }
.LBB2_9:
0x34: {  	s18 =	sadd.s32 $0x1, s18  }
0x35: {  	p1 =	sne.s32 s18, s9  }
.Ltmp1:
0x36: {  	_ = 	snop;
	(pc) =	sbr.rel @!p1 .LBB2_10-.Ltmp1, $1  }
0x37: {  	_ =	sdelay $0x3  }
.LBB2_1:
0x38: {  	s19 =	simm.s32 $0x0  }
.LBB2_2:
0x39: {  	s20 =	simm.s32 $0x0  }
0x3a: {  	s23 =	sand.u32 $0x10, s20  }
0x3b: {  	s20 =	sand.u32 $0x3F0, s20;
	v26 =	vadd.s32 s23, v10  }
0x3c: {  	v27 =	vor.u32 s23, v41;
	v38 =	vor.u32 s20, v41;
	v29 =	vadd.s32 s23, v12  }
0x3d: {  	v35 =	vadd.s32 s23, v17;
	v57 =	vadd.s32 s23, v22;
	v59 =	vadd.s32 s23, v16  }
0x3e: {  	v45 =	vadd.s32 s23, v18;
	v46 =	vadd.s32 s23, v19;
	v60 =	vadd.s32 s23, v47  }
0x3f: {  	v31 =	vand.u32 $0x1F, v26;
	v26 =	vshrl.u32 v27, $0x3;
	v27 =	vadd.s32 s23, v43  }
0x40: {  	v24 =	vmovc v47;
	v39 =	vand.u32 $0x7F, v38;
	v50 =	vand.u32 $0x1F, v60;
	v47 =	vand.u32 $0x1F, v45  }
0x41: {  	v55 =	vand.u32 $0x1F, v46;
	v29 =	vand.u32 $0x1F, v29;
	v38 =	vshll.u32 v38, $0x5  }
0x42: {  	v28 =	vshrl.u32 v31, $0x3;
	v30 =	vmul.u32 $0x1800, v26;
	v33 =	vand.u32 $0x1F, v27  }
0x43: {  	v26 =	vadd.s32 s23, v42;
	v52 =	vshrl.u32 v47, $0x3;
	v53 =	vshrl.u32 v55, $0x3  }
0x44: {  	v54 =	vshrl.u32 v50, $0x3;
	v60 =	vshrl.u32 v29, $0x3;
	v38 =	vand.u32 $0x7F80, v38  }
0x45: {  	v32 =	vmul.u32 $0x1800, v28;
	v27 =	vshrl.u32 v33, $0x3;
	v37 =	vand.u32 $0x1F, v26  }
0x46: {  	v26 =	vadd.s32 s23, v21;
	v28 =	vadd.s32 s23, v20;
	v53 =	vmul.u32 $0x1800, v53  }
0x47: {  	v52 =	vmul.u32 $0x1800, v52;
	v54 =	vmul.u32 $0x1800, v54;
	v34 =	vmul.u32 $0x1800, v27  }
0x48: {  	v21 =	vmovc v12;
	v27 =	vadd.s32 s23, v6;
	v26 =	vand.u32 $0x1F, v26;
	v36 =	vand.u32 $0x1F, v28  }
0x49: {  	v12 =	vmovc v6;
	v28 =	vadd.s32 s23, v14;
	v6 =	vmovc v42;
	v42 =	vand.u32 $0x1F, v59;
	v59 =	vshrl.u32 v37, $0x3  }
0x4a: {  	v40 =	vand.u32 $0x1F, v27;
	v27 =	vadd.s32 s23, v8;
	v8 =	vlaneseq.u32  }
0x4b: {  	v49 =	vand.u32 $0x1F, v28;
	v28 =	vshrl.u32 v42, $0x3;
	v51 =	vshrl.u32 v36, $0x3  }
0x4c: {  	v23 =	vmovc v43;
	v59 =	vmul.u32 $0x1800, v59;
	v58 =	vshrl.u32 v40, $0x3;
	v43 =	vand.u32 $0x1F, v27  }
0x4d: {  	v27 =	vand.u32 $0x1F, v57;
	v61 =	vshrl.u32 v49, $0x3;
	v48 =	vmul.u32 $0x1800, v28  }
0x4e: {  	v28 =	vmov s20;
	v51 =	vmul.u32 $0x1800, v51;
	v57 =	vshrl.u32 v26, $0x3  }
0x4f: {  	s31 =	sshll.u32 s19, $0x5;
	v41 =	vmul.u32 $0x1800, v58;
	v44 =	vshrl.u32 v27, $0x3;
	v45 =	vmul.u32 $0x1800, v61  }
0x50: {  	s20 =	sor.u32 s5, s31;
	v62 =	vshll.u32 v28, $0x3;
	v56 =	vshrl.u32 v43, $0x3;
	v28 =	vand.u32 $0x1F, v35  }
0x51: {  	s24 =	smul.u32 $0x1800, s20;
	v63 =	vmul.u32 $0x1800, v56;
	v46 =	vand.u32 $0x1C00, v62;
	v44 =	vmul.u32 $0x1800, v44  }
0x52: {  	s21 =	sand.u32 $0x1, s19;
	v56 =	vmul.u32 $0x1800, v60;
	v58 =	vshrl.u32 v28, $0x3;
	v30 =	vadd.s32 v46, v30  }
0x53: {  	s22 =	smul.u32 $0x6000, s21;
	v48 =	vadd.s32 v46, v48;
	v34 =	vadd.s32 v46, v34;
	v32 =	vadd.s32 v46, v32;
	s24 =	sshrl.u32 s24, $0x3  }
0x54: {  	s25 =	sadd.s32 $0x1, s21;
	v51 =	vadd.s32 v46, v51;
	v45 =	vadd.s32 v46, v45;
	v58 =	vmul.u32 $0x1800, v58;
	s24 =	sadd.s32 s0, s24  }
0x55: {  	v41 =	vadd.s32 v46, v41;
	v61 =	vadd.s32 v46, v59;
	v35 =	vadd.s32 v46, v63;
	[tilespmem:s22], [sflag:s25] =	stream.strided.gather [hbm4b:s24+s10], $0x6000, s11, s10, $0x38;
	[tilespmem:$0x19800] =	vst v63  }
0x56: {  	v62 =	vadd.s32 v46, v52;
	v56 =	vadd.s32 v46, v56;
	v35 =	vor.u32 v39, v35;
	_ =	swait.ge [sflag:s25], $0x6000  }
0x57: {  	p1 =	slt.u32 s19, $0x2;
	v48 =	vor.u32 v39, v48;
	v56 =	vor.u32 v39, v56;
	v35 =	vor.u32 v9, v35;
	[sflag:s25] =	ssyncset.done $0x0  }
0x58: {  	v32 =	vor.u32 v39, v32;
	v30 =	vor.u32 v39, v30;
	s24 =	sadd.s32 @!p1 $0x3, s21;
	v56 =	vor.u32 v5, v56;
	[sflag:s25] =	ssyncadd.s32 $0xFFFFA000  }
0x59: {  	v34 =	vor.u32 v39, v34;
	v60 =	vor.u32 v1, v30;
	v30 =	vadd.s32 v46, v54;
	_ =	swait.ge @!p1 [sflag:s24], $0x6000  }
0x5a: {  	v45 =	vor.u32 v39, v45;
	v32 =	vor.u32 v3, v32;
	v30 =	vor.u32 v39, v30;
	[sflag:s24] =	ssyncset.done @!p1 $0x0  }
0x5b: {  	v44 =	vadd.s32 v46, v44;
	v58 =	vadd.s32 v46, v58;
	v59 =	vor.u32 v11, v30;
	v14 =	vld [tilespmem:$0x1FFC0];
	[sflag:s24] =	ssyncadd.s32 @!p1 $0xFFFFA000  }
0x5c: {  	v45 =	vor.u32 v7, v45;
	v58 =	vor.u32 v39, v58;
	v30 =	vor.u32 v39, v41;
	v35 =	vld.idx.msk [tilespmem:v35+s22+$0x0], $0xffff  }
0x5d: {  	v54 =	vor.u32 v39, v61;
	v58 =	vor.u32 v13, v58;
	v61 =	vor.u32 v7, v30;
	v30 =	vld.idx.msk [tilespmem:v56+s22+$0x0], $0xffff  }
0x5e: {  	v44 =	vor.u32 v39, v44;
	v54 =	vor.u32 v5, v54;
	v41 =	vmul.u32 $0x1800, v57;
	v52 =	vld.idx.msk [tilespmem:v60+s22+$0x0], $0xffff  }
0x5f: {  	v51 =	vor.u32 v39, v51;
	v44 =	vor.u32 v15, v44;
	v60 =	vadd.s32 v46, v53;
	v53 =	vld.idx.msk [tilespmem:v32+s22+$0x0], $0xffff  }
0x60: {  	v48 =	vor.u32 v11, v48;
	v57 =	vor.u32 v9, v34;
	v41 =	vadd.s32 v46, v41;
	v32 =	vld.idx.msk [tilespmem:v59+s22+$0x0], $0xffff  }
0x61: {  	v56 =	vor.u32 v39, v62;
	v46 =	vor.u32 v3, v51;
	v34 =	vld.idx.msk [tilespmem:v45+s22+$0x0], $0xffff;
	v63 =	vor.u32 v39, v60  }
0x62: {  	v51 =	vld.idx.msk [tilespmem:v58+s22+$0x0], $0xffff;
	v56 =	vor.u32 v15, v56;
	v39 =	vor.u32 v39, v41;
	v62 =	vor.u32 v1, v63  }
0x63: {  	v58 =	vld.idx.msk [tilespmem:v54+s22+$0x0], $0xffff;
	v39 =	vor.u32 v13, v39;
	v63 =	vor.u32 s23, v38;
	v38 =	vor.u32 v14, v38  }
0x64: {  	v44 =	vld.idx.msk [tilespmem:v44+s22+$0x0], $0xffff;
	v63 =	vor.u32 v25, v63;
	v60 =	vor.u32 v37, v38;
	v59 =	vor.u32 v40, v38  }
0x65: {  	v41 =	vld.idx.msk [tilespmem:v61+s22+$0x0], $0xffff;
	v40 =	vor.u32 v43, v38;
	v37 =	vor.u32 v31, v38;
	v49 =	vor.u32 v49, v38  }
0x66: {  	v45 =	vor.u32 v33, v38;
	v47 =	vor.u32 v47, v38;
	v61 =	vor.u32 v42, v38;
	v54 =	vld.idx.msk [tilespmem:v46+s22+$0x0], $0xffff  }
0x67: {  	s29 =	simm.s32 $0x8;
	s24 =	simm.s32 $0x10;
	s23 =	sadd.s32 $0xC000, s22;
	v42 =	vor.u32 v55, v38;
	v55 =	vor.u32 v50, v38;
	v46 =	vor.u32 v36, v38;
	v56 =	vld.idx.msk [tilespmem:v56+s22+$0x0], $0xffff  }
.LBB2_3:
0x68: {  	s26 =	sand.u32 $0x10, s24;
	v28 =	vor.u32 v28, v38  }
0x69: {  	v43 =	vld.idx.msk [tilespmem:v62+s22+$0x0], $0xffff;
	v62 =	vor.u32 v26, v38;
	v26 =	vor.u32 s26, v8;
	v31 =	vadd.s32 s26, v10  }
0x6a: {  	v57 =	vld.idx.msk [tilespmem:v57+s22+$0x0], $0xffff;
	v0 =	vor.u32 v27, v38;
	v26 =	vshrl.u32 v26, $0x3;
	v31 =	vand.u32 $0x1F, v31  }
0x6b: {  	v2 =	vld.idx.msk [tilespmem:v39+s22+$0x0], $0xffff;
	v27 =	vadd.s32 s26, v23;
	v4 =	vmul.u32 $0x1800, v26;
	v26 =	vshrl.u32 v31, $0x3  }
0x6c: {  	s28 =	sand.u32 $0x3F0, s29;
	v33 =	vand.u32 $0x1F, v27;
	v27 =	vld.idx.msk [tilespmem:v48+s22+$0x0], $0xffff;
	[tilespmem:v63+s23+$0x0] =	vst.idx.msk $0xffff, v52;
	v48 =	vmul.u32 $0x1800, v26;
	v26 =	vadd.s32 s26, v6  }
0x6d: {  	v29 =	vor.u32 v29, v38;
	v38 =	vor.u32 s28, v8;
	[tilespmem:v37+s23+$0x0] =	vst.idx.msk $0xffff, v53;
	v37 =	vand.u32 $0x1F, v26;
	v26 =	vld [tilespmem:$0x1FFE0]  }
0x6e: {  	v50 =	vadd.s32 s26, v12;
	v52 =	vadd.s32 s26, v21;
	v36 =	vshrl.u32 v33, $0x3;
	[tilespmem:v60+s23+$0x0] =	vst.idx.msk $0xffff, v58;
	v58 =	vld [tilespmem:$0x1FFD0]  }
0x6f: {  	v39 =	vand.u32 $0x7F, v38;
	v38 =	vshll.u32 v38, $0x5;
	v63 =	vmul.u32 $0x1800, v36;
	[tilespmem:v59+s23+$0x0] =	vst.idx.msk $0xffff, v41;
	v59 =	vld [tilespmem:$0x1FFF0]  }
0x70: {  	v53 =	vadd.s32 s26, v17;
	v60 =	vadd.s32 s26, v20;
	[tilespmem:v40+s23+$0x0] =	vst.idx.msk $0xffff, v35;
	v40 =	vand.u32 $0x1F, v50  }
0x71: {  	v36 =	vand.u32 $0x1F, v60;
	v60 =	vadd.s32 s26, v22;
	[tilespmem:v61+s23+$0x0] =	vst.idx.msk $0xffff, v27;
	v61 =	vshrl.u32 v40, $0x3  }
0x72: {  	v27 =	vand.u32 $0x1F, v60;
	v60 =	vadd.s32 s26, v18;
	[tilespmem:v28+s23+$0x0] =	vst.idx.msk $0xffff, v51;
	v28 =	vadd.s32 s26, v16  }
0x73: {  	v51 =	vshrl.u32 v27, $0x3;
	v26 =	vadd.s32 s26, v26;
	v58 =	vadd.s32 s26, v58  }
0x74: {  	[tilespmem:v47+s23+$0x0] =	vst.idx.msk $0xffff, v56;
	v56 =	vadd.s32 s26, v19;
	v26 =	vand.u32 $0x1F, v26;
	v35 =	vadd.s32 s26, v59  }
0x75: {  	[tilespmem:v42+s23+$0x0] =	vst.idx.msk $0xffff, v43;
	v42 =	vand.u32 $0x1F, v28;
	v47 =	vand.u32 $0x1F, v58;
	v50 =	vand.u32 $0x1F, v56  }
0x76: {  	v41 =	vand.u32 $0x1F, v35;
	v35 =	vmul.u32 $0x1800, v61;
	v61 =	vadd.s32 s26, v24  }
0x77: {  	[tilespmem:v46+s23+$0x0] =	vst.idx.msk $0xffff, v54;
	v28 =	vshrl.u32 v42, $0x3;
	v46 =	vand.u32 $0x1F, v60;
	v59 =	vshrl.u32 v47, $0x3  }
0x78: {  	v43 =	vand.u32 $0x1F, v61;
	[tilespmem:v29+s23+$0x0] =	vst.idx.msk $0xffff, v30;
	v30 =	vmul.u32 $0x1800, v28;
	v29 =	vshrl.u32 v36, $0x3  }
0x79: {  	v54 =	vmul.u32 $0x1800, v59;
	v28 =	vmov s28;
	v60 =	vshrl.u32 v46, $0x3  }
0x7a: {  	v61 =	vshrl.u32 v50, $0x3;
	v59 =	vshrl.u32 v41, $0x3;
	[tilespmem:v49+s23+$0x0] =	vst.idx.msk $0xffff, v34;
	v56 =	vshrl.u32 v43, $0x3  }
0x7b: {  	v49 =	vmul.u32 $0x1800, v61;
	[tilespmem:v45+s23+$0x0] =	vst.idx.msk $0xffff, v57;
	v45 =	vshll.u32 v28, $0x3;
	v28 =	vand.u32 $0x1F, v53  }
0x7c: {  	[tilespmem:v55+s23+$0x0] =	vst.idx.msk $0xffff, v32;
	v32 =	vmul.u32 $0x1800, v60;
	v60 =	vmul.u32 $0x1800, v29;
	v29 =	vand.u32 $0x1F, v52  }
0x7d: {  	v53 =	vshrl.u32 v28, $0x3;
	[tilespmem:v62+s23+$0x0] =	vst.idx.msk $0xffff, v2;
	v2 =	vmul.u32 $0x1800, v59;
	v61 =	vshrl.u32 v29, $0x3  }
0x7e: {  	v53 =	vmul.u32 $0x1800, v53;
	[tilespmem:v0+s23+$0x0] =	vst.idx.msk $0xffff, v44;
	v0 =	vand.u32 $0x1C00, v45;
	v44 =	vmul.u32 $0x1800, v51  }
0x7f: {  	v51 =	vshrl.u32 v26, $0x3;
	v45 =	vmul.u32 $0x1800, v61;
	v4 =	vadd.s32 v0, v4  }
0x80: {  	v2 =	vadd.s32 v0, v2;
	v30 =	vadd.s32 v0, v30;
	v62 =	vadd.s32 v0, v63  }
0x81: {  	v48 =	vadd.s32 v0, v48;
	v34 =	vadd.s32 v0, v60;
	v54 =	vadd.s32 v0, v54  }
0x82: {  	v63 =	vshrl.u32 v37, $0x3;
	v35 =	vadd.s32 v0, v35;
	v59 =	vadd.s32 v0, v53  }
0x83: {  	v60 =	vmul.u32 $0x1800, v56;
	v51 =	vmul.u32 $0x1800, v51;
	v32 =	vadd.s32 v0, v32  }
0x84: {  	v2 =	vor.u32 v39, v2;
	v30 =	vor.u32 v39, v30;
	v45 =	vadd.s32 v0, v45  }
0x85: {  	v48 =	vor.u32 v39, v48;
	v4 =	vor.u32 v39, v4;
	v2 =	vor.u32 v9, v2  }
0x86: {  	v57 =	vor.u32 v39, v62;
	v55 =	vmul.u32 $0x1800, v63;
	v4 =	vor.u32 v1, v4  }
0x87: {  	v52 =	vor.u32 v39, v59;
	v45 =	vor.u32 v39, v45;
	v53 =	vor.u32 v3, v48  }
0x88: {  	v54 =	vor.u32 v39, v54;
	v35 =	vor.u32 v39, v35;
	v45 =	vor.u32 v5, v45  }
0x89: {  	v56 =	vor.u32 v13, v52;
	v61 =	vadd.s32 v0, v60;
	v62 =	vadd.s32 v0, v55  }
0x8a: {  	v52 =	vor.u32 v39, v61;
	v61 =	vor.u32 v7, v35;
	v35 =	vld.idx.msk [tilespmem:v2+s22+$0x0], $0xffff;
	v2 =	vor.u32 v7, v54  }
0x8b: {  	v34 =	vor.u32 v39, v34;
	v48 =	vor.u32 v39, v62;
	v55 =	vor.u32 v11, v52;
	v52 =	vld.idx.msk [tilespmem:v4+s22+$0x0], $0xffff  }
0x8c: {  	v63 =	vadd.s32 v0, v49;
	v58 =	vor.u32 v5, v48;
	v4 =	vor.u32 v39, v32;
	v53 =	vld.idx.msk [tilespmem:v53+s22+$0x0], $0xffff  }
0x8d: {  	v48 =	vor.u32 v11, v30;
	v32 =	vor.u32 v39, v63;
	v30 =	vld.idx.msk [tilespmem:v45+s22+$0x0], $0xffff;
	v4 =	vor.u32 v15, v4  }
0x8e: {  	v45 =	vadd.s32 v0, v51;
	v0 =	vadd.s32 v0, v44;
	v44 =	vor.u32 v3, v34;
	v51 =	vld.idx.msk [tilespmem:v56+s22+$0x0], $0xffff  }
0x8f: {  	v62 =	vor.u32 v1, v32;
	v0 =	vor.u32 v39, v0;
	v34 =	vld.idx.msk [tilespmem:v2+s22+$0x0], $0xffff;
	v2 =	vor.u32 v39, v45  }
0x90: {  	p1 =	sne.s32 s29, $0x2F8;
	v32 =	vld.idx.msk [tilespmem:v55+s22+$0x0], $0xffff;
	v0 =	vor.u32 v15, v0;
	v39 =	vor.u32 v13, v2;
	v2 =	vand.u32 $0x7F80, v38  }
.Ltmp2:
0x91: {  	v57 =	vor.u32 v9, v57;
	v58 =	vld.idx.msk [tilespmem:v58+s22+$0x0], $0xffff;
	v55 =	vor.u32 s26, v2;
	v38 =	vor.u32 v14, v2;
	(pc) =	sbr.rel @p1 .LBB2_3-.Ltmp2, $4  }
0x92: {  	v56 =	vld.idx.msk [tilespmem:v4+s22+$0x0], $0xffff;
	v60 =	vor.u32 v37, v38;
	v59 =	vor.u32 v40, v38;
	v40 =	vor.u32 v41, v38  }
0x93: {  	s25 =	smov.u32 s29;
	v54 =	vld.idx.msk [tilespmem:v44+s22+$0x0], $0xffff;
	v37 =	vor.u32 v31, v38;
	v49 =	vor.u32 v47, v38;
	v45 =	vor.u32 v33, v38  }
0x94: {  	s25 =	sadd.s32 $0x8, s29;
	v41 =	vld.idx.msk [tilespmem:v61+s22+$0x0], $0xffff;
	v63 =	vor.u32 v25, v55;
	v47 =	vor.u32 v46, v38;
	v46 =	vor.u32 v36, v38  }
0x95: {  	s24 =	sadd.s32 $0x10, s24;
	s29 =	smov.u32 s25;
	v44 =	vld.idx.msk [tilespmem:v0+s22+$0x0], $0xffff;
	v61 =	vor.u32 v42, v38;
	v42 =	vor.u32 v50, v38;
	v55 =	vor.u32 v43, v38  }
0x96: {  	_ =	sdelay $0x3  }
0x97: {  	v0 =	vld.idx.msk [tilespmem:v62+s22+$0x0], $0xffff  }
0x98: {  	v2 =	vld.idx.msk [tilespmem:v57+s22+$0x0], $0xffff  }
0x99: {  	v4 =	vld.idx.msk [tilespmem:v39+s22+$0x0], $0xffff  }
0x9a: {  	v31 =	vld.idx.msk [tilespmem:v48+s22+$0x0], $0xffff;
	[tilespmem:v63+s23+$0x0] =	vst.idx.msk $0xffff, v52  }
0x9b: {  	v28 =	vor.u32 v28, v38;
	[tilespmem:v37+s23+$0x0] =	vst.idx.msk $0xffff, v53  }
0x9c: {  	[tilespmem:v60+s23+$0x0] =	vst.idx.msk $0xffff, v58  }
0x9d: {  	[tilespmem:v59+s23+$0x0] =	vst.idx.msk $0xffff, v41  }
0x9e: {  	[tilespmem:v40+s23+$0x0] =	vst.idx.msk $0xffff, v35  }
0x9f: {  	v29 =	vor.u32 v29, v38;
	[tilespmem:v61+s23+$0x0] =	vst.idx.msk $0xffff, v31  }
0xa0: {  	[tilespmem:v28+s23+$0x0] =	vst.idx.msk $0xffff, v51  }
0xa1: {  	[tilespmem:v47+s23+$0x0] =	vst.idx.msk $0xffff, v56  }
0xa2: {  	[tilespmem:v42+s23+$0x0] =	vst.idx.msk $0xffff, v0  }
0xa3: {  	v0 =	vor.u32 v26, v38;
	[tilespmem:v46+s23+$0x0] =	vst.idx.msk $0xffff, v54  }
0xa4: {  	s19 =	sadd.s32 $0x1, s19;
	v26 =	vor.u32 v27, v38;
	[tilespmem:v29+s23+$0x0] =	vst.idx.msk $0xffff, v30  }
0xa5: {  	s20 =	smul.u32 $0x6000, s20;
	p1 =	sne.s32 s19, s8;
	[tilespmem:v49+s23+$0x0] =	vst.idx.msk $0xffff, v34  }
.Ltmp3:
0xa6: {  	[tilespmem:v45+s23+$0x0] =	vst.idx.msk $0xffff, v2;
	(pc) =	sbr.rel @p1 .LBB2_2-.Ltmp3, $4  }
0xa7: {  	[tilespmem:v55+s23+$0x0] =	vst.idx.msk $0xffff, v32  }
0xa8: {  	v8 =	vld [tilespmem:$0x1FFF0];
	s20 =	sshrl.u32 s20, $0x3;
	[tilespmem:v0+s23+$0x0] =	vst.idx.msk $0xffff, v4  }
0xa9: {  	s21 =	sadd.s32 $0x3, s21;
	v14 =	vld [tilespmem:$0x1FFD0];
	v43 =	vmov v23;
	s20 =	sadd.s32 s4, s20;
	[tilespmem:v26+s23+$0x0] =	vst.idx.msk $0xffff, v44  }
0xaa: {  	v41 =	vlaneseq.u32;
	v47 =	vmovc v24;
	v42 =	vmovc v6;
	v6 =	vmov v12;
	v12 =	vmov v21;
	v21 =	vld [tilespmem:$0x1FFE0];
	[hbm4b:s20+s2] =	stream.linear.scatter [tilespmem:s23], [sflag:s21], $0x6000, $0x38  }
0xab: {  	_ =	swait.ge [sflag:s12], $0x6000  }
.Ltmp4:
0xac: {  	[sflag:s12] =	ssyncset.done $0x0;
	(pc) =	sbr.rel @p0 .LBB2_9-.Ltmp4, $4  }
0xad: {  	[sflag:s12] =	ssyncadd.s32 $0xFFFFA000  }
0xae: {  	_ =	swait.ge [sflag:s13], $0x6000  }
0xaf: {  	[sflag:s13] =	ssyncset.done $0x0  }
0xb0: {  	v23 =	vld [tilespmem:$0x1FFC0];
	[sflag:s13] =	ssyncadd.s32 $0xFFFFA000  }
0xb1: {  	s19 =	simm.s32 $0x0  }
0xb2: {  	s20 =	sand.u32 $0x1C, s19  }
0xb3: {  	s19 =	sand.u32 $0x30, s19;
	v0 =	vadd.s32 s20, v41;
	v2 =	vadd.s32 s20, v10  }
0xb4: {  	v4 =	vadd.s32 s20, v42;
	v26 =	vor.u32 s19, v41;
	v0 =	vand.u32 $0x1F, v0  }
0xb5: {  	v29 =	vadd.s32 s20, v6;
	v2 =	vand.u32 $0x1F, v2;
	v27 =	vshll.u32 v0, $0x7  }
0xb6: {  	v4 =	vand.u32 $0x1F, v4;
	v28 =	vshll.u32 v2, $0x7;
	v27 =	vor.u32 v26, v27  }
0xb7: {  	[tilespmem:s15], [sflag:$0x1] =	stream.strided.gather [hbm4b:s6+s14], $0x1000, s11, s14, $0x38;
	v29 =	vand.u32 $0x1F, v29;
	v30 =	vshll.u32 v4, $0x7;
	v28 =	vor.u32 v26, v28;
	[tilespmem:$0x19800] =	vst v63  }
0xb8: {  	s21 =	simm.s32 $0x2;
	_ =	swait.ge [sflag:s16], $0x1000;
	v31 =	vshll.u32 v26, $0x5;
	v32 =	vshll.u32 v29, $0x7;
	v30 =	vor.u32 v26, v30  }
0xb9: {  	s21 =	sand.u32 $0x30, s21;
	[sflag:s16] =	ssyncset.done $0x0;
	v31 =	vand.u32 $0x780, v31;
	v32 =	vor.u32 v26, v32  }
0xba: {  	s19 =	simm.s32 $0x4;
	v38 =	vor.u32 s21, v41;
	[sflag:s16] =	ssyncadd.s32 $0xFFFFF000;
	v31 =	vor.u32 v23, v31  }
0xbb: {  	s31 =	sand.u32 $0x1C, s19;
	v40 =	vshll.u32 v38, $0x5;
	v26 =	vor.u32 v29, v31;
	v0 =	vor.u32 v0, v31;
	v34 =	vld.idx.msk [tilespmem:v27+s15+$0x0], $0xffff  }
0xbc: {  	v2 =	vor.u32 v2, v31;
	v4 =	vor.u32 v4, v31;
	v36 =	vld.idx.msk [tilespmem:v28+s15+$0x0], $0xffff;
	v27 =	vadd.s32 s31, v41  }
0xbd: {  	v31 =	vadd.s32 s31, v42;
	v28 =	vadd.s32 s31, v10;
	v37 =	vld.idx.msk [tilespmem:v30+s15+$0x0], $0xffff;
	v29 =	vand.u32 $0x1F, v27  }
0xbe: {  	v27 =	vand.u32 $0x1F, v28;
	v28 =	vand.u32 $0x1F, v31;
	v31 =	vld.idx.msk [tilespmem:v32+s15+$0x0], $0xffff;
	v30 =	vshll.u32 v29, $0x7  }
0xbf: {  	v62 =	vadd.s32 s31, v6;
	v35 =	vshll.u32 v27, $0x7;
	v33 =	vor.u32 v38, v30  }
0xc0: {  	v39 =	vshll.u32 v28, $0x7;
	v30 =	vor.u32 v38, v35;
	v35 =	vand.u32 $0x1F, v62;
	[tilespmem:v0+s17+$0x0] =	vst.idx.msk $0xffff, v34  }
0xc1: {  	v63 =	vand.u32 $0x780, v40;
	v32 =	vor.u32 v38, v39;
	v0 =	vshll.u32 v35, $0x7;
	[tilespmem:v2+s17+$0x0] =	vst.idx.msk $0xffff, v36  }
0xc2: {  	s20 =	simm.s32 $0x4;
	v34 =	vor.u32 v38, v0;
	v36 =	vor.u32 v23, v63;
	[tilespmem:v4+s17+$0x0] =	vst.idx.msk $0xffff, v37  }
.LBB2_7:
0xc3: {  	p1 =	sne.s32 s20, $0x3E;
	[tilespmem:v26+s17+$0x0] =	vst.idx.msk $0xffff, v31;
	s21 =	smov.u32 s20;
	s20 =	sadd.s32 $0x2, s20  }
0xc4: {  	v26 =	vor.u32 v35, v36;
	s19 =	sadd.s32 $0x4, s19;
	v0 =	vld.idx.msk [tilespmem:v33+s15+$0x0], $0xffff  }
0xc5: {  	v4 =	vor.u32 v29, v36;
	v37 =	vor.u32 v27, v36;
	v38 =	vor.u32 v28, v36;
	s22 =	sand.u32 $0x1C, s19;
	v2 =	vld.idx.msk [tilespmem:v30+s15+$0x0], $0xffff  }
0xc6: {  	v27 =	vadd.s32 s22, v41;
	v28 =	vadd.s32 s22, v10;
	v30 =	vadd.s32 s22, v42;
	v39 =	vld.idx.msk [tilespmem:v32+s15+$0x0], $0xffff  }
0xc7: {  	s21 =	sand.u32 $0x30, s21;
	v29 =	vand.u32 $0x1F, v27;
	v27 =	vand.u32 $0x1F, v28;
	v28 =	vand.u32 $0x1F, v30;
	v31 =	vld.idx.msk [tilespmem:v34+s15+$0x0], $0xffff  }
.Ltmp5:
0xc8: {  	v34 =	vor.u32 s21, v41;
	v30 =	vshll.u32 v29, $0x7;
	v32 =	vshll.u32 v27, $0x7;
	(pc) =	sbr.rel @p1 .LBB2_7-.Ltmp5, $4  }
0xc9: {  	v33 =	vor.u32 v34, v30;
	v30 =	vor.u32 v34, v32;
	v32 =	vadd.s32 s22, v6  }
0xca: {  	v36 =	vshll.u32 v28, $0x7;
	v40 =	vshll.u32 v34, $0x5;
	v35 =	vand.u32 $0x1F, v32;
	[tilespmem:v4+s17+$0x0] =	vst.idx.msk $0xffff, v0  }
0xcb: {  	v32 =	vor.u32 v34, v36;
	v0 =	vshll.u32 v35, $0x7;
	v4 =	vand.u32 $0x780, v40;
	[tilespmem:v37+s17+$0x0] =	vst.idx.msk $0xffff, v2  }
0xcc: {  	v34 =	vor.u32 v34, v0;
	v36 =	vor.u32 v23, v4;
	[tilespmem:v38+s17+$0x0] =	vst.idx.msk $0xffff, v39  }
0xcd: {  	_ =	sdelay $0x3  }
0xce: {  	[tilespmem:v26+s17+$0x0] =	vst.idx.msk $0xffff, v31  }
0xcf: {  	v2 =	vor.u32 v29, v36;
	v0 =	vld.idx.msk [tilespmem:v33+s15+$0x0], $0xffff  }
0xd0: {  	v26 =	vor.u32 v27, v36;
	v4 =	vld.idx.msk [tilespmem:v30+s15+$0x0], $0xffff  }
0xd1: {  	v27 =	vor.u32 v28, v36;
	v61 =	vld.idx.msk [tilespmem:v32+s15+$0x0], $0xffff  }
0xd2: {  	v62 =	vor.u32 v35, v36;
	v63 =	vld.idx.msk [tilespmem:v34+s15+$0x0], $0xffff;
	_ =	sdelay $0x1  }
0xd3: {  	[tilespmem:v2+s17+$0x0] =	vst.idx.msk $0xffff, v0  }
0xd4: {  	[tilespmem:v26+s17+$0x0] =	vst.idx.msk $0xffff, v4  }
0xd5: {  	[tilespmem:v27+s17+$0x0] =	vst.idx.msk $0xffff, v61  }
.Ltmp6:
0xd6: {  	[tilespmem:v62+s17+$0x0] =	vst.idx.msk $0xffff, v63;
	(pc) =	sbr.rel .LBB2_9-.Ltmp6, $4  }
0xd7: {  	[hbm4b:s7+s2] =	stream.linear.scatter [tilespmem:s17], [sflag:$0x3], $0x800, $0x38;
	[tilespmem:$0x19800] =	vst v63  }
0xd8: {  	_ =	swait.ge [sflag:s12], $0x800  }
0xd9: {  	[sflag:s12] =	ssyncset.done $0x0  }
0xda: {  	[sflag:s12] =	ssyncadd.s32 $0xFFFFF800  }
.LBB2_10:
0xdb: {  	_ =	sfence.sel $0x180000  }
0xdc: {  	[bflag:$0x0] =	sbarrier.arrive $0xFFFF  }
0xdd: {  	p0 =	sne.s32 s3, $0x0;
	_ =	strace $0x90000047  }
0xde: {  	s0 =	sadd.s32 @!p0 $0x100000, s1;
	[bflag:$0x2] =	sbarrier.arrive $0xFFFF  }
0xdf: {  	[sflag:s0] =	ssyncadd.tile.s32 @!p0 $0x1;
	_ =	shalt  }
.Lfunc_end2:
_tile_overlayer_lowered:
.L_overlay_start_2:
0xe0: {  	(tag) =	ssettag $0x2  }
0xe1: {  	s0 =	rddreg [dreg:$0x0];
	s2 =	stileid.u32  }
0xe2: {  	s1 =	rddreg [dreg:$0x1];
	p0 =	sne.s32 s2, $0x0  }
0xe3: {  	s3 =	rddreg [dreg:$0x2];
	[bflag:$0x3] =	sbarrier.arrive $0xFFFF;
	s2 =	simm.s32 @!p0 $0x1C05  }
0xe4: {  	[timem:s3], [sflag:s2] =	dma.local @!p0 [hbm:s0], s1  }
0xe5: {  	s0 =	simm.s32 @!p0 $0x5  }
0xe6: {  	_ =	swait.ge @!p0 [sflag:s0], s1  }
0xe7: {  	s1 =	ssub.s32 @!p0 $0x0, s1;
	[sflag:s0] =	ssyncset.done @!p0 $0x0  }
0xe8: {  	[sflag:s0] =	ssyncadd.s32 @!p0 s1  }
0xe9: {  	[bflag:$0x3] =	sbarrier.arrive $0xFFFF  }
0xea: {  	_ =	shalt  }

// kernel: kernel.7.cloned.1.call-start
scs
__scs_entry_jumppad:
0x0: {  	(pc) =	sbr.rel $0x88, $3  }
0x1: {  	(tag) =	ssettag $0x0;
	lr =	simm.s32 $0x1  }
0x2: {  	[smem:$0x3F9F] =	sst lr;
	_ =	strace $0xD0000000  }
0x3: {  	_ = 	snop  }
0x4: {  	_ = 	snop  }
0x5: {  	_ = 	snop  }
0x6: {  	_ = 	snop  }
0x7: {  	_ = 	snop  }
__scs_overlays_trampoline_lowered:
0x8: {  	[smem:$0x3FAE] =	sst s0  }
0x9: {  	[smem:$0x3FAF] =	sst s1  }
0xa: {  	[smem:$0x3FB0] =	sst s2  }
0xb: {  	[smem:$0x3FB1] =	sst s3  }
0xc: {  	[smem:$0x3FB2] =	sst s4  }
0xd: {  	[smem:$0x3FB3] =	sst s5  }
0xe: {  	[smem:$0x3FB4] =	sst s6  }
0xf: {  	[smem:$0x3FB5] =	sst s7  }
0x10: {  	[smem:$0x3FB6] =	sst s8  }
0x11: {  	[smem:$0x3FB7] =	sst s9;
	s0 =	simm.s32 @!p0 $0x0  }
0x12: {  	s1 =	sld [smem:$0x3F9D];
	s0 =	simm.s32 @p0 $0x1  }
0x13: {  	[smem:$0x3FB8] =	sst s0;
	s0 =	simm.s32 @!p1 $0x0  }
0x14: {  	s2 =	sld [smem:$0x3F9C];
	s0 =	simm.s32 @p1 $0x1  }
0x15: {  	[smem:$0x3FB9] =	sst s0;
	s0 =	simm.s32 @!p2 $0x0  }
0x16: {  	s3 =	sld [smem:$0x3FDB];
	s0 =	simm.s32 @p2 $0x1  }
0x17: {  	s4 =	simm.s32 $0x1BF5;
	[smem:$0x3FBB] =	sst s0  }
0x18: {  	s0 =	sld [smem:$0x3F9E];
	_ =	swait.ge [sflag:s4], $0x0  }
0x19: {  	s7 =	sld [smem:$0x3F9F]  }
0x1a: {  	s8 =	sadd.s32 $0xFFFFE003, lr  }
0x1b: {  	s9 =	sadd.s32 $0xFFFFFEF7, lr;
	s5 =	simm.s32 $0xFFFFFFFF;
	p2 =	slt.u32 s8, $0xFFFFF086  }
0x1c: {  	p1 =	slt.u32 s9, $0xF7A;
	s5 =	simm.s32 @!p2 $0x0  }
0x1d: {  	s5 =	simm.s32 @p1 $0x1;
	p0 =	seq.s32 s7, s2  }
0x1e: {  	s7 =	smul.u32 @!p0 $0xF7A, s2;
	p2 =	seq.s32 @!p0 s5, $0x0  }
0x1f: {  	s9 =	smul.u32 $0xF7A, s1;
	s8 =	simm.s32 @!p0 $0x1BF5;
	p2 =	por !p2, p0  }
0x20: {  	[sflag:s8] =	ssyncset.s32 @!p0 $0xFFFFF086;
	s6 =	sadd.s32 @!p0 s3, s7;
	s7 =	simm.s32 @!p0 $0x108  }
0x21: {  	s3 =	sadd.s32 s3, s9;
	s6 =	sadd.s32 @!p0 $0x88, s6;
	s7 =	simm.s32 @p2 $0x1082  }
0x22: {  	[simem:s7], [sflag:s8] =	dma.local @!p0 [hbm:s6], $0xF7A  }
0x23: {  	s9 =	sor.u32 $0xD0000000, s2;
	s6 =	simm.s32 $0x108;
	_ =	swait.ge @!p0 [sflag:s8], $0x0  }
0x24: {  	s3 =	sadd.s32 $0x88, s3;
	s6 =	simm.s32 @!p1 $0x1082;
	[sflag:s4] =	ssyncset.s32 $0xFFFFF086  }
0x25: {  	[simem:s6], [sflag:s4] =	dma.local [hbm:s3], $0xF7A  }
0x26: {  	[smem:$0x3F9F] =	sst s1;
	(tag) =	ssettag s2;
	_ =	strace s9  }
0x27: {  	s1 =	sld [smem:$0x3FAF]  }
0x28: {  	s2 =	sld [smem:$0x3FB0]  }
0x29: {  	s4 =	sld [smem:$0x3FB2]  }
0x2a: {  	p0 =	seq.s32 s5, $0x0;
	s5 =	sld [smem:$0x3FB3]  }
0x2b: {  	s6 =	sld [smem:$0x3FB4]  }
0x2c: {  	s7 =	sld [smem:$0x3FB5]  }
0x2d: {  	s3 =	simm.s32 $0x108;
	s8 =	sld [smem:$0x3FB6]  }
0x2e: {  	s3 =	simm.s32 @!p0 $0x1082;
	s9 =	sld [smem:$0x3FB7]  }
0x2f: {  	lr =	sadd.s32 s0, s3;
	s0 =	sld [smem:$0x3FAE]  }
0x30: {  	s3 =	sld [smem:$0x3FB1]  }
0x31: {  	[smem:$0x3FBA] =	sst s10  }
0x32: {  	s10 =	sld [smem:$0x3FB8];
	_ =	sdelay $0x3  }
0x33: {  	p0 =	seq.s32 s10, $0x1;
	s10 =	sld [smem:$0x3FBA];
	_ =	sdelay $0x3  }
0x34: {  	[smem:$0x3FBA] =	sst s10  }
0x35: {  	s10 =	sld [smem:$0x3FB9];
	_ =	sdelay $0x3  }
0x36: {  	p1 =	seq.s32 s10, $0x1;
	s10 =	sld [smem:$0x3FBA];
	_ =	sdelay $0x3  }
0x37: {  	[smem:$0x3FBA] =	sst s10  }
0x38: {  	s10 =	sld [smem:$0x3FBB]  }
0x39: {  	_ = 	snop;
	(pc) =	sbr.ind lr, $3  }
0x3a: {  	_ = 	snop  }
0x3b: {  	_ = 	snop  }
0x3c: {  	p2 =	seq.s32 s10, $0x1;
	s10 =	sld [smem:$0x3FBA]  }
0x3d: {  	_ =	shalt  }
0x3e: {  	_ =	shalt  }
0x3f: {  	_ =	shalt  }
0x40: {  	_ =	shalt  }
0x41: {  	_ =	shalt  }
0x42: {  	_ =	shalt  }
0x43: {  	_ =	shalt  }
0x44: {  	_ =	shalt  }
0x45: {  	_ =	shalt  }
0x46: {  	_ =	shalt  }
0x47: {  	_ =	shalt  }
0x48: {  	_ =	shalt  }
0x49: {  	_ =	shalt  }
0x4a: {  	_ =	shalt  }
0x4b: {  	_ =	shalt  }
0x4c: {  	_ =	shalt  }
0x4d: {  	_ =	shalt  }
0x4e: {  	_ =	shalt  }
0x4f: {  	_ =	shalt  }
0x50: {  	_ =	shalt  }
0x51: {  	_ =	shalt  }
0x52: {  	_ =	shalt  }
0x53: {  	_ =	shalt  }
0x54: {  	_ =	shalt  }
0x55: {  	_ =	shalt  }
0x56: {  	_ =	shalt  }
0x57: {  	_ =	shalt  }
0x58: {  	_ =	shalt  }
0x59: {  	_ =	shalt  }
0x5a: {  	_ =	shalt  }
0x5b: {  	_ =	shalt  }
0x5c: {  	_ =	shalt  }
0x5d: {  	_ =	shalt  }
0x5e: {  	_ =	shalt  }
0x5f: {  	_ =	shalt  }
0x60: {  	_ =	shalt  }
0x61: {  	_ =	shalt  }
0x62: {  	_ =	shalt  }
0x63: {  	_ =	shalt  }
0x64: {  	_ =	shalt  }
0x65: {  	_ =	shalt  }
0x66: {  	_ =	shalt  }
0x67: {  	_ =	shalt  }
0x68: {  	_ =	shalt  }
0x69: {  	_ =	shalt  }
0x6a: {  	_ =	shalt  }
0x6b: {  	_ =	shalt  }
0x6c: {  	_ =	shalt  }
0x6d: {  	_ =	shalt  }
0x6e: {  	_ =	shalt  }
0x6f: {  	_ =	shalt  }
0x70: {  	_ =	shalt  }
0x71: {  	_ =	shalt  }
0x72: {  	_ =	shalt  }
0x73: {  	_ =	shalt  }
0x74: {  	_ =	shalt  }
0x75: {  	_ =	shalt  }
0x76: {  	_ =	shalt  }
0x77: {  	_ =	shalt  }
0x78: {  	_ =	shalt  }
0x79: {  	_ =	shalt  }
0x7a: {  	_ =	shalt  }
0x7b: {  	_ =	shalt  }
0x7c: {  	_ =	shalt  }
0x7d: {  	_ =	shalt  }
0x7e: {  	_ =	shalt  }
0x7f: {  	_ =	shalt  }
0x80: {  	_ =	shalt  }
0x81: {  	_ =	shalt  }
0x82: {  	_ =	shalt  }
0x83: {  	_ =	shalt  }
0x84: {  	_ =	shalt  }
0x85: {  	_ =	shalt  }
0x86: {  	_ =	shalt  }
0x87: {  	_ =	shalt  }
.Lfunc_end0:
.L_simem_size_0:
called_computation.1_lowered:
.L_overlay_start_0:
0x88: {  	s2 =	sld [smem:$0x3FD9]  }
0x89: {  	s3 =	sld [smem:$0x3FFE];
	_ =	sdelay $0x1  }
0x8a: {  	s1 =	srdreg.scid  }
0x8b: {  	s0 =	sand.u32 $0x1, s1  }
0x8c: {  	s17 =	sshll.u32 s0, $0xA;
	s2 =	sadd.s32 s3, s2  }
0x8d: {  	s2 =	sadd.s32 s2, s17  }
0x8e: {  	[smem:$0x3FC6] =	sst s2  }
0x8f: {  	_ = 	snop  }
0x90: {  	s2 =	sld [smem:$0x3FC9]  }
0x91: {  	s18 =	sld [smem:$0x3FD0];
	(tm) =	ssettm $0x1  }
0x92: {  	s4 =	sld [smem:$0x3FFB];
	_ =	sdelay $0x3  }
0x93: {  	_ =	strace s4  }
0x94: {  	s4 =	sld [smem:$0x3FFC];
	_ =	sdelay $0x3  }
0x95: {  	_ =	strace s4  }
0x96: {  	s4 =	sld [smem:$0x3FFD];
	_ =	sdelay $0x3  }
0x97: {  	_ =	strace s4  }
0x98: {  	_ =	strace $0x8FFFFFFF  }
0x99: {  	s19 =	sld [smem:$0x3FDB];
	_ =	sdelay $0x1  }
0x9a: {  	s5 =	simm.s32 $_scs_section_size  }
0x9b: {  	s6 =	simm.s32 $_size__tile_overlayer_lowered;
	s7 =	simm.s32 $_tile_overlayer_lowered  }
0x9c: {  	s22 =	simm.s32 $0x1BFF;
	s21 =	sshll.u32 s7, $0x1;
	s4 =	sadd.s32 s5, s19  }
0x9d: {  	s8 =	simm.s32 $0x0;
	s20 =	sshll.u32 s6, $0x1;
	s6 =	sadd.s32 s21, s4  }
0x9e: {  	[timem:s8], [sflag:s22] =	dma.local [hbm:s6], s20  }
0x9f: {  	_ =	swait.ge [sflag:s22], s20  }
0xa0: {  	s5 =	ssub.s32 $0x0, s20;
	[sflag:s22] =	ssyncset.done $0x0  }
0xa1: {  	[sflag:s22] =	ssyncadd.s32 s5;
	_ =	sdelay $0x1  }
0xa2: {  	s23 =	simm.s32 $0x1B8B  }
0xa3: {  	_ =	swait.ge [sflag:s23], $0x1  }
0xa4: {  	[sflag:s23] =	ssyncset.done $0x0  }
0xa5: {  	s25 =	simm.s32 $0x1B8E;
	s24 =	sld [smem:$0x3FFE];
	[sflag:s23] =	ssyncadd.s32 $0xFFFFFFFF  }
0xa6: {  	s26 =	simm.s32 $execute0_lowered;
	[smem:$0x3FD2] =	sst s25  }
0xa7: {  	s6 =	sshll.u32 s26, $0x1;
	_ =	strace $0x80000049;
	[dreg:$0x1] =	wrdreg $0xFFFFFFFF  }
0xa8: {  	s28 =	simm.s32 $_size_execute0_lowered;
	s4 =	sadd.s32 s4, s6;
	[dreg:$0x0] =	wrdreg $0x0  }
0xa9: {  	s6 =	sshll.u32 s28, $0x1;
	[dreg:$0x2] =	wrdreg s4  }
0xaa: {  	[dreg:$0x3] =	wrdreg s6  }
0xab: {  	[dreg:$0x4] =	wrdreg $0xC0  }
0xac: {  	_ =	task [dreg:s8], $0x5FFFF  }
0xad: {  	[dreg:$0x1] =	wrdreg $0xFFFFFFFF  }
0xae: {  	[dreg:$0x0] =	wrdreg $0x60  }
0xaf: {  	[dreg:$0x2] =	wrdreg s2  }
0xb0: {  	[dreg:$0x3] =	wrdreg s24  }
0xb1: {  	[dreg:$0x4] =	wrdreg s18  }
0xb2: {  	[dreg:$0x5] =	wrdreg $0x9  }
0xb3: {  	_ =	task.clear_ibuf [dreg:s8], $0x6FFFF;
	_ =	strace $0x90000049  }
0xb4: {  	s29 =	simm.s32 $0x9;
	_ =	strace $0x8000004B  }
0xb5: {  	_ =	swait.ge [sflag:s29], $0x1  }
0xb6: {  	[sflag:s29] =	ssyncadd.s32 $0xFFFFFFFF  }
0xb7: {  	_ =	strace $0x9000004B  }
0xb8: {  	_ =	sfence  }
0xb9: {  	s30 =	sld [smem:$0x0];
	_ =	sdelay $0x2  }
0xba: {  	s31 =	sshll.u32 s1, $0xD;
	s1 =	sshrl.u32 s1, $0x2  }
0xbb: {  	s3 =	sand.u32 $0x4000, s31;
	s1 =	sadd.s32 s1, s30  }
0xbc: {  	s0 =	sor.u32 s3, s0;
	s1 =	sshll.u32 s1, $0x11  }
0xbd: {  	s0 =	sor.u32 s1, s0  }
0xbe: {  	s0 =	sadd.s32 $0x8F2B, s0  }
0xbf: {  	[sflag:s0] =	ssyncadd.remote.s32 $0x1  }
0xc0: {  	_ =	sfence.sel $0xFFFF  }
0xc1: {  	[dreg:$0x0] =	wrdreg $0xFFFFFFFF;
	(pc) =	sbr.abs _section_cstart, $3  }
0xc2: {  	[dreg:$0x1] =	wrdreg $0xFFFFFFFF  }
0xc3: {  	_ =	task.clear_ibuf [dreg:s8], $0x2FFFF;
	_ =	strace $0x9FFFFFFF  }
0xc4: {  	(tm) =	ssettm $0x7FFFFFFF  }
0xc5: {  	_ =	shalt  }
tec
execute0_lowered:
.L_overlay_start_1:
0x0: {  	(tag) =	ssettag $0x1  }
0x1: {  	s0 =	rddreg [dreg:$0x0]  }
0x2: {  	s1 =	rddreg [dreg:$0x1]  }
0x3: {  	s7 =	rddreg [dreg:$0x2]  }
0x4: {  	s2 =	srdreg.scid;
	s4 =	stileid.u32  }
0x5: {  	s3 =	simm.s32 $0x0;
	s28 =	simm.s32 $0x6400;
	s29 =	simm.s32 $0x7400  }
0x6: {  	s31 =	simm.s32 $0x8400;
	s30 =	simm.s32 $0x4;
	s8 =	simm.s32 $0xD400  }
0x7: {  	s10 =	simm.s32 $0x0;
	s2 =	sand.u32 $0x1, s2;
	s4 =	sshll.u32 s4, $0xB  }
0x8: {  	[smem:$0x7FF] =	sst s3;
	s19 =	sadd.s32 $0x1000, s7;
	s20 =	sadd.s32 $0x2000, s7  }
0x9: {  	s21 =	sadd.s32 $0x3000, s7;
	_ =	strace $0x8000004A;
	[dreg:$0x6] =	wrdreg s19  }
0xa: {  	s22 =	sadd.s32 $0x4000, s7;
	s23 =	sadd.s32 $0x5000, s7;
	[dreg:$0x7] =	wrdreg s20  }
0xb: {  	s24 =	sadd.s32 $0x6000, s7;
	s25 =	sadd.s32 $0x7000, s7;
	[dreg:$0x8] =	wrdreg s21  }
0xc: {  	s14 =	sadd.s32 $0x8000, s7;
	s15 =	sadd.s32 $0x9000, s7;
	[dreg:$0x9] =	wrdreg s22  }
0xd: {  	s16 =	sadd.s32 $0xA000, s7;
	s17 =	sadd.s32 $0xB000, s7;
	[dreg:$0xa] =	wrdreg s23  }
0xe: {  	s18 =	sadd.s32 $0xC000, s7;
	s5 =	sshll.u32 s2, $0xA;
	[dreg:$0xb] =	wrdreg s24  }
0xf: {  	s2 =	ssub.s32 $0x2, s2;
	[dreg:$0xd] =	wrdreg s25;
	s19 =	sadd.s32 $0xD000, s7  }
0x10: {  	s20 =	sadd.s32 $0xE000, s7;
	s21 =	sadd.s32 $0xF000, s7;
	s23 =	simm.s32 $0x2  }
0x11: {  	s24 =	simm.s32 $0xA400;
	s22 =	simm.s32 $0x3;
	s25 =	simm.s32 $0x7  }
0x12: {  	v0 =	vlaneseq.u32;
	s7 =	simm.s32 $0x9;
	s5 =	sor.u32 s5, s4;
	s12 =	sshrl.u32 s2, $0x1  }
.Ltmp0:
0x13: {  	v1 =	vmul.u32 $0x20, v0;
	v9 =	vor.u32 $0x10, v0;
	v10 =	vor.u32 $0x20, v0;
	s4 =	simm.s32 $0x5;
	[dreg:$0x4] =	wrdreg s5;
	(pc) =	sbr.rel .LBB2_1-.Ltmp0, $4  }
0x14: {  	v11 =	vor.u32 $0x30, v0;
	v12 =	vor.u32 $0x40, v0;
	v13 =	vor.u32 $0x50, v0;
	s6 =	sshrl.u32 s5, $0x3;
	s5 =	sadd.s32 $0x800, s1;
	s13 =	ssub.s32 s2, s12  }
0x15: {  	v14 =	vor.u32 $0x60, v0;
	v15 =	vor.u32 $0x70, v0;
	v2 =	vor.u32 $0x200, v1;
	s1 =	simm.s32 $0x9400;
	s2 =	simm.s32 $0xB400;
	s0 =	sadd.s32 s0, s6  }
0x16: {  	v3 =	vor.u32 $0x400, v1;
	v4 =	vor.u32 $0x600, v1;
	v5 =	vor.u32 $0x800, v1;
	s26 =	smax.u32 s13, $0x1;
	s6 =	simm.s32 $0xC400;
	[dreg:$0x5] =	wrdreg s0  }
0x17: {  	v6 =	vor.u32 $0xA00, v1;
	v7 =	vor.u32 $0xC00, v1;
	v8 =	vor.u32 $0xE00, v1;
	[dreg:$0xc] =	wrdreg s26;
	s26 =	simm.s32 $0x80;
	s0 =	simm.s32 $0x8  }
.LBB2_24:
0x18: {  	s9 =	simm.s32 $0x6  }
0x19: {  	_ =	swait.ge [sflag:s9], $0x400  }
0x1a: {  	[sflag:s9] =	ssyncset.done $0x0  }
0x1b: {  	[sflag:s9] =	ssyncadd.s32 $0xFFFFFC00  }
0x1c: {  	_ =	swait.ge [sflag:s9], $0x400  }
0x1d: {  	[sflag:s9] =	ssyncset.done $0x0  }
0x1e: {  	[sflag:s9] =	ssyncadd.s32 $0xFFFFFC00  }
0x1f: {  	_ =	swait.ge [sflag:s9], $0x400  }
0x20: {  	[sflag:s9] =	ssyncset.done $0x0  }
0x21: {  	[sflag:s9] =	ssyncadd.s32 $0xFFFFFC00  }
0x22: {  	_ =	swait.ge [sflag:s9], $0x400  }
0x23: {  	[sflag:s9] =	ssyncset.done $0x0  }
0x24: {  	[sflag:s9] =	ssyncadd.s32 $0xFFFFFC00  }
0x25: {  	_ =	swait.ge [sflag:s25], $0x400  }
0x26: {  	[sflag:s25] =	ssyncset.done $0x0  }
0x27: {  	[sflag:s25] =	ssyncadd.s32 $0xFFFFFC00  }
0x28: {  	_ =	swait.ge [sflag:s25], $0x400  }
0x29: {  	[sflag:s25] =	ssyncset.done $0x0  }
0x2a: {  	[sflag:s25] =	ssyncadd.s32 $0xFFFFFC00  }
0x2b: {  	_ =	swait.ge [sflag:s25], $0x400  }
0x2c: {  	[sflag:s25] =	ssyncset.done $0x0  }
0x2d: {  	[sflag:s25] =	ssyncadd.s32 $0xFFFFFC00  }
0x2e: {  	_ =	swait.ge [sflag:s25], $0x400  }
0x2f: {  	[sflag:s25] =	ssyncset.done $0x0  }
0x30: {  	[sflag:s25] =	ssyncadd.s32 $0xFFFFFC00  }
0x31: {  	_ =	swait.ge [sflag:s0], $0x400  }
0x32: {  	[sflag:s0] =	ssyncset.done $0x0  }
0x33: {  	[sflag:s0] =	ssyncadd.s32 $0xFFFFFC00  }
0x34: {  	_ =	swait.ge [sflag:s0], $0x400  }
0x35: {  	[sflag:s0] =	ssyncset.done $0x0  }
0x36: {  	[sflag:s0] =	ssyncadd.s32 $0xFFFFFC00  }
0x37: {  	_ =	swait.ge [sflag:s0], $0x400  }
0x38: {  	[sflag:s0] =	ssyncset.done $0x0  }
0x39: {  	[sflag:s0] =	ssyncadd.s32 $0xFFFFFC00  }
0x3a: {  	_ =	swait.ge [sflag:s0], $0x400  }
0x3b: {  	[sflag:s0] =	ssyncset.done $0x0  }
0x3c: {  	[sflag:s0] =	ssyncadd.s32 $0xFFFFFC00  }
0x3d: {  	_ =	swait.ge [sflag:s7], $0x400  }
0x3e: {  	[sflag:s7] =	ssyncset.done $0x0  }
0x3f: {  	[sflag:s7] =	ssyncadd.s32 $0xFFFFFC00  }
0x40: {  	_ =	swait.ge [sflag:s7], $0x400  }
0x41: {  	[sflag:s7] =	ssyncset.done $0x0  }
0x42: {  	[sflag:s7] =	ssyncadd.s32 $0xFFFFFC00  }
0x43: {  	_ =	swait.ge [sflag:s7], $0x400  }
0x44: {  	[sflag:s7] =	ssyncset.done $0x0  }
0x45: {  	[sflag:s7] =	ssyncadd.s32 $0xFFFFFC00  }
0x46: {  	_ =	swait.ge [sflag:s7], $0x400  }
0x47: {  	s10 =	rddreg [dreg:$0xe]  }
0x48: {  	s13 =	rddreg [dreg:$0xc];
	s10 =	sadd.s32 $0x1, s10  }
0x49: {  	p0 =	sne.s32 s10, s13  }
.Ltmp1:
0x4a: {  	_ = 	snop;
	(pc) =	sbr.rel @!p0 .LBB2_25-.Ltmp1, $3  }
0x4b: {  	_ =	sdelay $0x1  }
0x4c: {  	[sflag:s7] =	ssyncset.done $0x0  }
0x4d: {  	[sflag:s7] =	ssyncadd.s32 $0xFFFFFC00  }
.LBB2_1:
0x4e: {  	s9 =	rddreg [dreg:$0x5];
	s13 =	simm.s32 $0x400;
	s11 =	simm.s32 $0x8000  }
0x4f: {  	[tilespmem:s3], [sflag:$0x1] =	stream.strided.gather [hbm4b:s9+s13], $0x6400, s11, s13, $0x38;
	[tilespmem:$0xE400] =	vst v63  }
0x50: {  	[dreg:$0xe] =	wrdreg s10;
	s11 =	simm.s32 $0x1  }
0x51: {  	_ =	swait.ge [sflag:s11], $0x6400  }
0x52: {  	[sflag:s11] =	ssyncset.done $0x0  }
0x53: {  	[sflag:s11] =	ssyncadd.s32 $0xFFFF9C00  }
0x54: {  	[tilespmem:s28], [sflag:$0x2] =	stream.indirect.gather [hbm4b:s5+s26], $0x20, s3, s26, $0xb8;
	[tilespmem:$0xE400] =	vst v63  }
0x55: {  	_ = 	snop  }
0x56: {  	[tilespmem:s29], [sflag:$0x3] =	stream.indirect.gather [hbm4b:s5+s26], $0x20, s26, s26, $0xb8;
	[tilespmem:$0xE400] =	vst v63  }
0x57: {  	s12 =	simm.s32 $0x100  }
0x58: {  	[tilespmem:s31], [sflag:$0x4] =	stream.indirect.gather [hbm4b:s5+s26], $0x20, s12, s26, $0xb8;
	[tilespmem:$0xE400] =	vst v63  }
0x59: {  	s13 =	simm.s32 $0x180;
	s9 =	simm.s32 $0x0  }
0x5a: {  	[tilespmem:s1], [sflag:$0x5] =	stream.indirect.gather [hbm4b:s5+s26], $0x20, s13, s26, $0xb8;
	[tilespmem:$0xE400] =	vst v63  }
.LBB2_2:
0x5b: {  	_ =	swait.ge [sflag:s23], $0x1000  }
0x5c: {  	p0 =	seq.s32 s9, $0x0;
	[sflag:s23] =	ssyncset.done $0x0  }
0x5d: {  	s10 =	simm.s32 @!p0 $0x6;
	[sflag:s23] =	ssyncadd.s32 $0xFFFFF000  }
0x5e: {  	_ =	swait.ge @!p0 [sflag:s10], $0x400  }
0x5f: {  	[sflag:s10] =	ssyncset.done @!p0 $0x0  }
0x60: {  	[sflag:s10] =	ssyncadd.s32 @!p0 $0xFFFFFC00  }
0x61: {  	_ =	swait.ge @!p0 [sflag:s10], $0x400  }
0x62: {  	[sflag:s10] =	ssyncset.done @!p0 $0x0  }
0x63: {  	[sflag:s10] =	ssyncadd.s32 @!p0 $0xFFFFFC00  }
0x64: {  	v16 =	vlaneseq.u32;
	_ =	swait.ge @!p0 [sflag:s10], $0x400  }
0x65: {  	v17 =	vor.u32 v7, v16;
	[sflag:s10] =	ssyncset.done @!p0 $0x0  }
0x66: {  	v19 =	vor.u32 v1, v16;
	[sflag:s10] =	ssyncadd.s32 @!p0 $0xFFFFFC00  }
0x67: {  	v20 =	vor.u32 v2, v16;
	_ =	swait.ge @!p0 [sflag:s10], $0x400  }
0x68: {  	v21 =	vor.u32 v3, v16;
	[sflag:s10] =	ssyncset.done @!p0 $0x0  }
0x69: {  	v22 =	vor.u32 v4, v16;
	[sflag:s10] =	ssyncadd.s32 @!p0 $0xFFFFFC00  }
0x6a: {  	v25 =	vld.idx.msk [tilespmem:v17+s28+$0x0], $0xffff;
	v17 =	vor.u32 v8, v16  }
0x6b: {  	v18 =	vor.u32 v5, v16;
	v26 =	vshll.u32 v16, $0x7;
	v23 =	vld.idx.msk [tilespmem:v19+s28+$0x0], $0xffff  }
0x6c: {  	v24 =	vor.u32 v6, v16;
	v27 =	vor.u32 v0, v26;
	v20 =	vld.idx.msk [tilespmem:v20+s28+$0x0], $0xffff  }
0x6d: {  	v28 =	vor.u32 v9, v26;
	v21 =	vld.idx.msk [tilespmem:v21+s28+$0x0], $0xffff  }
0x6e: {  	v29 =	vor.u32 v10, v26;
	v22 =	vld.idx.msk [tilespmem:v22+s28+$0x0], $0xffff  }
0x6f: {  	v19 =	vld.idx.msk [tilespmem:v17+s28+$0x0], $0xffff;
	v17 =	vor.u32 v11, v26  }
0x70: {  	v30 =	vor.u32 v12, v26;
	v18 =	vld.idx.msk [tilespmem:v18+s28+$0x0], $0xffff  }
0x71: {  	v24 =	vld.idx.msk [tilespmem:v24+s28+$0x0], $0xffff;
	[tilespmem:v27+s24+$0x0] =	vst.idx.msk $0xffff, v23;
	v27 =	vor.u32 v13, v26  }
0x72: {  	v63 =	vor.u32 v14, v26;
	v16 =	vadd.s32 $0x1, v16;
	[tilespmem:v28+s24+$0x0] =	vst.idx.msk $0xffff, v20  }
0x73: {  	v16 =	vand.u32 $0x1F, v16;
	v23 =	vor.u32 v15, v26;
	[tilespmem:v29+s24+$0x0] =	vst.idx.msk $0xffff, v21  }
0x74: {  	v20 =	vor.u32 v7, v16;
	[tilespmem:v17+s24+$0x0] =	vst.idx.msk $0xffff, v22  }
0x75: {  	v22 =	vor.u32 v5, v16;
	[tilespmem:v30+s24+$0x0] =	vst.idx.msk $0xffff, v18  }
0x76: {  	v18 =	vadd.s32 $0x1, v16;
	[tilespmem:v27+s24+$0x0] =	vst.idx.msk $0xffff, v24;
	v24 =	vor.u32 v1, v16  }
0x77: {  	s11 =	simm.s32 $0x1E;
	s10 =	sshll.u32 s9, $0x2;
	v21 =	vor.u32 v2, v16;
	v17 =	vor.u32 v3, v16;
	v18 =	vand.u32 $0x1F, v18;
	[tilespmem:v63+s24+$0x0] =	vst.idx.msk $0xffff, v25  }
.LBB2_3:
0x78: {  	v25 =	vor.u32 v3, v18;
	v26 =	vadd.s32 $0x1, v18;
	p1 =	sne.s32 s11, $0x1;
	s11 =	sadd.s32 $0xFFFFFFFF, s11;
	[tilespmem:v23+s24+$0x0] =	vst.idx.msk $0xffff, v19;
	v19 =	vmov v18  }
0x79: {  	v23 =	vor.u32 v4, v16;
	v18 =	vand.u32 $0x1F, v26;
	v26 =	vld.idx.msk [tilespmem:v20+s28+$0x0], $0xffff  }
0x7a: {  	v20 =	vor.u32 v8, v16;
	v27 =	vld.idx.msk [tilespmem:v22+s28+$0x0], $0xffff  }
0x7b: {  	v28 =	vshll.u32 v16, $0x7;
	v22 =	vld.idx.msk [tilespmem:v24+s28+$0x0], $0xffff;
	v24 =	vor.u32 v6, v16;
	v16 =	vmov v19  }
0x7c: {  	v29 =	vor.u32 v0, v28;
	v21 =	vld.idx.msk [tilespmem:v21+s28+$0x0], $0xffff  }
0x7d: {  	v31 =	vor.u32 v9, v28;
	v30 =	vld.idx.msk [tilespmem:v17+s28+$0x0], $0xffff;
	v17 =	vmov v25  }
0x7e: {  	v25 =	vld.idx.msk [tilespmem:v23+s28+$0x0], $0xffff;
	v23 =	vor.u32 v10, v28  }
0x7f: {  	v32 =	vor.u32 v11, v28;
	v19 =	vld.idx.msk [tilespmem:v20+s28+$0x0], $0xffff  }
0x80: {  	v33 =	vld.idx.msk [tilespmem:v24+s28+$0x0], $0xffff;
	v24 =	vor.u32 v12, v28  }
0x81: {  	[tilespmem:v29+s24+$0x0] =	vst.idx.msk $0xffff, v22;
	v29 =	vor.u32 v13, v28  }
0x82: {  	[tilespmem:v31+s24+$0x0] =	vst.idx.msk $0xffff, v21;
	v31 =	vor.u32 v14, v28  }
.Ltmp2:
0x83: {  	[tilespmem:v23+s24+$0x0] =	vst.idx.msk $0xffff, v30;
	v23 =	vor.u32 v15, v28;
	(pc) =	sbr.rel @p1 .LBB2_3-.Ltmp2, $4  }
0x84: {  	v20 =	vor.u32 v7, v16;
	[tilespmem:v32+s24+$0x0] =	vst.idx.msk $0xffff, v25  }
0x85: {  	v22 =	vor.u32 v5, v16;
	[tilespmem:v24+s24+$0x0] =	vst.idx.msk $0xffff, v27  }
0x86: {  	v24 =	vor.u32 v1, v16;
	[tilespmem:v29+s24+$0x0] =	vst.idx.msk $0xffff, v33  }
0x87: {  	v21 =	vor.u32 v2, v16;
	[tilespmem:v31+s24+$0x0] =	vst.idx.msk $0xffff, v26  }
0x88: {  	_ =	sdelay $0x3  }
0x89: {  	[tilespmem:v23+s24+$0x0] =	vst.idx.msk $0xffff, v19  }
0x8a: {  	v18 =	vor.u32 v4, v16;
	v19 =	vld.idx.msk [tilespmem:v20+s28+$0x0], $0xffff  }
0x8b: {  	v60 =	vor.u32 v8, v16;
	v61 =	vor.u32 v6, v16;
	v16 =	vshll.u32 v16, $0x7;
	v59 =	vld.idx.msk [tilespmem:v22+s28+$0x0], $0xffff  }
0x8c: {  	v23 =	vld.idx.msk [tilespmem:v24+s28+$0x0], $0xffff;
	v25 =	vor.u32 v0, v16  }
0x8d: {  	v21 =	vld.idx.msk [tilespmem:v21+s28+$0x0], $0xffff;
	v26 =	vor.u32 v9, v16  }
0x8e: {  	v17 =	vld.idx.msk [tilespmem:v17+s28+$0x0], $0xffff;
	v27 =	vor.u32 v10, v16  }
0x8f: {  	v28 =	vor.u32 v11, v16;
	v18 =	vld.idx.msk [tilespmem:v18+s28+$0x0], $0xffff  }
0x90: {  	v29 =	vor.u32 v12, v16;
	v22 =	vld.idx.msk [tilespmem:v60+s28+$0x0], $0xffff  }
0x91: {  	v62 =	vor.u32 v13, v16;
	v24 =	vld.idx.msk [tilespmem:v61+s28+$0x0], $0xffff;
	[tilespmem:v25+s24+$0x0] =	vst.idx.msk $0xffff, v23  }
0x92: {  	v63 =	vor.u32 v14, v16;
	[tilespmem:v26+s24+$0x0] =	vst.idx.msk $0xffff, v21  }
0x93: {  	v16 =	vor.u32 v15, v16;
	[tilespmem:v27+s24+$0x0] =	vst.idx.msk $0xffff, v17  }
0x94: {  	[tilespmem:v28+s24+$0x0] =	vst.idx.msk $0xffff, v18  }
0x95: {  	s11 =	sshll.u32 s9, $0x13;
	s12 =	rddreg [dreg:$0x4];
	[tilespmem:v29+s24+$0x0] =	vst.idx.msk $0xffff, v59  }
0x96: {  	s11 =	sor.u32 s12, s11;
	[tilespmem:v62+s24+$0x0] =	vst.idx.msk $0xffff, v24  }
0x97: {  	s13 =	rddreg [dreg:$0x2];
	s11 =	sshrl.u32 s11, $0x3;
	[tilespmem:v63+s24+$0x0] =	vst.idx.msk $0xffff, v19  }
0x98: {  	s12 =	sadd.s32 s13, s11;
	s13 =	rddreg [dreg:$0x6];
	[tilespmem:v16+s24+$0x0] =	vst.idx.msk $0xffff, v22  }
0x99: {  	[hbm4b:s12+s3] =	stream.linear.scatter [tilespmem:s24], [sflag:$0x6], $0x400, $0x38;
	[tilespmem:$0xE400] =	vst v63  }
0x9a: {  	s12 =	sadd.s32 s11, s13;
	s13 =	simm.s32 $0xA800  }
0x9b: {  	[hbm4b:s12+s3] =	stream.linear.scatter [tilespmem:s13], [sflag:$0x6], $0x400, $0x38;
	[tilespmem:$0xE400] =	vst v63  }
0x9c: {  	p1 =	sne.s32 s9, $0x31;
	s13 =	rddreg [dreg:$0x7]  }
.Ltmp3:
0x9d: {  	s12 =	sadd.s32 s11, s13;
	s13 =	simm.s32 $0xAC00;
	(pc) =	sbr.rel @p1 .LBB2_6-.Ltmp3, $4  }
0x9e: {  	[hbm4b:s12+s3] =	stream.linear.scatter [tilespmem:s13], [sflag:$0x6], $0x400, $0x38;
	[tilespmem:$0xE400] =	vst v63  }
0x9f: {  	s13 =	rddreg [dreg:$0x8]  }
0xa0: {  	s12 =	sadd.s32 s11, s13;
	s13 =	simm.s32 $0xB000  }
0xa1: {  	[hbm4b:s12+s3] =	stream.linear.scatter [tilespmem:s13], [sflag:$0x6], $0x400, $0x38;
	[tilespmem:$0xE400] =	vst v63  }
.Ltmp4:
0xa2: {  	(pc) =	sbr.rel .LBB2_7-.Ltmp4, $4  }
0xa3: {  	_ = 	snop  }
0xa4: {  	_ =	swait.ge [sflag:s22], $0x1000  }
0xa5: {  	[sflag:s22] =	ssyncset.done $0x0  }
0xa6: {  	[sflag:s22] =	ssyncadd.s32 $0xFFFFF000  }
.LBB2_6:
0xa7: {  	s12 =	sshll.u32 s10, $0x7  }
0xa8: {  	s12 =	sadd.s32 $0x200, s12  }
.Ltmp5:
0xa9: {  	s12 =	sand.u32 $0xFE00, s12;
	(pc) =	sbr.rel @p0 .LBB2_8-.Ltmp5, $4  }
0xaa: {  	[tilespmem:s28], [sflag:$0x2] =	stream.indirect.gather [hbm4b:s5+s26], $0x20, s12, s26, $0xb8;
	[tilespmem:$0xE400] =	vst v63  }
0xab: {  	_ =	swait.ge [sflag:s22], $0x1000  }
0xac: {  	[sflag:s22] =	ssyncset.done $0x0  }
0xad: {  	[sflag:s22] =	ssyncadd.s32 $0xFFFFF000  }
.LBB2_7:
0xae: {  	_ =	swait.ge [sflag:s25], $0x400  }
0xaf: {  	[sflag:s25] =	ssyncset.done $0x0  }
0xb0: {  	[sflag:s25] =	ssyncadd.s32 $0xFFFFFC00  }
0xb1: {  	_ =	swait.ge [sflag:s25], $0x400  }
0xb2: {  	[sflag:s25] =	ssyncset.done $0x0  }
0xb3: {  	[sflag:s25] =	ssyncadd.s32 $0xFFFFFC00  }
0xb4: {  	_ =	swait.ge [sflag:s25], $0x400  }
0xb5: {  	[sflag:s25] =	ssyncset.done $0x0  }
0xb6: {  	[sflag:s25] =	ssyncadd.s32 $0xFFFFFC00  }
0xb7: {  	_ =	swait.ge [sflag:s25], $0x400  }
0xb8: {  	[sflag:s25] =	ssyncset.done $0x0  }
0xb9: {  	[sflag:s25] =	ssyncadd.s32 $0xFFFFFC00  }
.LBB2_8:
0xba: {  	v16 =	vlaneseq.u32  }
0xbb: {  	v17 =	vor.u32 v7, v16  }
0xbc: {  	v19 =	vor.u32 v1, v16  }
0xbd: {  	v20 =	vor.u32 v2, v16  }
0xbe: {  	v21 =	vor.u32 v3, v16  }
0xbf: {  	v22 =	vor.u32 v4, v16  }
0xc0: {  	v25 =	vld.idx.msk [tilespmem:v17+s29+$0x0], $0xffff;
	v17 =	vor.u32 v8, v16  }
0xc1: {  	v18 =	vor.u32 v5, v16;
	v26 =	vshll.u32 v16, $0x7;
	v23 =	vld.idx.msk [tilespmem:v19+s29+$0x0], $0xffff  }
0xc2: {  	v24 =	vor.u32 v6, v16;
	v27 =	vor.u32 v0, v26;
	v20 =	vld.idx.msk [tilespmem:v20+s29+$0x0], $0xffff  }
0xc3: {  	v28 =	vor.u32 v9, v26;
	v21 =	vld.idx.msk [tilespmem:v21+s29+$0x0], $0xffff  }
0xc4: {  	v29 =	vor.u32 v10, v26;
	v22 =	vld.idx.msk [tilespmem:v22+s29+$0x0], $0xffff  }
0xc5: {  	v19 =	vld.idx.msk [tilespmem:v17+s29+$0x0], $0xffff;
	v17 =	vor.u32 v11, v26  }
0xc6: {  	v30 =	vor.u32 v12, v26;
	v18 =	vld.idx.msk [tilespmem:v18+s29+$0x0], $0xffff  }
0xc7: {  	v24 =	vld.idx.msk [tilespmem:v24+s29+$0x0], $0xffff;
	[tilespmem:v27+s2+$0x0] =	vst.idx.msk $0xffff, v23;
	v27 =	vor.u32 v13, v26  }
0xc8: {  	v63 =	vor.u32 v14, v26;
	v16 =	vadd.s32 $0x1, v16;
	[tilespmem:v28+s2+$0x0] =	vst.idx.msk $0xffff, v20  }
0xc9: {  	v16 =	vand.u32 $0x1F, v16;
	v23 =	vor.u32 v15, v26;
	[tilespmem:v29+s2+$0x0] =	vst.idx.msk $0xffff, v21  }
0xca: {  	v21 =	vor.u32 v7, v16;
	[tilespmem:v17+s2+$0x0] =	vst.idx.msk $0xffff, v22  }
0xcb: {  	v22 =	vor.u32 v5, v16;
	[tilespmem:v30+s2+$0x0] =	vst.idx.msk $0xffff, v18  }
0xcc: {  	v18 =	vadd.s32 $0x1, v16;
	[tilespmem:v27+s2+$0x0] =	vst.idx.msk $0xffff, v24;
	v24 =	vor.u32 v1, v16  }
0xcd: {  	s12 =	simm.s32 $0x1E;
	v20 =	vor.u32 v2, v16;
	v17 =	vor.u32 v3, v16;
	v18 =	vand.u32 $0x1F, v18;
	[tilespmem:v63+s2+$0x0] =	vst.idx.msk $0xffff, v25  }
.LBB2_9:
0xce: {  	v25 =	vor.u32 v3, v18;
	v26 =	vadd.s32 $0x1, v18;
	p2 =	sne.s32 s12, $0x1;
	s12 =	sadd.s32 $0xFFFFFFFF, s12;
	[tilespmem:v23+s2+$0x0] =	vst.idx.msk $0xffff, v19;
	v19 =	vmov v18  }
0xcf: {  	v23 =	vor.u32 v4, v16;
	v18 =	vand.u32 $0x1F, v26;
	v26 =	vld.idx.msk [tilespmem:v21+s29+$0x0], $0xffff  }
0xd0: {  	v21 =	vor.u32 v8, v16;
	v27 =	vld.idx.msk [tilespmem:v22+s29+$0x0], $0xffff  }
0xd1: {  	v28 =	vshll.u32 v16, $0x7;
	v22 =	vld.idx.msk [tilespmem:v24+s29+$0x0], $0xffff;
	v24 =	vor.u32 v6, v16;
	v16 =	vmov v19  }
0xd2: {  	v29 =	vor.u32 v0, v28;
	v20 =	vld.idx.msk [tilespmem:v20+s29+$0x0], $0xffff  }
0xd3: {  	v31 =	vor.u32 v9, v28;
	v30 =	vld.idx.msk [tilespmem:v17+s29+$0x0], $0xffff;
	v17 =	vmov v25  }
0xd4: {  	v25 =	vld.idx.msk [tilespmem:v23+s29+$0x0], $0xffff;
	v23 =	vor.u32 v10, v28  }
0xd5: {  	v32 =	vor.u32 v11, v28;
	v19 =	vld.idx.msk [tilespmem:v21+s29+$0x0], $0xffff  }
0xd6: {  	v33 =	vld.idx.msk [tilespmem:v24+s29+$0x0], $0xffff;
	v24 =	vor.u32 v12, v28  }
0xd7: {  	[tilespmem:v29+s2+$0x0] =	vst.idx.msk $0xffff, v22;
	v29 =	vor.u32 v13, v28  }
0xd8: {  	[tilespmem:v31+s2+$0x0] =	vst.idx.msk $0xffff, v20;
	v31 =	vor.u32 v14, v28  }
.Ltmp6:
0xd9: {  	[tilespmem:v23+s2+$0x0] =	vst.idx.msk $0xffff, v30;
	v23 =	vor.u32 v15, v28;
	(pc) =	sbr.rel @p2 .LBB2_9-.Ltmp6, $4  }
0xda: {  	v21 =	vor.u32 v7, v16;
	[tilespmem:v32+s2+$0x0] =	vst.idx.msk $0xffff, v25  }
0xdb: {  	v22 =	vor.u32 v5, v16;
	[tilespmem:v24+s2+$0x0] =	vst.idx.msk $0xffff, v27  }
0xdc: {  	v24 =	vor.u32 v1, v16;
	[tilespmem:v29+s2+$0x0] =	vst.idx.msk $0xffff, v33  }
0xdd: {  	v20 =	vor.u32 v2, v16;
	[tilespmem:v31+s2+$0x0] =	vst.idx.msk $0xffff, v26  }
0xde: {  	_ =	sdelay $0x3  }
0xdf: {  	[tilespmem:v23+s2+$0x0] =	vst.idx.msk $0xffff, v19  }
0xe0: {  	v18 =	vor.u32 v4, v16;
	v19 =	vld.idx.msk [tilespmem:v21+s29+$0x0], $0xffff  }
0xe1: {  	v60 =	vor.u32 v8, v16;
	v61 =	vor.u32 v6, v16;
	v16 =	vshll.u32 v16, $0x7;
	v59 =	vld.idx.msk [tilespmem:v22+s29+$0x0], $0xffff  }
0xe2: {  	v23 =	vld.idx.msk [tilespmem:v24+s29+$0x0], $0xffff;
	v25 =	vor.u32 v0, v16  }
0xe3: {  	v20 =	vld.idx.msk [tilespmem:v20+s29+$0x0], $0xffff;
	v26 =	vor.u32 v9, v16  }
0xe4: {  	v17 =	vld.idx.msk [tilespmem:v17+s29+$0x0], $0xffff;
	v27 =	vor.u32 v10, v16  }
0xe5: {  	v28 =	vor.u32 v11, v16;
	v18 =	vld.idx.msk [tilespmem:v18+s29+$0x0], $0xffff  }
0xe6: {  	v29 =	vor.u32 v12, v16;
	v22 =	vld.idx.msk [tilespmem:v60+s29+$0x0], $0xffff  }
0xe7: {  	v62 =	vor.u32 v13, v16;
	v24 =	vld.idx.msk [tilespmem:v61+s29+$0x0], $0xffff;
	[tilespmem:v25+s2+$0x0] =	vst.idx.msk $0xffff, v23  }
0xe8: {  	v63 =	vor.u32 v14, v16;
	[tilespmem:v26+s2+$0x0] =	vst.idx.msk $0xffff, v20  }
0xe9: {  	v16 =	vor.u32 v15, v16;
	[tilespmem:v27+s2+$0x0] =	vst.idx.msk $0xffff, v17  }
0xea: {  	[tilespmem:v28+s2+$0x0] =	vst.idx.msk $0xffff, v18  }
0xeb: {  	[tilespmem:v29+s2+$0x0] =	vst.idx.msk $0xffff, v59  }
0xec: {  	[tilespmem:v62+s2+$0x0] =	vst.idx.msk $0xffff, v24  }
0xed: {  	s12 =	rddreg [dreg:$0x9];
	[tilespmem:v63+s2+$0x0] =	vst.idx.msk $0xffff, v19  }
0xee: {  	s13 =	rddreg [dreg:$0xa];
	s12 =	sadd.s32 s11, s12;
	[tilespmem:v16+s2+$0x0] =	vst.idx.msk $0xffff, v22  }
0xef: {  	[hbm4b:s12+s3] =	stream.linear.scatter [tilespmem:s2], [sflag:$0x7], $0x400, $0x38;
	[tilespmem:$0xE400] =	vst v63  }
0xf0: {  	s12 =	sadd.s32 s11, s13;
	s13 =	simm.s32 $0xB800  }
0xf1: {  	[hbm4b:s12+s3] =	stream.linear.scatter [tilespmem:s13], [sflag:$0x7], $0x400, $0x38;
	[tilespmem:$0xE400] =	vst v63  }
0xf2: {  	s13 =	rddreg [dreg:$0xb]  }
.Ltmp7:
0xf3: {  	s12 =	sadd.s32 s11, s13;
	s13 =	simm.s32 $0xBC00;
	(pc) =	sbr.rel @p1 .LBB2_12-.Ltmp7, $4  }
0xf4: {  	[hbm4b:s12+s3] =	stream.linear.scatter [tilespmem:s13], [sflag:$0x7], $0x400, $0x38;
	[tilespmem:$0xE400] =	vst v63  }
0xf5: {  	s13 =	rddreg [dreg:$0xd]  }
0xf6: {  	s12 =	sadd.s32 s11, s13;
	s13 =	simm.s32 $0xC000  }
0xf7: {  	[hbm4b:s12+s3] =	stream.linear.scatter [tilespmem:s13], [sflag:$0x7], $0x400, $0x38;
	[tilespmem:$0xE400] =	vst v63  }
.Ltmp8:
0xf8: {  	(pc) =	sbr.rel .LBB2_13-.Ltmp8, $4  }
0xf9: {  	_ = 	snop  }
0xfa: {  	_ =	swait.ge [sflag:s30], $0x1000  }
0xfb: {  	[sflag:s30] =	ssyncset.done $0x0  }
0xfc: {  	[sflag:s30] =	ssyncadd.s32 $0xFFFFF000  }
.LBB2_12:
0xfd: {  	s12 =	sshll.u32 s10, $0x7  }
0xfe: {  	s12 =	sadd.s32 $0x280, s12  }
.Ltmp9:
0xff: {  	s12 =	sand.u32 $0xFE80, s12;
	(pc) =	sbr.rel @p0 .LBB2_14-.Ltmp9, $4  }
0x100: {  	[tilespmem:s29], [sflag:$0x3] =	stream.indirect.gather [hbm4b:s5+s26], $0x20, s12, s26, $0xb8;
	[tilespmem:$0xE400] =	vst v63  }
0x101: {  	_ =	swait.ge [sflag:s30], $0x1000  }
0x102: {  	[sflag:s30] =	ssyncset.done $0x0  }
0x103: {  	[sflag:s30] =	ssyncadd.s32 $0xFFFFF000  }
.LBB2_13:
0x104: {  	_ =	swait.ge [sflag:s0], $0x400  }
0x105: {  	[sflag:s0] =	ssyncset.done $0x0  }
0x106: {  	[sflag:s0] =	ssyncadd.s32 $0xFFFFFC00  }
0x107: {  	_ =	swait.ge [sflag:s0], $0x400  }
0x108: {  	[sflag:s0] =	ssyncset.done $0x0  }
0x109: {  	[sflag:s0] =	ssyncadd.s32 $0xFFFFFC00  }
0x10a: {  	_ =	swait.ge [sflag:s0], $0x400  }
0x10b: {  	[sflag:s0] =	ssyncset.done $0x0  }
0x10c: {  	[sflag:s0] =	ssyncadd.s32 $0xFFFFFC00  }
0x10d: {  	_ =	swait.ge [sflag:s0], $0x400  }
0x10e: {  	[sflag:s0] =	ssyncset.done $0x0  }
0x10f: {  	[sflag:s0] =	ssyncadd.s32 $0xFFFFFC00  }
.LBB2_14:
0x110: {  	v16 =	vlaneseq.u32  }
0x111: {  	v17 =	vor.u32 v7, v16  }
0x112: {  	v19 =	vor.u32 v1, v16  }
0x113: {  	v20 =	vor.u32 v2, v16  }
0x114: {  	v21 =	vor.u32 v3, v16  }
0x115: {  	v22 =	vor.u32 v4, v16  }
0x116: {  	v25 =	vld.idx.msk [tilespmem:v17+s31+$0x0], $0xffff;
	v17 =	vor.u32 v8, v16  }
0x117: {  	v18 =	vor.u32 v5, v16;
	v26 =	vshll.u32 v16, $0x7;
	v23 =	vld.idx.msk [tilespmem:v19+s31+$0x0], $0xffff  }
0x118: {  	v24 =	vor.u32 v6, v16;
	v27 =	vor.u32 v0, v26;
	v20 =	vld.idx.msk [tilespmem:v20+s31+$0x0], $0xffff  }
0x119: {  	v28 =	vor.u32 v9, v26;
	v21 =	vld.idx.msk [tilespmem:v21+s31+$0x0], $0xffff  }
0x11a: {  	v29 =	vor.u32 v10, v26;
	v22 =	vld.idx.msk [tilespmem:v22+s31+$0x0], $0xffff  }
0x11b: {  	v19 =	vld.idx.msk [tilespmem:v17+s31+$0x0], $0xffff;
	v17 =	vor.u32 v11, v26  }
0x11c: {  	v30 =	vor.u32 v12, v26;
	v18 =	vld.idx.msk [tilespmem:v18+s31+$0x0], $0xffff  }
0x11d: {  	v24 =	vld.idx.msk [tilespmem:v24+s31+$0x0], $0xffff;
	[tilespmem:v27+s6+$0x0] =	vst.idx.msk $0xffff, v23;
	v27 =	vor.u32 v13, v26  }
0x11e: {  	v63 =	vor.u32 v14, v26;
	v16 =	vadd.s32 $0x1, v16;
	[tilespmem:v28+s6+$0x0] =	vst.idx.msk $0xffff, v20  }
0x11f: {  	v16 =	vand.u32 $0x1F, v16;
	v23 =	vor.u32 v15, v26;
	[tilespmem:v29+s6+$0x0] =	vst.idx.msk $0xffff, v21  }
0x120: {  	v21 =	vor.u32 v7, v16;
	[tilespmem:v17+s6+$0x0] =	vst.idx.msk $0xffff, v22  }
0x121: {  	v22 =	vor.u32 v5, v16;
	[tilespmem:v30+s6+$0x0] =	vst.idx.msk $0xffff, v18  }
0x122: {  	v18 =	vadd.s32 $0x1, v16;
	[tilespmem:v27+s6+$0x0] =	vst.idx.msk $0xffff, v24;
	v24 =	vor.u32 v1, v16  }
0x123: {  	s12 =	simm.s32 $0x1E;
	v20 =	vor.u32 v2, v16;
	v17 =	vor.u32 v3, v16;
	v18 =	vand.u32 $0x1F, v18;
	[tilespmem:v63+s6+$0x0] =	vst.idx.msk $0xffff, v25  }
.LBB2_15:
0x124: {  	v25 =	vor.u32 v3, v18;
	v26 =	vadd.s32 $0x1, v18;
	p2 =	sne.s32 s12, $0x1;
	s12 =	sadd.s32 $0xFFFFFFFF, s12;
	[tilespmem:v23+s6+$0x0] =	vst.idx.msk $0xffff, v19;
	v19 =	vmov v18  }
0x125: {  	v23 =	vor.u32 v4, v16;
	v18 =	vand.u32 $0x1F, v26;
	v26 =	vld.idx.msk [tilespmem:v21+s31+$0x0], $0xffff  }
0x126: {  	v21 =	vor.u32 v8, v16;
	v27 =	vld.idx.msk [tilespmem:v22+s31+$0x0], $0xffff  }
0x127: {  	v28 =	vshll.u32 v16, $0x7;
	v22 =	vld.idx.msk [tilespmem:v24+s31+$0x0], $0xffff;
	v24 =	vor.u32 v6, v16;
	v16 =	vmov v19  }
0x128: {  	v29 =	vor.u32 v0, v28;
	v20 =	vld.idx.msk [tilespmem:v20+s31+$0x0], $0xffff  }
0x129: {  	v31 =	vor.u32 v9, v28;
	v30 =	vld.idx.msk [tilespmem:v17+s31+$0x0], $0xffff;
	v17 =	vmov v25  }
0x12a: {  	v25 =	vld.idx.msk [tilespmem:v23+s31+$0x0], $0xffff;
	v23 =	vor.u32 v10, v28  }
0x12b: {  	v32 =	vor.u32 v11, v28;
	v19 =	vld.idx.msk [tilespmem:v21+s31+$0x0], $0xffff  }
0x12c: {  	v33 =	vld.idx.msk [tilespmem:v24+s31+$0x0], $0xffff;
	v24 =	vor.u32 v12, v28  }
0x12d: {  	[tilespmem:v29+s6+$0x0] =	vst.idx.msk $0xffff, v22;
	v29 =	vor.u32 v13, v28  }
0x12e: {  	[tilespmem:v31+s6+$0x0] =	vst.idx.msk $0xffff, v20;
	v31 =	vor.u32 v14, v28  }
.Ltmp10:
0x12f: {  	[tilespmem:v23+s6+$0x0] =	vst.idx.msk $0xffff, v30;
	v23 =	vor.u32 v15, v28;
	(pc) =	sbr.rel @p2 .LBB2_15-.Ltmp10, $4  }
0x130: {  	v21 =	vor.u32 v7, v16;
	[tilespmem:v32+s6+$0x0] =	vst.idx.msk $0xffff, v25  }
0x131: {  	v22 =	vor.u32 v5, v16;
	[tilespmem:v24+s6+$0x0] =	vst.idx.msk $0xffff, v27  }
0x132: {  	v24 =	vor.u32 v1, v16;
	[tilespmem:v29+s6+$0x0] =	vst.idx.msk $0xffff, v33  }
0x133: {  	v20 =	vor.u32 v2, v16;
	[tilespmem:v31+s6+$0x0] =	vst.idx.msk $0xffff, v26  }
0x134: {  	_ =	sdelay $0x3  }
0x135: {  	[tilespmem:v23+s6+$0x0] =	vst.idx.msk $0xffff, v19  }
0x136: {  	v18 =	vor.u32 v4, v16;
	v19 =	vld.idx.msk [tilespmem:v21+s31+$0x0], $0xffff  }
0x137: {  	v60 =	vor.u32 v8, v16;
	v61 =	vor.u32 v6, v16;
	v16 =	vshll.u32 v16, $0x7;
	v59 =	vld.idx.msk [tilespmem:v22+s31+$0x0], $0xffff  }
0x138: {  	v23 =	vld.idx.msk [tilespmem:v24+s31+$0x0], $0xffff;
	v25 =	vor.u32 v0, v16  }
0x139: {  	v20 =	vld.idx.msk [tilespmem:v20+s31+$0x0], $0xffff;
	v26 =	vor.u32 v9, v16  }
0x13a: {  	v17 =	vld.idx.msk [tilespmem:v17+s31+$0x0], $0xffff;
	v27 =	vor.u32 v10, v16  }
0x13b: {  	v28 =	vor.u32 v11, v16;
	v18 =	vld.idx.msk [tilespmem:v18+s31+$0x0], $0xffff  }
0x13c: {  	v29 =	vor.u32 v12, v16;
	v22 =	vld.idx.msk [tilespmem:v60+s31+$0x0], $0xffff  }
0x13d: {  	v62 =	vor.u32 v13, v16;
	v24 =	vld.idx.msk [tilespmem:v61+s31+$0x0], $0xffff;
	[tilespmem:v25+s6+$0x0] =	vst.idx.msk $0xffff, v23  }
0x13e: {  	v63 =	vor.u32 v14, v16;
	[tilespmem:v26+s6+$0x0] =	vst.idx.msk $0xffff, v20  }
0x13f: {  	v16 =	vor.u32 v15, v16;
	[tilespmem:v27+s6+$0x0] =	vst.idx.msk $0xffff, v17  }
0x140: {  	[tilespmem:v28+s6+$0x0] =	vst.idx.msk $0xffff, v18  }
0x141: {  	[tilespmem:v29+s6+$0x0] =	vst.idx.msk $0xffff, v59  }
0x142: {  	[tilespmem:v62+s6+$0x0] =	vst.idx.msk $0xffff, v24  }
0x143: {  	[tilespmem:v63+s6+$0x0] =	vst.idx.msk $0xffff, v19  }
0x144: {  	s12 =	sadd.s32 s11, s14;
	[tilespmem:v16+s6+$0x0] =	vst.idx.msk $0xffff, v22  }
0x145: {  	[hbm4b:s12+s3] =	stream.linear.scatter [tilespmem:s6], [sflag:$0x8], $0x400, $0x38;
	[tilespmem:$0xE400] =	vst v63  }
0x146: {  	s13 =	simm.s32 $0xC800;
	s12 =	sadd.s32 s11, s15  }
0x147: {  	[hbm4b:s12+s3] =	stream.linear.scatter [tilespmem:s13], [sflag:$0x8], $0x400, $0x38;
	[tilespmem:$0xE400] =	vst v63  }
.Ltmp11:
0x148: {  	_ = 	snop;
	(pc) =	sbr.rel @p1 .LBB2_18-.Ltmp11, $4  }
0x149: {  	s12 =	sadd.s32 s11, s16;
	s13 =	simm.s32 $0xCC00  }
0x14a: {  	[hbm4b:s12+s3] =	stream.linear.scatter [tilespmem:s13], [sflag:$0x8], $0x400, $0x38;
	[tilespmem:$0xE400] =	vst v63  }
0x14b: {  	s12 =	sadd.s32 s11, s17;
	s13 =	simm.s32 $0xD000  }
0x14c: {  	[hbm4b:s12+s3] =	stream.linear.scatter [tilespmem:s13], [sflag:$0x8], $0x400, $0x38;
	[tilespmem:$0xE400] =	vst v63  }
.Ltmp12:
0x14d: {  	(pc) =	sbr.rel .LBB2_19-.Ltmp12, $4  }
0x14e: {  	_ = 	snop  }
0x14f: {  	_ =	swait.ge [sflag:s4], $0x1000  }
0x150: {  	[sflag:s4] =	ssyncset.done $0x0  }
0x151: {  	[sflag:s4] =	ssyncadd.s32 $0xFFFFF000  }
.LBB2_18:
0x152: {  	s12 =	sshll.u32 s10, $0x7  }
0x153: {  	s12 =	sadd.s32 $0x300, s12  }
.Ltmp13:
0x154: {  	s12 =	sand.u32 $0xFF00, s12;
	(pc) =	sbr.rel @p0 .LBB2_20-.Ltmp13, $4  }
0x155: {  	[tilespmem:s31], [sflag:$0x4] =	stream.indirect.gather [hbm4b:s5+s26], $0x20, s12, s26, $0xb8;
	[tilespmem:$0xE400] =	vst v63  }
0x156: {  	_ =	swait.ge [sflag:s4], $0x1000  }
0x157: {  	[sflag:s4] =	ssyncset.done $0x0  }
0x158: {  	[sflag:s4] =	ssyncadd.s32 $0xFFFFF000  }
.LBB2_19:
0x159: {  	_ =	swait.ge [sflag:s7], $0x400  }
0x15a: {  	[sflag:s7] =	ssyncset.done $0x0  }
0x15b: {  	[sflag:s7] =	ssyncadd.s32 $0xFFFFFC00  }
0x15c: {  	_ =	swait.ge [sflag:s7], $0x400  }
0x15d: {  	[sflag:s7] =	ssyncset.done $0x0  }
0x15e: {  	[sflag:s7] =	ssyncadd.s32 $0xFFFFFC00  }
0x15f: {  	_ =	swait.ge [sflag:s7], $0x400  }
0x160: {  	[sflag:s7] =	ssyncset.done $0x0  }
0x161: {  	[sflag:s7] =	ssyncadd.s32 $0xFFFFFC00  }
0x162: {  	_ =	swait.ge [sflag:s7], $0x400  }
0x163: {  	[sflag:s7] =	ssyncset.done $0x0  }
0x164: {  	[sflag:s7] =	ssyncadd.s32 $0xFFFFFC00  }
.LBB2_20:
0x165: {  	v16 =	vlaneseq.u32  }
0x166: {  	v17 =	vor.u32 v7, v16  }
0x167: {  	v19 =	vor.u32 v1, v16  }
0x168: {  	v20 =	vor.u32 v2, v16  }
0x169: {  	v21 =	vor.u32 v3, v16  }
0x16a: {  	v22 =	vor.u32 v4, v16  }
0x16b: {  	v25 =	vld.idx.msk [tilespmem:v17+s1+$0x0], $0xffff;
	v17 =	vor.u32 v8, v16  }
0x16c: {  	v18 =	vor.u32 v5, v16;
	v26 =	vshll.u32 v16, $0x7;
	v23 =	vld.idx.msk [tilespmem:v19+s1+$0x0], $0xffff  }
0x16d: {  	v24 =	vor.u32 v6, v16;
	v27 =	vor.u32 v0, v26;
	v20 =	vld.idx.msk [tilespmem:v20+s1+$0x0], $0xffff  }
0x16e: {  	v28 =	vor.u32 v9, v26;
	v21 =	vld.idx.msk [tilespmem:v21+s1+$0x0], $0xffff  }
0x16f: {  	v29 =	vor.u32 v10, v26;
	v22 =	vld.idx.msk [tilespmem:v22+s1+$0x0], $0xffff  }
0x170: {  	v19 =	vld.idx.msk [tilespmem:v17+s1+$0x0], $0xffff;
	v17 =	vor.u32 v11, v26  }
0x171: {  	v30 =	vor.u32 v12, v26;
	v18 =	vld.idx.msk [tilespmem:v18+s1+$0x0], $0xffff  }
0x172: {  	v24 =	vld.idx.msk [tilespmem:v24+s1+$0x0], $0xffff;
	[tilespmem:v27+s8+$0x0] =	vst.idx.msk $0xffff, v23;
	v27 =	vor.u32 v13, v26  }
0x173: {  	v63 =	vor.u32 v14, v26;
	v16 =	vadd.s32 $0x1, v16;
	[tilespmem:v28+s8+$0x0] =	vst.idx.msk $0xffff, v20  }
0x174: {  	v16 =	vand.u32 $0x1F, v16;
	v23 =	vor.u32 v15, v26;
	[tilespmem:v29+s8+$0x0] =	vst.idx.msk $0xffff, v21  }
0x175: {  	v21 =	vor.u32 v7, v16;
	[tilespmem:v17+s8+$0x0] =	vst.idx.msk $0xffff, v22  }
0x176: {  	v22 =	vor.u32 v5, v16;
	[tilespmem:v30+s8+$0x0] =	vst.idx.msk $0xffff, v18  }
0x177: {  	v18 =	vadd.s32 $0x1, v16;
	[tilespmem:v27+s8+$0x0] =	vst.idx.msk $0xffff, v24;
	v24 =	vor.u32 v1, v16  }
0x178: {  	s12 =	simm.s32 $0x1E;
	v20 =	vor.u32 v2, v16;
	v17 =	vor.u32 v3, v16;
	v18 =	vand.u32 $0x1F, v18;
	[tilespmem:v63+s8+$0x0] =	vst.idx.msk $0xffff, v25  }
.LBB2_21:
0x179: {  	v25 =	vor.u32 v3, v18;
	v26 =	vadd.s32 $0x1, v18;
	p0 =	sne.s32 s12, $0x1;
	s12 =	sadd.s32 $0xFFFFFFFF, s12;
	[tilespmem:v23+s8+$0x0] =	vst.idx.msk $0xffff, v19;
	v19 =	vmov v18  }
0x17a: {  	v23 =	vor.u32 v4, v16;
	v18 =	vand.u32 $0x1F, v26;
	v26 =	vld.idx.msk [tilespmem:v21+s1+$0x0], $0xffff  }
0x17b: {  	v21 =	vor.u32 v8, v16;
	v27 =	vld.idx.msk [tilespmem:v22+s1+$0x0], $0xffff  }
0x17c: {  	v28 =	vshll.u32 v16, $0x7;
	v22 =	vld.idx.msk [tilespmem:v24+s1+$0x0], $0xffff;
	v24 =	vor.u32 v6, v16;
	v16 =	vmov v19  }
0x17d: {  	v29 =	vor.u32 v0, v28;
	v20 =	vld.idx.msk [tilespmem:v20+s1+$0x0], $0xffff  }
0x17e: {  	v31 =	vor.u32 v9, v28;
	v30 =	vld.idx.msk [tilespmem:v17+s1+$0x0], $0xffff;
	v17 =	vmov v25  }
0x17f: {  	v25 =	vld.idx.msk [tilespmem:v23+s1+$0x0], $0xffff;
	v23 =	vor.u32 v10, v28  }
0x180: {  	v32 =	vor.u32 v11, v28;
	v19 =	vld.idx.msk [tilespmem:v21+s1+$0x0], $0xffff  }
0x181: {  	v33 =	vld.idx.msk [tilespmem:v24+s1+$0x0], $0xffff;
	v24 =	vor.u32 v12, v28  }
0x182: {  	[tilespmem:v29+s8+$0x0] =	vst.idx.msk $0xffff, v22;
	v29 =	vor.u32 v13, v28  }
0x183: {  	[tilespmem:v31+s8+$0x0] =	vst.idx.msk $0xffff, v20;
	v31 =	vor.u32 v14, v28  }
.Ltmp14:
0x184: {  	[tilespmem:v23+s8+$0x0] =	vst.idx.msk $0xffff, v30;
	v23 =	vor.u32 v15, v28;
	(pc) =	sbr.rel @p0 .LBB2_21-.Ltmp14, $4  }
0x185: {  	v21 =	vor.u32 v7, v16;
	[tilespmem:v32+s8+$0x0] =	vst.idx.msk $0xffff, v25  }
0x186: {  	v22 =	vor.u32 v5, v16;
	[tilespmem:v24+s8+$0x0] =	vst.idx.msk $0xffff, v27  }
0x187: {  	v24 =	vor.u32 v1, v16;
	[tilespmem:v29+s8+$0x0] =	vst.idx.msk $0xffff, v33  }
0x188: {  	v20 =	vor.u32 v2, v16;
	[tilespmem:v31+s8+$0x0] =	vst.idx.msk $0xffff, v26  }
0x189: {  	_ =	sdelay $0x3  }
0x18a: {  	[tilespmem:v23+s8+$0x0] =	vst.idx.msk $0xffff, v19  }
0x18b: {  	v18 =	vor.u32 v4, v16;
	v19 =	vld.idx.msk [tilespmem:v21+s1+$0x0], $0xffff  }
0x18c: {  	v60 =	vor.u32 v8, v16;
	v61 =	vor.u32 v6, v16;
	v16 =	vshll.u32 v16, $0x7;
	v59 =	vld.idx.msk [tilespmem:v22+s1+$0x0], $0xffff  }
0x18d: {  	v23 =	vld.idx.msk [tilespmem:v24+s1+$0x0], $0xffff;
	v25 =	vor.u32 v0, v16  }
0x18e: {  	v20 =	vld.idx.msk [tilespmem:v20+s1+$0x0], $0xffff;
	v26 =	vor.u32 v9, v16  }
0x18f: {  	v17 =	vld.idx.msk [tilespmem:v17+s1+$0x0], $0xffff;
	v27 =	vor.u32 v10, v16  }
0x190: {  	v28 =	vor.u32 v11, v16;
	v18 =	vld.idx.msk [tilespmem:v18+s1+$0x0], $0xffff  }
0x191: {  	v29 =	vor.u32 v12, v16;
	v22 =	vld.idx.msk [tilespmem:v60+s1+$0x0], $0xffff  }
0x192: {  	v62 =	vor.u32 v13, v16;
	v24 =	vld.idx.msk [tilespmem:v61+s1+$0x0], $0xffff;
	[tilespmem:v25+s8+$0x0] =	vst.idx.msk $0xffff, v23  }
0x193: {  	v63 =	vor.u32 v14, v16;
	[tilespmem:v26+s8+$0x0] =	vst.idx.msk $0xffff, v20  }
0x194: {  	v16 =	vor.u32 v15, v16;
	[tilespmem:v27+s8+$0x0] =	vst.idx.msk $0xffff, v17  }
0x195: {  	[tilespmem:v28+s8+$0x0] =	vst.idx.msk $0xffff, v18  }
0x196: {  	[tilespmem:v29+s8+$0x0] =	vst.idx.msk $0xffff, v59  }
0x197: {  	[tilespmem:v62+s8+$0x0] =	vst.idx.msk $0xffff, v24  }
0x198: {  	[tilespmem:v63+s8+$0x0] =	vst.idx.msk $0xffff, v19  }
0x199: {  	s12 =	sadd.s32 s11, s18;
	[tilespmem:v16+s8+$0x0] =	vst.idx.msk $0xffff, v22  }
0x19a: {  	[hbm4b:s12+s3] =	stream.linear.scatter [tilespmem:s8], [sflag:$0x9], $0x400, $0x38;
	[tilespmem:$0xE400] =	vst v63  }
0x19b: {  	s13 =	simm.s32 $0xD800;
	p0 =	seq.s32 s9, $0x31;
	s12 =	sadd.s32 s11, s19  }
0x19c: {  	[hbm4b:s12+s3] =	stream.linear.scatter [tilespmem:s13], [sflag:$0x9], $0x400, $0x38;
	[tilespmem:$0xE400] =	vst v63  }
.Ltmp15:
0x19d: {  	_ = 	snop;
	(pc) =	sbr.rel @p0 .LBB2_24-.Ltmp15, $4  }
0x19e: {  	s12 =	sadd.s32 s11, s20;
	s13 =	simm.s32 $0xDC00  }
0x19f: {  	[hbm4b:s12+s3] =	stream.linear.scatter [tilespmem:s13], [sflag:$0x9], $0x400, $0x38;
	[tilespmem:$0xE400] =	vst v63  }
0x1a0: {  	s12 =	sadd.s32 s11, s21;
	s13 =	simm.s32 $0xE000  }
0x1a1: {  	[hbm4b:s12+s3] =	stream.linear.scatter [tilespmem:s13], [sflag:$0x9], $0x400, $0x38;
	[tilespmem:$0xE400] =	vst v63  }
.Ltmp16:
0x1a2: {  	(pc) =	sbr.rel .LBB2_2-.Ltmp16, $4  }
0x1a3: {  	s10 =	sshll.u32 s10, $0x7  }
0x1a4: {  	s10 =	sadd.s32 $0x380, s10  }
0x1a5: {  	s9 =	sadd.s32 $0x1, s9;
	s10 =	sand.u32 $0xFF80, s10  }
0x1a6: {  	[tilespmem:s1], [sflag:$0x5] =	stream.indirect.gather [hbm4b:s5+s26], $0x20, s10, s26, $0xb8;
	[tilespmem:$0xE400] =	vst v63  }
.LBB2_25:
0x1a7: {  	_ =	sfence.sel $0x180000  }
0x1a8: {  	[bflag:$0x0] =	sbarrier.arrive $0xFFFF  }
0x1a9: {  	_ =	strace $0x9000004A  }
0x1aa: {  	s0 =	stileid.u32;
	[bflag:$0x2] =	sbarrier.arrive $0xFFFF  }
0x1ab: {  	p0 =	sne.s32 s0, $0x0;
	s0 =	rddreg [dreg:$0x3]  }
0x1ac: {  	s0 =	sadd.s32 @!p0 $0x100000, s0  }
0x1ad: {  	[sflag:s0] =	ssyncadd.tile.s32 @!p0 $0x1;
	_ =	shalt  }
.Lfunc_end2:
_tile_overlayer_lowered:
.L_overlay_start_2:
0x1ae: {  	(tag) =	ssettag $0x2  }
0x1af: {  	s0 =	rddreg [dreg:$0x0];
	s2 =	stileid.u32  }
0x1b0: {  	s1 =	rddreg [dreg:$0x1];
	p0 =	sne.s32 s2, $0x0  }
0x1b1: {  	s3 =	rddreg [dreg:$0x2];
	[bflag:$0x3] =	sbarrier.arrive $0xFFFF;
	s2 =	simm.s32 @!p0 $0x1C0A  }
0x1b2: {  	[timem:s3], [sflag:s2] =	dma.local @!p0 [hbm:s0], s1  }
0x1b3: {  	s0 =	simm.s32 @!p0 $0xA  }
0x1b4: {  	_ =	swait.ge @!p0 [sflag:s0], s1  }
0x1b5: {  	s1 =	ssub.s32 @!p0 $0x0, s1;
	[sflag:s0] =	ssyncset.done @!p0 $0x0  }
0x1b6: {  	[sflag:s0] =	ssyncadd.s32 @!p0 s1  }
0x1b7: {  	[bflag:$0x3] =	sbarrier.arrive $0xFFFF  }
0x1b8: {  	_ =	shalt  }

</sc_bundles>
